<compile_context>
chip_gen: v7x
topology: tpu7x:2x2x1
jax: 0.10.2.dev20260603
libtpu: 0.0.44.dev20260713+nightly
codegen_flags: <defaults>
</compile_context>

<pallas_src>
import functools

import jax
import jax.numpy as jnp
from jax import lax
from jax.experimental import pallas as pl
from jax.experimental.pallas import tpu as pltpu
from jax.experimental.pallas import tpu_sc as plsc

N = 320000
D = 128
NUM_SEG = 10000
SEG_PAD = 10240

NC = 2
NS = 16
NW = NC * NS
L = 16

SPT = SEG_PAD // NW
RCHUNK = 512
NSEARCH = 19

_mesh = plsc.VectorSubcoreMesh(core_axis_name="c", subcore_axis_name="s")


@functools.partial(
    pl.kernel,
    out_type=jax.ShapeDtypeStruct((SEG_PAD, D), jnp.float32),
    mesh=_mesh,
    scratch_types=[
        pltpu.VMEM((RCHUNK, D), jnp.float32),
        pltpu.VMEM((RCHUNK + L,), jnp.int32),
        pltpu.VMEM((2 * L,), jnp.int32),
        pltpu.VMEM((SPT, D), jnp.float32),
    ],
)
def _segsum_sc(x_hbm, batch_hbm, out_hbm, xb, ib, sb, acc):
    cid = lax.axis_index("c")
    sid = lax.axis_index("s")
    t = sid * NC + cid
    s_lo = t * SPT

    zeros16 = jnp.zeros((L,), jnp.float32)

    def zero_body(i, _):
        for j in range(D // L):
            acc[i, pl.ds(j * L, L)] = zeros16
        return 0
    lax.fori_loop(0, SPT, zero_body, 0)

    def lower_bound(v):
        def it(_, lo_hi):
            lo, hi = lo_hi
            mid = (lo + hi) // 2
            base = jnp.minimum((mid // 8) * 8, N - 2 * L)
            pltpu.sync_copy(batch_hbm.at[pl.ds(base, 2 * L)], sb)
            val = sb[pl.ds(mid - base, L)][0]
            lt = val < v
            return (jnp.where(lt, mid + 1, lo), jnp.where(lt, hi, mid))
        lo, _ = lax.fori_loop(
            0, NSEARCH, it, (jnp.int32(0), jnp.int32(N))
        )
        return lo

    start = lower_bound(s_lo)
    end = lower_bound(s_lo + SPT)

    astart = (start // RCHUNK) * RCHUNK
    nchunks = (end - astart + RCHUNK - 1) // RCHUNK

    def chunk_body(k, _):
        base = astart + k * RCHUNK
        pltpu.sync_copy(x_hbm.at[pl.ds(base, RCHUNK)], xb)
        pltpu.sync_copy(batch_hbm.at[pl.ds(base, RCHUNK)],
                        ib.at[pl.ds(0, RCHUNK)])

        def grp_body(g, _):
            r0 = g * L
            ids16 = ib[pl.ds(r0, L)] - s_lo
            for rr in range(L):
                sl = ids16[rr]

                @pl.when((sl >= 0) & (sl < SPT))
                def _():
                    for j in range(D // L):
                        acc[sl, pl.ds(j * L, L)] = (
                            acc[sl, pl.ds(j * L, L)]
                            + xb[r0 + rr, pl.ds(j * L, L)]
                        )
            return 0
        lax.fori_loop(0, RCHUNK // L, grp_body, 0)
        return 0
    lax.fori_loop(0, nchunks, chunk_body, 0)

    pltpu.sync_copy(acc, out_hbm.at[pl.ds(s_lo, SPT)])


IDR = 625
IDC = 512
IDB = 5
CROWS = SEG_PAD // 128


def _counts_body(ids_ref, o_ref):
    i = pl.program_id(0)

    @pl.when(i == 0)
    def _():
        o_ref[...] = jnp.zeros((CROWS, 128), jnp.float32)

    ids = ids_ref[0]
    first = ids[0, 0]
    last = ids[IDB - 1, IDC - 1]
    w0 = (first // 128) * 128
    nwin = (last - w0) // 128 + 1

    def win(k, _):
        base = w0 + k * 128
        vals = base + lax.broadcasted_iota(jnp.int32, (1, 1, 128), 2)
        eq = (ids[:, :, None] == vals).astype(jnp.float32)
        c = jnp.sum(eq, axis=(0, 1)).reshape(1, 128)
        o_ref[pl.ds(base // 128, 1), :] += c
        return 0
    lax.fori_loop(0, nwin, win, 0)


def _counts_tc(batch):
    ids = batch.reshape(IDR // IDB, IDB, IDC)
    grid = (IDR // IDB,)
    return pl.pallas_call(
        _counts_body,
        grid=grid,
        in_specs=[pl.BlockSpec((1, IDB, IDC), lambda i: (i, 0, 0))],
        out_specs=pl.BlockSpec((CROWS, 128), lambda i: (0, 0)),
        out_shape=jax.ShapeDtypeStruct((CROWS, 128), jnp.float32),
    )(ids)


BLK = 2048


def _mlp_body(s_ref, c_ref, win_ref, bin_ref, w1_ref, b1_ref, w2_ref, b2_ref,
              o_ref):
    s = s_ref[...]
    cnt = c_ref[...]
    pooled = jnp.dot(s, win_ref[...], preferred_element_type=jnp.float32)
    pooled = pooled + cnt * bin_ref[...]
    h = jnp.dot(pooled, w1_ref[...], preferred_element_type=jnp.float32)
    h = jnp.maximum(h + b1_ref[...], 0.0)
    o_ref[...] = (jnp.dot(h, w2_ref[...], preferred_element_type=jnp.float32)
                  + b2_ref[...])


def _mlp_tc(seg, cnt, W_in, b_in, W1, b1, W2, b2):
    grid = (SEG_PAD // BLK,)
    return pl.pallas_call(
        _mlp_body,
        grid=grid,
        in_specs=[
            pl.BlockSpec((BLK, D), lambda i: (i, 0)),
            pl.BlockSpec((BLK, 1), lambda i: (i, 0)),
            pl.BlockSpec((D, D), lambda i: (0, 0)),
            pl.BlockSpec((1, D), lambda i: (0, 0)),
            pl.BlockSpec((D, 2 * D), lambda i: (0, 0)),
            pl.BlockSpec((1, 2 * D), lambda i: (0, 0)),
            pl.BlockSpec((2 * D, D), lambda i: (0, 0)),
            pl.BlockSpec((1, D), lambda i: (0, 0)),
        ],
        out_specs=pl.BlockSpec((BLK, D), lambda i: (i, 0)),
        out_shape=jax.ShapeDtypeStruct((SEG_PAD, D), jnp.float32),
    )(seg, cnt, W_in, b_in.reshape(1, D), W1, b1.reshape(1, 2 * D),
      W2, b2.reshape(1, D))


def kernel(x, batch, W_in, b_in, W1, b1, W2, b2):
    batch = batch.astype(jnp.int32)
    seg = _segsum_sc(x, batch)
    cnt = _counts_tc(batch).reshape(SEG_PAD, 1)
    out = _mlp_tc(seg, cnt, W_in, b_in, W1, b1, W2, b2)
    return out[:NUM_SEG]

# --- scband reference (transcript-rebuilt; emitter-appended) ---
"""Pipeline reference for scband-head-semantic-35983236006251 (READ-ONLY COPY).

The authoritative reference and input builder live on the scoring server;
editing this copy changes nothing except your own understanding.
"""

import jax, jax.numpy as jnp
import numpy as np

N = 320000
D = 128
NUM_SEG = 10000


def setup_inputs(seed: int = 0) -> dict:
    key = jax.random.key(seed)
    ks = jax.random.split(key, 8)
    x = jax.random.normal(ks[0], (N, D), dtype=jnp.float32)
    batch = jnp.sort(jax.random.randint(ks[1], (N,), 0, NUM_SEG, dtype=jnp.int64))
    s_in = 1.0 / np.sqrt(D)
    W_in = jax.random.uniform(ks[2], (D, D), minval=-s_in, maxval=s_in, dtype=jnp.float32)
    b_in = jax.random.uniform(ks[3], (D,), minval=-s_in, maxval=s_in, dtype=jnp.float32)
    s1 = 1.0 / np.sqrt(D)
    W1 = jax.random.uniform(ks[4], (D, 2 * D), minval=-s1, maxval=s1, dtype=jnp.float32)
    b1 = jax.random.uniform(ks[5], (2 * D,), minval=-s1, maxval=s1, dtype=jnp.float32)
    s2 = 1.0 / np.sqrt(2 * D)
    W2 = jax.random.uniform(ks[6], (2 * D, D), minval=-s2, maxval=s2, dtype=jnp.float32)
    b2 = jax.random.uniform(ks[7], (D,), minval=-s2, maxval=s2, dtype=jnp.float32)
    return {"x": x, "batch": batch, "W_in": W_in, "b_in": b_in, "W1": W1, "b1": b1, "W2": W2, "b2": b2}


def reference(x, batch, W_in, b_in, W1, b1, W2, b2):
    # proj_in: Linear(latent_dim, latent_dim)
    h = x @ W_in + b_in
    # scatter_add(x, batch, dim=0, dim_size=batch.max()+1)
    num_segments = NUM_SEG
    pooled = jax.ops.segment_sum(h, batch, num_segments=num_segments)
    # proj_out: Linear(D, 2D) -> ReLU -> Linear(2D, D)
    out = jax.nn.relu(pooled @ W1 + b1) @ W2 + b2
    return out

if __name__ == "__main__":
    import jax
    _d = setup_inputs()
    print(jax.jit(kernel)(*tuple(_d.values())))

</pallas_src>

<mosaic_0001>
#map = affine_map<(d0, d1) -> (0, 0)>
#map1 = affine_map<(d0, d1) -> (0)>
module attributes {stable_mosaic.version = 14 : i64} {
  func.func @_segsum_sc(%arg0: i32, %arg1: i32, %arg2: memref<320000x128xf32, #tpu.memory_space<hbm>>, %arg3: memref<320000xi32, #tpu.memory_space<hbm>>, %arg4: memref<10240x128xf32, #tpu.memory_space<hbm>>, %arg5: memref<512x128xf32, #tpu.memory_space<vmem>>, %arg6: memref<528xi32, #tpu.memory_space<vmem>>, %arg7: memref<32xi32, #tpu.memory_space<vmem>>, %arg8: memref<320x128xf32, #tpu.memory_space<vmem>>) attributes {dimension_semantics = [#tpu.dimension_semantics<core_parallel>, #tpu.dimension_semantics<subcore_parallel>], iteration_bounds = array<i64: 2, 16>, scalar_prefetch = 0 : i64, scratch_operands = 4 : i64, tpu.core_type = #tpu.core_type<sc_vector_subcore>, window_params = [{transform_indices = #map}, {transform_indices = #map1}, {transform_indices = #map}]} {
    %mul3A = arith.constant 2 : i32
    %mul3A_0 = arith.muli %arg1, %mul3A : i32
    %add3A = arith.addi %mul3A_0, %arg0 : i32
    %mul3A_1 = arith.constant 320 : i32
    %mul3A_2 = arith.muli %add3A, %mul3A_1 : i32
    %broadcast_in_dim3A = arith.constant 0.000000e+00 : f32
    %broadcast_in_dim3A_3 = vector.broadcast %broadcast_in_dim3A : f32 to vector<16xf32>
    %scan3A = arith.constant 0 : i32
    %scan3A_4 = arith.constant 0 : i32
    %scan3A_5 = arith.constant 320 : i32
    %scan3A_6 = arith.addi %scan3A_4, %scan3A_5 : i32
    %scan3A_7 = arith.constant 1 : i32
    %scan3A_8 = scf.for %scan3A_86 = %scan3A_4 to %scan3A_6 step %scan3A_7 iter_args(%scan3A_87 = %scan3A) -> (i32)  : i32 {
      %swap3A = arith.index_cast %scan3A_86 : i32 to index
      %swap3A_88 = arith.constant 0 : index
      %swap3A_89 = tpu.vector_load %arg8[%swap3A, %swap3A_88] {strides = array<i32>} : memref<320x128xf32, #tpu.memory_space<vmem>>, vector<1x16xf32>,
      %swap3A_90 = vector.shape_cast %swap3A_89 : vector<1x16xf32> to vector<16xf32>
      %swap3A_91 = vector.shape_cast %broadcast_in_dim3A_3 : vector<16xf32> to vector<1x16xf32>
      tpu.vector_store %arg8[%swap3A, %swap3A_88], %swap3A_91 {strides = array<i32>} : memref<320x128xf32, #tpu.memory_space<vmem>>, vector<1x16xf32>,
      %swap3A_92 = arith.index_cast %scan3A_86 : i32 to index
      %swap3A_93 = arith.constant 16 : index
      %swap3A_94 = tpu.vector_load %arg8[%swap3A_92, %swap3A_93] {strides = array<i32>} : memref<320x128xf32, #tpu.memory_space<vmem>>, vector<1x16xf32>,
      %swap3A_95 = vector.shape_cast %swap3A_94 : vector<1x16xf32> to vector<16xf32>
      %swap3A_96 = vector.shape_cast %broadcast_in_dim3A_3 : vector<16xf32> to vector<1x16xf32>
      tpu.vector_store %arg8[%swap3A_92, %swap3A_93], %swap3A_96 {strides = array<i32>} : memref<320x128xf32, #tpu.memory_space<vmem>>, vector<1x16xf32>,
      %swap3A_97 = arith.index_cast %scan3A_86 : i32 to index
      %swap3A_98 = arith.constant 32 : index
      %swap3A_99 = tpu.vector_load %arg8[%swap3A_97, %swap3A_98] {strides = array<i32>} : memref<320x128xf32, #tpu.memory_space<vmem>>, vector<1x16xf32>,
      %swap3A_100 = vector.shape_cast %swap3A_99 : vector<1x16xf32> to vector<16xf32>
      %swap3A_101 = vector.shape_cast %broadcast_in_dim3A_3 : vector<16xf32> to vector<1x16xf32>
      tpu.vector_store %arg8[%swap3A_97, %swap3A_98], %swap3A_101 {strides = array<i32>} : memref<320x128xf32, #tpu.memory_space<vmem>>, vector<1x16xf32>,
      %swap3A_102 = arith.index_cast %scan3A_86 : i32 to index
      %swap3A_103 = arith.constant 48 : index
      %swap3A_104 = tpu.vector_load %arg8[%swap3A_102, %swap3A_103] {strides = array<i32>} : memref<320x128xf32, #tpu.memory_space<vmem>>, vector<1x16xf32>,
      %swap3A_105 = vector.shape_cast %swap3A_104 : vector<1x16xf32> to vector<16xf32>
      %swap3A_106 = vector.shape_cast %broadcast_in_dim3A_3 : vector<16xf32> to vector<1x16xf32>
      tpu.vector_store %arg8[%swap3A_102, %swap3A_103], %swap3A_106 {strides = array<i32>} : memref<320x128xf32, #tpu.memory_space<vmem>>, vector<1x16xf32>,
      %swap3A_107 = arith.index_cast %scan3A_86 : i32 to index
      %swap3A_108 = arith.constant 64 : index
      %swap3A_109 = tpu.vector_load %arg8[%swap3A_107, %swap3A_108] {strides = array<i32>} : memref<320x128xf32, #tpu.memory_space<vmem>>, vector<1x16xf32>,
      %swap3A_110 = vector.shape_cast %swap3A_109 : vector<1x16xf32> to vector<16xf32>
      %swap3A_111 = vector.shape_cast %broadcast_in_dim3A_3 : vector<16xf32> to vector<1x16xf32>
      tpu.vector_store %arg8[%swap3A_107, %swap3A_108], %swap3A_111 {strides = array<i32>} : memref<320x128xf32, #tpu.memory_space<vmem>>, vector<1x16xf32>,
      %swap3A_112 = arith.index_cast %scan3A_86 : i32 to index
      %swap3A_113 = arith.constant 80 : index
      %swap3A_114 = tpu.vector_load %arg8[%swap3A_112, %swap3A_113] {strides = array<i32>} : memref<320x128xf32, #tpu.memory_space<vmem>>, vector<1x16xf32>,
      %swap3A_115 = vector.shape_cast %swap3A_114 : vector<1x16xf32> to vector<16xf32>
      %swap3A_116 = vector.shape_cast %broadcast_in_dim3A_3 : vector<16xf32> to vector<1x16xf32>
      tpu.vector_store %arg8[%swap3A_112, %swap3A_113], %swap3A_116 {strides = array<i32>} : memref<320x128xf32, #tpu.memory_space<vmem>>, vector<1x16xf32>,
      %swap3A_117 = arith.index_cast %scan3A_86 : i32 to index
      %swap3A_118 = arith.constant 96 : index
      %swap3A_119 = tpu.vector_load %arg8[%swap3A_117, %swap3A_118] {strides = array<i32>} : memref<320x128xf32, #tpu.memory_space<vmem>>, vector<1x16xf32>,
      %swap3A_120 = vector.shape_cast %swap3A_119 : vector<1x16xf32> to vector<16xf32>
      %swap3A_121 = vector.shape_cast %broadcast_in_dim3A_3 : vector<16xf32> to vector<1x16xf32>
      tpu.vector_store %arg8[%swap3A_117, %swap3A_118], %swap3A_121 {strides = array<i32>} : memref<320x128xf32, #tpu.memory_space<vmem>>, vector<1x16xf32>,
      %swap3A_122 = arith.index_cast %scan3A_86 : i32 to index
      %swap3A_123 = arith.constant 112 : index
      %swap3A_124 = tpu.vector_load %arg8[%swap3A_122, %swap3A_123] {strides = array<i32>} : memref<320x128xf32, #tpu.memory_space<vmem>>, vector<1x16xf32>,
      %swap3A_125 = vector.shape_cast %swap3A_124 : vector<1x16xf32> to vector<16xf32>
      %swap3A_126 = vector.shape_cast %broadcast_in_dim3A_3 : vector<16xf32> to vector<1x16xf32>
      tpu.vector_store %arg8[%swap3A_122, %swap3A_123], %swap3A_126 {strides = array<i32>} : memref<320x128xf32, #tpu.memory_space<vmem>>, vector<1x16xf32>,
      %scan3A_127 = arith.constant 0 : i32
      scf.yield %scan3A_127 : i32
    }
    %scan3A_9 = arith.constant 320 : i32
    %scan3A_10 = arith.constant 0 : i32
    %scan3A_11 = arith.constant 320000 : i32
    %scan3A_12 = arith.constant 0 : i32
    %scan3A_13 = arith.constant 19 : i32
    %scan3A_14 = arith.addi %scan3A_12, %scan3A_13 : i32
    %scan3A_15 = arith.constant 1 : i32
    %scan3A_16:2 = scf.for %scan3A_86 = %scan3A_12 to %scan3A_14 step %scan3A_15 iter_args(%scan3A_87 = %scan3A_10, %scan3A_88 = %scan3A_11) -> (i32, i32)  : i32 {
      %add3A_89 = arith.addi %scan3A_87, %scan3A_88 : i32
      %jit3A_90 = arith.constant 2 : i32
      %div3A_91 = arith.divsi %add3A_89, %jit3A_90 : i32
      %sign3A_92 = arith.constant 0 : i32
      %sign3A_93 = arith.cmpi sgt, %add3A_89, %sign3A_92 : i32
      %sign3A_94 = arith.extui %sign3A_93 : i1 to i32
      %sign3A_95 = arith.constant 0 : i32
      %sign3A_96 = arith.cmpi slt, %add3A_89, %sign3A_95 : i32
      %sign3A_97 = arith.extui %sign3A_96 : i1 to i32
      %sign3A_98 = arith.subi %sign3A_94, %sign3A_97 : i32
      %sign3A_99 = arith.constant 0 : i32
      %sign3A_100 = arith.cmpi sgt, %jit3A_90, %sign3A_99 : i32
      %sign3A_101 = arith.extui %sign3A_100 : i1 to i32
      %sign3A_102 = arith.constant 0 : i32
      %sign3A_103 = arith.cmpi slt, %jit3A_90, %sign3A_102 : i32
      %sign3A_104 = arith.extui %sign3A_103 : i1 to i32
      %sign3A_105 = arith.subi %sign3A_101, %sign3A_104 : i32
      %ne3A_106 = arith.cmpi ne, %sign3A_98, %sign3A_105 : i32
      %rem3A_107 = arith.remsi %add3A_89, %jit3A_90 : i32
      %ne3A_108 = arith.constant 0 : i32
      %ne3A_109 = arith.cmpi ne, %rem3A_107, %ne3A_108 : i32
      %and3A_110 = arith.andi %ne3A_106, %ne3A_109 : i1
      %sub3A_111 = arith.constant 1 : i32
      %sub3A_112 = arith.subi %div3A_91, %sub3A_111 : i32
      %select_n3A_113 = arith.select %and3A_110, %sub3A_112, %div3A_91 : i32
      %jit3A_114 = arith.constant 8 : i32
      %div3A_115 = arith.divsi %select_n3A_113, %jit3A_114 : i32
      %sign3A_116 = arith.constant 0 : i32
      %sign3A_117 = arith.cmpi sgt, %select_n3A_113, %sign3A_116 : i32
      %sign3A_118 = arith.extui %sign3A_117 : i1 to i32
      %sign3A_119 = arith.constant 0 : i32
      %sign3A_120 = arith.cmpi slt, %select_n3A_113, %sign3A_119 : i32
      %sign3A_121 = arith.extui %sign3A_120 : i1 to i32
      %sign3A_122 = arith.subi %sign3A_118, %sign3A_121 : i32
      %sign3A_123 = arith.constant 0 : i32
      %sign3A_124 = arith.cmpi sgt, %jit3A_114, %sign3A_123 : i32
      %sign3A_125 = arith.extui %sign3A_124 : i1 to i32
      %sign3A_126 = arith.constant 0 : i32
      %sign3A_127 = arith.cmpi slt, %jit3A_114, %sign3A_126 : i32
      %sign3A_128 = arith.extui %sign3A_127 : i1 to i32
      %sign3A_129 = arith.subi %sign3A_125, %sign3A_128 : i32
      %ne3A_130 = arith.cmpi ne, %sign3A_122, %sign3A_129 : i32
      %rem3A_131 = arith.remsi %select_n3A_113, %jit3A_114 : i32
      %ne3A_132 = arith.constant 0 : i32
      %ne3A_133 = arith.cmpi ne, %rem3A_131, %ne3A_132 : i32
      %and3A_134 = arith.andi %ne3A_130, %ne3A_133 : i1
      %sub3A_135 = arith.constant 1 : i32
      %sub3A_136 = arith.subi %div3A_115, %sub3A_135 : i32
      %select_n3A_137 = arith.select %and3A_134, %sub3A_136, %div3A_115 : i32
      %mul3A_138 = arith.constant 8 : i32
      %mul3A_139 = arith.muli %select_n3A_137, %mul3A_138 : i32
      %min3A = arith.constant 319968 : i32
      %min3A_140 = arith.minsi %mul3A_139, %min3A : i32
      "tpu.region"() ({
        %run_scoped3A = tpu.sem_alloc : memref<!tpu.dma_semaphore, #tpu.memory_space<semaphore_mem>>
        %dma_start3A = tpu.memref_slice %arg3[%min3A_140] : memref<320000xi32, #tpu.memory_space<hbm>> -> memref<32xi32, #tpu.memory_space<hbm>>
        %dma_start3A_148 = tpu.memref_slice %arg3[%min3A_140] : memref<320000xi32, #tpu.memory_space<hbm>> -> memref<32xi32, #tpu.memory_space<hbm>>
        tpu.enqueue_dma source(%dma_start3A_148 : memref<32xi32, #tpu.memory_space<hbm>>) target(%arg7 : memref<32xi32, #tpu.memory_space<vmem>>) target_semaphore(%run_scoped3A : memref<!tpu.dma_semaphore, #tpu.memory_space<semaphore_mem>>)
        %dma_wait3A = tpu.memref_slice %arg3[%min3A_140] : memref<320000xi32, #tpu.memory_space<hbm>> -> memref<32xi32, #tpu.memory_space<hbm>>
        %dma_wait3A_149 = tpu.memref_slice %arg3[%min3A_140] : memref<320000xi32, #tpu.memory_space<hbm>> -> memref<32xi32, #tpu.memory_space<hbm>>
        tpu.wait_dma2 semaphore(%run_scoped3A : memref<!tpu.dma_semaphore, #tpu.memory_space<semaphore_mem>>) src(%dma_wait3A_149 : memref<32xi32, #tpu.memory_space<hbm>>) dst(%arg7 : memref<32xi32, #tpu.memory_space<vmem>>)
        tpu.yield
      }) : () -> ()
      %sub3A_141 = arith.subi %select_n3A_113, %min3A_140 : i32
      %get3A = arith.index_cast %sub3A_141 : i32 to index
      %get3A_142 = tpu.vector_load %arg7[%get3A] {strides = array<i32>} : memref<32xi32, #tpu.memory_space<vmem>>, vector<16xi32>,
      %get3A_143 = vector.shape_cast %get3A_142 : vector<16xi32> to vector<16xi32>
      %slice3A = vector.extract_strided_slice %get3A_143 {offsets = [0], sizes = [1], strides = [1]} : vector<16xi32> to vector<1xi32>
      %squeeze3A = vector.extract %slice3A[0] : i32 from vector<1xi32>
      %lt3A = arith.cmpi slt, %squeeze3A, %mul3A_2 : i32
      %add3A_144 = arith.constant 1 : i32
      %add3A_145 = arith.addi %select_n3A_113, %add3A_144 : i32
      %select_n3A_146 = arith.select %lt3A, %add3A_145, %scan3A_87 : i32
      %select_n3A_147 = arith.select %lt3A, %scan3A_88, %select_n3A_113 : i32
      scf.yield %select_n3A_146, %select_n3A_147 : i32, i32
    }
    %scan3A_17 = arith.constant 19 : i32
    %add3A_18 = arith.constant 320 : i32
    %add3A_19 = arith.addi %mul3A_2, %add3A_18 : i32
    %scan3A_20 = arith.constant 0 : i32
    %scan3A_21 = arith.constant 320000 : i32
    %scan3A_22 = arith.constant 0 : i32
    %scan3A_23 = arith.constant 19 : i32
    %scan3A_24 = arith.addi %scan3A_22, %scan3A_23 : i32
    %scan3A_25 = arith.constant 1 : i32
    %scan3A_26:2 = scf.for %scan3A_86 = %scan3A_22 to %scan3A_24 step %scan3A_25 iter_args(%scan3A_87 = %scan3A_20, %scan3A_88 = %scan3A_21) -> (i32, i32)  : i32 {
      %add3A_89 = arith.addi %scan3A_87, %scan3A_88 : i32
      %jit3A_90 = arith.constant 2 : i32
      %div3A_91 = arith.divsi %add3A_89, %jit3A_90 : i32
      %sign3A_92 = arith.constant 0 : i32
      %sign3A_93 = arith.cmpi sgt, %add3A_89, %sign3A_92 : i32
      %sign3A_94 = arith.extui %sign3A_93 : i1 to i32
      %sign3A_95 = arith.constant 0 : i32
      %sign3A_96 = arith.cmpi slt, %add3A_89, %sign3A_95 : i32
      %sign3A_97 = arith.extui %sign3A_96 : i1 to i32
      %sign3A_98 = arith.subi %sign3A_94, %sign3A_97 : i32
      %sign3A_99 = arith.constant 0 : i32
      %sign3A_100 = arith.cmpi sgt, %jit3A_90, %sign3A_99 : i32
      %sign3A_101 = arith.extui %sign3A_100 : i1 to i32
      %sign3A_102 = arith.constant 0 : i32
      %sign3A_103 = arith.cmpi slt, %jit3A_90, %sign3A_102 : i32
      %sign3A_104 = arith.extui %sign3A_103 : i1 to i32
      %sign3A_105 = arith.subi %sign3A_101, %sign3A_104 : i32
      %ne3A_106 = arith.cmpi ne, %sign3A_98, %sign3A_105 : i32
      %rem3A_107 = arith.remsi %add3A_89, %jit3A_90 : i32
      %ne3A_108 = arith.constant 0 : i32
      %ne3A_109 = arith.cmpi ne, %rem3A_107, %ne3A_108 : i32
      %and3A_110 = arith.andi %ne3A_106, %ne3A_109 : i1
      %sub3A_111 = arith.constant 1 : i32
      %sub3A_112 = arith.subi %div3A_91, %sub3A_111 : i32
      %select_n3A_113 = arith.select %and3A_110, %sub3A_112, %div3A_91 : i32
      %jit3A_114 = arith.constant 8 : i32
      %div3A_115 = arith.divsi %select_n3A_113, %jit3A_114 : i32
      %sign3A_116 = arith.constant 0 : i32
      %sign3A_117 = arith.cmpi sgt, %select_n3A_113, %sign3A_116 : i32
      %sign3A_118 = arith.extui %sign3A_117 : i1 to i32
      %sign3A_119 = arith.constant 0 : i32
      %sign3A_120 = arith.cmpi slt, %select_n3A_113, %sign3A_119 : i32
      %sign3A_121 = arith.extui %sign3A_120 : i1 to i32
      %sign3A_122 = arith.subi %sign3A_118, %sign3A_121 : i32
      %sign3A_123 = arith.constant 0 : i32
      %sign3A_124 = arith.cmpi sgt, %jit3A_114, %sign3A_123 : i32
      %sign3A_125 = arith.extui %sign3A_124 : i1 to i32
      %sign3A_126 = arith.constant 0 : i32
      %sign3A_127 = arith.cmpi slt, %jit3A_114, %sign3A_126 : i32
      %sign3A_128 = arith.extui %sign3A_127 : i1 to i32
      %sign3A_129 = arith.subi %sign3A_125, %sign3A_128 : i32
      %ne3A_130 = arith.cmpi ne, %sign3A_122, %sign3A_129 : i32
      %rem3A_131 = arith.remsi %select_n3A_113, %jit3A_114 : i32
      %ne3A_132 = arith.constant 0 : i32
      %ne3A_133 = arith.cmpi ne, %rem3A_131, %ne3A_132 : i32
      %and3A_134 = arith.andi %ne3A_130, %ne3A_133 : i1
      %sub3A_135 = arith.constant 1 : i32
      %sub3A_136 = arith.subi %div3A_115, %sub3A_135 : i32
      %select_n3A_137 = arith.select %and3A_134, %sub3A_136, %div3A_115 : i32
      %mul3A_138 = arith.constant 8 : i32
      %mul3A_139 = arith.muli %select_n3A_137, %mul3A_138 : i32
      %min3A = arith.constant 319968 : i32
      %min3A_140 = arith.minsi %mul3A_139, %min3A : i32
      "tpu.region"() ({
        %run_scoped3A = tpu.sem_alloc : memref<!tpu.dma_semaphore, #tpu.memory_space<semaphore_mem>>
        %dma_start3A = tpu.memref_slice %arg3[%min3A_140] : memref<320000xi32, #tpu.memory_space<hbm>> -> memref<32xi32, #tpu.memory_space<hbm>>
        %dma_start3A_148 = tpu.memref_slice %arg3[%min3A_140] : memref<320000xi32, #tpu.memory_space<hbm>> -> memref<32xi32, #tpu.memory_space<hbm>>
        tpu.enqueue_dma source(%dma_start3A_148 : memref<32xi32, #tpu.memory_space<hbm>>) target(%arg7 : memref<32xi32, #tpu.memory_space<vmem>>) target_semaphore(%run_scoped3A : memref<!tpu.dma_semaphore, #tpu.memory_space<semaphore_mem>>)
        %dma_wait3A = tpu.memref_slice %arg3[%min3A_140] : memref<320000xi32, #tpu.memory_space<hbm>> -> memref<32xi32, #tpu.memory_space<hbm>>
        %dma_wait3A_149 = tpu.memref_slice %arg3[%min3A_140] : memref<320000xi32, #tpu.memory_space<hbm>> -> memref<32xi32, #tpu.memory_space<hbm>>
        tpu.wait_dma2 semaphore(%run_scoped3A : memref<!tpu.dma_semaphore, #tpu.memory_space<semaphore_mem>>) src(%dma_wait3A_149 : memref<32xi32, #tpu.memory_space<hbm>>) dst(%arg7 : memref<32xi32, #tpu.memory_space<vmem>>)
        tpu.yield
      }) : () -> ()
      %sub3A_141 = arith.subi %select_n3A_113, %min3A_140 : i32
      %get3A = arith.index_cast %sub3A_141 : i32 to index
      %get3A_142 = tpu.vector_load %arg7[%get3A] {strides = array<i32>} : memref<32xi32, #tpu.memory_space<vmem>>, vector<16xi32>,
      %get3A_143 = vector.shape_cast %get3A_142 : vector<16xi32> to vector<16xi32>
      %slice3A = vector.extract_strided_slice %get3A_143 {offsets = [0], sizes = [1], strides = [1]} : vector<16xi32> to vector<1xi32>
      %squeeze3A = vector.extract %slice3A[0] : i32 from vector<1xi32>
      %lt3A = arith.cmpi slt, %squeeze3A, %add3A_19 : i32
      %add3A_144 = arith.constant 1 : i32
      %add3A_145 = arith.addi %select_n3A_113, %add3A_144 : i32
      %select_n3A_146 = arith.select %lt3A, %add3A_145, %scan3A_87 : i32
      %select_n3A_147 = arith.select %lt3A, %scan3A_88, %select_n3A_113 : i32
      scf.yield %select_n3A_146, %select_n3A_147 : i32, i32
    }
    %scan3A_27 = arith.constant 19 : i32
    %jit3A = arith.constant 512 : i32
    %div3A = arith.divsi %scan3A_16#0, %jit3A : i32
    %sign3A = arith.constant 0 : i32
    %sign3A_28 = arith.cmpi sgt, %scan3A_16#0, %sign3A : i32
    %sign3A_29 = arith.extui %sign3A_28 : i1 to i32
    %sign3A_30 = arith.constant 0 : i32
    %sign3A_31 = arith.cmpi slt, %scan3A_16#0, %sign3A_30 : i32
    %sign3A_32 = arith.extui %sign3A_31 : i1 to i32
    %sign3A_33 = arith.subi %sign3A_29, %sign3A_32 : i32
    %sign3A_34 = arith.constant 0 : i32
    %sign3A_35 = arith.cmpi sgt, %jit3A, %sign3A_34 : i32
    %sign3A_36 = arith.extui %sign3A_35 : i1 to i32
    %sign3A_37 = arith.constant 0 : i32
    %sign3A_38 = arith.cmpi slt, %jit3A, %sign3A_37 : i32
    %sign3A_39 = arith.extui %sign3A_38 : i1 to i32
    %sign3A_40 = arith.subi %sign3A_36, %sign3A_39 : i32
    %ne3A = arith.cmpi ne, %sign3A_33, %sign3A_40 : i32
    %rem3A = arith.remsi %scan3A_16#0, %jit3A : i32
    %ne3A_41 = arith.constant 0 : i32
    %ne3A_42 = arith.cmpi ne, %rem3A, %ne3A_41 : i32
    %and3A = arith.andi %ne3A, %ne3A_42 : i1
    %sub3A = arith.constant 1 : i32
    %sub3A_43 = arith.subi %div3A, %sub3A : i32
    %select_n3A = arith.select %and3A, %sub3A_43, %div3A : i32
    %mul3A_44 = arith.constant 512 : i32
    %mul3A_45 = arith.muli %select_n3A, %mul3A_44 : i32
    %sub3A_46 = arith.subi %scan3A_26#0, %mul3A_45 : i32
    %add3A_47 = arith.constant 512 : i32
    %add3A_48 = arith.addi %sub3A_46, %add3A_47 : i32
    %sub3A_49 = arith.constant 1 : i32
    %sub3A_50 = arith.subi %add3A_48, %sub3A_49 : i32
    %jit3A_51 = arith.constant 512 : i32
    %div3A_52 = arith.divsi %sub3A_50, %jit3A_51 : i32
    %sign3A_53 = arith.constant 0 : i32
    %sign3A_54 = arith.cmpi sgt, %sub3A_50, %sign3A_53 : i32
    %sign3A_55 = arith.extui %sign3A_54 : i1 to i32
    %sign3A_56 = arith.constant 0 : i32
    %sign3A_57 = arith.cmpi slt, %sub3A_50, %sign3A_56 : i32
    %sign3A_58 = arith.extui %sign3A_57 : i1 to i32
    %sign3A_59 = arith.subi %sign3A_55, %sign3A_58 : i32
    %sign3A_60 = arith.constant 0 : i32
    %sign3A_61 = arith.cmpi sgt, %jit3A_51, %sign3A_60 : i32
    %sign3A_62 = arith.extui %sign3A_61 : i1 to i32
    %sign3A_63 = arith.constant 0 : i32
    %sign3A_64 = arith.cmpi slt, %jit3A_51, %sign3A_63 : i32
    %sign3A_65 = arith.extui %sign3A_64 : i1 to i32
    %sign3A_66 = arith.subi %sign3A_62, %sign3A_65 : i32
    %ne3A_67 = arith.cmpi ne, %sign3A_59, %sign3A_66 : i32
    %rem3A_68 = arith.remsi %sub3A_50, %jit3A_51 : i32
    %ne3A_69 = arith.constant 0 : i32
    %ne3A_70 = arith.cmpi ne, %rem3A_68, %ne3A_69 : i32
    %and3A_71 = arith.andi %ne3A_67, %ne3A_70 : i1
    %sub3A_72 = arith.constant 1 : i32
    %sub3A_73 = arith.subi %div3A_52, %sub3A_72 : i32
    %select_n3A_74 = arith.select %and3A_71, %sub3A_73, %div3A_52 : i32
    %while3A = arith.constant 0 : i32
    %while3A_75 = arith.constant 0 : i32
    %while3A_76 = arith.subi %select_n3A_74, %while3A : i32
    %while3A_77 = arith.addi %while3A, %while3A_76 : i32
    %while3A_78 = arith.constant 1 : i32
    %while3A_79 = arith.divsi %while3A_76, %while3A_78 : i32
    %while3A_80 = arith.muli %while3A_79, %while3A_78 : i32
    %while3A_81 = arith.addi %while3A, %while3A_80 : i32
    %while3A_82 = arith.constant 1 : i32
    %while3A_83 = scf.for %while3A_86 = %while3A to %while3A_81 step %while3A_82 iter_args(%while3A_87 = %while3A_75) -> (i32)  : i32 {
      %mul3A_88 = arith.constant 512 : i32
      %mul3A_89 = arith.muli %while3A_86, %mul3A_88 : i32
      %add3A_90 = arith.addi %mul3A_45, %mul3A_89 : i32
      "tpu.region"() ({
        %run_scoped3A = tpu.sem_alloc : memref<!tpu.dma_semaphore, #tpu.memory_space<semaphore_mem>>
        %dma_start3A = arith.constant 0 : i32
        %dma_start3A_99 = tpu.memref_slice %arg2[%add3A_90, %dma_start3A] : memref<320000x128xf32, #tpu.memory_space<hbm>> -> memref<512x128xf32, #tpu.memory_space<hbm>>
        %dma_start3A_100 = arith.constant 0 : i32
        %dma_start3A_101 = tpu.memref_slice %arg2[%add3A_90, %dma_start3A_100] : memref<320000x128xf32, #tpu.memory_space<hbm>> -> memref<512x128xf32, #tpu.memory_space<hbm>>
        tpu.enqueue_dma source(%dma_start3A_101 : memref<512x128xf32, #tpu.memory_space<hbm>>) target(%arg5 : memref<512x128xf32, #tpu.memory_space<vmem>>) target_semaphore(%run_scoped3A : memref<!tpu.dma_semaphore, #tpu.memory_space<semaphore_mem>>)
        %dma_wait3A = arith.constant 0 : i32
        %dma_wait3A_102 = tpu.memref_slice %arg2[%add3A_90, %dma_wait3A] : memref<320000x128xf32, #tpu.memory_space<hbm>> -> memref<512x128xf32, #tpu.memory_space<hbm>>
        %dma_wait3A_103 = arith.constant 0 : i32
        %dma_wait3A_104 = tpu.memref_slice %arg2[%add3A_90, %dma_wait3A_103] : memref<320000x128xf32, #tpu.memory_space<hbm>> -> memref<512x128xf32, #tpu.memory_space<hbm>>
        tpu.wait_dma2 semaphore(%run_scoped3A : memref<!tpu.dma_semaphore, #tpu.memory_space<semaphore_mem>>) src(%dma_wait3A_104 : memref<512x128xf32, #tpu.memory_space<hbm>>) dst(%arg5 : memref<512x128xf32, #tpu.memory_space<vmem>>)
        tpu.yield
      }) : () -> ()
      "tpu.region"() ({
        %run_scoped3A = tpu.sem_alloc : memref<!tpu.dma_semaphore, #tpu.memory_space<semaphore_mem>>
        %dma_start3A = arith.constant 0 : i32
        %dma_start3A_99 = tpu.memref_slice %arg6[%dma_start3A] : memref<528xi32, #tpu.memory_space<vmem>> -> memref<512xi32, #tpu.memory_space<vmem>>
        %dma_start3A_100 = tpu.memref_slice %arg3[%add3A_90] : memref<320000xi32, #tpu.memory_space<hbm>> -> memref<512xi32, #tpu.memory_space<hbm>>
        %dma_start3A_101 = arith.constant 0 : i32
        %dma_start3A_102 = tpu.memref_slice %arg6[%dma_start3A_101] : memref<528xi32, #tpu.memory_space<vmem>> -> memref<512xi32, #tpu.memory_space<vmem>>
        %dma_start3A_103 = tpu.memref_slice %arg3[%add3A_90] : memref<320000xi32, #tpu.memory_space<hbm>> -> memref<512xi32, #tpu.memory_space<hbm>>
        tpu.enqueue_dma source(%dma_start3A_103 : memref<512xi32, #tpu.memory_space<hbm>>) target(%dma_start3A_102 : memref<512xi32, #tpu.memory_space<vmem>>) target_semaphore(%run_scoped3A : memref<!tpu.dma_semaphore, #tpu.memory_space<semaphore_mem>>)
        %dma_wait3A = arith.constant 0 : i32
        %dma_wait3A_104 = tpu.memref_slice %arg6[%dma_wait3A] : memref<528xi32, #tpu.memory_space<vmem>> -> memref<512xi32, #tpu.memory_space<vmem>>
        %dma_wait3A_105 = tpu.memref_slice %arg3[%add3A_90] : memref<320000xi32, #tpu.memory_space<hbm>> -> memref<512xi32, #tpu.memory_space<hbm>>
        %dma_wait3A_106 = arith.constant 0 : i32
        %dma_wait3A_107 = tpu.memref_slice %arg6[%dma_wait3A_106] : memref<528xi32, #tpu.memory_space<vmem>> -> memref<512xi32, #tpu.memory_space<vmem>>
        %dma_wait3A_108 = tpu.memref_slice %arg3[%add3A_90] : memref<320000xi32, #tpu.memory_space<hbm>> -> memref<512xi32, #tpu.memory_space<hbm>>
        tpu.wait_dma2 semaphore(%run_scoped3A : memref<!tpu.dma_semaphore, #tpu.memory_space<semaphore_mem>>) src(%dma_wait3A_108 : memref<512xi32, #tpu.memory_space<hbm>>) dst(%dma_wait3A_107 : memref<512xi32, #tpu.memory_space<vmem>>)
        tpu.yield
      }) : () -> ()
      %scan3A_91 = arith.constant 0 : i32
      %scan3A_92 = arith.constant 0 : i32
      %scan3A_93 = arith.constant 32 : i32
      %scan3A_94 = arith.addi %scan3A_92, %scan3A_93 : i32
      %scan3A_95 = arith.constant 1 : i32
      %scan3A_96 = scf.for %scan3A_99 = %scan3A_92 to %scan3A_94 step %scan3A_95 iter_args(%scan3A_100 = %scan3A_91) -> (i32)  : i32 {
        %mul3A_101 = arith.constant 16 : i32
        %mul3A_102 = arith.muli %scan3A_99, %mul3A_101 : i32
        %get3A = arith.index_cast %mul3A_102 : i32 to index
        %get3A_103 = tpu.vector_load %arg6[%get3A] {strides = array<i32>} : memref<528xi32, #tpu.memory_space<vmem>>, vector<16xi32>,
        %get3A_104 = vector.shape_cast %get3A_103 : vector<16xi32> to vector<16xi32>
        %sub3A_105 = vector.broadcast %mul3A_2 : i32 to vector<16xi32>
        %sub3A_106 = arith.subi %get3A_104, %sub3A_105 : vector<16xi32>
        %slice3A = vector.extract_strided_slice %sub3A_106 {offsets = [0], sizes = [1], strides = [1]} : vector<16xi32> to vector<1xi32>
        %squeeze3A = vector.extract %slice3A[0] : i32 from vector<1xi32>
        %ge3A = arith.constant 0 : i32
        %ge3A_107 = arith.cmpi sge, %squeeze3A, %ge3A : i32
        %lt3A = arith.constant 320 : i32
        %lt3A_108 = arith.cmpi slt, %squeeze3A, %lt3A : i32
        %and3A_109 = arith.andi %ge3A_107, %lt3A_108 : i1
        %convert_element_type3A = arith.extui %and3A_109 : i1 to i32
        %cond3A = arith.constant 0 : i32
        %cond3A_110 = arith.cmpi ne, %convert_element_type3A, %cond3A : i32
        scf.if %cond3A_110 {
          %get3A_262 = arith.index_cast %squeeze3A : i32 to index
          %get3A_263 = arith.constant 0 : index
          %get3A_264 = tpu.vector_load %arg8[%get3A_262, %get3A_263] {strides = array<i32>} : memref<320x128xf32, #tpu.memory_space<vmem>>, vector<1x16xf32>,
          %get3A_265 = vector.shape_cast %get3A_264 : vector<1x16xf32> to vector<16xf32>
          %add3A_266 = arith.constant 0 : i32
          %add3A_267 = arith.addi %mul3A_102, %add3A_266 : i32
          %get3A_268 = arith.index_cast %add3A_267 : i32 to index
          %get3A_269 = arith.constant 0 : index
          %get3A_270 = tpu.vector_load %arg5[%get3A_268, %get3A_269] {strides = array<i32>} : memref<512x128xf32, #tpu.memory_space<vmem>>, vector<1x16xf32>,
          %get3A_271 = vector.shape_cast %get3A_270 : vector<1x16xf32> to vector<16xf32>
          %add3A_272 = arith.addf %get3A_265, %get3A_271 : vector<16xf32>
          %swap3A = arith.index_cast %squeeze3A : i32 to index
          %swap3A_273 = arith.constant 0 : index
          %swap3A_274 = tpu.vector_load %arg8[%swap3A, %swap3A_273] {strides = array<i32>} : memref<320x128xf32, #tpu.memory_space<vmem>>, vector<1x16xf32>,
          %swap3A_275 = vector.shape_cast %swap3A_274 : vector<1x16xf32> to vector<16xf32>
          %swap3A_276 = vector.shape_cast %add3A_272 : vector<16xf32> to vector<1x16xf32>
          tpu.vector_store %arg8[%swap3A, %swap3A_273], %swap3A_276 {strides = array<i32>} : memref<320x128xf32, #tpu.memory_space<vmem>>, vector<1x16xf32>,
          %get3A_277 = arith.index_cast %squeeze3A : i32 to index
          %get3A_278 = arith.constant 16 : index
          %get3A_279 = tpu.vector_load %arg8[%get3A_277, %get3A_278] {strides = array<i32>} : memref<320x128xf32, #tpu.memory_space<vmem>>, vector<1x16xf32>,
          %get3A_280 = vector.shape_cast %get3A_279 : vector<1x16xf32> to vector<16xf32>
          %add3A_281 = arith.constant 0 : i32
          %add3A_282 = arith.addi %mul3A_102, %add3A_281 : i32
          %get3A_283 = arith.index_cast %add3A_282 : i32 to index
          %get3A_284 = arith.constant 16 : index
          %get3A_285 = tpu.vector_load %arg5[%get3A_283, %get3A_284] {strides = array<i32>} : memref<512x128xf32, #tpu.memory_space<vmem>>, vector<1x16xf32>,
          %get3A_286 = vector.shape_cast %get3A_285 : vector<1x16xf32> to vector<16xf32>
          %add3A_287 = arith.addf %get3A_280, %get3A_286 : vector<16xf32>
          %swap3A_288 = arith.index_cast %squeeze3A : i32 to index
          %swap3A_289 = arith.constant 16 : index
          %swap3A_290 = tpu.vector_load %arg8[%swap3A_288, %swap3A_289] {strides = array<i32>} : memref<320x128xf32, #tpu.memory_space<vmem>>, vector<1x16xf32>,
          %swap3A_291 = vector.shape_cast %swap3A_290 : vector<1x16xf32> to vector<16xf32>
          %swap3A_292 = vector.shape_cast %add3A_287 : vector<16xf32> to vector<1x16xf32>
          tpu.vector_store %arg8[%swap3A_288, %swap3A_289], %swap3A_292 {strides = array<i32>} : memref<320x128xf32, #tpu.memory_space<vmem>>, vector<1x16xf32>,
          %get3A_293 = arith.index_cast %squeeze3A : i32 to index
          %get3A_294 = arith.constant 32 : index
          %get3A_295 = tpu.vector_load %arg8[%get3A_293, %get3A_294] {strides = array<i32>} : memref<320x128xf32, #tpu.memory_space<vmem>>, vector<1x16xf32>,
          %get3A_296 = vector.shape_cast %get3A_295 : vector<1x16xf32> to vector<16xf32>
          %add3A_297 = arith.constant 0 : i32
          %add3A_298 = arith.addi %mul3A_102, %add3A_297 : i32
          %get3A_299 = arith.index_cast %add3A_298 : i32 to index
          %get3A_300 = arith.constant 32 : index
          %get3A_301 = tpu.vector_load %arg5[%get3A_299, %get3A_300] {strides = array<i32>} : memref<512x128xf32, #tpu.memory_space<vmem>>, vector<1x16xf32>,
          %get3A_302 = vector.shape_cast %get3A_301 : vector<1x16xf32> to vector<16xf32>
          %add3A_303 = arith.addf %get3A_296, %get3A_302 : vector<16xf32>
          %swap3A_304 = arith.index_cast %squeeze3A : i32 to index
          %swap3A_305 = arith.constant 32 : index
          %swap3A_306 = tpu.vector_load %arg8[%swap3A_304, %swap3A_305] {strides = array<i32>} : memref<320x128xf32, #tpu.memory_space<vmem>>, vector<1x16xf32>,
          %swap3A_307 = vector.shape_cast %swap3A_306 : vector<1x16xf32> to vector<16xf32>
          %swap3A_308 = vector.shape_cast %add3A_303 : vector<16xf32> to vector<1x16xf32>
          tpu.vector_store %arg8[%swap3A_304, %swap3A_305], %swap3A_308 {strides = array<i32>} : memref<320x128xf32, #tpu.memory_space<vmem>>, vector<1x16xf32>,
          %get3A_309 = arith.index_cast %squeeze3A : i32 to index
          %get3A_310 = arith.constant 48 : index
          %get3A_311 = tpu.vector_load %arg8[%get3A_309, %get3A_310] {strides = array<i32>} : memref<320x128xf32, #tpu.memory_space<vmem>>, vector<1x16xf32>,
          %get3A_312 = vector.shape_cast %get3A_311 : vector<1x16xf32> to vector<16xf32>
          %add3A_313 = arith.constant 0 : i32
          %add3A_314 = arith.addi %mul3A_102, %add3A_313 : i32
          %get3A_315 = arith.index_cast %add3A_314 : i32 to index
          %get3A_316 = arith.constant 48 : index
          %get3A_317 = tpu.vector_load %arg5[%get3A_315, %get3A_316] {strides = array<i32>} : memref<512x128xf32, #tpu.memory_space<vmem>>, vector<1x16xf32>,
          %get3A_318 = vector.shape_cast %get3A_317 : vector<1x16xf32> to vector<16xf32>
          %add3A_319 = arith.addf %get3A_312, %get3A_318 : vector<16xf32>
          %swap3A_320 = arith.index_cast %squeeze3A : i32 to index
          %swap3A_321 = arith.constant 48 : index
          %swap3A_322 = tpu.vector_load %arg8[%swap3A_320, %swap3A_321] {strides = array<i32>} : memref<320x128xf32, #tpu.memory_space<vmem>>, vector<1x16xf32>,
          %swap3A_323 = vector.shape_cast %swap3A_322 : vector<1x16xf32> to vector<16xf32>
          %swap3A_324 = vector.shape_cast %add3A_319 : vector<16xf32> to vector<1x16xf32>
          tpu.vector_store %arg8[%swap3A_320, %swap3A_321], %swap3A_324 {strides = array<i32>} : memref<320x128xf32, #tpu.memory_space<vmem>>, vector<1x16xf32>,
          %get3A_325 = arith.index_cast %squeeze3A : i32 to index
          %get3A_326 = arith.constant 64 : index
          %get3A_327 = tpu.vector_load %arg8[%get3A_325, %get3A_326] {strides = array<i32>} : memref<320x128xf32, #tpu.memory_space<vmem>>, vector<1x16xf32>,
          %get3A_328 = vector.shape_cast %get3A_327 : vector<1x16xf32> to vector<16xf32>
          %add3A_329 = arith.constant 0 : i32
          %add3A_330 = arith.addi %mul3A_102, %add3A_329 : i32
          %get3A_331 = arith.index_cast %add3A_330 : i32 to index
          %get3A_332 = arith.constant 64 : index
          %get3A_333 = tpu.vector_load %arg5[%get3A_331, %get3A_332] {strides = array<i32>} : memref<512x128xf32, #tpu.memory_space<vmem>>, vector<1x16xf32>,
          %get3A_334 = vector.shape_cast %get3A_333 : vector<1x16xf32> to vector<16xf32>
          %add3A_335 = arith.addf %get3A_328, %get3A_334 : vector<16xf32>
          %swap3A_336 = arith.index_cast %squeeze3A : i32 to index
          %swap3A_337 = arith.constant 64 : index
          %swap3A_338 = tpu.vector_load %arg8[%swap3A_336, %swap3A_337] {strides = array<i32>} : memref<320x128xf32, #tpu.memory_space<vmem>>, vector<1x16xf32>,
          %swap3A_339 = vector.shape_cast %swap3A_338 : vector<1x16xf32> to vector<16xf32>
          %swap3A_340 = vector.shape_cast %add3A_335 : vector<16xf32> to vector<1x16xf32>
          tpu.vector_store %arg8[%swap3A_336, %swap3A_337], %swap3A_340 {strides = array<i32>} : memref<320x128xf32, #tpu.memory_space<vmem>>, vector<1x16xf32>,
          %get3A_341 = arith.index_cast %squeeze3A : i32 to index
          %get3A_342 = arith.constant 80 : index
          %get3A_343 = tpu.vector_load %arg8[%get3A_341, %get3A_342] {strides = array<i32>} : memref<320x128xf32, #tpu.memory_space<vmem>>, vector<1x16xf32>,
          %get3A_344 = vector.shape_cast %get3A_343 : vector<1x16xf32> to vector<16xf32>
          %add3A_345 = arith.constant 0 : i32
          %add3A_346 = arith.addi %mul3A_102, %add3A_345 : i32
          %get3A_347 = arith.index_cast %add3A_346 : i32 to index
          %get3A_348 = arith.constant 80 : index
          %get3A_349 = tpu.vector_load %arg5[%get3A_347, %get3A_348] {strides = array<i32>} : memref<512x128xf32, #tpu.memory_space<vmem>>, vector<1x16xf32>,
          %get3A_350 = vector.shape_cast %get3A_349 : vector<1x16xf32> to vector<16xf32>
          %add3A_351 = arith.addf %get3A_344, %get3A_350 : vector<16xf32>
          %swap3A_352 = arith.index_cast %squeeze3A : i32 to index
          %swap3A_353 = arith.constant 80 : index
          %swap3A_354 = tpu.vector_load %arg8[%swap3A_352, %swap3A_353] {strides = array<i32>} : memref<320x128xf32, #tpu.memory_space<vmem>>, vector<1x16xf32>,
          %swap3A_355 = vector.shape_cast %swap3A_354 : vector<1x16xf32> to vector<16xf32>
          %swap3A_356 = vector.shape_cast %add3A_351 : vector<16xf32> to vector<1x16xf32>
          tpu.vector_store %arg8[%swap3A_352, %swap3A_353], %swap3A_356 {strides = array<i32>} : memref<320x128xf32, #tpu.memory_space<vmem>>, vector<1x16xf32>,
          %get3A_357 = arith.index_cast %squeeze3A : i32 to index
          %get3A_358 = arith.constant 96 : index
          %get3A_359 = tpu.vector_load %arg8[%get3A_357, %get3A_358] {strides = array<i32>} : memref<320x128xf32, #tpu.memory_space<vmem>>, vector<1x16xf32>,
          %get3A_360 = vector.shape_cast %get3A_359 : vector<1x16xf32> to vector<16xf32>
          %add3A_361 = arith.constant 0 : i32
          %add3A_362 = arith.addi %mul3A_102, %add3A_361 : i32
          %get3A_363 = arith.index_cast %add3A_362 : i32 to index
          %get3A_364 = arith.constant 96 : index
          %get3A_365 = tpu.vector_load %arg5[%get3A_363, %get3A_364] {strides = array<i32>} : memref<512x128xf32, #tpu.memory_space<vmem>>, vector<1x16xf32>,
          %get3A_366 = vector.shape_cast %get3A_365 : vector<1x16xf32> to vector<16xf32>
          %add3A_367 = arith.addf %get3A_360, %get3A_366 : vector<16xf32>
          %swap3A_368 = arith.index_cast %squeeze3A : i32 to index
          %swap3A_369 = arith.constant 96 : index
          %swap3A_370 = tpu.vector_load %arg8[%swap3A_368, %swap3A_369] {strides = array<i32>} : memref<320x128xf32, #tpu.memory_space<vmem>>, vector<1x16xf32>,
          %swap3A_371 = vector.shape_cast %swap3A_370 : vector<1x16xf32> to vector<16xf32>
          %swap3A_372 = vector.shape_cast %add3A_367 : vector<16xf32> to vector<1x16xf32>
          tpu.vector_store %arg8[%swap3A_368, %swap3A_369], %swap3A_372 {strides = array<i32>} : memref<320x128xf32, #tpu.memory_space<vmem>>, vector<1x16xf32>,
          %get3A_373 = arith.index_cast %squeeze3A : i32 to index
          %get3A_374 = arith.constant 112 : index
          %get3A_375 = tpu.vector_load %arg8[%get3A_373, %get3A_374] {strides = array<i32>} : memref<320x128xf32, #tpu.memory_space<vmem>>, vector<1x16xf32>,
          %get3A_376 = vector.shape_cast %get3A_375 : vector<1x16xf32> to vector<16xf32>
          %add3A_377 = arith.constant 0 : i32
          %add3A_378 = arith.addi %mul3A_102, %add3A_377 : i32
          %get3A_379 = arith.index_cast %add3A_378 : i32 to index
          %get3A_380 = arith.constant 112 : index
          %get3A_381 = tpu.vector_load %arg5[%get3A_379, %get3A_380] {strides = array<i32>} : memref<512x128xf32, #tpu.memory_space<vmem>>, vector<1x16xf32>,
          %get3A_382 = vector.shape_cast %get3A_381 : vector<1x16xf32> to vector<16xf32>
          %add3A_383 = arith.addf %get3A_376, %get3A_382 : vector<16xf32>
          %swap3A_384 = arith.index_cast %squeeze3A : i32 to index
          %swap3A_385 = arith.constant 112 : index
          %swap3A_386 = tpu.vector_load %arg8[%swap3A_384, %swap3A_385] {strides = array<i32>} : memref<320x128xf32, #tpu.memory_space<vmem>>, vector<1x16xf32>,
          %swap3A_387 = vector.shape_cast %swap3A_386 : vector<1x16xf32> to vector<16xf32>
          %swap3A_388 = vector.shape_cast %add3A_383 : vector<16xf32> to vector<1x16xf32>
          tpu.vector_store %arg8[%swap3A_384, %swap3A_385], %swap3A_388 {strides = array<i32>} : memref<320x128xf32, #tpu.memory_space<vmem>>, vector<1x16xf32>,
        } else {
        }
        %slice3A_111 = vector.extract_strided_slice %sub3A_106 {offsets = [1], sizes = [1], strides = [1]} : vector<16xi32> to vector<1xi32>
        %squeeze3A_112 = vector.extract %slice3A_111[0] : i32 from vector<1xi32>
        %ge3A_113 = arith.constant 0 : i32
        %ge3A_114 = arith.cmpi sge, %squeeze3A_112, %ge3A_113 : i32
        %lt3A_115 = arith.constant 320 : i32
        %lt3A_116 = arith.cmpi slt, %squeeze3A_112, %lt3A_115 : i32
        %and3A_117 = arith.andi %ge3A_114, %lt3A_116 : i1
        %convert_element_type3A_118 = arith.extui %and3A_117 : i1 to i32
        %cond3A_119 = arith.constant 0 : i32
        %cond3A_120 = arith.cmpi ne, %convert_element_type3A_118, %cond3A_119 : i32
        scf.if %cond3A_120 {
          %get3A_262 = arith.index_cast %squeeze3A_112 : i32 to index
          %get3A_263 = arith.constant 0 : index
          %get3A_264 = tpu.vector_load %arg8[%get3A_262, %get3A_263] {strides = array<i32>} : memref<320x128xf32, #tpu.memory_space<vmem>>, vector<1x16xf32>,
          %get3A_265 = vector.shape_cast %get3A_264 : vector<1x16xf32> to vector<16xf32>
          %add3A_266 = arith.constant 1 : i32
          %add3A_267 = arith.addi %mul3A_102, %add3A_266 : i32
          %get3A_268 = arith.index_cast %add3A_267 : i32 to index
          %get3A_269 = arith.constant 0 : index
          %get3A_270 = tpu.vector_load %arg5[%get3A_268, %get3A_269] {strides = array<i32>} : memref<512x128xf32, #tpu.memory_space<vmem>>, vector<1x16xf32>,
          %get3A_271 = vector.shape_cast %get3A_270 : vector<1x16xf32> to vector<16xf32>
          %add3A_272 = arith.addf %get3A_265, %get3A_271 : vector<16xf32>
          %swap3A = arith.index_cast %squeeze3A_112 : i32 to index
          %swap3A_273 = arith.constant 0 : index
          %swap3A_274 = tpu.vector_load %arg8[%swap3A, %swap3A_273] {strides = array<i32>} : memref<320x128xf32, #tpu.memory_space<vmem>>, vector<1x16xf32>,
          %swap3A_275 = vector.shape_cast %swap3A_274 : vector<1x16xf32> to vector<16xf32>
          %swap3A_276 = vector.shape_cast %add3A_272 : vector<16xf32> to vector<1x16xf32>
          tpu.vector_store %arg8[%swap3A, %swap3A_273], %swap3A_276 {strides = array<i32>} : memref<320x128xf32, #tpu.memory_space<vmem>>, vector<1x16xf32>,
          %get3A_277 = arith.index_cast %squeeze3A_112 : i32 to index
          %get3A_278 = arith.constant 16 : index
          %get3A_279 = tpu.vector_load %arg8[%get3A_277, %get3A_278] {strides = array<i32>} : memref<320x128xf32, #tpu.memory_space<vmem>>, vector<1x16xf32>,
          %get3A_280 = vector.shape_cast %get3A_279 : vector<1x16xf32> to vector<16xf32>
          %add3A_281 = arith.constant 1 : i32
          %add3A_282 = arith.addi %mul3A_102, %add3A_281 : i32
          %get3A_283 = arith.index_cast %add3A_282 : i32 to index
          %get3A_284 = arith.constant 16 : index
          %get3A_285 = tpu.vector_load %arg5[%get3A_283, %get3A_284] {strides = array<i32>} : memref<512x128xf32, #tpu.memory_space<vmem>>, vector<1x16xf32>,
          %get3A_286 = vector.shape_cast %get3A_285 : vector<1x16xf32> to vector<16xf32>
          %add3A_287 = arith.addf %get3A_280, %get3A_286 : vector<16xf32>
          %swap3A_288 = arith.index_cast %squeeze3A_112 : i32 to index
          %swap3A_289 = arith.constant 16 : index
          %swap3A_290 = tpu.vector_load %arg8[%swap3A_288, %swap3A_289] {strides = array<i32>} : memref<320x128xf32, #tpu.memory_space<vmem>>, vector<1x16xf32>,
          %swap3A_291 = vector.shape_cast %swap3A_290 : vector<1x16xf32> to vector<16xf32>
          %swap3A_292 = vector.shape_cast %add3A_287 : vector<16xf32> to vector<1x16xf32>
          tpu.vector_store %arg8[%swap3A_288, %swap3A_289], %swap3A_292 {strides = array<i32>} : memref<320x128xf32, #tpu.memory_space<vmem>>, vector<1x16xf32>,
          %get3A_293 = arith.index_cast %squeeze3A_112 : i32 to index
          %get3A_294 = arith.constant 32 : index
          %get3A_295 = tpu.vector_load %arg8[%get3A_293, %get3A_294] {strides = array<i32>} : memref<320x128xf32, #tpu.memory_space<vmem>>, vector<1x16xf32>,
          %get3A_296 = vector.shape_cast %get3A_295 : vector<1x16xf32> to vector<16xf32>
          %add3A_297 = arith.constant 1 : i32
          %add3A_298 = arith.addi %mul3A_102, %add3A_297 : i32
          %get3A_299 = arith.index_cast %add3A_298 : i32 to index
          %get3A_300 = arith.constant 32 : index
          %get3A_301 = tpu.vector_load %arg5[%get3A_299, %get3A_300] {strides = array<i32>} : memref<512x128xf32, #tpu.memory_space<vmem>>, vector<1x16xf32>,
          %get3A_302 = vector.shape_cast %get3A_301 : vector<1x16xf32> to vector<16xf32>
          %add3A_303 = arith.addf %get3A_296, %get3A_302 : vector<16xf32>
          %swap3A_304 = arith.index_cast %squeeze3A_112 : i32 to index
          %swap3A_305 = arith.constant 32 : index
          %swap3A_306 = tpu.vector_load %arg8[%swap3A_304, %swap3A_305] {strides = array<i32>} : memref<320x128xf32, #tpu.memory_space<vmem>>, vector<1x16xf32>,
          %swap3A_307 = vector.shape_cast %swap3A_306 : vector<1x16xf32> to vector<16xf32>
          %swap3A_308 = vector.shape_cast %add3A_303 : vector<16xf32> to vector<1x16xf32>
          tpu.vector_store %arg8[%swap3A_304, %swap3A_305], %swap3A_308 {strides = array<i32>} : memref<320x128xf32, #tpu.memory_space<vmem>>, vector<1x16xf32>,
          %get3A_309 = arith.index_cast %squeeze3A_112 : i32 to index
          %get3A_310 = arith.constant 48 : index
          %get3A_311 = tpu.vector_load %arg8[%get3A_309, %get3A_310] {strides = array<i32>} : memref<320x128xf32, #tpu.memory_space<vmem>>, vector<1x16xf32>,
          %get3A_312 = vector.shape_cast %get3A_311 : vector<1x16xf32> to vector<16xf32>
          %add3A_313 = arith.constant 1 : i32
          %add3A_314 = arith.addi %mul3A_102, %add3A_313 : i32
          %get3A_315 = arith.index_cast %add3A_314 : i32 to index
          %get3A_316 = arith.constant 48 : index
          %get3A_317 = tpu.vector_load %arg5[%get3A_315, %get3A_316] {strides = array<i32>} : memref<512x128xf32, #tpu.memory_space<vmem>>, vector<1x16xf32>,
          %get3A_318 = vector.shape_cast %get3A_317 : vector<1x16xf32> to vector<16xf32>
          %add3A_319 = arith.addf %get3A_312, %get3A_318 : vector<16xf32>
          %swap3A_320 = arith.index_cast %squeeze3A_112 : i32 to index
          %swap3A_321 = arith.constant 48 : index
          %swap3A_322 = tpu.vector_load %arg8[%swap3A_320, %swap3A_321] {strides = array<i32>} : memref<320x128xf32, #tpu.memory_space<vmem>>, vector<1x16xf32>,
          %swap3A_323 = vector.shape_cast %swap3A_322 : vector<1x16xf32> to vector<16xf32>
          %swap3A_324 = vector.shape_cast %add3A_319 : vector<16xf32> to vector<1x16xf32>
          tpu.vector_store %arg8[%swap3A_320, %swap3A_321], %swap3A_324 {strides = array<i32>} : memref<320x128xf32, #tpu.memory_space<vmem>>, vector<1x16xf32>,
          %get3A_325 = arith.index_cast %squeeze3A_112 : i32 to index
          %get3A_326 = arith.constant 64 : index
          %get3A_327 = tpu.vector_load %arg8[%get3A_325, %get3A_326] {strides = array<i32>} : memref<320x128xf32, #tpu.memory_space<vmem>>, vector<1x16xf32>,
          %get3A_328 = vector.shape_cast %get3A_327 : vector<1x16xf32> to vector<16xf32>
          %add3A_329 = arith.constant 1 : i32
          %add3A_330 = arith.addi %mul3A_102, %add3A_329 : i32
          %get3A_331 = arith.index_cast %add3A_330 : i32 to index
          %get3A_332 = arith.constant 64 : index
          %get3A_333 = tpu.vector_load %arg5[%get3A_331, %get3A_332] {strides = array<i32>} : memref<512x128xf32, #tpu.memory_space<vmem>>, vector<1x16xf32>,
          %get3A_334 = vector.shape_cast %get3A_333 : vector<1x16xf32> to vector<16xf32>
          %add3A_335 = arith.addf %get3A_328, %get3A_334 : vector<16xf32>
          %swap3A_336 = arith.index_cast %squeeze3A_112 : i32 to index
          %swap3A_337 = arith.constant 64 : index
          %swap3A_338 = tpu.vector_load %arg8[%swap3A_336, %swap3A_337] {strides = array<i32>} : memref<320x128xf32, #tpu.memory_space<vmem>>, vector<1x16xf32>,
          %swap3A_339 = vector.shape_cast %swap3A_338 : vector<1x16xf32> to vector<16xf32>
          %swap3A_340 = vector.shape_cast %add3A_335 : vector<16xf32> to vector<1x16xf32>
          tpu.vector_store %arg8[%swap3A_336, %swap3A_337], %swap3A_340 {strides = array<i32>} : memref<320x128xf32, #tpu.memory_space<vmem>>, vector<1x16xf32>,
          %get3A_341 = arith.index_cast %squeeze3A_112 : i32 to index
          %get3A_342 = arith.constant 80 : index
          %get3A_343 = tpu.vector_load %arg8[%get3A_341, %get3A_342] {strides = array<i32>} : memref<320x128xf32, #tpu.memory_space<vmem>>, vector<1x16xf32>,
          %get3A_344 = vector.shape_cast %get3A_343 : vector<1x16xf32> to vector<16xf32>
          %add3A_345 = arith.constant 1 : i32
          %add3A_346 = arith.addi %mul3A_102, %add3A_345 : i32
          %get3A_347 = arith.index_cast %add3A_346 : i32 to index
          %get3A_348 = arith.constant 80 : index
          %get3A_349 = tpu.vector_load %arg5[%get3A_347, %get3A_348] {strides = array<i32>} : memref<512x128xf32, #tpu.memory_space<vmem>>, vector<1x16xf32>,
          %get3A_350 = vector.shape_cast %get3A_349 : vector<1x16xf32> to vector<16xf32>
          %add3A_351 = arith.addf %get3A_344, %get3A_350 : vector<16xf32>
          %swap3A_352 = arith.index_cast %squeeze3A_112 : i32 to index
          %swap3A_353 = arith.constant 80 : index
          %swap3A_354 = tpu.vector_load %arg8[%swap3A_352, %swap3A_353] {strides = array<i32>} : memref<320x128xf32, #tpu.memory_space<vmem>>, vector<1x16xf32>,
          %swap3A_355 = vector.shape_cast %swap3A_354 : vector<1x16xf32> to vector<16xf32>
          %swap3A_356 = vector.shape_cast %add3A_351 : vector<16xf32> to vector<1x16xf32>
          tpu.vector_store %arg8[%swap3A_352, %swap3A_353], %swap3A_356 {strides = array<i32>} : memref<320x128xf32, #tpu.memory_space<vmem>>, vector<1x16xf32>,
          %get3A_357 = arith.index_cast %squeeze3A_112 : i32 to index
          %get3A_358 = arith.constant 96 : index
          %get3A_359 = tpu.vector_load %arg8[%get3A_357, %get3A_358] {strides = array<i32>} : memref<320x128xf32, #tpu.memory_space<vmem>>, vector<1x16xf32>,
          %get3A_360 = vector.shape_cast %get3A_359 : vector<1x16xf32> to vector<16xf32>
          %add3A_361 = arith.constant 1 : i32
          %add3A_362 = arith.addi %mul3A_102, %add3A_361 : i32
          %get3A_363 = arith.index_cast %add3A_362 : i32 to index
          %get3A_364 = arith.constant 96 : index
          %get3A_365 = tpu.vector_load %arg5[%get3A_363, %get3A_364] {strides = array<i32>} : memref<512x128xf32, #tpu.memory_space<vmem>>, vector<1x16xf32>,
          %get3A_366 = vector.shape_cast %get3A_365 : vector<1x16xf32> to vector<16xf32>
          %add3A_367 = arith.addf %get3A_360, %get3A_366 : vector<16xf32>
          %swap3A_368 = arith.index_cast %squeeze3A_112 : i32 to index
          %swap3A_369 = arith.constant 96 : index
          %swap3A_370 = tpu.vector_load %arg8[%swap3A_368, %swap3A_369] {strides = array<i32>} : memref<320x128xf32, #tpu.memory_space<vmem>>, vector<1x16xf32>,
          %swap3A_371 = vector.shape_cast %swap3A_370 : vector<1x16xf32> to vector<16xf32>
          %swap3A_372 = vector.shape_cast %add3A_367 : vector<16xf32> to vector<1x16xf32>
          tpu.vector_store %arg8[%swap3A_368, %swap3A_369], %swap3A_372 {strides = array<i32>} : memref<320x128xf32, #tpu.memory_space<vmem>>, vector<1x16xf32>,
          %get3A_373 = arith.index_cast %squeeze3A_112 : i32 to index
          %get3A_374 = arith.constant 112 : index
          %get3A_375 = tpu.vector_load %arg8[%get3A_373, %get3A_374] {strides = array<i32>} : memref<320x128xf32, #tpu.memory_space<vmem>>, vector<1x16xf32>,
          %get3A_376 = vector.shape_cast %get3A_375 : vector<1x16xf32> to vector<16xf32>
          %add3A_377 = arith.constant 1 : i32
          %add3A_378 = arith.addi %mul3A_102, %add3A_377 : i32
          %get3A_379 = arith.index_cast %add3A_378 : i32 to index
          %get3A_380 = arith.constant 112 : index
          %get3A_381 = tpu.vector_load %arg5[%get3A_379, %get3A_380] {strides = array<i32>} : memref<512x128xf32, #tpu.memory_space<vmem>>, vector<1x16xf32>,
          %get3A_382 = vector.shape_cast %get3A_381 : vector<1x16xf32> to vector<16xf32>
          %add3A_383 = arith.addf %get3A_376, %get3A_382 : vector<16xf32>
          %swap3A_384 = arith.index_cast %squeeze3A_112 : i32 to index
          %swap3A_385 = arith.constant 112 : index
          %swap3A_386 = tpu.vector_load %arg8[%swap3A_384, %swap3A_385] {strides = array<i32>} : memref<320x128xf32, #tpu.memory_space<vmem>>, vector<1x16xf32>,
          %swap3A_387 = vector.shape_cast %swap3A_386 : vector<1x16xf32> to vector<16xf32>
          %swap3A_388 = vector.shape_cast %add3A_383 : vector<16xf32> to vector<1x16xf32>
          tpu.vector_store %arg8[%swap3A_384, %swap3A_385], %swap3A_388 {strides = array<i32>} : memref<320x128xf32, #tpu.memory_space<vmem>>, vector<1x16xf32>,
        } else {
        }
        %slice3A_121 = vector.extract_strided_slice %sub3A_106 {offsets = [2], sizes = [1], strides = [1]} : vector<16xi32> to vector<1xi32>
        %squeeze3A_122 = vector.extract %slice3A_121[0] : i32 from vector<1xi32>
        %ge3A_123 = arith.constant 0 : i32
        %ge3A_124 = arith.cmpi sge, %squeeze3A_122, %ge3A_123 : i32
        %lt3A_125 = arith.constant 320 : i32
        %lt3A_126 = arith.cmpi slt, %squeeze3A_122, %lt3A_125 : i32
        %and3A_127 = arith.andi %ge3A_124, %lt3A_126 : i1
        %convert_element_type3A_128 = arith.extui %and3A_127 : i1 to i32
        %cond3A_129 = arith.constant 0 : i32
        %cond3A_130 = arith.cmpi ne, %convert_element_type3A_128, %cond3A_129 : i32
        scf.if %cond3A_130 {
          %get3A_262 = arith.index_cast %squeeze3A_122 : i32 to index
          %get3A_263 = arith.constant 0 : index
          %get3A_264 = tpu.vector_load %arg8[%get3A_262, %get3A_263] {strides = array<i32>} : memref<320x128xf32, #tpu.memory_space<vmem>>, vector<1x16xf32>,
          %get3A_265 = vector.shape_cast %get3A_264 : vector<1x16xf32> to vector<16xf32>
          %add3A_266 = arith.constant 2 : i32
          %add3A_267 = arith.addi %mul3A_102, %add3A_266 : i32
          %get3A_268 = arith.index_cast %add3A_267 : i32 to index
          %get3A_269 = arith.constant 0 : index
          %get3A_270 = tpu.vector_load %arg5[%get3A_268, %get3A_269] {strides = array<i32>} : memref<512x128xf32, #tpu.memory_space<vmem>>, vector<1x16xf32>,
          %get3A_271 = vector.shape_cast %get3A_270 : vector<1x16xf32> to vector<16xf32>
          %add3A_272 = arith.addf %get3A_265, %get3A_271 : vector<16xf32>
          %swap3A = arith.index_cast %squeeze3A_122 : i32 to index
          %swap3A_273 = arith.constant 0 : index
          %swap3A_274 = tpu.vector_load %arg8[%swap3A, %swap3A_273] {strides = array<i32>} : memref<320x128xf32, #tpu.memory_space<vmem>>, vector<1x16xf32>,
          %swap3A_275 = vector.shape_cast %swap3A_274 : vector<1x16xf32> to vector<16xf32>
          %swap3A_276 = vector.shape_cast %add3A_272 : vector<16xf32> to vector<1x16xf32>
          tpu.vector_store %arg8[%swap3A, %swap3A_273], %swap3A_276 {strides = array<i32>} : memref<320x128xf32, #tpu.memory_space<vmem>>, vector<1x16xf32>,
          %get3A_277 = arith.index_cast %squeeze3A_122 : i32 to index
          %get3A_278 = arith.constant 16 : index
          %get3A_279 = tpu.vector_load %arg8[%get3A_277, %get3A_278] {strides = array<i32>} : memref<320x128xf32, #tpu.memory_space<vmem>>, vector<1x16xf32>,
          %get3A_280 = vector.shape_cast %get3A_279 : vector<1x16xf32> to vector<16xf32>
          %add3A_281 = arith.constant 2 : i32
          %add3A_282 = arith.addi %mul3A_102, %add3A_281 : i32
          %get3A_283 = arith.index_cast %add3A_282 : i32 to index
          %get3A_284 = arith.constant 16 : index
          %get3A_285 = tpu.vector_load %arg5[%get3A_283, %get3A_284] {strides = array<i32>} : memref<512x128xf32, #tpu.memory_space<vmem>>, vector<1x16xf32>,
          %get3A_286 = vector.shape_cast %get3A_285 : vector<1x16xf32> to vector<16xf32>
          %add3A_287 = arith.addf %get3A_280, %get3A_286 : vector<16xf32>
          %swap3A_288 = arith.index_cast %squeeze3A_122 : i32 to index
          %swap3A_289 = arith.constant 16 : index
          %swap3A_290 = tpu.vector_load %arg8[%swap3A_288, %swap3A_289] {strides = array<i32>} : memref<320x128xf32, #tpu.memory_space<vmem>>, vector<1x16xf32>,
          %swap3A_291 = vector.shape_cast %swap3A_290 : vector<1x16xf32> to vector<16xf32>
          %swap3A_292 = vector.shape_cast %add3A_287 : vector<16xf32> to vector<1x16xf32>
          tpu.vector_store %arg8[%swap3A_288, %swap3A_289], %swap3A_292 {strides = array<i32>} : memref<320x128xf32, #tpu.memory_space<vmem>>, vector<1x16xf32>,
          %get3A_293 = arith.index_cast %squeeze3A_122 : i32 to index
          %get3A_294 = arith.constant 32 : index
          %get3A_295 = tpu.vector_load %arg8[%get3A_293, %get3A_294] {strides = array<i32>} : memref<320x128xf32, #tpu.memory_space<vmem>>, vector<1x16xf32>,
          %get3A_296 = vector.shape_cast %get3A_295 : vector<1x16xf32> to vector<16xf32>
          %add3A_297 = arith.constant 2 : i32
          %add3A_298 = arith.addi %mul3A_102, %add3A_297 : i32
          %get3A_299 = arith.index_cast %add3A_298 : i32 to index
          %get3A_300 = arith.constant 32 : index
          %get3A_301 = tpu.vector_load %arg5[%get3A_299, %get3A_300] {strides = array<i32>} : memref<512x128xf32, #tpu.memory_space<vmem>>, vector<1x16xf32>,
          %get3A_302 = vector.shape_cast %get3A_301 : vector<1x16xf32> to vector<16xf32>
          %add3A_303 = arith.addf %get3A_296, %get3A_302 : vector<16xf32>
          %swap3A_304 = arith.index_cast %squeeze3A_122 : i32 to index
          %swap3A_305 = arith.constant 32 : index
          %swap3A_306 = tpu.vector_load %arg8[%swap3A_304, %swap3A_305] {strides = array<i32>} : memref<320x128xf32, #tpu.memory_space<vmem>>, vector<1x16xf32>,
          %swap3A_307 = vector.shape_cast %swap3A_306 : vector<1x16xf32> to vector<16xf32>
          %swap3A_308 = vector.shape_cast %add3A_303 : vector<16xf32> to vector<1x16xf32>
          tpu.vector_store %arg8[%swap3A_304, %swap3A_305], %swap3A_308 {strides = array<i32>} : memref<320x128xf32, #tpu.memory_space<vmem>>, vector<1x16xf32>,
          %get3A_309 = arith.index_cast %squeeze3A_122 : i32 to index
          %get3A_310 = arith.constant 48 : index
          %get3A_311 = tpu.vector_load %arg8[%get3A_309, %get3A_310] {strides = array<i32>} : memref<320x128xf32, #tpu.memory_space<vmem>>, vector<1x16xf32>,
          %get3A_312 = vector.shape_cast %get3A_311 : vector<1x16xf32> to vector<16xf32>
          %add3A_313 = arith.constant 2 : i32
          %add3A_314 = arith.addi %mul3A_102, %add3A_313 : i32
          %get3A_315 = arith.index_cast %add3A_314 : i32 to index
          %get3A_316 = arith.constant 48 : index
          %get3A_317 = tpu.vector_load %arg5[%get3A_315, %get3A_316] {strides = array<i32>} : memref<512x128xf32, #tpu.memory_space<vmem>>, vector<1x16xf32>,
          %get3A_318 = vector.shape_cast %get3A_317 : vector<1x16xf32> to vector<16xf32>
          %add3A_319 = arith.addf %get3A_312, %get3A_318 : vector<16xf32>
          %swap3A_320 = arith.index_cast %squeeze3A_122 : i32 to index
          %swap3A_321 = arith.constant 48 : index
          %swap3A_322 = tpu.vector_load %arg8[%swap3A_320, %swap3A_321] {strides = array<i32>} : memref<320x128xf32, #tpu.memory_space<vmem>>, vector<1x16xf32>,
          %swap3A_323 = vector.shape_cast %swap3A_322 : vector<1x16xf32> to vector<16xf32>
          %swap3A_324 = vector.shape_cast %add3A_319 : vector<16xf32> to vector<1x16xf32>
          tpu.vector_store %arg8[%swap3A_320, %swap3A_321], %swap3A_324 {strides = array<i32>} : memref<320x128xf32, #tpu.memory_space<vmem>>, vector<1x16xf32>,
          %get3A_325 = arith.index_cast %squeeze3A_122 : i32 to index
          %get3A_326 = arith.constant 64 : index
          %get3A_327 = tpu.vector_load %arg8[%get3A_325, %get3A_326] {strides = array<i32>} : memref<320x128xf32, #tpu.memory_space<vmem>>, vector<1x16xf32>,
          %get3A_328 = vector.shape_cast %get3A_327 : vector<1x16xf32> to vector<16xf32>
          %add3A_329 = arith.constant 2 : i32
          %add3A_330 = arith.addi %mul3A_102, %add3A_329 : i32
          %get3A_331 = arith.index_cast %add3A_330 : i32 to index
          %get3A_332 = arith.constant 64 : index
          %get3A_333 = tpu.vector_load %arg5[%get3A_331, %get3A_332] {strides = array<i32>} : memref<512x128xf32, #tpu.memory_space<vmem>>, vector<1x16xf32>,
          %get3A_334 = vector.shape_cast %get3A_333 : vector<1x16xf32> to vector<16xf32>
          %add3A_335 = arith.addf %get3A_328, %get3A_334 : vector<16xf32>
          %swap3A_336 = arith.index_cast %squeeze3A_122 : i32 to index
          %swap3A_337 = arith.constant 64 : index
          %swap3A_338 = tpu.vector_load %arg8[%swap3A_336, %swap3A_337] {strides = array<i32>} : memref<320x128xf32, #tpu.memory_space<vmem>>, vector<1x16xf32>,
          %swap3A_339 = vector.shape_cast %swap3A_338 : vector<1x16xf32> to vector<16xf32>
          %swap3A_340 = vector.shape_cast %add3A_335 : vector<16xf32> to vector<1x16xf32>
          tpu.vector_store %arg8[%swap3A_336, %swap3A_337], %swap3A_340 {strides = array<i32>} : memref<320x128xf32, #tpu.memory_space<vmem>>, vector<1x16xf32>,
          %get3A_341 = arith.index_cast %squeeze3A_122 : i32 to index
          %get3A_342 = arith.constant 80 : index
          %get3A_343 = tpu.vector_load %arg8[%get3A_341, %get3A_342] {strides = array<i32>} : memref<320x128xf32, #tpu.memory_space<vmem>>, vector<1x16xf32>,
          %get3A_344 = vector.shape_cast %get3A_343 : vector<1x16xf32> to vector<16xf32>
          %add3A_345 = arith.constant 2 : i32
          %add3A_346 = arith.addi %mul3A_102, %add3A_345 : i32
          %get3A_347 = arith.index_cast %add3A_346 : i32 to index
          %get3A_348 = arith.constant 80 : index
          %get3A_349 = tpu.vector_load %arg5[%get3A_347, %get3A_348] {strides = array<i32>} : memref<512x128xf32, #tpu.memory_space<vmem>>, vector<1x16xf32>,
          %get3A_350 = vector.shape_cast %get3A_349 : vector<1x16xf32> to vector<16xf32>
          %add3A_351 = arith.addf %get3A_344, %get3A_350 : vector<16xf32>
          %swap3A_352 = arith.index_cast %squeeze3A_122 : i32 to index
          %swap3A_353 = arith.constant 80 : index
          %swap3A_354 = tpu.vector_load %arg8[%swap3A_352, %swap3A_353] {strides = array<i32>} : memref<320x128xf32, #tpu.memory_space<vmem>>, vector<1x16xf32>,
          %swap3A_355 = vector.shape_cast %swap3A_354 : vector<1x16xf32> to vector<16xf32>
          %swap3A_356 = vector.shape_cast %add3A_351 : vector<16xf32> to vector<1x16xf32>
          tpu.vector_store %arg8[%swap3A_352, %swap3A_353], %swap3A_356 {strides = array<i32>} : memref<320x128xf32, #tpu.memory_space<vmem>>, vector<1x16xf32>,
          %get3A_357 = arith.index_cast %squeeze3A_122 : i32 to index
          %get3A_358 = arith.constant 96 : index
          %get3A_359 = tpu.vector_load %arg8[%get3A_357, %get3A_358] {strides = array<i32>} : memref<320x128xf32, #tpu.memory_space<vmem>>, vector<1x16xf32>,
          %get3A_360 = vector.shape_cast %get3A_359 : vector<1x16xf32> to vector<16xf32>
          %add3A_361 = arith.constant 2 : i32
          %add3A_362 = arith.addi %mul3A_102, %add3A_361 : i32
          %get3A_363 = arith.index_cast %add3A_362 : i32 to index
          %get3A_364 = arith.constant 96 : index
          %get3A_365 = tpu.vector_load %arg5[%get3A_363, %get3A_364] {strides = array<i32>} : memref<512x128xf32, #tpu.memory_space<vmem>>, vector<1x16xf32>,
          %get3A_366 = vector.shape_cast %get3A_365 : vector<1x16xf32> to vector<16xf32>
          %add3A_367 = arith.addf %get3A_360, %get3A_366 : vector<16xf32>
          %swap3A_368 = arith.index_cast %squeeze3A_122 : i32 to index
          %swap3A_369 = arith.constant 96 : index
          %swap3A_370 = tpu.vector_load %arg8[%swap3A_368, %swap3A_369] {strides = array<i32>} : memref<320x128xf32, #tpu.memory_space<vmem>>, vector<1x16xf32>,
          %swap3A_371 = vector.shape_cast %swap3A_370 : vector<1x16xf32> to vector<16xf32>
          %swap3A_372 = vector.shape_cast %add3A_367 : vector<16xf32> to vector<1x16xf32>
          tpu.vector_store %arg8[%swap3A_368, %swap3A_369], %swap3A_372 {strides = array<i32>} : memref<320x128xf32, #tpu.memory_space<vmem>>, vector<1x16xf32>,
          %get3A_373 = arith.index_cast %squeeze3A_122 : i32 to index
          %get3A_374 = arith.constant 112 : index
          %get3A_375 = tpu.vector_load %arg8[%get3A_373, %get3A_374] {strides = array<i32>} : memref<320x128xf32, #tpu.memory_space<vmem>>, vector<1x16xf32>,
          %get3A_376 = vector.shape_cast %get3A_375 : vector<1x16xf32> to vector<16xf32>
          %add3A_377 = arith.constant 2 : i32
          %add3A_378 = arith.addi %mul3A_102, %add3A_377 : i32
          %get3A_379 = arith.index_cast %add3A_378 : i32 to index
          %get3A_380 = arith.constant 112 : index
          %get3A_381 = tpu.vector_load %arg5[%get3A_379, %get3A_380] {strides = array<i32>} : memref<512x128xf32, #tpu.memory_space<vmem>>, vector<1x16xf32>,
          %get3A_382 = vector.shape_cast %get3A_381 : vector<1x16xf32> to vector<16xf32>
          %add3A_383 = arith.addf %get3A_376, %get3A_382 : vector<16xf32>
          %swap3A_384 = arith.index_cast %squeeze3A_122 : i32 to index
          %swap3A_385 = arith.constant 112 : index
          %swap3A_386 = tpu.vector_load %arg8[%swap3A_384, %swap3A_385] {strides = array<i32>} : memref<320x128xf32, #tpu.memory_space<vmem>>, vector<1x16xf32>,
          %swap3A_387 = vector.shape_cast %swap3A_386 : vector<1x16xf32> to vector<16xf32>
          %swap3A_388 = vector.shape_cast %add3A_383 : vector<16xf32> to vector<1x16xf32>
          tpu.vector_store %arg8[%swap3A_384, %swap3A_385], %swap3A_388 {strides = array<i32>} : memref<320x128xf32, #tpu.memory_space<vmem>>, vector<1x16xf32>,
        } else {
        }
        %slice3A_131 = vector.extract_strided_slice %sub3A_106 {offsets = [3], sizes = [1], strides = [1]} : vector<16xi32> to vector<1xi32>
        %squeeze3A_132 = vector.extract %slice3A_131[0] : i32 from vector<1xi32>
        %ge3A_133 = arith.constant 0 : i32
        %ge3A_134 = arith.cmpi sge, %squeeze3A_132, %ge3A_133 : i32
        %lt3A_135 = arith.constant 320 : i32
        %lt3A_136 = arith.cmpi slt, %squeeze3A_132, %lt3A_135 : i32
        %and3A_137 = arith.andi %ge3A_134, %lt3A_136 : i1
        %convert_element_type3A_138 = arith.extui %and3A_137 : i1 to i32
        %cond3A_139 = arith.constant 0 : i32
        %cond3A_140 = arith.cmpi ne, %convert_element_type3A_138, %cond3A_139 : i32
        scf.if %cond3A_140 {
          %get3A_262 = arith.index_cast %squeeze3A_132 : i32 to index
          %get3A_263 = arith.constant 0 : index
          %get3A_264 = tpu.vector_load %arg8[%get3A_262, %get3A_263] {strides = array<i32>} : memref<320x128xf32, #tpu.memory_space<vmem>>, vector<1x16xf32>,
          %get3A_265 = vector.shape_cast %get3A_264 : vector<1x16xf32> to vector<16xf32>
          %add3A_266 = arith.constant 3 : i32
          %add3A_267 = arith.addi %mul3A_102, %add3A_266 : i32
          %get3A_268 = arith.index_cast %add3A_267 : i32 to index
          %get3A_269 = arith.constant 0 : index
          %get3A_270 = tpu.vector_load %arg5[%get3A_268, %get3A_269] {strides = array<i32>} : memref<512x128xf32, #tpu.memory_space<vmem>>, vector<1x16xf32>,
          %get3A_271 = vector.shape_cast %get3A_270 : vector<1x16xf32> to vector<16xf32>
          %add3A_272 = arith.addf %get3A_265, %get3A_271 : vector<16xf32>
          %swap3A = arith.index_cast %squeeze3A_132 : i32 to index
          %swap3A_273 = arith.constant 0 : index
          %swap3A_274 = tpu.vector_load %arg8[%swap3A, %swap3A_273] {strides = array<i32>} : memref<320x128xf32, #tpu.memory_space<vmem>>, vector<1x16xf32>,
          %swap3A_275 = vector.shape_cast %swap3A_274 : vector<1x16xf32> to vector<16xf32>
          %swap3A_276 = vector.shape_cast %add3A_272 : vector<16xf32> to vector<1x16xf32>
          tpu.vector_store %arg8[%swap3A, %swap3A_273], %swap3A_276 {strides = array<i32>} : memref<320x128xf32, #tpu.memory_space<vmem>>, vector<1x16xf32>,
          %get3A_277 = arith.index_cast %squeeze3A_132 : i32 to index
          %get3A_278 = arith.constant 16 : index
          %get3A_279 = tpu.vector_load %arg8[%get3A_277, %get3A_278] {strides = array<i32>} : memref<320x128xf32, #tpu.memory_space<vmem>>, vector<1x16xf32>,
          %get3A_280 = vector.shape_cast %get3A_279 : vector<1x16xf32> to vector<16xf32>
          %add3A_281 = arith.constant 3 : i32
          %add3A_282 = arith.addi %mul3A_102, %add3A_281 : i32
          %get3A_283 = arith.index_cast %add3A_282 : i32 to index
          %get3A_284 = arith.constant 16 : index
          %get3A_285 = tpu.vector_load %arg5[%get3A_283, %get3A_284] {strides = array<i32>} : memref<512x128xf32, #tpu.memory_space<vmem>>, vector<1x16xf32>,
          %get3A_286 = vector.shape_cast %get3A_285 : vector<1x16xf32> to vector<16xf32>
          %add3A_287 = arith.addf %get3A_280, %get3A_286 : vector<16xf32>
          %swap3A_288 = arith.index_cast %squeeze3A_132 : i32 to index
          %swap3A_289 = arith.constant 16 : index
          %swap3A_290 = tpu.vector_load %arg8[%swap3A_288, %swap3A_289] {strides = array<i32>} : memref<320x128xf32, #tpu.memory_space<vmem>>, vector<1x16xf32>,
          %swap3A_291 = vector.shape_cast %swap3A_290 : vector<1x16xf32> to vector<16xf32>
          %swap3A_292 = vector.shape_cast %add3A_287 : vector<16xf32> to vector<1x16xf32>
          tpu.vector_store %arg8[%swap3A_288, %swap3A_289], %swap3A_292 {strides = array<i32>} : memref<320x128xf32, #tpu.memory_space<vmem>>, vector<1x16xf32>,
          %get3A_293 = arith.index_cast %squeeze3A_132 : i32 to index
          %get3A_294 = arith.constant 32 : index
          %get3A_295 = tpu.vector_load %arg8[%get3A_293, %get3A_294] {strides = array<i32>} : memref<320x128xf32, #tpu.memory_space<vmem>>, vector<1x16xf32>,
          %get3A_296 = vector.shape_cast %get3A_295 : vector<1x16xf32> to vector<16xf32>
          %add3A_297 = arith.constant 3 : i32
          %add3A_298 = arith.addi %mul3A_102, %add3A_297 : i32
          %get3A_299 = arith.index_cast %add3A_298 : i32 to index
          %get3A_300 = arith.constant 32 : index
          %get3A_301 = tpu.vector_load %arg5[%get3A_299, %get3A_300] {strides = array<i32>} : memref<512x128xf32, #tpu.memory_space<vmem>>, vector<1x16xf32>,
          %get3A_302 = vector.shape_cast %get3A_301 : vector<1x16xf32> to vector<16xf32>
          %add3A_303 = arith.addf %get3A_296, %get3A_302 : vector<16xf32>
          %swap3A_304 = arith.index_cast %squeeze3A_132 : i32 to index
          %swap3A_305 = arith.constant 32 : index
          %swap3A_306 = tpu.vector_load %arg8[%swap3A_304, %swap3A_305] {strides = array<i32>} : memref<320x128xf32, #tpu.memory_space<vmem>>, vector<1x16xf32>,
          %swap3A_307 = vector.shape_cast %swap3A_306 : vector<1x16xf32> to vector<16xf32>
          %swap3A_308 = vector.shape_cast %add3A_303 : vector<16xf32> to vector<1x16xf32>
          tpu.vector_store %arg8[%swap3A_304, %swap3A_305], %swap3A_308 {strides = array<i32>} : memref<320x128xf32, #tpu.memory_space<vmem>>, vector<1x16xf32>,
          %get3A_309 = arith.index_cast %squeeze3A_132 : i32 to index
          %get3A_310 = arith.constant 48 : index
          %get3A_311 = tpu.vector_load %arg8[%get3A_309, %get3A_310] {strides = array<i32>} : memref<320x128xf32, #tpu.memory_space<vmem>>, vector<1x16xf32>,
          %get3A_312 = vector.shape_cast %get3A_311 : vector<1x16xf32> to vector<16xf32>
          %add3A_313 = arith.constant 3 : i32
          %add3A_314 = arith.addi %mul3A_102, %add3A_313 : i32
          %get3A_315 = arith.index_cast %add3A_314 : i32 to index
          %get3A_316 = arith.constant 48 : index
          %get3A_317 = tpu.vector_load %arg5[%get3A_315, %get3A_316] {strides = array<i32>} : memref<512x128xf32, #tpu.memory_space<vmem>>, vector<1x16xf32>,
          %get3A_318 = vector.shape_cast %get3A_317 : vector<1x16xf32> to vector<16xf32>
          %add3A_319 = arith.addf %get3A_312, %get3A_318 : vector<16xf32>
          %swap3A_320 = arith.index_cast %squeeze3A_132 : i32 to index
          %swap3A_321 = arith.constant 48 : index
          %swap3A_322 = tpu.vector_load %arg8[%swap3A_320, %swap3A_321] {strides = array<i32>} : memref<320x128xf32, #tpu.memory_space<vmem>>, vector<1x16xf32>,
          %swap3A_323 = vector.shape_cast %swap3A_322 : vector<1x16xf32> to vector<16xf32>
          %swap3A_324 = vector.shape_cast %add3A_319 : vector<16xf32> to vector<1x16xf32>
          tpu.vector_store %arg8[%swap3A_320, %swap3A_321], %swap3A_324 {strides = array<i32>} : memref<320x128xf32, #tpu.memory_space<vmem>>, vector<1x16xf32>,
          %get3A_325 = arith.index_cast %squeeze3A_132 : i32 to index
          %get3A_326 = arith.constant 64 : index
          %get3A_327 = tpu.vector_load %arg8[%get3A_325, %get3A_326] {strides = array<i32>} : memref<320x128xf32, #tpu.memory_space<vmem>>, vector<1x16xf32>,
          %get3A_328 = vector.shape_cast %get3A_327 : vector<1x16xf32> to vector<16xf32>
          %add3A_329 = arith.constant 3 : i32
          %add3A_330 = arith.addi %mul3A_102, %add3A_329 : i32
          %get3A_331 = arith.index_cast %add3A_330 : i32 to index
          %get3A_332 = arith.constant 64 : index
          %get3A_333 = tpu.vector_load %arg5[%get3A_331, %get3A_332] {strides = array<i32>} : memref<512x128xf32, #tpu.memory_space<vmem>>, vector<1x16xf32>,
          %get3A_334 = vector.shape_cast %get3A_333 : vector<1x16xf32> to vector<16xf32>
          %add3A_335 = arith.addf %get3A_328, %get3A_334 : vector<16xf32>
          %swap3A_336 = arith.index_cast %squeeze3A_132 : i32 to index
          %swap3A_337 = arith.constant 64 : index
          %swap3A_338 = tpu.vector_load %arg8[%swap3A_336, %swap3A_337] {strides = array<i32>} : memref<320x128xf32, #tpu.memory_space<vmem>>, vector<1x16xf32>,
          %swap3A_339 = vector.shape_cast %swap3A_338 : vector<1x16xf32> to vector<16xf32>
          %swap3A_340 = vector.shape_cast %add3A_335 : vector<16xf32> to vector<1x16xf32>
          tpu.vector_store %arg8[%swap3A_336, %swap3A_337], %swap3A_340 {strides = array<i32>} : memref<320x128xf32, #tpu.memory_space<vmem>>, vector<1x16xf32>,
          %get3A_341 = arith.index_cast %squeeze3A_132 : i32 to index
          %get3A_342 = arith.constant 80 : index
          %get3A_343 = tpu.vector_load %arg8[%get3A_341, %get3A_342] {strides = array<i32>} : memref<320x128xf32, #tpu.memory_space<vmem>>, vector<1x16xf32>,
          %get3A_344 = vector.shape_cast %get3A_343 : vector<1x16xf32> to vector<16xf32>
          %add3A_345 = arith.constant 3 : i32
          %add3A_346 = arith.addi %mul3A_102, %add3A_345 : i32
          %get3A_347 = arith.index_cast %add3A_346 : i32 to index
          %get3A_348 = arith.constant 80 : index
          %get3A_349 = tpu.vector_load %arg5[%get3A_347, %get3A_348] {strides = array<i32>} : memref<512x128xf32, #tpu.memory_space<vmem>>, vector<1x16xf32>,
          %get3A_350 = vector.shape_cast %get3A_349 : vector<1x16xf32> to vector<16xf32>
          %add3A_351 = arith.addf %get3A_344, %get3A_350 : vector<16xf32>
          %swap3A_352 = arith.index_cast %squeeze3A_132 : i32 to index
          %swap3A_353 = arith.constant 80 : index
          %swap3A_354 = tpu.vector_load %arg8[%swap3A_352, %swap3A_353] {strides = array<i32>} : memref<320x128xf32, #tpu.memory_space<vmem>>, vector<1x16xf32>,
          %swap3A_355 = vector.shape_cast %swap3A_354 : vector<1x16xf32> to vector<16xf32>
          %swap3A_356 = vector.shape_cast %add3A_351 : vector<16xf32> to vector<1x16xf32>
          tpu.vector_store %arg8[%swap3A_352, %swap3A_353], %swap3A_356 {strides = array<i32>} : memref<320x128xf32, #tpu.memory_space<vmem>>, vector<1x16xf32>,
          %get3A_357 = arith.index_cast %squeeze3A_132 : i32 to index
          %get3A_358 = arith.constant 96 : index
          %get3A_359 = tpu.vector_load %arg8[%get3A_357, %get3A_358] {strides = array<i32>} : memref<320x128xf32, #tpu.memory_space<vmem>>, vector<1x16xf32>,
          %get3A_360 = vector.shape_cast %get3A_359 : vector<1x16xf32> to vector<16xf32>
          %add3A_361 = arith.constant 3 : i32
          %add3A_362 = arith.addi %mul3A_102, %add3A_361 : i32
          %get3A_363 = arith.index_cast %add3A_362 : i32 to index
          %get3A_364 = arith.constant 96 : index
          %get3A_365 = tpu.vector_load %arg5[%get3A_363, %get3A_364] {strides = array<i32>} : memref<512x128xf32, #tpu.memory_space<vmem>>, vector<1x16xf32>,
          %get3A_366 = vector.shape_cast %get3A_365 : vector<1x16xf32> to vector<16xf32>
          %add3A_367 = arith.addf %get3A_360, %get3A_366 : vector<16xf32>
          %swap3A_368 = arith.index_cast %squeeze3A_132 : i32 to index
          %swap3A_369 = arith.constant 96 : index
          %swap3A_370 = tpu.vector_load %arg8[%swap3A_368, %swap3A_369] {strides = array<i32>} : memref<320x128xf32, #tpu.memory_space<vmem>>, vector<1x16xf32>,
          %swap3A_371 = vector.shape_cast %swap3A_370 : vector<1x16xf32> to vector<16xf32>
          %swap3A_372 = vector.shape_cast %add3A_367 : vector<16xf32> to vector<1x16xf32>
          tpu.vector_store %arg8[%swap3A_368, %swap3A_369], %swap3A_372 {strides = array<i32>} : memref<320x128xf32, #tpu.memory_space<vmem>>, vector<1x16xf32>,
          %get3A_373 = arith.index_cast %squeeze3A_132 : i32 to index
          %get3A_374 = arith.constant 112 : index
          %get3A_375 = tpu.vector_load %arg8[%get3A_373, %get3A_374] {strides = array<i32>} : memref<320x128xf32, #tpu.memory_space<vmem>>, vector<1x16xf32>,
          %get3A_376 = vector.shape_cast %get3A_375 : vector<1x16xf32> to vector<16xf32>
          %add3A_377 = arith.constant 3 : i32
          %add3A_378 = arith.addi %mul3A_102, %add3A_377 : i32
          %get3A_379 = arith.index_cast %add3A_378 : i32 to index
          %get3A_380 = arith.constant 112 : index
          %get3A_381 = tpu.vector_load %arg5[%get3A_379, %get3A_380] {strides = array<i32>} : memref<512x128xf32, #tpu.memory_space<vmem>>, vector<1x16xf32>,
          %get3A_382 = vector.shape_cast %get3A_381 : vector<1x16xf32> to vector<16xf32>
          %add3A_383 = arith.addf %get3A_376, %get3A_382 : vector<16xf32>
          %swap3A_384 = arith.index_cast %squeeze3A_132 : i32 to index
          %swap3A_385 = arith.constant 112 : index
          %swap3A_386 = tpu.vector_load %arg8[%swap3A_384, %swap3A_385] {strides = array<i32>} : memref<320x128xf32, #tpu.memory_space<vmem>>, vector<1x16xf32>,
          %swap3A_387 = vector.shape_cast %swap3A_386 : vector<1x16xf32> to vector<16xf32>
          %swap3A_388 = vector.shape_cast %add3A_383 : vector<16xf32> to vector<1x16xf32>
          tpu.vector_store %arg8[%swap3A_384, %swap3A_385], %swap3A_388 {strides = array<i32>} : memref<320x128xf32, #tpu.memory_space<vmem>>, vector<1x16xf32>,
        } else {
        }
        %slice3A_141 = vector.extract_strided_slice %sub3A_106 {offsets = [4], sizes = [1], strides = [1]} : vector<16xi32> to vector<1xi32>
        %squeeze3A_142 = vector.extract %slice3A_141[0] : i32 from vector<1xi32>
        %ge3A_143 = arith.constant 0 : i32
        %ge3A_144 = arith.cmpi sge, %squeeze3A_142, %ge3A_143 : i32
        %lt3A_145 = arith.constant 320 : i32
        %lt3A_146 = arith.cmpi slt, %squeeze3A_142, %lt3A_145 : i32
        %and3A_147 = arith.andi %ge3A_144, %lt3A_146 : i1
        %convert_element_type3A_148 = arith.extui %and3A_147 : i1 to i32
        %cond3A_149 = arith.constant 0 : i32
        %cond3A_150 = arith.cmpi ne, %convert_element_type3A_148, %cond3A_149 : i32
        scf.if %cond3A_150 {
          %get3A_262 = arith.index_cast %squeeze3A_142 : i32 to index
          %get3A_263 = arith.constant 0 : index
          %get3A_264 = tpu.vector_load %arg8[%get3A_262, %get3A_263] {strides = array<i32>} : memref<320x128xf32, #tpu.memory_space<vmem>>, vector<1x16xf32>,
          %get3A_265 = vector.shape_cast %get3A_264 : vector<1x16xf32> to vector<16xf32>
          %add3A_266 = arith.constant 4 : i32
          %add3A_267 = arith.addi %mul3A_102, %add3A_266 : i32
          %get3A_268 = arith.index_cast %add3A_267 : i32 to index
          %get3A_269 = arith.constant 0 : index
          %get3A_270 = tpu.vector_load %arg5[%get3A_268, %get3A_269] {strides = array<i32>} : memref<512x128xf32, #tpu.memory_space<vmem>>, vector<1x16xf32>,
          %get3A_271 = vector.shape_cast %get3A_270 : vector<1x16xf32> to vector<16xf32>
          %add3A_272 = arith.addf %get3A_265, %get3A_271 : vector<16xf32>
          %swap3A = arith.index_cast %squeeze3A_142 : i32 to index
          %swap3A_273 = arith.constant 0 : index
          %swap3A_274 = tpu.vector_load %arg8[%swap3A, %swap3A_273] {strides = array<i32>} : memref<320x128xf32, #tpu.memory_space<vmem>>, vector<1x16xf32>,
          %swap3A_275 = vector.shape_cast %swap3A_274 : vector<1x16xf32> to vector<16xf32>
          %swap3A_276 = vector.shape_cast %add3A_272 : vector<16xf32> to vector<1x16xf32>
          tpu.vector_store %arg8[%swap3A, %swap3A_273], %swap3A_276 {strides = array<i32>} : memref<320x128xf32, #tpu.memory_space<vmem>>, vector<1x16xf32>,
          %get3A_277 = arith.index_cast %squeeze3A_142 : i32 to index
          %get3A_278 = arith.constant 16 : index
          %get3A_279 = tpu.vector_load %arg8[%get3A_277, %get3A_278] {strides = array<i32>} : memref<320x128xf32, #tpu.memory_space<vmem>>, vector<1x16xf32>,
          %get3A_280 = vector.shape_cast %get3A_279 : vector<1x16xf32> to vector<16xf32>
          %add3A_281 = arith.constant 4 : i32
          %add3A_282 = arith.addi %mul3A_102, %add3A_281 : i32
          %get3A_283 = arith.index_cast %add3A_282 : i32 to index
          %get3A_284 = arith.constant 16 : index
          %get3A_285 = tpu.vector_load %arg5[%get3A_283, %get3A_284] {strides = array<i32>} : memref<512x128xf32, #tpu.memory_space<vmem>>, vector<1x16xf32>,
          %get3A_286 = vector.shape_cast %get3A_285 : vector<1x16xf32> to vector<16xf32>
          %add3A_287 = arith.addf %get3A_280, %get3A_286 : vector<16xf32>
          %swap3A_288 = arith.index_cast %squeeze3A_142 : i32 to index
          %swap3A_289 = arith.constant 16 : index
          %swap3A_290 = tpu.vector_load %arg8[%swap3A_288, %swap3A_289] {strides = array<i32>} : memref<320x128xf32, #tpu.memory_space<vmem>>, vector<1x16xf32>,
          %swap3A_291 = vector.shape_cast %swap3A_290 : vector<1x16xf32> to vector<16xf32>
          %swap3A_292 = vector.shape_cast %add3A_287 : vector<16xf32> to vector<1x16xf32>
          tpu.vector_store %arg8[%swap3A_288, %swap3A_289], %swap3A_292 {strides = array<i32>} : memref<320x128xf32, #tpu.memory_space<vmem>>, vector<1x16xf32>,
          %get3A_293 = arith.index_cast %squeeze3A_142 : i32 to index
          %get3A_294 = arith.constant 32 : index
          %get3A_295 = tpu.vector_load %arg8[%get3A_293, %get3A_294] {strides = array<i32>} : memref<320x128xf32, #tpu.memory_space<vmem>>, vector<1x16xf32>,
          %get3A_296 = vector.shape_cast %get3A_295 : vector<1x16xf32> to vector<16xf32>
          %add3A_297 = arith.constant 4 : i32
          %add3A_298 = arith.addi %mul3A_102, %add3A_297 : i32
          %get3A_299 = arith.index_cast %add3A_298 : i32 to index
          %get3A_300 = arith.constant 32 : index
          %get3A_301 = tpu.vector_load %arg5[%get3A_299, %get3A_300] {strides = array<i32>} : memref<512x128xf32, #tpu.memory_space<vmem>>, vector<1x16xf32>,
          %get3A_302 = vector.shape_cast %get3A_301 : vector<1x16xf32> to vector<16xf32>
          %add3A_303 = arith.addf %get3A_296, %get3A_302 : vector<16xf32>
          %swap3A_304 = arith.index_cast %squeeze3A_142 : i32 to index
          %swap3A_305 = arith.constant 32 : index
          %swap3A_306 = tpu.vector_load %arg8[%swap3A_304, %swap3A_305] {strides = array<i32>} : memref<320x128xf32, #tpu.memory_space<vmem>>, vector<1x16xf32>,
          %swap3A_307 = vector.shape_cast %swap3A_306 : vector<1x16xf32> to vector<16xf32>
          %swap3A_308 = vector.shape_cast %add3A_303 : vector<16xf32> to vector<1x16xf32>
          tpu.vector_store %arg8[%swap3A_304, %swap3A_305], %swap3A_308 {strides = array<i32>} : memref<320x128xf32, #tpu.memory_space<vmem>>, vector<1x16xf32>,
          %get3A_309 = arith.index_cast %squeeze3A_142 : i32 to index
          %get3A_310 = arith.constant 48 : index
          %get3A_311 = tpu.vector_load %arg8[%get3A_309, %get3A_310] {strides = array<i32>} : memref<320x128xf32, #tpu.memory_space<vmem>>, vector<1x16xf32>,
          %get3A_312 = vector.shape_cast %get3A_311 : vector<1x16xf32> to vector<16xf32>
          %add3A_313 = arith.constant 4 : i32
          %add3A_314 = arith.addi %mul3A_102, %add3A_313 : i32
          %get3A_315 = arith.index_cast %add3A_314 : i32 to index
          %get3A_316 = arith.constant 48 : index
          %get3A_317 = tpu.vector_load %arg5[%get3A_315, %get3A_316] {strides = array<i32>} : memref<512x128xf32, #tpu.memory_space<vmem>>, vector<1x16xf32>,
          %get3A_318 = vector.shape_cast %get3A_317 : vector<1x16xf32> to vector<16xf32>
          %add3A_319 = arith.addf %get3A_312, %get3A_318 : vector<16xf32>
          %swap3A_320 = arith.index_cast %squeeze3A_142 : i32 to index
          %swap3A_321 = arith.constant 48 : index
          %swap3A_322 = tpu.vector_load %arg8[%swap3A_320, %swap3A_321] {strides = array<i32>} : memref<320x128xf32, #tpu.memory_space<vmem>>, vector<1x16xf32>,
          %swap3A_323 = vector.shape_cast %swap3A_322 : vector<1x16xf32> to vector<16xf32>
          %swap3A_324 = vector.shape_cast %add3A_319 : vector<16xf32> to vector<1x16xf32>
          tpu.vector_store %arg8[%swap3A_320, %swap3A_321], %swap3A_324 {strides = array<i32>} : memref<320x128xf32, #tpu.memory_space<vmem>>, vector<1x16xf32>,
          %get3A_325 = arith.index_cast %squeeze3A_142 : i32 to index
          %get3A_326 = arith.constant 64 : index
          %get3A_327 = tpu.vector_load %arg8[%get3A_325, %get3A_326] {strides = array<i32>} : memref<320x128xf32, #tpu.memory_space<vmem>>, vector<1x16xf32>,
          %get3A_328 = vector.shape_cast %get3A_327 : vector<1x16xf32> to vector<16xf32>
          %add3A_329 = arith.constant 4 : i32
          %add3A_330 = arith.addi %mul3A_102, %add3A_329 : i32
          %get3A_331 = arith.index_cast %add3A_330 : i32 to index
          %get3A_332 = arith.constant 64 : index
          %get3A_333 = tpu.vector_load %arg5[%get3A_331, %get3A_332] {strides = array<i32>} : memref<512x128xf32, #tpu.memory_space<vmem>>, vector<1x16xf32>,
          %get3A_334 = vector.shape_cast %get3A_333 : vector<1x16xf32> to vector<16xf32>
          %add3A_335 = arith.addf %get3A_328, %get3A_334 : vector<16xf32>
          %swap3A_336 = arith.index_cast %squeeze3A_142 : i32 to index
          %swap3A_337 = arith.constant 64 : index
          %swap3A_338 = tpu.vector_load %arg8[%swap3A_336, %swap3A_337] {strides = array<i32>} : memref<320x128xf32, #tpu.memory_space<vmem>>, vector<1x16xf32>,
          %swap3A_339 = vector.shape_cast %swap3A_338 : vector<1x16xf32> to vector<16xf32>
          %swap3A_340 = vector.shape_cast %add3A_335 : vector<16xf32> to vector<1x16xf32>
          tpu.vector_store %arg8[%swap3A_336, %swap3A_337], %swap3A_340 {strides = array<i32>} : memref<320x128xf32, #tpu.memory_space<vmem>>, vector<1x16xf32>,
          %get3A_341 = arith.index_cast %squeeze3A_142 : i32 to index
          %get3A_342 = arith.constant 80 : index
          %get3A_343 = tpu.vector_load %arg8[%get3A_341, %get3A_342] {strides = array<i32>} : memref<320x128xf32, #tpu.memory_space<vmem>>, vector<1x16xf32>,
          %get3A_344 = vector.shape_cast %get3A_343 : vector<1x16xf32> to vector<16xf32>
          %add3A_345 = arith.constant 4 : i32
          %add3A_346 = arith.addi %mul3A_102, %add3A_345 : i32
          %get3A_347 = arith.index_cast %add3A_346 : i32 to index
          %get3A_348 = arith.constant 80 : index
          %get3A_349 = tpu.vector_load %arg5[%get3A_347, %get3A_348] {strides = array<i32>} : memref<512x128xf32, #tpu.memory_space<vmem>>, vector<1x16xf32>,
          %get3A_350 = vector.shape_cast %get3A_349 : vector<1x16xf32> to vector<16xf32>
          %add3A_351 = arith.addf %get3A_344, %get3A_350 : vector<16xf32>
          %swap3A_352 = arith.index_cast %squeeze3A_142 : i32 to index
          %swap3A_353 = arith.constant 80 : index
          %swap3A_354 = tpu.vector_load %arg8[%swap3A_352, %swap3A_353] {strides = array<i32>} : memref<320x128xf32, #tpu.memory_space<vmem>>, vector<1x16xf32>,
          %swap3A_355 = vector.shape_cast %swap3A_354 : vector<1x16xf32> to vector<16xf32>
          %swap3A_356 = vector.shape_cast %add3A_351 : vector<16xf32> to vector<1x16xf32>
          tpu.vector_store %arg8[%swap3A_352, %swap3A_353], %swap3A_356 {strides = array<i32>} : memref<320x128xf32, #tpu.memory_space<vmem>>, vector<1x16xf32>,
          %get3A_357 = arith.index_cast %squeeze3A_142 : i32 to index
          %get3A_358 = arith.constant 96 : index
          %get3A_359 = tpu.vector_load %arg8[%get3A_357, %get3A_358] {strides = array<i32>} : memref<320x128xf32, #tpu.memory_space<vmem>>, vector<1x16xf32>,
          %get3A_360 = vector.shape_cast %get3A_359 : vector<1x16xf32> to vector<16xf32>
          %add3A_361 = arith.constant 4 : i32
          %add3A_362 = arith.addi %mul3A_102, %add3A_361 : i32
          %get3A_363 = arith.index_cast %add3A_362 : i32 to index
          %get3A_364 = arith.constant 96 : index
          %get3A_365 = tpu.vector_load %arg5[%get3A_363, %get3A_364] {strides = array<i32>} : memref<512x128xf32, #tpu.memory_space<vmem>>, vector<1x16xf32>,
          %get3A_366 = vector.shape_cast %get3A_365 : vector<1x16xf32> to vector<16xf32>
          %add3A_367 = arith.addf %get3A_360, %get3A_366 : vector<16xf32>
          %swap3A_368 = arith.index_cast %squeeze3A_142 : i32 to index
          %swap3A_369 = arith.constant 96 : index
          %swap3A_370 = tpu.vector_load %arg8[%swap3A_368, %swap3A_369] {strides = array<i32>} : memref<320x128xf32, #tpu.memory_space<vmem>>, vector<1x16xf32>,
          %swap3A_371 = vector.shape_cast %swap3A_370 : vector<1x16xf32> to vector<16xf32>
          %swap3A_372 = vector.shape_cast %add3A_367 : vector<16xf32> to vector<1x16xf32>
          tpu.vector_store %arg8[%swap3A_368, %swap3A_369], %swap3A_372 {strides = array<i32>} : memref<320x128xf32, #tpu.memory_space<vmem>>, vector<1x16xf32>,
          %get3A_373 = arith.index_cast %squeeze3A_142 : i32 to index
          %get3A_374 = arith.constant 112 : index
          %get3A_375 = tpu.vector_load %arg8[%get3A_373, %get3A_374] {strides = array<i32>} : memref<320x128xf32, #tpu.memory_space<vmem>>, vector<1x16xf32>,
          %get3A_376 = vector.shape_cast %get3A_375 : vector<1x16xf32> to vector<16xf32>
          %add3A_377 = arith.constant 4 : i32
          %add3A_378 = arith.addi %mul3A_102, %add3A_377 : i32
          %get3A_379 = arith.index_cast %add3A_378 : i32 to index
          %get3A_380 = arith.constant 112 : index
          %get3A_381 = tpu.vector_load %arg5[%get3A_379, %get3A_380] {strides = array<i32>} : memref<512x128xf32, #tpu.memory_space<vmem>>, vector<1x16xf32>,
          %get3A_382 = vector.shape_cast %get3A_381 : vector<1x16xf32> to vector<16xf32>
          %add3A_383 = arith.addf %get3A_376, %get3A_382 : vector<16xf32>
          %swap3A_384 = arith.index_cast %squeeze3A_142 : i32 to index
          %swap3A_385 = arith.constant 112 : index
          %swap3A_386 = tpu.vector_load %arg8[%swap3A_384, %swap3A_385] {strides = array<i32>} : memref<320x128xf32, #tpu.memory_space<vmem>>, vector<1x16xf32>,
          %swap3A_387 = vector.shape_cast %swap3A_386 : vector<1x16xf32> to vector<16xf32>
          %swap3A_388 = vector.shape_cast %add3A_383 : vector<16xf32> to vector<1x16xf32>
          tpu.vector_store %arg8[%swap3A_384, %swap3A_385], %swap3A_388 {strides = array<i32>} : memref<320x128xf32, #tpu.memory_space<vmem>>, vector<1x16xf32>,
        } else {
        }
        %slice3A_151 = vector.extract_strided_slice %sub3A_106 {offsets = [5], sizes = [1], strides = [1]} : vector<16xi32> to vector<1xi32>
        %squeeze3A_152 = vector.extract %slice3A_151[0] : i32 from vector<1xi32>
        %ge3A_153 = arith.constant 0 : i32
        %ge3A_154 = arith.cmpi sge, %squeeze3A_152, %ge3A_153 : i32
        %lt3A_155 = arith.constant 320 : i32
        %lt3A_156 = arith.cmpi slt, %squeeze3A_152, %lt3A_155 : i32
        %and3A_157 = arith.andi %ge3A_154, %lt3A_156 : i1
        %convert_element_type3A_158 = arith.extui %and3A_157 : i1 to i32
        %cond3A_159 = arith.constant 0 : i32
        %cond3A_160 = arith.cmpi ne, %convert_element_type3A_158, %cond3A_159 : i32
        scf.if %cond3A_160 {
          %get3A_262 = arith.index_cast %squeeze3A_152 : i32 to index
          %get3A_263 = arith.constant 0 : index
          %get3A_264 = tpu.vector_load %arg8[%get3A_262, %get3A_263] {strides = array<i32>} : memref<320x128xf32, #tpu.memory_space<vmem>>, vector<1x16xf32>,
          %get3A_265 = vector.shape_cast %get3A_264 : vector<1x16xf32> to vector<16xf32>
          %add3A_266 = arith.constant 5 : i32
          %add3A_267 = arith.addi %mul3A_102, %add3A_266 : i32
          %get3A_268 = arith.index_cast %add3A_267 : i32 to index
          %get3A_269 = arith.constant 0 : index
          %get3A_270 = tpu.vector_load %arg5[%get3A_268, %get3A_269] {strides = array<i32>} : memref<512x128xf32, #tpu.memory_space<vmem>>, vector<1x16xf32>,
          %get3A_271 = vector.shape_cast %get3A_270 : vector<1x16xf32> to vector<16xf32>
          %add3A_272 = arith.addf %get3A_265, %get3A_271 : vector<16xf32>
          %swap3A = arith.index_cast %squeeze3A_152 : i32 to index
          %swap3A_273 = arith.constant 0 : index
          %swap3A_274 = tpu.vector_load %arg8[%swap3A, %swap3A_273] {strides = array<i32>} : memref<320x128xf32, #tpu.memory_space<vmem>>, vector<1x16xf32>,
          %swap3A_275 = vector.shape_cast %swap3A_274 : vector<1x16xf32> to vector<16xf32>
          %swap3A_276 = vector.shape_cast %add3A_272 : vector<16xf32> to vector<1x16xf32>
          tpu.vector_store %arg8[%swap3A, %swap3A_273], %swap3A_276 {strides = array<i32>} : memref<320x128xf32, #tpu.memory_space<vmem>>, vector<1x16xf32>,
          %get3A_277 = arith.index_cast %squeeze3A_152 : i32 to index
          %get3A_278 = arith.constant 16 : index
          %get3A_279 = tpu.vector_load %arg8[%get3A_277, %get3A_278] {strides = array<i32>} : memref<320x128xf32, #tpu.memory_space<vmem>>, vector<1x16xf32>,
          %get3A_280 = vector.shape_cast %get3A_279 : vector<1x16xf32> to vector<16xf32>
          %add3A_281 = arith.constant 5 : i32
          %add3A_282 = arith.addi %mul3A_102, %add3A_281 : i32
          %get3A_283 = arith.index_cast %add3A_282 : i32 to index
          %get3A_284 = arith.constant 16 : index
          %get3A_285 = tpu.vector_load %arg5[%get3A_283, %get3A_284] {strides = array<i32>} : memref<512x128xf32, #tpu.memory_space<vmem>>, vector<1x16xf32>,
          %get3A_286 = vector.shape_cast %get3A_285 : vector<1x16xf32> to vector<16xf32>
          %add3A_287 = arith.addf %get3A_280, %get3A_286 : vector<16xf32>
          %swap3A_288 = arith.index_cast %squeeze3A_152 : i32 to index
          %swap3A_289 = arith.constant 16 : index
          %swap3A_290 = tpu.vector_load %arg8[%swap3A_288, %swap3A_289] {strides = array<i32>} : memref<320x128xf32, #tpu.memory_space<vmem>>, vector<1x16xf32>,
          %swap3A_291 = vector.shape_cast %swap3A_290 : vector<1x16xf32> to vector<16xf32>
          %swap3A_292 = vector.shape_cast %add3A_287 : vector<16xf32> to vector<1x16xf32>
          tpu.vector_store %arg8[%swap3A_288, %swap3A_289], %swap3A_292 {strides = array<i32>} : memref<320x128xf32, #tpu.memory_space<vmem>>, vector<1x16xf32>,
          %get3A_293 = arith.index_cast %squeeze3A_152 : i32 to index
          %get3A_294 = arith.constant 32 : index
          %get3A_295 = tpu.vector_load %arg8[%get3A_293, %get3A_294] {strides = array<i32>} : memref<320x128xf32, #tpu.memory_space<vmem>>, vector<1x16xf32>,
          %get3A_296 = vector.shape_cast %get3A_295 : vector<1x16xf32> to vector<16xf32>
          %add3A_297 = arith.constant 5 : i32
          %add3A_298 = arith.addi %mul3A_102, %add3A_297 : i32
          %get3A_299 = arith.index_cast %add3A_298 : i32 to index
          %get3A_300 = arith.constant 32 : index
          %get3A_301 = tpu.vector_load %arg5[%get3A_299, %get3A_300] {strides = array<i32>} : memref<512x128xf32, #tpu.memory_space<vmem>>, vector<1x16xf32>,
          %get3A_302 = vector.shape_cast %get3A_301 : vector<1x16xf32> to vector<16xf32>
          %add3A_303 = arith.addf %get3A_296, %get3A_302 : vector<16xf32>
          %swap3A_304 = arith.index_cast %squeeze3A_152 : i32 to index
          %swap3A_305 = arith.constant 32 : index
          %swap3A_306 = tpu.vector_load %arg8[%swap3A_304, %swap3A_305] {strides = array<i32>} : memref<320x128xf32, #tpu.memory_space<vmem>>, vector<1x16xf32>,
          %swap3A_307 = vector.shape_cast %swap3A_306 : vector<1x16xf32> to vector<16xf32>
          %swap3A_308 = vector.shape_cast %add3A_303 : vector<16xf32> to vector<1x16xf32>
          tpu.vector_store %arg8[%swap3A_304, %swap3A_305], %swap3A_308 {strides = array<i32>} : memref<320x128xf32, #tpu.memory_space<vmem>>, vector<1x16xf32>,
          %get3A_309 = arith.index_cast %squeeze3A_152 : i32 to index
          %get3A_310 = arith.constant 48 : index
          %get3A_311 = tpu.vector_load %arg8[%get3A_309, %get3A_310] {strides = array<i32>} : memref<320x128xf32, #tpu.memory_space<vmem>>, vector<1x16xf32>,
          %get3A_312 = vector.shape_cast %get3A_311 : vector<1x16xf32> to vector<16xf32>
          %add3A_313 = arith.constant 5 : i32
          %add3A_314 = arith.addi %mul3A_102, %add3A_313 : i32
          %get3A_315 = arith.index_cast %add3A_314 : i32 to index
          %get3A_316 = arith.constant 48 : index
          %get3A_317 = tpu.vector_load %arg5[%get3A_315, %get3A_316] {strides = array<i32>} : memref<512x128xf32, #tpu.memory_space<vmem>>, vector<1x16xf32>,
          %get3A_318 = vector.shape_cast %get3A_317 : vector<1x16xf32> to vector<16xf32>
          %add3A_319 = arith.addf %get3A_312, %get3A_318 : vector<16xf32>
          %swap3A_320 = arith.index_cast %squeeze3A_152 : i32 to index
          %swap3A_321 = arith.constant 48 : index
          %swap3A_322 = tpu.vector_load %arg8[%swap3A_320, %swap3A_321] {strides = array<i32>} : memref<320x128xf32, #tpu.memory_space<vmem>>, vector<1x16xf32>,
          %swap3A_323 = vector.shape_cast %swap3A_322 : vector<1x16xf32> to vector<16xf32>
          %swap3A_324 = vector.shape_cast %add3A_319 : vector<16xf32> to vector<1x16xf32>
          tpu.vector_store %arg8[%swap3A_320, %swap3A_321], %swap3A_324 {strides = array<i32>} : memref<320x128xf32, #tpu.memory_space<vmem>>, vector<1x16xf32>,
          %get3A_325 = arith.index_cast %squeeze3A_152 : i32 to index
          %get3A_326 = arith.constant 64 : index
          %get3A_327 = tpu.vector_load %arg8[%get3A_325, %get3A_326] {strides = array<i32>} : memref<320x128xf32, #tpu.memory_space<vmem>>, vector<1x16xf32>,
          %get3A_328 = vector.shape_cast %get3A_327 : vector<1x16xf32> to vector<16xf32>
          %add3A_329 = arith.constant 5 : i32
          %add3A_330 = arith.addi %mul3A_102, %add3A_329 : i32
          %get3A_331 = arith.index_cast %add3A_330 : i32 to index
          %get3A_332 = arith.constant 64 : index
          %get3A_333 = tpu.vector_load %arg5[%get3A_331, %get3A_332] {strides = array<i32>} : memref<512x128xf32, #tpu.memory_space<vmem>>, vector<1x16xf32>,
          %get3A_334 = vector.shape_cast %get3A_333 : vector<1x16xf32> to vector<16xf32>
          %add3A_335 = arith.addf %get3A_328, %get3A_334 : vector<16xf32>
          %swap3A_336 = arith.index_cast %squeeze3A_152 : i32 to index
          %swap3A_337 = arith.constant 64 : index
          %swap3A_338 = tpu.vector_load %arg8[%swap3A_336, %swap3A_337] {strides = array<i32>} : memref<320x128xf32, #tpu.memory_space<vmem>>, vector<1x16xf32>,
          %swap3A_339 = vector.shape_cast %swap3A_338 : vector<1x16xf32> to vector<16xf32>
          %swap3A_340 = vector.shape_cast %add3A_335 : vector<16xf32> to vector<1x16xf32>
          tpu.vector_store %arg8[%swap3A_336, %swap3A_337], %swap3A_340 {strides = array<i32>} : memref<320x128xf32, #tpu.memory_space<vmem>>, vector<1x16xf32>,
          %get3A_341 = arith.index_cast %squeeze3A_152 : i32 to index
          %get3A_342 = arith.constant 80 : index
          %get3A_343 = tpu.vector_load %arg8[%get3A_341, %get3A_342] {strides = array<i32>} : memref<320x128xf32, #tpu.memory_space<vmem>>, vector<1x16xf32>,
          %get3A_344 = vector.shape_cast %get3A_343 : vector<1x16xf32> to vector<16xf32>
          %add3A_345 = arith.constant 5 : i32
          %add3A_346 = arith.addi %mul3A_102, %add3A_345 : i32
          %get3A_347 = arith.index_cast %add3A_346 : i32 to index
          %get3A_348 = arith.constant 80 : index
          %get3A_349 = tpu.vector_load %arg5[%get3A_347, %get3A_348] {strides = array<i32>} : memref<512x128xf32, #tpu.memory_space<vmem>>, vector<1x16xf32>,
          %get3A_350 = vector.shape_cast %get3A_349 : vector<1x16xf32> to vector<16xf32>
          %add3A_351 = arith.addf %get3A_344, %get3A_350 : vector<16xf32>
          %swap3A_352 = arith.index_cast %squeeze3A_152 : i32 to index
          %swap3A_353 = arith.constant 80 : index
          %swap3A_354 = tpu.vector_load %arg8[%swap3A_352, %swap3A_353] {strides = array<i32>} : memref<320x128xf32, #tpu.memory_space<vmem>>, vector<1x16xf32>,
          %swap3A_355 = vector.shape_cast %swap3A_354 : vector<1x16xf32> to vector<16xf32>
          %swap3A_356 = vector.shape_cast %add3A_351 : vector<16xf32> to vector<1x16xf32>
          tpu.vector_store %arg8[%swap3A_352, %swap3A_353], %swap3A_356 {strides = array<i32>} : memref<320x128xf32, #tpu.memory_space<vmem>>, vector<1x16xf32>,
          %get3A_357 = arith.index_cast %squeeze3A_152 : i32 to index
          %get3A_358 = arith.constant 96 : index
          %get3A_359 = tpu.vector_load %arg8[%get3A_357, %get3A_358] {strides = array<i32>} : memref<320x128xf32, #tpu.memory_space<vmem>>, vector<1x16xf32>,
          %get3A_360 = vector.shape_cast %get3A_359 : vector<1x16xf32> to vector<16xf32>
          %add3A_361 = arith.constant 5 : i32
          %add3A_362 = arith.addi %mul3A_102, %add3A_361 : i32
          %get3A_363 = arith.index_cast %add3A_362 : i32 to index
          %get3A_364 = arith.constant 96 : index
          %get3A_365 = tpu.vector_load %arg5[%get3A_363, %get3A_364] {strides = array<i32>} : memref<512x128xf32, #tpu.memory_space<vmem>>, vector<1x16xf32>,
          %get3A_366 = vector.shape_cast %get3A_365 : vector<1x16xf32> to vector<16xf32>
          %add3A_367 = arith.addf %get3A_360, %get3A_366 : vector<16xf32>
          %swap3A_368 = arith.index_cast %squeeze3A_152 : i32 to index
          %swap3A_369 = arith.constant 96 : index
          %swap3A_370 = tpu.vector_load %arg8[%swap3A_368, %swap3A_369] {strides = array<i32>} : memref<320x128xf32, #tpu.memory_space<vmem>>, vector<1x16xf32>,
          %swap3A_371 = vector.shape_cast %swap3A_370 : vector<1x16xf32> to vector<16xf32>
          %swap3A_372 = vector.shape_cast %add3A_367 : vector<16xf32> to vector<1x16xf32>
          tpu.vector_store %arg8[%swap3A_368, %swap3A_369], %swap3A_372 {strides = array<i32>} : memref<320x128xf32, #tpu.memory_space<vmem>>, vector<1x16xf32>,
          %get3A_373 = arith.index_cast %squeeze3A_152 : i32 to index
          %get3A_374 = arith.constant 112 : index
          %get3A_375 = tpu.vector_load %arg8[%get3A_373, %get3A_374] {strides = array<i32>} : memref<320x128xf32, #tpu.memory_space<vmem>>, vector<1x16xf32>,
          %get3A_376 = vector.shape_cast %get3A_375 : vector<1x16xf32> to vector<16xf32>
          %add3A_377 = arith.constant 5 : i32
          %add3A_378 = arith.addi %mul3A_102, %add3A_377 : i32
          %get3A_379 = arith.index_cast %add3A_378 : i32 to index
          %get3A_380 = arith.constant 112 : index
          %get3A_381 = tpu.vector_load %arg5[%get3A_379, %get3A_380] {strides = array<i32>} : memref<512x128xf32, #tpu.memory_space<vmem>>, vector<1x16xf32>,
          %get3A_382 = vector.shape_cast %get3A_381 : vector<1x16xf32> to vector<16xf32>
          %add3A_383 = arith.addf %get3A_376, %get3A_382 : vector<16xf32>
          %swap3A_384 = arith.index_cast %squeeze3A_152 : i32 to index
          %swap3A_385 = arith.constant 112 : index
          %swap3A_386 = tpu.vector_load %arg8[%swap3A_384, %swap3A_385] {strides = array<i32>} : memref<320x128xf32, #tpu.memory_space<vmem>>, vector<1x16xf32>,
          %swap3A_387 = vector.shape_cast %swap3A_386 : vector<1x16xf32> to vector<16xf32>
          %swap3A_388 = vector.shape_cast %add3A_383 : vector<16xf32> to vector<1x16xf32>
          tpu.vector_store %arg8[%swap3A_384, %swap3A_385], %swap3A_388 {strides = array<i32>} : memref<320x128xf32, #tpu.memory_space<vmem>>, vector<1x16xf32>,
        } else {
        }
        %slice3A_161 = vector.extract_strided_slice %sub3A_106 {offsets = [6], sizes = [1], strides = [1]} : vector<16xi32> to vector<1xi32>
        %squeeze3A_162 = vector.extract %slice3A_161[0] : i32 from vector<1xi32>
        %ge3A_163 = arith.constant 0 : i32
        %ge3A_164 = arith.cmpi sge, %squeeze3A_162, %ge3A_163 : i32
        %lt3A_165 = arith.constant 320 : i32
        %lt3A_166 = arith.cmpi slt, %squeeze3A_162, %lt3A_165 : i32
        %and3A_167 = arith.andi %ge3A_164, %lt3A_166 : i1
        %convert_element_type3A_168 = arith.extui %and3A_167 : i1 to i32
        %cond3A_169 = arith.constant 0 : i32
        %cond3A_170 = arith.cmpi ne, %convert_element_type3A_168, %cond3A_169 : i32
        scf.if %cond3A_170 {
          %get3A_262 = arith.index_cast %squeeze3A_162 : i32 to index
          %get3A_263 = arith.constant 0 : index
          %get3A_264 = tpu.vector_load %arg8[%get3A_262, %get3A_263] {strides = array<i32>} : memref<320x128xf32, #tpu.memory_space<vmem>>, vector<1x16xf32>,
          %get3A_265 = vector.shape_cast %get3A_264 : vector<1x16xf32> to vector<16xf32>
          %add3A_266 = arith.constant 6 : i32
          %add3A_267 = arith.addi %mul3A_102, %add3A_266 : i32
          %get3A_268 = arith.index_cast %add3A_267 : i32 to index
          %get3A_269 = arith.constant 0 : index
          %get3A_270 = tpu.vector_load %arg5[%get3A_268, %get3A_269] {strides = array<i32>} : memref<512x128xf32, #tpu.memory_space<vmem>>, vector<1x16xf32>,
          %get3A_271 = vector.shape_cast %get3A_270 : vector<1x16xf32> to vector<16xf32>
          %add3A_272 = arith.addf %get3A_265, %get3A_271 : vector<16xf32>
          %swap3A = arith.index_cast %squeeze3A_162 : i32 to index
          %swap3A_273 = arith.constant 0 : index
          %swap3A_274 = tpu.vector_load %arg8[%swap3A, %swap3A_273] {strides = array<i32>} : memref<320x128xf32, #tpu.memory_space<vmem>>, vector<1x16xf32>,
          %swap3A_275 = vector.shape_cast %swap3A_274 : vector<1x16xf32> to vector<16xf32>
          %swap3A_276 = vector.shape_cast %add3A_272 : vector<16xf32> to vector<1x16xf32>
          tpu.vector_store %arg8[%swap3A, %swap3A_273], %swap3A_276 {strides = array<i32>} : memref<320x128xf32, #tpu.memory_space<vmem>>, vector<1x16xf32>,
          %get3A_277 = arith.index_cast %squeeze3A_162 : i32 to index
          %get3A_278 = arith.constant 16 : index
          %get3A_279 = tpu.vector_load %arg8[%get3A_277, %get3A_278] {strides = array<i32>} : memref<320x128xf32, #tpu.memory_space<vmem>>, vector<1x16xf32>,
          %get3A_280 = vector.shape_cast %get3A_279 : vector<1x16xf32> to vector<16xf32>
          %add3A_281 = arith.constant 6 : i32
          %add3A_282 = arith.addi %mul3A_102, %add3A_281 : i32
          %get3A_283 = arith.index_cast %add3A_282 : i32 to index
          %get3A_284 = arith.constant 16 : index
          %get3A_285 = tpu.vector_load %arg5[%get3A_283, %get3A_284] {strides = array<i32>} : memref<512x128xf32, #tpu.memory_space<vmem>>, vector<1x16xf32>,
          %get3A_286 = vector.shape_cast %get3A_285 : vector<1x16xf32> to vector<16xf32>
          %add3A_287 = arith.addf %get3A_280, %get3A_286 : vector<16xf32>
          %swap3A_288 = arith.index_cast %squeeze3A_162 : i32 to index
          %swap3A_289 = arith.constant 16 : index
          %swap3A_290 = tpu.vector_load %arg8[%swap3A_288, %swap3A_289] {strides = array<i32>} : memref<320x128xf32, #tpu.memory_space<vmem>>, vector<1x16xf32>,
          %swap3A_291 = vector.shape_cast %swap3A_290 : vector<1x16xf32> to vector<16xf32>
          %swap3A_292 = vector.shape_cast %add3A_287 : vector<16xf32> to vector<1x16xf32>
          tpu.vector_store %arg8[%swap3A_288, %swap3A_289], %swap3A_292 {strides = array<i32>} : memref<320x128xf32, #tpu.memory_space<vmem>>, vector<1x16xf32>,
          %get3A_293 = arith.index_cast %squeeze3A_162 : i32 to index
          %get3A_294 = arith.constant 32 : index
          %get3A_295 = tpu.vector_load %arg8[%get3A_293, %get3A_294] {strides = array<i32>} : memref<320x128xf32, #tpu.memory_space<vmem>>, vector<1x16xf32>,
          %get3A_296 = vector.shape_cast %get3A_295 : vector<1x16xf32> to vector<16xf32>
          %add3A_297 = arith.constant 6 : i32
          %add3A_298 = arith.addi %mul3A_102, %add3A_297 : i32
          %get3A_299 = arith.index_cast %add3A_298 : i32 to index
          %get3A_300 = arith.constant 32 : index
          %get3A_301 = tpu.vector_load %arg5[%get3A_299, %get3A_300] {strides = array<i32>} : memref<512x128xf32, #tpu.memory_space<vmem>>, vector<1x16xf32>,
          %get3A_302 = vector.shape_cast %get3A_301 : vector<1x16xf32> to vector<16xf32>
          %add3A_303 = arith.addf %get3A_296, %get3A_302 : vector<16xf32>
          %swap3A_304 = arith.index_cast %squeeze3A_162 : i32 to index
          %swap3A_305 = arith.constant 32 : index
          %swap3A_306 = tpu.vector_load %arg8[%swap3A_304, %swap3A_305] {strides = array<i32>} : memref<320x128xf32, #tpu.memory_space<vmem>>, vector<1x16xf32>,
          %swap3A_307 = vector.shape_cast %swap3A_306 : vector<1x16xf32> to vector<16xf32>
          %swap3A_308 = vector.shape_cast %add3A_303 : vector<16xf32> to vector<1x16xf32>
          tpu.vector_store %arg8[%swap3A_304, %swap3A_305], %swap3A_308 {strides = array<i32>} : memref<320x128xf32, #tpu.memory_space<vmem>>, vector<1x16xf32>,
          %get3A_309 = arith.index_cast %squeeze3A_162 : i32 to index
          %get3A_310 = arith.constant 48 : index
          %get3A_311 = tpu.vector_load %arg8[%get3A_309, %get3A_310] {strides = array<i32>} : memref<320x128xf32, #tpu.memory_space<vmem>>, vector<1x16xf32>,
          %get3A_312 = vector.shape_cast %get3A_311 : vector<1x16xf32> to vector<16xf32>
          %add3A_313 = arith.constant 6 : i32
          %add3A_314 = arith.addi %mul3A_102, %add3A_313 : i32
          %get3A_315 = arith.index_cast %add3A_314 : i32 to index
          %get3A_316 = arith.constant 48 : index
          %get3A_317 = tpu.vector_load %arg5[%get3A_315, %get3A_316] {strides = array<i32>} : memref<512x128xf32, #tpu.memory_space<vmem>>, vector<1x16xf32>,
          %get3A_318 = vector.shape_cast %get3A_317 : vector<1x16xf32> to vector<16xf32>
          %add3A_319 = arith.addf %get3A_312, %get3A_318 : vector<16xf32>
          %swap3A_320 = arith.index_cast %squeeze3A_162 : i32 to index
          %swap3A_321 = arith.constant 48 : index
          %swap3A_322 = tpu.vector_load %arg8[%swap3A_320, %swap3A_321] {strides = array<i32>} : memref<320x128xf32, #tpu.memory_space<vmem>>, vector<1x16xf32>,
          %swap3A_323 = vector.shape_cast %swap3A_322 : vector<1x16xf32> to vector<16xf32>
          %swap3A_324 = vector.shape_cast %add3A_319 : vector<16xf32> to vector<1x16xf32>
          tpu.vector_store %arg8[%swap3A_320, %swap3A_321], %swap3A_324 {strides = array<i32>} : memref<320x128xf32, #tpu.memory_space<vmem>>, vector<1x16xf32>,
          %get3A_325 = arith.index_cast %squeeze3A_162 : i32 to index
          %get3A_326 = arith.constant 64 : index
          %get3A_327 = tpu.vector_load %arg8[%get3A_325, %get3A_326] {strides = array<i32>} : memref<320x128xf32, #tpu.memory_space<vmem>>, vector<1x16xf32>,
          %get3A_328 = vector.shape_cast %get3A_327 : vector<1x16xf32> to vector<16xf32>
          %add3A_329 = arith.constant 6 : i32
          %add3A_330 = arith.addi %mul3A_102, %add3A_329 : i32
          %get3A_331 = arith.index_cast %add3A_330 : i32 to index
          %get3A_332 = arith.constant 64 : index
          %get3A_333 = tpu.vector_load %arg5[%get3A_331, %get3A_332] {strides = array<i32>} : memref<512x128xf32, #tpu.memory_space<vmem>>, vector<1x16xf32>,
          %get3A_334 = vector.shape_cast %get3A_333 : vector<1x16xf32> to vector<16xf32>
          %add3A_335 = arith.addf %get3A_328, %get3A_334 : vector<16xf32>
          %swap3A_336 = arith.index_cast %squeeze3A_162 : i32 to index
          %swap3A_337 = arith.constant 64 : index
          %swap3A_338 = tpu.vector_load %arg8[%swap3A_336, %swap3A_337] {strides = array<i32>} : memref<320x128xf32, #tpu.memory_space<vmem>>, vector<1x16xf32>,
          %swap3A_339 = vector.shape_cast %swap3A_338 : vector<1x16xf32> to vector<16xf32>
          %swap3A_340 = vector.shape_cast %add3A_335 : vector<16xf32> to vector<1x16xf32>
          tpu.vector_store %arg8[%swap3A_336, %swap3A_337], %swap3A_340 {strides = array<i32>} : memref<320x128xf32, #tpu.memory_space<vmem>>, vector<1x16xf32>,
          %get3A_341 = arith.index_cast %squeeze3A_162 : i32 to index
          %get3A_342 = arith.constant 80 : index
          %get3A_343 = tpu.vector_load %arg8[%get3A_341, %get3A_342] {strides = array<i32>} : memref<320x128xf32, #tpu.memory_space<vmem>>, vector<1x16xf32>,
          %get3A_344 = vector.shape_cast %get3A_343 : vector<1x16xf32> to vector<16xf32>
          %add3A_345 = arith.constant 6 : i32
          %add3A_346 = arith.addi %mul3A_102, %add3A_345 : i32
          %get3A_347 = arith.index_cast %add3A_346 : i32 to index
          %get3A_348 = arith.constant 80 : index
          %get3A_349 = tpu.vector_load %arg5[%get3A_347, %get3A_348] {strides = array<i32>} : memref<512x128xf32, #tpu.memory_space<vmem>>, vector<1x16xf32>,
          %get3A_350 = vector.shape_cast %get3A_349 : vector<1x16xf32> to vector<16xf32>
          %add3A_351 = arith.addf %get3A_344, %get3A_350 : vector<16xf32>
          %swap3A_352 = arith.index_cast %squeeze3A_162 : i32 to index
          %swap3A_353 = arith.constant 80 : index
          %swap3A_354 = tpu.vector_load %arg8[%swap3A_352, %swap3A_353] {strides = array<i32>} : memref<320x128xf32, #tpu.memory_space<vmem>>, vector<1x16xf32>,
          %swap3A_355 = vector.shape_cast %swap3A_354 : vector<1x16xf32> to vector<16xf32>
          %swap3A_356 = vector.shape_cast %add3A_351 : vector<16xf32> to vector<1x16xf32>
          tpu.vector_store %arg8[%swap3A_352, %swap3A_353], %swap3A_356 {strides = array<i32>} : memref<320x128xf32, #tpu.memory_space<vmem>>, vector<1x16xf32>,
          %get3A_357 = arith.index_cast %squeeze3A_162 : i32 to index
          %get3A_358 = arith.constant 96 : index
          %get3A_359 = tpu.vector_load %arg8[%get3A_357, %get3A_358] {strides = array<i32>} : memref<320x128xf32, #tpu.memory_space<vmem>>, vector<1x16xf32>,
          %get3A_360 = vector.shape_cast %get3A_359 : vector<1x16xf32> to vector<16xf32>
          %add3A_361 = arith.constant 6 : i32
          %add3A_362 = arith.addi %mul3A_102, %add3A_361 : i32
          %get3A_363 = arith.index_cast %add3A_362 : i32 to index
          %get3A_364 = arith.constant 96 : index
          %get3A_365 = tpu.vector_load %arg5[%get3A_363, %get3A_364] {strides = array<i32>} : memref<512x128xf32, #tpu.memory_space<vmem>>, vector<1x16xf32>,
          %get3A_366 = vector.shape_cast %get3A_365 : vector<1x16xf32> to vector<16xf32>
          %add3A_367 = arith.addf %get3A_360, %get3A_366 : vector<16xf32>
          %swap3A_368 = arith.index_cast %squeeze3A_162 : i32 to index
          %swap3A_369 = arith.constant 96 : index
          %swap3A_370 = tpu.vector_load %arg8[%swap3A_368, %swap3A_369] {strides = array<i32>} : memref<320x128xf32, #tpu.memory_space<vmem>>, vector<1x16xf32>,
          %swap3A_371 = vector.shape_cast %swap3A_370 : vector<1x16xf32> to vector<16xf32>
          %swap3A_372 = vector.shape_cast %add3A_367 : vector<16xf32> to vector<1x16xf32>
          tpu.vector_store %arg8[%swap3A_368, %swap3A_369], %swap3A_372 {strides = array<i32>} : memref<320x128xf32, #tpu.memory_space<vmem>>, vector<1x16xf32>,
          %get3A_373 = arith.index_cast %squeeze3A_162 : i32 to index
          %get3A_374 = arith.constant 112 : index
          %get3A_375 = tpu.vector_load %arg8[%get3A_373, %get3A_374] {strides = array<i32>} : memref<320x128xf32, #tpu.memory_space<vmem>>, vector<1x16xf32>,
          %get3A_376 = vector.shape_cast %get3A_375 : vector<1x16xf32> to vector<16xf32>
          %add3A_377 = arith.constant 6 : i32
          %add3A_378 = arith.addi %mul3A_102, %add3A_377 : i32
          %get3A_379 = arith.index_cast %add3A_378 : i32 to index
          %get3A_380 = arith.constant 112 : index
          %get3A_381 = tpu.vector_load %arg5[%get3A_379, %get3A_380] {strides = array<i32>} : memref<512x128xf32, #tpu.memory_space<vmem>>, vector<1x16xf32>,
          %get3A_382 = vector.shape_cast %get3A_381 : vector<1x16xf32> to vector<16xf32>
          %add3A_383 = arith.addf %get3A_376, %get3A_382 : vector<16xf32>
          %swap3A_384 = arith.index_cast %squeeze3A_162 : i32 to index
          %swap3A_385 = arith.constant 112 : index
          %swap3A_386 = tpu.vector_load %arg8[%swap3A_384, %swap3A_385] {strides = array<i32>} : memref<320x128xf32, #tpu.memory_space<vmem>>, vector<1x16xf32>,
          %swap3A_387 = vector.shape_cast %swap3A_386 : vector<1x16xf32> to vector<16xf32>
          %swap3A_388 = vector.shape_cast %add3A_383 : vector<16xf32> to vector<1x16xf32>
          tpu.vector_store %arg8[%swap3A_384, %swap3A_385], %swap3A_388 {strides = array<i32>} : memref<320x128xf32, #tpu.memory_space<vmem>>, vector<1x16xf32>,
        } else {
        }
        %slice3A_171 = vector.extract_strided_slice %sub3A_106 {offsets = [7], sizes = [1], strides = [1]} : vector<16xi32> to vector<1xi32>
        %squeeze3A_172 = vector.extract %slice3A_171[0] : i32 from vector<1xi32>
        %ge3A_173 = arith.constant 0 : i32
        %ge3A_174 = arith.cmpi sge, %squeeze3A_172, %ge3A_173 : i32
        %lt3A_175 = arith.constant 320 : i32
        %lt3A_176 = arith.cmpi slt, %squeeze3A_172, %lt3A_175 : i32
        %and3A_177 = arith.andi %ge3A_174, %lt3A_176 : i1
        %convert_element_type3A_178 = arith.extui %and3A_177 : i1 to i32
        %cond3A_179 = arith.constant 0 : i32
        %cond3A_180 = arith.cmpi ne, %convert_element_type3A_178, %cond3A_179 : i32
        scf.if %cond3A_180 {
          %get3A_262 = arith.index_cast %squeeze3A_172 : i32 to index
          %get3A_263 = arith.constant 0 : index
          %get3A_264 = tpu.vector_load %arg8[%get3A_262, %get3A_263] {strides = array<i32>} : memref<320x128xf32, #tpu.memory_space<vmem>>, vector<1x16xf32>,
          %get3A_265 = vector.shape_cast %get3A_264 : vector<1x16xf32> to vector<16xf32>
          %add3A_266 = arith.constant 7 : i32
          %add3A_267 = arith.addi %mul3A_102, %add3A_266 : i32
          %get3A_268 = arith.index_cast %add3A_267 : i32 to index
          %get3A_269 = arith.constant 0 : index
          %get3A_270 = tpu.vector_load %arg5[%get3A_268, %get3A_269] {strides = array<i32>} : memref<512x128xf32, #tpu.memory_space<vmem>>, vector<1x16xf32>,
          %get3A_271 = vector.shape_cast %get3A_270 : vector<1x16xf32> to vector<16xf32>
          %add3A_272 = arith.addf %get3A_265, %get3A_271 : vector<16xf32>
          %swap3A = arith.index_cast %squeeze3A_172 : i32 to index
          %swap3A_273 = arith.constant 0 : index
          %swap3A_274 = tpu.vector_load %arg8[%swap3A, %swap3A_273] {strides = array<i32>} : memref<320x128xf32, #tpu.memory_space<vmem>>, vector<1x16xf32>,
          %swap3A_275 = vector.shape_cast %swap3A_274 : vector<1x16xf32> to vector<16xf32>
          %swap3A_276 = vector.shape_cast %add3A_272 : vector<16xf32> to vector<1x16xf32>
          tpu.vector_store %arg8[%swap3A, %swap3A_273], %swap3A_276 {strides = array<i32>} : memref<320x128xf32, #tpu.memory_space<vmem>>, vector<1x16xf32>,
          %get3A_277 = arith.index_cast %squeeze3A_172 : i32 to index
          %get3A_278 = arith.constant 16 : index
          %get3A_279 = tpu.vector_load %arg8[%get3A_277, %get3A_278] {strides = array<i32>} : memref<320x128xf32, #tpu.memory_space<vmem>>, vector<1x16xf32>,
          %get3A_280 = vector.shape_cast %get3A_279 : vector<1x16xf32> to vector<16xf32>
          %add3A_281 = arith.constant 7 : i32
          %add3A_282 = arith.addi %mul3A_102, %add3A_281 : i32
          %get3A_283 = arith.index_cast %add3A_282 : i32 to index
          %get3A_284 = arith.constant 16 : index
          %get3A_285 = tpu.vector_load %arg5[%get3A_283, %get3A_284] {strides = array<i32>} : memref<512x128xf32, #tpu.memory_space<vmem>>, vector<1x16xf32>,
          %get3A_286 = vector.shape_cast %get3A_285 : vector<1x16xf32> to vector<16xf32>
          %add3A_287 = arith.addf %get3A_280, %get3A_286 : vector<16xf32>
          %swap3A_288 = arith.index_cast %squeeze3A_172 : i32 to index
          %swap3A_289 = arith.constant 16 : index
          %swap3A_290 = tpu.vector_load %arg8[%swap3A_288, %swap3A_289] {strides = array<i32>} : memref<320x128xf32, #tpu.memory_space<vmem>>, vector<1x16xf32>,
          %swap3A_291 = vector.shape_cast %swap3A_290 : vector<1x16xf32> to vector<16xf32>
          %swap3A_292 = vector.shape_cast %add3A_287 : vector<16xf32> to vector<1x16xf32>
          tpu.vector_store %arg8[%swap3A_288, %swap3A_289], %swap3A_292 {strides = array<i32>} : memref<320x128xf32, #tpu.memory_space<vmem>>, vector<1x16xf32>,
          %get3A_293 = arith.index_cast %squeeze3A_172 : i32 to index
          %get3A_294 = arith.constant 32 : index
          %get3A_295 = tpu.vector_load %arg8[%get3A_293, %get3A_294] {strides = array<i32>} : memref<320x128xf32, #tpu.memory_space<vmem>>, vector<1x16xf32>,
          %get3A_296 = vector.shape_cast %get3A_295 : vector<1x16xf32> to vector<16xf32>
          %add3A_297 = arith.constant 7 : i32
          %add3A_298 = arith.addi %mul3A_102, %add3A_297 : i32
          %get3A_299 = arith.index_cast %add3A_298 : i32 to index
          %get3A_300 = arith.constant 32 : index
          %get3A_301 = tpu.vector_load %arg5[%get3A_299, %get3A_300] {strides = array<i32>} : memref<512x128xf32, #tpu.memory_space<vmem>>, vector<1x16xf32>,
          %get3A_302 = vector.shape_cast %get3A_301 : vector<1x16xf32> to vector<16xf32>
          %add3A_303 = arith.addf %get3A_296, %get3A_302 : vector<16xf32>
          %swap3A_304 = arith.index_cast %squeeze3A_172 : i32 to index
          %swap3A_305 = arith.constant 32 : index
          %swap3A_306 = tpu.vector_load %arg8[%swap3A_304, %swap3A_305] {strides = array<i32>} : memref<320x128xf32, #tpu.memory_space<vmem>>, vector<1x16xf32>,
          %swap3A_307 = vector.shape_cast %swap3A_306 : vector<1x16xf32> to vector<16xf32>
          %swap3A_308 = vector.shape_cast %add3A_303 : vector<16xf32> to vector<1x16xf32>
          tpu.vector_store %arg8[%swap3A_304, %swap3A_305], %swap3A_308 {strides = array<i32>} : memref<320x128xf32, #tpu.memory_space<vmem>>, vector<1x16xf32>,
          %get3A_309 = arith.index_cast %squeeze3A_172 : i32 to index
          %get3A_310 = arith.constant 48 : index
          %get3A_311 = tpu.vector_load %arg8[%get3A_309, %get3A_310] {strides = array<i32>} : memref<320x128xf32, #tpu.memory_space<vmem>>, vector<1x16xf32>,
          %get3A_312 = vector.shape_cast %get3A_311 : vector<1x16xf32> to vector<16xf32>
          %add3A_313 = arith.constant 7 : i32
          %add3A_314 = arith.addi %mul3A_102, %add3A_313 : i32
          %get3A_315 = arith.index_cast %add3A_314 : i32 to index
          %get3A_316 = arith.constant 48 : index
          %get3A_317 = tpu.vector_load %arg5[%get3A_315, %get3A_316] {strides = array<i32>} : memref<512x128xf32, #tpu.memory_space<vmem>>, vector<1x16xf32>,
          %get3A_318 = vector.shape_cast %get3A_317 : vector<1x16xf32> to vector<16xf32>
          %add3A_319 = arith.addf %get3A_312, %get3A_318 : vector<16xf32>
          %swap3A_320 = arith.index_cast %squeeze3A_172 : i32 to index
          %swap3A_321 = arith.constant 48 : index
          %swap3A_322 = tpu.vector_load %arg8[%swap3A_320, %swap3A_321] {strides = array<i32>} : memref<320x128xf32, #tpu.memory_space<vmem>>, vector<1x16xf32>,
          %swap3A_323 = vector.shape_cast %swap3A_322 : vector<1x16xf32> to vector<16xf32>
          %swap3A_324 = vector.shape_cast %add3A_319 : vector<16xf32> to vector<1x16xf32>
          tpu.vector_store %arg8[%swap3A_320, %swap3A_321], %swap3A_324 {strides = array<i32>} : memref<320x128xf32, #tpu.memory_space<vmem>>, vector<1x16xf32>,
          %get3A_325 = arith.index_cast %squeeze3A_172 : i32 to index
          %get3A_326 = arith.constant 64 : index
          %get3A_327 = tpu.vector_load %arg8[%get3A_325, %get3A_326] {strides = array<i32>} : memref<320x128xf32, #tpu.memory_space<vmem>>, vector<1x16xf32>,
          %get3A_328 = vector.shape_cast %get3A_327 : vector<1x16xf32> to vector<16xf32>
          %add3A_329 = arith.constant 7 : i32
          %add3A_330 = arith.addi %mul3A_102, %add3A_329 : i32
          %get3A_331 = arith.index_cast %add3A_330 : i32 to index
          %get3A_332 = arith.constant 64 : index
          %get3A_333 = tpu.vector_load %arg5[%get3A_331, %get3A_332] {strides = array<i32>} : memref<512x128xf32, #tpu.memory_space<vmem>>, vector<1x16xf32>,
          %get3A_334 = vector.shape_cast %get3A_333 : vector<1x16xf32> to vector<16xf32>
          %add3A_335 = arith.addf %get3A_328, %get3A_334 : vector<16xf32>
          %swap3A_336 = arith.index_cast %squeeze3A_172 : i32 to index
          %swap3A_337 = arith.constant 64 : index
          %swap3A_338 = tpu.vector_load %arg8[%swap3A_336, %swap3A_337] {strides = array<i32>} : memref<320x128xf32, #tpu.memory_space<vmem>>, vector<1x16xf32>,
          %swap3A_339 = vector.shape_cast %swap3A_338 : vector<1x16xf32> to vector<16xf32>
          %swap3A_340 = vector.shape_cast %add3A_335 : vector<16xf32> to vector<1x16xf32>
          tpu.vector_store %arg8[%swap3A_336, %swap3A_337], %swap3A_340 {strides = array<i32>} : memref<320x128xf32, #tpu.memory_space<vmem>>, vector<1x16xf32>,
          %get3A_341 = arith.index_cast %squeeze3A_172 : i32 to index
          %get3A_342 = arith.constant 80 : index
          %get3A_343 = tpu.vector_load %arg8[%get3A_341, %get3A_342] {strides = array<i32>} : memref<320x128xf32, #tpu.memory_space<vmem>>, vector<1x16xf32>,
          %get3A_344 = vector.shape_cast %get3A_343 : vector<1x16xf32> to vector<16xf32>
          %add3A_345 = arith.constant 7 : i32
          %add3A_346 = arith.addi %mul3A_102, %add3A_345 : i32
          %get3A_347 = arith.index_cast %add3A_346 : i32 to index
          %get3A_348 = arith.constant 80 : index
          %get3A_349 = tpu.vector_load %arg5[%get3A_347, %get3A_348] {strides = array<i32>} : memref<512x128xf32, #tpu.memory_space<vmem>>, vector<1x16xf32>,
          %get3A_350 = vector.shape_cast %get3A_349 : vector<1x16xf32> to vector<16xf32>
          %add3A_351 = arith.addf %get3A_344, %get3A_350 : vector<16xf32>
          %swap3A_352 = arith.index_cast %squeeze3A_172 : i32 to index
          %swap3A_353 = arith.constant 80 : index
          %swap3A_354 = tpu.vector_load %arg8[%swap3A_352, %swap3A_353] {strides = array<i32>} : memref<320x128xf32, #tpu.memory_space<vmem>>, vector<1x16xf32>,
          %swap3A_355 = vector.shape_cast %swap3A_354 : vector<1x16xf32> to vector<16xf32>
          %swap3A_356 = vector.shape_cast %add3A_351 : vector<16xf32> to vector<1x16xf32>
          tpu.vector_store %arg8[%swap3A_352, %swap3A_353], %swap3A_356 {strides = array<i32>} : memref<320x128xf32, #tpu.memory_space<vmem>>, vector<1x16xf32>,
          %get3A_357 = arith.index_cast %squeeze3A_172 : i32 to index
          %get3A_358 = arith.constant 96 : index
          %get3A_359 = tpu.vector_load %arg8[%get3A_357, %get3A_358] {strides = array<i32>} : memref<320x128xf32, #tpu.memory_space<vmem>>, vector<1x16xf32>,
          %get3A_360 = vector.shape_cast %get3A_359 : vector<1x16xf32> to vector<16xf32>
          %add3A_361 = arith.constant 7 : i32
          %add3A_362 = arith.addi %mul3A_102, %add3A_361 : i32
          %get3A_363 = arith.index_cast %add3A_362 : i32 to index
          %get3A_364 = arith.constant 96 : index
          %get3A_365 = tpu.vector_load %arg5[%get3A_363, %get3A_364] {strides = array<i32>} : memref<512x128xf32, #tpu.memory_space<vmem>>, vector<1x16xf32>,
          %get3A_366 = vector.shape_cast %get3A_365 : vector<1x16xf32> to vector<16xf32>
          %add3A_367 = arith.addf %get3A_360, %get3A_366 : vector<16xf32>
          %swap3A_368 = arith.index_cast %squeeze3A_172 : i32 to index
          %swap3A_369 = arith.constant 96 : index
          %swap3A_370 = tpu.vector_load %arg8[%swap3A_368, %swap3A_369] {strides = array<i32>} : memref<320x128xf32, #tpu.memory_space<vmem>>, vector<1x16xf32>,
          %swap3A_371 = vector.shape_cast %swap3A_370 : vector<1x16xf32> to vector<16xf32>
          %swap3A_372 = vector.shape_cast %add3A_367 : vector<16xf32> to vector<1x16xf32>
          tpu.vector_store %arg8[%swap3A_368, %swap3A_369], %swap3A_372 {strides = array<i32>} : memref<320x128xf32, #tpu.memory_space<vmem>>, vector<1x16xf32>,
          %get3A_373 = arith.index_cast %squeeze3A_172 : i32 to index
          %get3A_374 = arith.constant 112 : index
          %get3A_375 = tpu.vector_load %arg8[%get3A_373, %get3A_374] {strides = array<i32>} : memref<320x128xf32, #tpu.memory_space<vmem>>, vector<1x16xf32>,
          %get3A_376 = vector.shape_cast %get3A_375 : vector<1x16xf32> to vector<16xf32>
          %add3A_377 = arith.constant 7 : i32
          %add3A_378 = arith.addi %mul3A_102, %add3A_377 : i32
          %get3A_379 = arith.index_cast %add3A_378 : i32 to index
          %get3A_380 = arith.constant 112 : index
          %get3A_381 = tpu.vector_load %arg5[%get3A_379, %get3A_380] {strides = array<i32>} : memref<512x128xf32, #tpu.memory_space<vmem>>, vector<1x16xf32>,
          %get3A_382 = vector.shape_cast %get3A_381 : vector<1x16xf32> to vector<16xf32>
          %add3A_383 = arith.addf %get3A_376, %get3A_382 : vector<16xf32>
          %swap3A_384 = arith.index_cast %squeeze3A_172 : i32 to index
          %swap3A_385 = arith.constant 112 : index
          %swap3A_386 = tpu.vector_load %arg8[%swap3A_384, %swap3A_385] {strides = array<i32>} : memref<320x128xf32, #tpu.memory_space<vmem>>, vector<1x16xf32>,
          %swap3A_387 = vector.shape_cast %swap3A_386 : vector<1x16xf32> to vector<16xf32>
          %swap3A_388 = vector.shape_cast %add3A_383 : vector<16xf32> to vector<1x16xf32>
          tpu.vector_store %arg8[%swap3A_384, %swap3A_385], %swap3A_388 {strides = array<i32>} : memref<320x128xf32, #tpu.memory_space<vmem>>, vector<1x16xf32>,
        } else {
        }
        %slice3A_181 = vector.extract_strided_slice %sub3A_106 {offsets = [8], sizes = [1], strides = [1]} : vector<16xi32> to vector<1xi32>
        %squeeze3A_182 = vector.extract %slice3A_181[0] : i32 from vector<1xi32>
        %ge3A_183 = arith.constant 0 : i32
        %ge3A_184 = arith.cmpi sge, %squeeze3A_182, %ge3A_183 : i32
        %lt3A_185 = arith.constant 320 : i32
        %lt3A_186 = arith.cmpi slt, %squeeze3A_182, %lt3A_185 : i32
        %and3A_187 = arith.andi %ge3A_184, %lt3A_186 : i1
        %convert_element_type3A_188 = arith.extui %and3A_187 : i1 to i32
        %cond3A_189 = arith.constant 0 : i32
        %cond3A_190 = arith.cmpi ne, %convert_element_type3A_188, %cond3A_189 : i32
        scf.if %cond3A_190 {
          %get3A_262 = arith.index_cast %squeeze3A_182 : i32 to index
          %get3A_263 = arith.constant 0 : index
          %get3A_264 = tpu.vector_load %arg8[%get3A_262, %get3A_263] {strides = array<i32>} : memref<320x128xf32, #tpu.memory_space<vmem>>, vector<1x16xf32>,
          %get3A_265 = vector.shape_cast %get3A_264 : vector<1x16xf32> to vector<16xf32>
          %add3A_266 = arith.constant 8 : i32
          %add3A_267 = arith.addi %mul3A_102, %add3A_266 : i32
          %get3A_268 = arith.index_cast %add3A_267 : i32 to index
          %get3A_269 = arith.constant 0 : index
          %get3A_270 = tpu.vector_load %arg5[%get3A_268, %get3A_269] {strides = array<i32>} : memref<512x128xf32, #tpu.memory_space<vmem>>, vector<1x16xf32>,
          %get3A_271 = vector.shape_cast %get3A_270 : vector<1x16xf32> to vector<16xf32>
          %add3A_272 = arith.addf %get3A_265, %get3A_271 : vector<16xf32>
          %swap3A = arith.index_cast %squeeze3A_182 : i32 to index
          %swap3A_273 = arith.constant 0 : index
          %swap3A_274 = tpu.vector_load %arg8[%swap3A, %swap3A_273] {strides = array<i32>} : memref<320x128xf32, #tpu.memory_space<vmem>>, vector<1x16xf32>,
          %swap3A_275 = vector.shape_cast %swap3A_274 : vector<1x16xf32> to vector<16xf32>
          %swap3A_276 = vector.shape_cast %add3A_272 : vector<16xf32> to vector<1x16xf32>
          tpu.vector_store %arg8[%swap3A, %swap3A_273], %swap3A_276 {strides = array<i32>} : memref<320x128xf32, #tpu.memory_space<vmem>>, vector<1x16xf32>,
          %get3A_277 = arith.index_cast %squeeze3A_182 : i32 to index
          %get3A_278 = arith.constant 16 : index
          %get3A_279 = tpu.vector_load %arg8[%get3A_277, %get3A_278] {strides = array<i32>} : memref<320x128xf32, #tpu.memory_space<vmem>>, vector<1x16xf32>,
          %get3A_280 = vector.shape_cast %get3A_279 : vector<1x16xf32> to vector<16xf32>
          %add3A_281 = arith.constant 8 : i32
          %add3A_282 = arith.addi %mul3A_102, %add3A_281 : i32
          %get3A_283 = arith.index_cast %add3A_282 : i32 to index
          %get3A_284 = arith.constant 16 : index
          %get3A_285 = tpu.vector_load %arg5[%get3A_283, %get3A_284] {strides = array<i32>} : memref<512x128xf32, #tpu.memory_space<vmem>>, vector<1x16xf32>,
          %get3A_286 = vector.shape_cast %get3A_285 : vector<1x16xf32> to vector<16xf32>
          %add3A_287 = arith.addf %get3A_280, %get3A_286 : vector<16xf32>
          %swap3A_288 = arith.index_cast %squeeze3A_182 : i32 to index
          %swap3A_289 = arith.constant 16 : index
          %swap3A_290 = tpu.vector_load %arg8[%swap3A_288, %swap3A_289] {strides = array<i32>} : memref<320x128xf32, #tpu.memory_space<vmem>>, vector<1x16xf32>,
          %swap3A_291 = vector.shape_cast %swap3A_290 : vector<1x16xf32> to vector<16xf32>
          %swap3A_292 = vector.shape_cast %add3A_287 : vector<16xf32> to vector<1x16xf32>
          tpu.vector_store %arg8[%swap3A_288, %swap3A_289], %swap3A_292 {strides = array<i32>} : memref<320x128xf32, #tpu.memory_space<vmem>>, vector<1x16xf32>,
          %get3A_293 = arith.index_cast %squeeze3A_182 : i32 to index
          %get3A_294 = arith.constant 32 : index
          %get3A_295 = tpu.vector_load %arg8[%get3A_293, %get3A_294] {strides = array<i32>} : memref<320x128xf32, #tpu.memory_space<vmem>>, vector<1x16xf32>,
          %get3A_296 = vector.shape_cast %get3A_295 : vector<1x16xf32> to vector<16xf32>
          %add3A_297 = arith.constant 8 : i32
          %add3A_298 = arith.addi %mul3A_102, %add3A_297 : i32
          %get3A_299 = arith.index_cast %add3A_298 : i32 to index
          %get3A_300 = arith.constant 32 : index
          %get3A_301 = tpu.vector_load %arg5[%get3A_299, %get3A_300] {strides = array<i32>} : memref<512x128xf32, #tpu.memory_space<vmem>>, vector<1x16xf32>,
          %get3A_302 = vector.shape_cast %get3A_301 : vector<1x16xf32> to vector<16xf32>
          %add3A_303 = arith.addf %get3A_296, %get3A_302 : vector<16xf32>
          %swap3A_304 = arith.index_cast %squeeze3A_182 : i32 to index
          %swap3A_305 = arith.constant 32 : index
          %swap3A_306 = tpu.vector_load %arg8[%swap3A_304, %swap3A_305] {strides = array<i32>} : memref<320x128xf32, #tpu.memory_space<vmem>>, vector<1x16xf32>,
          %swap3A_307 = vector.shape_cast %swap3A_306 : vector<1x16xf32> to vector<16xf32>
          %swap3A_308 = vector.shape_cast %add3A_303 : vector<16xf32> to vector<1x16xf32>
          tpu.vector_store %arg8[%swap3A_304, %swap3A_305], %swap3A_308 {strides = array<i32>} : memref<320x128xf32, #tpu.memory_space<vmem>>, vector<1x16xf32>,
          %get3A_309 = arith.index_cast %squeeze3A_182 : i32 to index
          %get3A_310 = arith.constant 48 : index
          %get3A_311 = tpu.vector_load %arg8[%get3A_309, %get3A_310] {strides = array<i32>} : memref<320x128xf32, #tpu.memory_space<vmem>>, vector<1x16xf32>,
          %get3A_312 = vector.shape_cast %get3A_311 : vector<1x16xf32> to vector<16xf32>
          %add3A_313 = arith.constant 8 : i32
          %add3A_314 = arith.addi %mul3A_102, %add3A_313 : i32
          %get3A_315 = arith.index_cast %add3A_314 : i32 to index
          %get3A_316 = arith.constant 48 : index
          %get3A_317 = tpu.vector_load %arg5[%get3A_315, %get3A_316] {strides = array<i32>} : memref<512x128xf32, #tpu.memory_space<vmem>>, vector<1x16xf32>,
          %get3A_318 = vector.shape_cast %get3A_317 : vector<1x16xf32> to vector<16xf32>
          %add3A_319 = arith.addf %get3A_312, %get3A_318 : vector<16xf32>
          %swap3A_320 = arith.index_cast %squeeze3A_182 : i32 to index
          %swap3A_321 = arith.constant 48 : index
          %swap3A_322 = tpu.vector_load %arg8[%swap3A_320, %swap3A_321] {strides = array<i32>} : memref<320x128xf32, #tpu.memory_space<vmem>>, vector<1x16xf32>,
          %swap3A_323 = vector.shape_cast %swap3A_322 : vector<1x16xf32> to vector<16xf32>
          %swap3A_324 = vector.shape_cast %add3A_319 : vector<16xf32> to vector<1x16xf32>
          tpu.vector_store %arg8[%swap3A_320, %swap3A_321], %swap3A_324 {strides = array<i32>} : memref<320x128xf32, #tpu.memory_space<vmem>>, vector<1x16xf32>,
          %get3A_325 = arith.index_cast %squeeze3A_182 : i32 to index
          %get3A_326 = arith.constant 64 : index
          %get3A_327 = tpu.vector_load %arg8[%get3A_325, %get3A_326] {strides = array<i32>} : memref<320x128xf32, #tpu.memory_space<vmem>>, vector<1x16xf32>,
          %get3A_328 = vector.shape_cast %get3A_327 : vector<1x16xf32> to vector<16xf32>
          %add3A_329 = arith.constant 8 : i32
          %add3A_330 = arith.addi %mul3A_102, %add3A_329 : i32
          %get3A_331 = arith.index_cast %add3A_330 : i32 to index
          %get3A_332 = arith.constant 64 : index
          %get3A_333 = tpu.vector_load %arg5[%get3A_331, %get3A_332] {strides = array<i32>} : memref<512x128xf32, #tpu.memory_space<vmem>>, vector<1x16xf32>,
          %get3A_334 = vector.shape_cast %get3A_333 : vector<1x16xf32> to vector<16xf32>
          %add3A_335 = arith.addf %get3A_328, %get3A_334 : vector<16xf32>
          %swap3A_336 = arith.index_cast %squeeze3A_182 : i32 to index
          %swap3A_337 = arith.constant 64 : index
          %swap3A_338 = tpu.vector_load %arg8[%swap3A_336, %swap3A_337] {strides = array<i32>} : memref<320x128xf32, #tpu.memory_space<vmem>>, vector<1x16xf32>,
          %swap3A_339 = vector.shape_cast %swap3A_338 : vector<1x16xf32> to vector<16xf32>
          %swap3A_340 = vector.shape_cast %add3A_335 : vector<16xf32> to vector<1x16xf32>
          tpu.vector_store %arg8[%swap3A_336, %swap3A_337], %swap3A_340 {strides = array<i32>} : memref<320x128xf32, #tpu.memory_space<vmem>>, vector<1x16xf32>,
          %get3A_341 = arith.index_cast %squeeze3A_182 : i32 to index
          %get3A_342 = arith.constant 80 : index
          %get3A_343 = tpu.vector_load %arg8[%get3A_341, %get3A_342] {strides = array<i32>} : memref<320x128xf32, #tpu.memory_space<vmem>>, vector<1x16xf32>,
          %get3A_344 = vector.shape_cast %get3A_343 : vector<1x16xf32> to vector<16xf32>
          %add3A_345 = arith.constant 8 : i32
          %add3A_346 = arith.addi %mul3A_102, %add3A_345 : i32
          %get3A_347 = arith.index_cast %add3A_346 : i32 to index
          %get3A_348 = arith.constant 80 : index
          %get3A_349 = tpu.vector_load %arg5[%get3A_347, %get3A_348] {strides = array<i32>} : memref<512x128xf32, #tpu.memory_space<vmem>>, vector<1x16xf32>,
          %get3A_350 = vector.shape_cast %get3A_349 : vector<1x16xf32> to vector<16xf32>
          %add3A_351 = arith.addf %get3A_344, %get3A_350 : vector<16xf32>
          %swap3A_352 = arith.index_cast %squeeze3A_182 : i32 to index
          %swap3A_353 = arith.constant 80 : index
          %swap3A_354 = tpu.vector_load %arg8[%swap3A_352, %swap3A_353] {strides = array<i32>} : memref<320x128xf32, #tpu.memory_space<vmem>>, vector<1x16xf32>,
          %swap3A_355 = vector.shape_cast %swap3A_354 : vector<1x16xf32> to vector<16xf32>
          %swap3A_356 = vector.shape_cast %add3A_351 : vector<16xf32> to vector<1x16xf32>
          tpu.vector_store %arg8[%swap3A_352, %swap3A_353], %swap3A_356 {strides = array<i32>} : memref<320x128xf32, #tpu.memory_space<vmem>>, vector<1x16xf32>,
          %get3A_357 = arith.index_cast %squeeze3A_182 : i32 to index
          %get3A_358 = arith.constant 96 : index
          %get3A_359 = tpu.vector_load %arg8[%get3A_357, %get3A_358] {strides = array<i32>} : memref<320x128xf32, #tpu.memory_space<vmem>>, vector<1x16xf32>,
          %get3A_360 = vector.shape_cast %get3A_359 : vector<1x16xf32> to vector<16xf32>
          %add3A_361 = arith.constant 8 : i32
          %add3A_362 = arith.addi %mul3A_102, %add3A_361 : i32
          %get3A_363 = arith.index_cast %add3A_362 : i32 to index
          %get3A_364 = arith.constant 96 : index
          %get3A_365 = tpu.vector_load %arg5[%get3A_363, %get3A_364] {strides = array<i32>} : memref<512x128xf32, #tpu.memory_space<vmem>>, vector<1x16xf32>,
          %get3A_366 = vector.shape_cast %get3A_365 : vector<1x16xf32> to vector<16xf32>
          %add3A_367 = arith.addf %get3A_360, %get3A_366 : vector<16xf32>
          %swap3A_368 = arith.index_cast %squeeze3A_182 : i32 to index
          %swap3A_369 = arith.constant 96 : index
          %swap3A_370 = tpu.vector_load %arg8[%swap3A_368, %swap3A_369] {strides = array<i32>} : memref<320x128xf32, #tpu.memory_space<vmem>>, vector<1x16xf32>,
          %swap3A_371 = vector.shape_cast %swap3A_370 : vector<1x16xf32> to vector<16xf32>
          %swap3A_372 = vector.shape_cast %add3A_367 : vector<16xf32> to vector<1x16xf32>
          tpu.vector_store %arg8[%swap3A_368, %swap3A_369], %swap3A_372 {strides = array<i32>} : memref<320x128xf32, #tpu.memory_space<vmem>>, vector<1x16xf32>,
          %get3A_373 = arith.index_cast %squeeze3A_182 : i32 to index
          %get3A_374 = arith.constant 112 : index
          %get3A_375 = tpu.vector_load %arg8[%get3A_373, %get3A_374] {strides = array<i32>} : memref<320x128xf32, #tpu.memory_space<vmem>>, vector<1x16xf32>,
          %get3A_376 = vector.shape_cast %get3A_375 : vector<1x16xf32> to vector<16xf32>
          %add3A_377 = arith.constant 8 : i32
          %add3A_378 = arith.addi %mul3A_102, %add3A_377 : i32
          %get3A_379 = arith.index_cast %add3A_378 : i32 to index
          %get3A_380 = arith.constant 112 : index
          %get3A_381 = tpu.vector_load %arg5[%get3A_379, %get3A_380] {strides = array<i32>} : memref<512x128xf32, #tpu.memory_space<vmem>>, vector<1x16xf32>,
          %get3A_382 = vector.shape_cast %get3A_381 : vector<1x16xf32> to vector<16xf32>
          %add3A_383 = arith.addf %get3A_376, %get3A_382 : vector<16xf32>
          %swap3A_384 = arith.index_cast %squeeze3A_182 : i32 to index
          %swap3A_385 = arith.constant 112 : index
          %swap3A_386 = tpu.vector_load %arg8[%swap3A_384, %swap3A_385] {strides = array<i32>} : memref<320x128xf32, #tpu.memory_space<vmem>>, vector<1x16xf32>,
          %swap3A_387 = vector.shape_cast %swap3A_386 : vector<1x16xf32> to vector<16xf32>
          %swap3A_388 = vector.shape_cast %add3A_383 : vector<16xf32> to vector<1x16xf32>
          tpu.vector_store %arg8[%swap3A_384, %swap3A_385], %swap3A_388 {strides = array<i32>} : memref<320x128xf32, #tpu.memory_space<vmem>>, vector<1x16xf32>,
        } else {
        }
        %slice3A_191 = vector.extract_strided_slice %sub3A_106 {offsets = [9], sizes = [1], strides = [1]} : vector<16xi32> to vector<1xi32>
        %squeeze3A_192 = vector.extract %slice3A_191[0] : i32 from vector<1xi32>
        %ge3A_193 = arith.constant 0 : i32
        %ge3A_194 = arith.cmpi sge, %squeeze3A_192, %ge3A_193 : i32
        %lt3A_195 = arith.constant 320 : i32
        %lt3A_196 = arith.cmpi slt, %squeeze3A_192, %lt3A_195 : i32
        %and3A_197 = arith.andi %ge3A_194, %lt3A_196 : i1
        %convert_element_type3A_198 = arith.extui %and3A_197 : i1 to i32
        %cond3A_199 = arith.constant 0 : i32
        %cond3A_200 = arith.cmpi ne, %convert_element_type3A_198, %cond3A_199 : i32
        scf.if %cond3A_200 {
          %get3A_262 = arith.index_cast %squeeze3A_192 : i32 to index
          %get3A_263 = arith.constant 0 : index
          %get3A_264 = tpu.vector_load %arg8[%get3A_262, %get3A_263] {strides = array<i32>} : memref<320x128xf32, #tpu.memory_space<vmem>>, vector<1x16xf32>,
          %get3A_265 = vector.shape_cast %get3A_264 : vector<1x16xf32> to vector<16xf32>
          %add3A_266 = arith.constant 9 : i32
          %add3A_267 = arith.addi %mul3A_102, %add3A_266 : i32
          %get3A_268 = arith.index_cast %add3A_267 : i32 to index
          %get3A_269 = arith.constant 0 : index
          %get3A_270 = tpu.vector_load %arg5[%get3A_268, %get3A_269] {strides = array<i32>} : memref<512x128xf32, #tpu.memory_space<vmem>>, vector<1x16xf32>,
          %get3A_271 = vector.shape_cast %get3A_270 : vector<1x16xf32> to vector<16xf32>
          %add3A_272 = arith.addf %get3A_265, %get3A_271 : vector<16xf32>
          %swap3A = arith.index_cast %squeeze3A_192 : i32 to index
          %swap3A_273 = arith.constant 0 : index
          %swap3A_274 = tpu.vector_load %arg8[%swap3A, %swap3A_273] {strides = array<i32>} : memref<320x128xf32, #tpu.memory_space<vmem>>, vector<1x16xf32>,
          %swap3A_275 = vector.shape_cast %swap3A_274 : vector<1x16xf32> to vector<16xf32>
          %swap3A_276 = vector.shape_cast %add3A_272 : vector<16xf32> to vector<1x16xf32>
          tpu.vector_store %arg8[%swap3A, %swap3A_273], %swap3A_276 {strides = array<i32>} : memref<320x128xf32, #tpu.memory_space<vmem>>, vector<1x16xf32>,
          %get3A_277 = arith.index_cast %squeeze3A_192 : i32 to index
          %get3A_278 = arith.constant 16 : index
          %get3A_279 = tpu.vector_load %arg8[%get3A_277, %get3A_278] {strides = array<i32>} : memref<320x128xf32, #tpu.memory_space<vmem>>, vector<1x16xf32>,
          %get3A_280 = vector.shape_cast %get3A_279 : vector<1x16xf32> to vector<16xf32>
          %add3A_281 = arith.constant 9 : i32
          %add3A_282 = arith.addi %mul3A_102, %add3A_281 : i32
          %get3A_283 = arith.index_cast %add3A_282 : i32 to index
          %get3A_284 = arith.constant 16 : index
          %get3A_285 = tpu.vector_load %arg5[%get3A_283, %get3A_284] {strides = array<i32>} : memref<512x128xf32, #tpu.memory_space<vmem>>, vector<1x16xf32>,
          %get3A_286 = vector.shape_cast %get3A_285 : vector<1x16xf32> to vector<16xf32>
          %add3A_287 = arith.addf %get3A_280, %get3A_286 : vector<16xf32>
          %swap3A_288 = arith.index_cast %squeeze3A_192 : i32 to index
          %swap3A_289 = arith.constant 16 : index
          %swap3A_290 = tpu.vector_load %arg8[%swap3A_288, %swap3A_289] {strides = array<i32>} : memref<320x128xf32, #tpu.memory_space<vmem>>, vector<1x16xf32>,
          %swap3A_291 = vector.shape_cast %swap3A_290 : vector<1x16xf32> to vector<16xf32>
          %swap3A_292 = vector.shape_cast %add3A_287 : vector<16xf32> to vector<1x16xf32>
          tpu.vector_store %arg8[%swap3A_288, %swap3A_289], %swap3A_292 {strides = array<i32>} : memref<320x128xf32, #tpu.memory_space<vmem>>, vector<1x16xf32>,
          %get3A_293 = arith.index_cast %squeeze3A_192 : i32 to index
          %get3A_294 = arith.constant 32 : index
          %get3A_295 = tpu.vector_load %arg8[%get3A_293, %get3A_294] {strides = array<i32>} : memref<320x128xf32, #tpu.memory_space<vmem>>, vector<1x16xf32>,
          %get3A_296 = vector.shape_cast %get3A_295 : vector<1x16xf32> to vector<16xf32>
          %add3A_297 = arith.constant 9 : i32
          %add3A_298 = arith.addi %mul3A_102, %add3A_297 : i32
          %get3A_299 = arith.index_cast %add3A_298 : i32 to index
          %get3A_300 = arith.constant 32 : index
          %get3A_301 = tpu.vector_load %arg5[%get3A_299, %get3A_300] {strides = array<i32>} : memref<512x128xf32, #tpu.memory_space<vmem>>, vector<1x16xf32>,
          %get3A_302 = vector.shape_cast %get3A_301 : vector<1x16xf32> to vector<16xf32>
          %add3A_303 = arith.addf %get3A_296, %get3A_302 : vector<16xf32>
          %swap3A_304 = arith.index_cast %squeeze3A_192 : i32 to index
          %swap3A_305 = arith.constant 32 : index
          %swap3A_306 = tpu.vector_load %arg8[%swap3A_304, %swap3A_305] {strides = array<i32>} : memref<320x128xf32, #tpu.memory_space<vmem>>, vector<1x16xf32>,
          %swap3A_307 = vector.shape_cast %swap3A_306 : vector<1x16xf32> to vector<16xf32>
          %swap3A_308 = vector.shape_cast %add3A_303 : vector<16xf32> to vector<1x16xf32>
          tpu.vector_store %arg8[%swap3A_304, %swap3A_305], %swap3A_308 {strides = array<i32>} : memref<320x128xf32, #tpu.memory_space<vmem>>, vector<1x16xf32>,
          %get3A_309 = arith.index_cast %squeeze3A_192 : i32 to index
          %get3A_310 = arith.constant 48 : index
          %get3A_311 = tpu.vector_load %arg8[%get3A_309, %get3A_310] {strides = array<i32>} : memref<320x128xf32, #tpu.memory_space<vmem>>, vector<1x16xf32>,
          %get3A_312 = vector.shape_cast %get3A_311 : vector<1x16xf32> to vector<16xf32>
          %add3A_313 = arith.constant 9 : i32
          %add3A_314 = arith.addi %mul3A_102, %add3A_313 : i32
          %get3A_315 = arith.index_cast %add3A_314 : i32 to index
          %get3A_316 = arith.constant 48 : index
          %get3A_317 = tpu.vector_load %arg5[%get3A_315, %get3A_316] {strides = array<i32>} : memref<512x128xf32, #tpu.memory_space<vmem>>, vector<1x16xf32>,
          %get3A_318 = vector.shape_cast %get3A_317 : vector<1x16xf32> to vector<16xf32>
          %add3A_319 = arith.addf %get3A_312, %get3A_318 : vector<16xf32>
          %swap3A_320 = arith.index_cast %squeeze3A_192 : i32 to index
          %swap3A_321 = arith.constant 48 : index
          %swap3A_322 = tpu.vector_load %arg8[%swap3A_320, %swap3A_321] {strides = array<i32>} : memref<320x128xf32, #tpu.memory_space<vmem>>, vector<1x16xf32>,
          %swap3A_323 = vector.shape_cast %swap3A_322 : vector<1x16xf32> to vector<16xf32>
          %swap3A_324 = vector.shape_cast %add3A_319 : vector<16xf32> to vector<1x16xf32>
          tpu.vector_store %arg8[%swap3A_320, %swap3A_321], %swap3A_324 {strides = array<i32>} : memref<320x128xf32, #tpu.memory_space<vmem>>, vector<1x16xf32>,
          %get3A_325 = arith.index_cast %squeeze3A_192 : i32 to index
          %get3A_326 = arith.constant 64 : index
          %get3A_327 = tpu.vector_load %arg8[%get3A_325, %get3A_326] {strides = array<i32>} : memref<320x128xf32, #tpu.memory_space<vmem>>, vector<1x16xf32>,
          %get3A_328 = vector.shape_cast %get3A_327 : vector<1x16xf32> to vector<16xf32>
          %add3A_329 = arith.constant 9 : i32
          %add3A_330 = arith.addi %mul3A_102, %add3A_329 : i32
          %get3A_331 = arith.index_cast %add3A_330 : i32 to index
          %get3A_332 = arith.constant 64 : index
          %get3A_333 = tpu.vector_load %arg5[%get3A_331, %get3A_332] {strides = array<i32>} : memref<512x128xf32, #tpu.memory_space<vmem>>, vector<1x16xf32>,
          %get3A_334 = vector.shape_cast %get3A_333 : vector<1x16xf32> to vector<16xf32>
          %add3A_335 = arith.addf %get3A_328, %get3A_334 : vector<16xf32>
          %swap3A_336 = arith.index_cast %squeeze3A_192 : i32 to index
          %swap3A_337 = arith.constant 64 : index
          %swap3A_338 = tpu.vector_load %arg8[%swap3A_336, %swap3A_337] {strides = array<i32>} : memref<320x128xf32, #tpu.memory_space<vmem>>, vector<1x16xf32>,
          %swap3A_339 = vector.shape_cast %swap3A_338 : vector<1x16xf32> to vector<16xf32>
          %swap3A_340 = vector.shape_cast %add3A_335 : vector<16xf32> to vector<1x16xf32>
          tpu.vector_store %arg8[%swap3A_336, %swap3A_337], %swap3A_340 {strides = array<i32>} : memref<320x128xf32, #tpu.memory_space<vmem>>, vector<1x16xf32>,
          %get3A_341 = arith.index_cast %squeeze3A_192 : i32 to index
          %get3A_342 = arith.constant 80 : index
          %get3A_343 = tpu.vector_load %arg8[%get3A_341, %get3A_342] {strides = array<i32>} : memref<320x128xf32, #tpu.memory_space<vmem>>, vector<1x16xf32>,
          %get3A_344 = vector.shape_cast %get3A_343 : vector<1x16xf32> to vector<16xf32>
          %add3A_345 = arith.constant 9 : i32
          %add3A_346 = arith.addi %mul3A_102, %add3A_345 : i32
          %get3A_347 = arith.index_cast %add3A_346 : i32 to index
          %get3A_348 = arith.constant 80 : index
          %get3A_349 = tpu.vector_load %arg5[%get3A_347, %get3A_348] {strides = array<i32>} : memref<512x128xf32, #tpu.memory_space<vmem>>, vector<1x16xf32>,
          %get3A_350 = vector.shape_cast %get3A_349 : vector<1x16xf32> to vector<16xf32>
          %add3A_351 = arith.addf %get3A_344, %get3A_350 : vector<16xf32>
          %swap3A_352 = arith.index_cast %squeeze3A_192 : i32 to index
          %swap3A_353 = arith.constant 80 : index
          %swap3A_354 = tpu.vector_load %arg8[%swap3A_352, %swap3A_353] {strides = array<i32>} : memref<320x128xf32, #tpu.memory_space<vmem>>, vector<1x16xf32>,
          %swap3A_355 = vector.shape_cast %swap3A_354 : vector<1x16xf32> to vector<16xf32>
          %swap3A_356 = vector.shape_cast %add3A_351 : vector<16xf32> to vector<1x16xf32>
          tpu.vector_store %arg8[%swap3A_352, %swap3A_353], %swap3A_356 {strides = array<i32>} : memref<320x128xf32, #tpu.memory_space<vmem>>, vector<1x16xf32>,
          %get3A_357 = arith.index_cast %squeeze3A_192 : i32 to index
          %get3A_358 = arith.constant 96 : index
          %get3A_359 = tpu.vector_load %arg8[%get3A_357, %get3A_358] {strides = array<i32>} : memref<320x128xf32, #tpu.memory_space<vmem>>, vector<1x16xf32>,
          %get3A_360 = vector.shape_cast %get3A_359 : vector<1x16xf32> to vector<16xf32>
          %add3A_361 = arith.constant 9 : i32
          %add3A_362 = arith.addi %mul3A_102, %add3A_361 : i32
          %get3A_363 = arith.index_cast %add3A_362 : i32 to index
          %get3A_364 = arith.constant 96 : index
          %get3A_365 = tpu.vector_load %arg5[%get3A_363, %get3A_364] {strides = array<i32>} : memref<512x128xf32, #tpu.memory_space<vmem>>, vector<1x16xf32>,
          %get3A_366 = vector.shape_cast %get3A_365 : vector<1x16xf32> to vector<16xf32>
          %add3A_367 = arith.addf %get3A_360, %get3A_366 : vector<16xf32>
          %swap3A_368 = arith.index_cast %squeeze3A_192 : i32 to index
          %swap3A_369 = arith.constant 96 : index
          %swap3A_370 = tpu.vector_load %arg8[%swap3A_368, %swap3A_369] {strides = array<i32>} : memref<320x128xf32, #tpu.memory_space<vmem>>, vector<1x16xf32>,
          %swap3A_371 = vector.shape_cast %swap3A_370 : vector<1x16xf32> to vector<16xf32>
          %swap3A_372 = vector.shape_cast %add3A_367 : vector<16xf32> to vector<1x16xf32>
          tpu.vector_store %arg8[%swap3A_368, %swap3A_369], %swap3A_372 {strides = array<i32>} : memref<320x128xf32, #tpu.memory_space<vmem>>, vector<1x16xf32>,
          %get3A_373 = arith.index_cast %squeeze3A_192 : i32 to index
          %get3A_374 = arith.constant 112 : index
          %get3A_375 = tpu.vector_load %arg8[%get3A_373, %get3A_374] {strides = array<i32>} : memref<320x128xf32, #tpu.memory_space<vmem>>, vector<1x16xf32>,
          %get3A_376 = vector.shape_cast %get3A_375 : vector<1x16xf32> to vector<16xf32>
          %add3A_377 = arith.constant 9 : i32
          %add3A_378 = arith.addi %mul3A_102, %add3A_377 : i32
          %get3A_379 = arith.index_cast %add3A_378 : i32 to index
          %get3A_380 = arith.constant 112 : index
          %get3A_381 = tpu.vector_load %arg5[%get3A_379, %get3A_380] {strides = array<i32>} : memref<512x128xf32, #tpu.memory_space<vmem>>, vector<1x16xf32>,
          %get3A_382 = vector.shape_cast %get3A_381 : vector<1x16xf32> to vector<16xf32>
          %add3A_383 = arith.addf %get3A_376, %get3A_382 : vector<16xf32>
          %swap3A_384 = arith.index_cast %squeeze3A_192 : i32 to index
          %swap3A_385 = arith.constant 112 : index
          %swap3A_386 = tpu.vector_load %arg8[%swap3A_384, %swap3A_385] {strides = array<i32>} : memref<320x128xf32, #tpu.memory_space<vmem>>, vector<1x16xf32>,
          %swap3A_387 = vector.shape_cast %swap3A_386 : vector<1x16xf32> to vector<16xf32>
          %swap3A_388 = vector.shape_cast %add3A_383 : vector<16xf32> to vector<1x16xf32>
          tpu.vector_store %arg8[%swap3A_384, %swap3A_385], %swap3A_388 {strides = array<i32>} : memref<320x128xf32, #tpu.memory_space<vmem>>, vector<1x16xf32>,
        } else {
        }
        %slice3A_201 = vector.extract_strided_slice %sub3A_106 {offsets = [10], sizes = [1], strides = [1]} : vector<16xi32> to vector<1xi32>
        %squeeze3A_202 = vector.extract %slice3A_201[0] : i32 from vector<1xi32>
        %ge3A_203 = arith.constant 0 : i32
        %ge3A_204 = arith.cmpi sge, %squeeze3A_202, %ge3A_203 : i32
        %lt3A_205 = arith.constant 320 : i32
        %lt3A_206 = arith.cmpi slt, %squeeze3A_202, %lt3A_205 : i32
        %and3A_207 = arith.andi %ge3A_204, %lt3A_206 : i1
        %convert_element_type3A_208 = arith.extui %and3A_207 : i1 to i32
        %cond3A_209 = arith.constant 0 : i32
        %cond3A_210 = arith.cmpi ne, %convert_element_type3A_208, %cond3A_209 : i32
        scf.if %cond3A_210 {
          %get3A_262 = arith.index_cast %squeeze3A_202 : i32 to index
          %get3A_263 = arith.constant 0 : index
          %get3A_264 = tpu.vector_load %arg8[%get3A_262, %get3A_263] {strides = array<i32>} : memref<320x128xf32, #tpu.memory_space<vmem>>, vector<1x16xf32>,
          %get3A_265 = vector.shape_cast %get3A_264 : vector<1x16xf32> to vector<16xf32>
          %add3A_266 = arith.constant 10 : i32
          %add3A_267 = arith.addi %mul3A_102, %add3A_266 : i32
          %get3A_268 = arith.index_cast %add3A_267 : i32 to index
          %get3A_269 = arith.constant 0 : index
          %get3A_270 = tpu.vector_load %arg5[%get3A_268, %get3A_269] {strides = array<i32>} : memref<512x128xf32, #tpu.memory_space<vmem>>, vector<1x16xf32>,
          %get3A_271 = vector.shape_cast %get3A_270 : vector<1x16xf32> to vector<16xf32>
          %add3A_272 = arith.addf %get3A_265, %get3A_271 : vector<16xf32>
          %swap3A = arith.index_cast %squeeze3A_202 : i32 to index
          %swap3A_273 = arith.constant 0 : index
          %swap3A_274 = tpu.vector_load %arg8[%swap3A, %swap3A_273] {strides = array<i32>} : memref<320x128xf32, #tpu.memory_space<vmem>>, vector<1x16xf32>,
          %swap3A_275 = vector.shape_cast %swap3A_274 : vector<1x16xf32> to vector<16xf32>
          %swap3A_276 = vector.shape_cast %add3A_272 : vector<16xf32> to vector<1x16xf32>
          tpu.vector_store %arg8[%swap3A, %swap3A_273], %swap3A_276 {strides = array<i32>} : memref<320x128xf32, #tpu.memory_space<vmem>>, vector<1x16xf32>,
          %get3A_277 = arith.index_cast %squeeze3A_202 : i32 to index
          %get3A_278 = arith.constant 16 : index
          %get3A_279 = tpu.vector_load %arg8[%get3A_277, %get3A_278] {strides = array<i32>} : memref<320x128xf32, #tpu.memory_space<vmem>>, vector<1x16xf32>,
          %get3A_280 = vector.shape_cast %get3A_279 : vector<1x16xf32> to vector<16xf32>
          %add3A_281 = arith.constant 10 : i32
          %add3A_282 = arith.addi %mul3A_102, %add3A_281 : i32
          %get3A_283 = arith.index_cast %add3A_282 : i32 to index
          %get3A_284 = arith.constant 16 : index
          %get3A_285 = tpu.vector_load %arg5[%get3A_283, %get3A_284] {strides = array<i32>} : memref<512x128xf32, #tpu.memory_space<vmem>>, vector<1x16xf32>,
          %get3A_286 = vector.shape_cast %get3A_285 : vector<1x16xf32> to vector<16xf32>
          %add3A_287 = arith.addf %get3A_280, %get3A_286 : vector<16xf32>
          %swap3A_288 = arith.index_cast %squeeze3A_202 : i32 to index
          %swap3A_289 = arith.constant 16 : index
          %swap3A_290 = tpu.vector_load %arg8[%swap3A_288, %swap3A_289] {strides = array<i32>} : memref<320x128xf32, #tpu.memory_space<vmem>>, vector<1x16xf32>,
          %swap3A_291 = vector.shape_cast %swap3A_290 : vector<1x16xf32> to vector<16xf32>
          %swap3A_292 = vector.shape_cast %add3A_287 : vector<16xf32> to vector<1x16xf32>
          tpu.vector_store %arg8[%swap3A_288, %swap3A_289], %swap3A_292 {strides = array<i32>} : memref<320x128xf32, #tpu.memory_space<vmem>>, vector<1x16xf32>,
          %get3A_293 = arith.index_cast %squeeze3A_202 : i32 to index
          %get3A_294 = arith.constant 32 : index
          %get3A_295 = tpu.vector_load %arg8[%get3A_293, %get3A_294] {strides = array<i32>} : memref<320x128xf32, #tpu.memory_space<vmem>>, vector<1x16xf32>,
          %get3A_296 = vector.shape_cast %get3A_295 : vector<1x16xf32> to vector<16xf32>
          %add3A_297 = arith.constant 10 : i32
          %add3A_298 = arith.addi %mul3A_102, %add3A_297 : i32
          %get3A_299 = arith.index_cast %add3A_298 : i32 to index
          %get3A_300 = arith.constant 32 : index
          %get3A_301 = tpu.vector_load %arg5[%get3A_299, %get3A_300] {strides = array<i32>} : memref<512x128xf32, #tpu.memory_space<vmem>>, vector<1x16xf32>,
          %get3A_302 = vector.shape_cast %get3A_301 : vector<1x16xf32> to vector<16xf32>
          %add3A_303 = arith.addf %get3A_296, %get3A_302 : vector<16xf32>
          %swap3A_304 = arith.index_cast %squeeze3A_202 : i32 to index
          %swap3A_305 = arith.constant 32 : index
          %swap3A_306 = tpu.vector_load %arg8[%swap3A_304, %swap3A_305] {strides = array<i32>} : memref<320x128xf32, #tpu.memory_space<vmem>>, vector<1x16xf32>,
          %swap3A_307 = vector.shape_cast %swap3A_306 : vector<1x16xf32> to vector<16xf32>
          %swap3A_308 = vector.shape_cast %add3A_303 : vector<16xf32> to vector<1x16xf32>
          tpu.vector_store %arg8[%swap3A_304, %swap3A_305], %swap3A_308 {strides = array<i32>} : memref<320x128xf32, #tpu.memory_space<vmem>>, vector<1x16xf32>,
          %get3A_309 = arith.index_cast %squeeze3A_202 : i32 to index
          %get3A_310 = arith.constant 48 : index
          %get3A_311 = tpu.vector_load %arg8[%get3A_309, %get3A_310] {strides = array<i32>} : memref<320x128xf32, #tpu.memory_space<vmem>>, vector<1x16xf32>,
          %get3A_312 = vector.shape_cast %get3A_311 : vector<1x16xf32> to vector<16xf32>
          %add3A_313 = arith.constant 10 : i32
          %add3A_314 = arith.addi %mul3A_102, %add3A_313 : i32
          %get3A_315 = arith.index_cast %add3A_314 : i32 to index
          %get3A_316 = arith.constant 48 : index
          %get3A_317 = tpu.vector_load %arg5[%get3A_315, %get3A_316] {strides = array<i32>} : memref<512x128xf32, #tpu.memory_space<vmem>>, vector<1x16xf32>,
          %get3A_318 = vector.shape_cast %get3A_317 : vector<1x16xf32> to vector<16xf32>
          %add3A_319 = arith.addf %get3A_312, %get3A_318 : vector<16xf32>
          %swap3A_320 = arith.index_cast %squeeze3A_202 : i32 to index
          %swap3A_321 = arith.constant 48 : index
          %swap3A_322 = tpu.vector_load %arg8[%swap3A_320, %swap3A_321] {strides = array<i32>} : memref<320x128xf32, #tpu.memory_space<vmem>>, vector<1x16xf32>,
          %swap3A_323 = vector.shape_cast %swap3A_322 : vector<1x16xf32> to vector<16xf32>
          %swap3A_324 = vector.shape_cast %add3A_319 : vector<16xf32> to vector<1x16xf32>
          tpu.vector_store %arg8[%swap3A_320, %swap3A_321], %swap3A_324 {strides = array<i32>} : memref<320x128xf32, #tpu.memory_space<vmem>>, vector<1x16xf32>,
          %get3A_325 = arith.index_cast %squeeze3A_202 : i32 to index
          %get3A_326 = arith.constant 64 : index
          %get3A_327 = tpu.vector_load %arg8[%get3A_325, %get3A_326] {strides = array<i32>} : memref<320x128xf32, #tpu.memory_space<vmem>>, vector<1x16xf32>,
          %get3A_328 = vector.shape_cast %get3A_327 : vector<1x16xf32> to vector<16xf32>
          %add3A_329 = arith.constant 10 : i32
          %add3A_330 = arith.addi %mul3A_102, %add3A_329 : i32
          %get3A_331 = arith.index_cast %add3A_330 : i32 to index
          %get3A_332 = arith.constant 64 : index
          %get3A_333 = tpu.vector_load %arg5[%get3A_331, %get3A_332] {strides = array<i32>} : memref<512x128xf32, #tpu.memory_space<vmem>>, vector<1x16xf32>,
          %get3A_334 = vector.shape_cast %get3A_333 : vector<1x16xf32> to vector<16xf32>
          %add3A_335 = arith.addf %get3A_328, %get3A_334 : vector<16xf32>
          %swap3A_336 = arith.index_cast %squeeze3A_202 : i32 to index
          %swap3A_337 = arith.constant 64 : index
          %swap3A_338 = tpu.vector_load %arg8[%swap3A_336, %swap3A_337] {strides = array<i32>} : memref<320x128xf32, #tpu.memory_space<vmem>>, vector<1x16xf32>,
          %swap3A_339 = vector.shape_cast %swap3A_338 : vector<1x16xf32> to vector<16xf32>
          %swap3A_340 = vector.shape_cast %add3A_335 : vector<16xf32> to vector<1x16xf32>
          tpu.vector_store %arg8[%swap3A_336, %swap3A_337], %swap3A_340 {strides = array<i32>} : memref<320x128xf32, #tpu.memory_space<vmem>>, vector<1x16xf32>,
          %get3A_341 = arith.index_cast %squeeze3A_202 : i32 to index
          %get3A_342 = arith.constant 80 : index
          %get3A_343 = tpu.vector_load %arg8[%get3A_341, %get3A_342] {strides = array<i32>} : memref<320x128xf32, #tpu.memory_space<vmem>>, vector<1x16xf32>,
          %get3A_344 = vector.shape_cast %get3A_343 : vector<1x16xf32> to vector<16xf32>
          %add3A_345 = arith.constant 10 : i32
          %add3A_346 = arith.addi %mul3A_102, %add3A_345 : i32
          %get3A_347 = arith.index_cast %add3A_346 : i32 to index
          %get3A_348 = arith.constant 80 : index
          %get3A_349 = tpu.vector_load %arg5[%get3A_347, %get3A_348] {strides = array<i32>} : memref<512x128xf32, #tpu.memory_space<vmem>>, vector<1x16xf32>,
          %get3A_350 = vector.shape_cast %get3A_349 : vector<1x16xf32> to vector<16xf32>
          %add3A_351 = arith.addf %get3A_344, %get3A_350 : vector<16xf32>
          %swap3A_352 = arith.index_cast %squeeze3A_202 : i32 to index
          %swap3A_353 = arith.constant 80 : index
          %swap3A_354 = tpu.vector_load %arg8[%swap3A_352, %swap3A_353] {strides = array<i32>} : memref<320x128xf32, #tpu.memory_space<vmem>>, vector<1x16xf32>,
          %swap3A_355 = vector.shape_cast %swap3A_354 : vector<1x16xf32> to vector<16xf32>
          %swap3A_356 = vector.shape_cast %add3A_351 : vector<16xf32> to vector<1x16xf32>
          tpu.vector_store %arg8[%swap3A_352, %swap3A_353], %swap3A_356 {strides = array<i32>} : memref<320x128xf32, #tpu.memory_space<vmem>>, vector<1x16xf32>,
          %get3A_357 = arith.index_cast %squeeze3A_202 : i32 to index
          %get3A_358 = arith.constant 96 : index
          %get3A_359 = tpu.vector_load %arg8[%get3A_357, %get3A_358] {strides = array<i32>} : memref<320x128xf32, #tpu.memory_space<vmem>>, vector<1x16xf32>,
          %get3A_360 = vector.shape_cast %get3A_359 : vector<1x16xf32> to vector<16xf32>
          %add3A_361 = arith.constant 10 : i32
          %add3A_362 = arith.addi %mul3A_102, %add3A_361 : i32
          %get3A_363 = arith.index_cast %add3A_362 : i32 to index
          %get3A_364 = arith.constant 96 : index
          %get3A_365 = tpu.vector_load %arg5[%get3A_363, %get3A_364] {strides = array<i32>} : memref<512x128xf32, #tpu.memory_space<vmem>>, vector<1x16xf32>,
          %get3A_366 = vector.shape_cast %get3A_365 : vector<1x16xf32> to vector<16xf32>
          %add3A_367 = arith.addf %get3A_360, %get3A_366 : vector<16xf32>
          %swap3A_368 = arith.index_cast %squeeze3A_202 : i32 to index
          %swap3A_369 = arith.constant 96 : index
          %swap3A_370 = tpu.vector_load %arg8[%swap3A_368, %swap3A_369] {strides = array<i32>} : memref<320x128xf32, #tpu.memory_space<vmem>>, vector<1x16xf32>,
          %swap3A_371 = vector.shape_cast %swap3A_370 : vector<1x16xf32> to vector<16xf32>
          %swap3A_372 = vector.shape_cast %add3A_367 : vector<16xf32> to vector<1x16xf32>
          tpu.vector_store %arg8[%swap3A_368, %swap3A_369], %swap3A_372 {strides = array<i32>} : memref<320x128xf32, #tpu.memory_space<vmem>>, vector<1x16xf32>,
          %get3A_373 = arith.index_cast %squeeze3A_202 : i32 to index
          %get3A_374 = arith.constant 112 : index
          %get3A_375 = tpu.vector_load %arg8[%get3A_373, %get3A_374] {strides = array<i32>} : memref<320x128xf32, #tpu.memory_space<vmem>>, vector<1x16xf32>,
          %get3A_376 = vector.shape_cast %get3A_375 : vector<1x16xf32> to vector<16xf32>
          %add3A_377 = arith.constant 10 : i32
          %add3A_378 = arith.addi %mul3A_102, %add3A_377 : i32
          %get3A_379 = arith.index_cast %add3A_378 : i32 to index
          %get3A_380 = arith.constant 112 : index
          %get3A_381 = tpu.vector_load %arg5[%get3A_379, %get3A_380] {strides = array<i32>} : memref<512x128xf32, #tpu.memory_space<vmem>>, vector<1x16xf32>,
          %get3A_382 = vector.shape_cast %get3A_381 : vector<1x16xf32> to vector<16xf32>
          %add3A_383 = arith.addf %get3A_376, %get3A_382 : vector<16xf32>
          %swap3A_384 = arith.index_cast %squeeze3A_202 : i32 to index
          %swap3A_385 = arith.constant 112 : index
          %swap3A_386 = tpu.vector_load %arg8[%swap3A_384, %swap3A_385] {strides = array<i32>} : memref<320x128xf32, #tpu.memory_space<vmem>>, vector<1x16xf32>,
          %swap3A_387 = vector.shape_cast %swap3A_386 : vector<1x16xf32> to vector<16xf32>
          %swap3A_388 = vector.shape_cast %add3A_383 : vector<16xf32> to vector<1x16xf32>
          tpu.vector_store %arg8[%swap3A_384, %swap3A_385], %swap3A_388 {strides = array<i32>} : memref<320x128xf32, #tpu.memory_space<vmem>>, vector<1x16xf32>,
        } else {
        }
        %slice3A_211 = vector.extract_strided_slice %sub3A_106 {offsets = [11], sizes = [1], strides = [1]} : vector<16xi32> to vector<1xi32>
        %squeeze3A_212 = vector.extract %slice3A_211[0] : i32 from vector<1xi32>
        %ge3A_213 = arith.constant 0 : i32
        %ge3A_214 = arith.cmpi sge, %squeeze3A_212, %ge3A_213 : i32
        %lt3A_215 = arith.constant 320 : i32
        %lt3A_216 = arith.cmpi slt, %squeeze3A_212, %lt3A_215 : i32
        %and3A_217 = arith.andi %ge3A_214, %lt3A_216 : i1
        %convert_element_type3A_218 = arith.extui %and3A_217 : i1 to i32
        %cond3A_219 = arith.constant 0 : i32
        %cond3A_220 = arith.cmpi ne, %convert_element_type3A_218, %cond3A_219 : i32
        scf.if %cond3A_220 {
          %get3A_262 = arith.index_cast %squeeze3A_212 : i32 to index
          %get3A_263 = arith.constant 0 : index
          %get3A_264 = tpu.vector_load %arg8[%get3A_262, %get3A_263] {strides = array<i32>} : memref<320x128xf32, #tpu.memory_space<vmem>>, vector<1x16xf32>,
          %get3A_265 = vector.shape_cast %get3A_264 : vector<1x16xf32> to vector<16xf32>
          %add3A_266 = arith.constant 11 : i32
          %add3A_267 = arith.addi %mul3A_102, %add3A_266 : i32
          %get3A_268 = arith.index_cast %add3A_267 : i32 to index
          %get3A_269 = arith.constant 0 : index
          %get3A_270 = tpu.vector_load %arg5[%get3A_268, %get3A_269] {strides = array<i32>} : memref<512x128xf32, #tpu.memory_space<vmem>>, vector<1x16xf32>,
          %get3A_271 = vector.shape_cast %get3A_270 : vector<1x16xf32> to vector<16xf32>
          %add3A_272 = arith.addf %get3A_265, %get3A_271 : vector<16xf32>
          %swap3A = arith.index_cast %squeeze3A_212 : i32 to index
          %swap3A_273 = arith.constant 0 : index
          %swap3A_274 = tpu.vector_load %arg8[%swap3A, %swap3A_273] {strides = array<i32>} : memref<320x128xf32, #tpu.memory_space<vmem>>, vector<1x16xf32>,
          %swap3A_275 = vector.shape_cast %swap3A_274 : vector<1x16xf32> to vector<16xf32>
          %swap3A_276 = vector.shape_cast %add3A_272 : vector<16xf32> to vector<1x16xf32>
          tpu.vector_store %arg8[%swap3A, %swap3A_273], %swap3A_276 {strides = array<i32>} : memref<320x128xf32, #tpu.memory_space<vmem>>, vector<1x16xf32>,
          %get3A_277 = arith.index_cast %squeeze3A_212 : i32 to index
          %get3A_278 = arith.constant 16 : index
          %get3A_279 = tpu.vector_load %arg8[%get3A_277, %get3A_278] {strides = array<i32>} : memref<320x128xf32, #tpu.memory_space<vmem>>, vector<1x16xf32>,
          %get3A_280 = vector.shape_cast %get3A_279 : vector<1x16xf32> to vector<16xf32>
          %add3A_281 = arith.constant 11 : i32
          %add3A_282 = arith.addi %mul3A_102, %add3A_281 : i32
          %get3A_283 = arith.index_cast %add3A_282 : i32 to index
          %get3A_284 = arith.constant 16 : index
          %get3A_285 = tpu.vector_load %arg5[%get3A_283, %get3A_284] {strides = array<i32>} : memref<512x128xf32, #tpu.memory_space<vmem>>, vector<1x16xf32>,
          %get3A_286 = vector.shape_cast %get3A_285 : vector<1x16xf32> to vector<16xf32>
          %add3A_287 = arith.addf %get3A_280, %get3A_286 : vector<16xf32>
          %swap3A_288 = arith.index_cast %squeeze3A_212 : i32 to index
          %swap3A_289 = arith.constant 16 : index
          %swap3A_290 = tpu.vector_load %arg8[%swap3A_288, %swap3A_289] {strides = array<i32>} : memref<320x128xf32, #tpu.memory_space<vmem>>, vector<1x16xf32>,
          %swap3A_291 = vector.shape_cast %swap3A_290 : vector<1x16xf32> to vector<16xf32>
          %swap3A_292 = vector.shape_cast %add3A_287 : vector<16xf32> to vector<1x16xf32>
          tpu.vector_store %arg8[%swap3A_288, %swap3A_289], %swap3A_292 {strides = array<i32>} : memref<320x128xf32, #tpu.memory_space<vmem>>, vector<1x16xf32>,
          %get3A_293 = arith.index_cast %squeeze3A_212 : i32 to index
          %get3A_294 = arith.constant 32 : index
          %get3A_295 = tpu.vector_load %arg8[%get3A_293, %get3A_294] {strides = array<i32>} : memref<320x128xf32, #tpu.memory_space<vmem>>, vector<1x16xf32>,
          %get3A_296 = vector.shape_cast %get3A_295 : vector<1x16xf32> to vector<16xf32>
          %add3A_297 = arith.constant 11 : i32
          %add3A_298 = arith.addi %mul3A_102, %add3A_297 : i32
          %get3A_299 = arith.index_cast %add3A_298 : i32 to index
          %get3A_300 = arith.constant 32 : index
          %get3A_301 = tpu.vector_load %arg5[%get3A_299, %get3A_300] {strides = array<i32>} : memref<512x128xf32, #tpu.memory_space<vmem>>, vector<1x16xf32>,
          %get3A_302 = vector.shape_cast %get3A_301 : vector<1x16xf32> to vector<16xf32>
          %add3A_303 = arith.addf %get3A_296, %get3A_302 : vector<16xf32>
          %swap3A_304 = arith.index_cast %squeeze3A_212 : i32 to index
          %swap3A_305 = arith.constant 32 : index
          %swap3A_306 = tpu.vector_load %arg8[%swap3A_304, %swap3A_305] {strides = array<i32>} : memref<320x128xf32, #tpu.memory_space<vmem>>, vector<1x16xf32>,
          %swap3A_307 = vector.shape_cast %swap3A_306 : vector<1x16xf32> to vector<16xf32>
          %swap3A_308 = vector.shape_cast %add3A_303 : vector<16xf32> to vector<1x16xf32>
          tpu.vector_store %arg8[%swap3A_304, %swap3A_305], %swap3A_308 {strides = array<i32>} : memref<320x128xf32, #tpu.memory_space<vmem>>, vector<1x16xf32>,
          %get3A_309 = arith.index_cast %squeeze3A_212 : i32 to index
          %get3A_310 = arith.constant 48 : index
          %get3A_311 = tpu.vector_load %arg8[%get3A_309, %get3A_310] {strides = array<i32>} : memref<320x128xf32, #tpu.memory_space<vmem>>, vector<1x16xf32>,
          %get3A_312 = vector.shape_cast %get3A_311 : vector<1x16xf32> to vector<16xf32>
          %add3A_313 = arith.constant 11 : i32
          %add3A_314 = arith.addi %mul3A_102, %add3A_313 : i32
          %get3A_315 = arith.index_cast %add3A_314 : i32 to index
          %get3A_316 = arith.constant 48 : index
          %get3A_317 = tpu.vector_load %arg5[%get3A_315, %get3A_316] {strides = array<i32>} : memref<512x128xf32, #tpu.memory_space<vmem>>, vector<1x16xf32>,
          %get3A_318 = vector.shape_cast %get3A_317 : vector<1x16xf32> to vector<16xf32>
          %add3A_319 = arith.addf %get3A_312, %get3A_318 : vector<16xf32>
          %swap3A_320 = arith.index_cast %squeeze3A_212 : i32 to index
          %swap3A_321 = arith.constant 48 : index
          %swap3A_322 = tpu.vector_load %arg8[%swap3A_320, %swap3A_321] {strides = array<i32>} : memref<320x128xf32, #tpu.memory_space<vmem>>, vector<1x16xf32>,
          %swap3A_323 = vector.shape_cast %swap3A_322 : vector<1x16xf32> to vector<16xf32>
          %swap3A_324 = vector.shape_cast %add3A_319 : vector<16xf32> to vector<1x16xf32>
          tpu.vector_store %arg8[%swap3A_320, %swap3A_321], %swap3A_324 {strides = array<i32>} : memref<320x128xf32, #tpu.memory_space<vmem>>, vector<1x16xf32>,
          %get3A_325 = arith.index_cast %squeeze3A_212 : i32 to index
          %get3A_326 = arith.constant 64 : index
          %get3A_327 = tpu.vector_load %arg8[%get3A_325, %get3A_326] {strides = array<i32>} : memref<320x128xf32, #tpu.memory_space<vmem>>, vector<1x16xf32>,
          %get3A_328 = vector.shape_cast %get3A_327 : vector<1x16xf32> to vector<16xf32>
          %add3A_329 = arith.constant 11 : i32
          %add3A_330 = arith.addi %mul3A_102, %add3A_329 : i32
          %get3A_331 = arith.index_cast %add3A_330 : i32 to index
          %get3A_332 = arith.constant 64 : index
          %get3A_333 = tpu.vector_load %arg5[%get3A_331, %get3A_332] {strides = array<i32>} : memref<512x128xf32, #tpu.memory_space<vmem>>, vector<1x16xf32>,
          %get3A_334 = vector.shape_cast %get3A_333 : vector<1x16xf32> to vector<16xf32>
          %add3A_335 = arith.addf %get3A_328, %get3A_334 : vector<16xf32>
          %swap3A_336 = arith.index_cast %squeeze3A_212 : i32 to index
          %swap3A_337 = arith.constant 64 : index
          %swap3A_338 = tpu.vector_load %arg8[%swap3A_336, %swap3A_337] {strides = array<i32>} : memref<320x128xf32, #tpu.memory_space<vmem>>, vector<1x16xf32>,
          %swap3A_339 = vector.shape_cast %swap3A_338 : vector<1x16xf32> to vector<16xf32>
          %swap3A_340 = vector.shape_cast %add3A_335 : vector<16xf32> to vector<1x16xf32>
          tpu.vector_store %arg8[%swap3A_336, %swap3A_337], %swap3A_340 {strides = array<i32>} : memref<320x128xf32, #tpu.memory_space<vmem>>, vector<1x16xf32>,
          %get3A_341 = arith.index_cast %squeeze3A_212 : i32 to index
          %get3A_342 = arith.constant 80 : index
          %get3A_343 = tpu.vector_load %arg8[%get3A_341, %get3A_342] {strides = array<i32>} : memref<320x128xf32, #tpu.memory_space<vmem>>, vector<1x16xf32>,
          %get3A_344 = vector.shape_cast %get3A_343 : vector<1x16xf32> to vector<16xf32>
          %add3A_345 = arith.constant 11 : i32
          %add3A_346 = arith.addi %mul3A_102, %add3A_345 : i32
          %get3A_347 = arith.index_cast %add3A_346 : i32 to index
          %get3A_348 = arith.constant 80 : index
          %get3A_349 = tpu.vector_load %arg5[%get3A_347, %get3A_348] {strides = array<i32>} : memref<512x128xf32, #tpu.memory_space<vmem>>, vector<1x16xf32>,
          %get3A_350 = vector.shape_cast %get3A_349 : vector<1x16xf32> to vector<16xf32>
          %add3A_351 = arith.addf %get3A_344, %get3A_350 : vector<16xf32>
          %swap3A_352 = arith.index_cast %squeeze3A_212 : i32 to index
          %swap3A_353 = arith.constant 80 : index
          %swap3A_354 = tpu.vector_load %arg8[%swap3A_352, %swap3A_353] {strides = array<i32>} : memref<320x128xf32, #tpu.memory_space<vmem>>, vector<1x16xf32>,
          %swap3A_355 = vector.shape_cast %swap3A_354 : vector<1x16xf32> to vector<16xf32>
          %swap3A_356 = vector.shape_cast %add3A_351 : vector<16xf32> to vector<1x16xf32>
          tpu.vector_store %arg8[%swap3A_352, %swap3A_353], %swap3A_356 {strides = array<i32>} : memref<320x128xf32, #tpu.memory_space<vmem>>, vector<1x16xf32>,
          %get3A_357 = arith.index_cast %squeeze3A_212 : i32 to index
          %get3A_358 = arith.constant 96 : index
          %get3A_359 = tpu.vector_load %arg8[%get3A_357, %get3A_358] {strides = array<i32>} : memref<320x128xf32, #tpu.memory_space<vmem>>, vector<1x16xf32>,
          %get3A_360 = vector.shape_cast %get3A_359 : vector<1x16xf32> to vector<16xf32>
          %add3A_361 = arith.constant 11 : i32
          %add3A_362 = arith.addi %mul3A_102, %add3A_361 : i32
          %get3A_363 = arith.index_cast %add3A_362 : i32 to index
          %get3A_364 = arith.constant 96 : index
          %get3A_365 = tpu.vector_load %arg5[%get3A_363, %get3A_364] {strides = array<i32>} : memref<512x128xf32, #tpu.memory_space<vmem>>, vector<1x16xf32>,
          %get3A_366 = vector.shape_cast %get3A_365 : vector<1x16xf32> to vector<16xf32>
          %add3A_367 = arith.addf %get3A_360, %get3A_366 : vector<16xf32>
          %swap3A_368 = arith.index_cast %squeeze3A_212 : i32 to index
          %swap3A_369 = arith.constant 96 : index
          %swap3A_370 = tpu.vector_load %arg8[%swap3A_368, %swap3A_369] {strides = array<i32>} : memref<320x128xf32, #tpu.memory_space<vmem>>, vector<1x16xf32>,
          %swap3A_371 = vector.shape_cast %swap3A_370 : vector<1x16xf32> to vector<16xf32>
          %swap3A_372 = vector.shape_cast %add3A_367 : vector<16xf32> to vector<1x16xf32>
          tpu.vector_store %arg8[%swap3A_368, %swap3A_369], %swap3A_372 {strides = array<i32>} : memref<320x128xf32, #tpu.memory_space<vmem>>, vector<1x16xf32>,
          %get3A_373 = arith.index_cast %squeeze3A_212 : i32 to index
          %get3A_374 = arith.constant 112 : index
          %get3A_375 = tpu.vector_load %arg8[%get3A_373, %get3A_374] {strides = array<i32>} : memref<320x128xf32, #tpu.memory_space<vmem>>, vector<1x16xf32>,
          %get3A_376 = vector.shape_cast %get3A_375 : vector<1x16xf32> to vector<16xf32>
          %add3A_377 = arith.constant 11 : i32
          %add3A_378 = arith.addi %mul3A_102, %add3A_377 : i32
          %get3A_379 = arith.index_cast %add3A_378 : i32 to index
          %get3A_380 = arith.constant 112 : index
          %get3A_381 = tpu.vector_load %arg5[%get3A_379, %get3A_380] {strides = array<i32>} : memref<512x128xf32, #tpu.memory_space<vmem>>, vector<1x16xf32>,
          %get3A_382 = vector.shape_cast %get3A_381 : vector<1x16xf32> to vector<16xf32>
          %add3A_383 = arith.addf %get3A_376, %get3A_382 : vector<16xf32>
          %swap3A_384 = arith.index_cast %squeeze3A_212 : i32 to index
          %swap3A_385 = arith.constant 112 : index
          %swap3A_386 = tpu.vector_load %arg8[%swap3A_384, %swap3A_385] {strides = array<i32>} : memref<320x128xf32, #tpu.memory_space<vmem>>, vector<1x16xf32>,
          %swap3A_387 = vector.shape_cast %swap3A_386 : vector<1x16xf32> to vector<16xf32>
          %swap3A_388 = vector.shape_cast %add3A_383 : vector<16xf32> to vector<1x16xf32>
          tpu.vector_store %arg8[%swap3A_384, %swap3A_385], %swap3A_388 {strides = array<i32>} : memref<320x128xf32, #tpu.memory_space<vmem>>, vector<1x16xf32>,
        } else {
        }
        %slice3A_221 = vector.extract_strided_slice %sub3A_106 {offsets = [12], sizes = [1], strides = [1]} : vector<16xi32> to vector<1xi32>
        %squeeze3A_222 = vector.extract %slice3A_221[0] : i32 from vector<1xi32>
        %ge3A_223 = arith.constant 0 : i32
        %ge3A_224 = arith.cmpi sge, %squeeze3A_222, %ge3A_223 : i32
        %lt3A_225 = arith.constant 320 : i32
        %lt3A_226 = arith.cmpi slt, %squeeze3A_222, %lt3A_225 : i32
        %and3A_227 = arith.andi %ge3A_224, %lt3A_226 : i1
        %convert_element_type3A_228 = arith.extui %and3A_227 : i1 to i32
        %cond3A_229 = arith.constant 0 : i32
        %cond3A_230 = arith.cmpi ne, %convert_element_type3A_228, %cond3A_229 : i32
        scf.if %cond3A_230 {
          %get3A_262 = arith.index_cast %squeeze3A_222 : i32 to index
          %get3A_263 = arith.constant 0 : index
          %get3A_264 = tpu.vector_load %arg8[%get3A_262, %get3A_263] {strides = array<i32>} : memref<320x128xf32, #tpu.memory_space<vmem>>, vector<1x16xf32>,
          %get3A_265 = vector.shape_cast %get3A_264 : vector<1x16xf32> to vector<16xf32>
          %add3A_266 = arith.constant 12 : i32
          %add3A_267 = arith.addi %mul3A_102, %add3A_266 : i32
          %get3A_268 = arith.index_cast %add3A_267 : i32 to index
          %get3A_269 = arith.constant 0 : index
          %get3A_270 = tpu.vector_load %arg5[%get3A_268, %get3A_269] {strides = array<i32>} : memref<512x128xf32, #tpu.memory_space<vmem>>, vector<1x16xf32>,
          %get3A_271 = vector.shape_cast %get3A_270 : vector<1x16xf32> to vector<16xf32>
          %add3A_272 = arith.addf %get3A_265, %get3A_271 : vector<16xf32>
          %swap3A = arith.index_cast %squeeze3A_222 : i32 to index
          %swap3A_273 = arith.constant 0 : index
          %swap3A_274 = tpu.vector_load %arg8[%swap3A, %swap3A_273] {strides = array<i32>} : memref<320x128xf32, #tpu.memory_space<vmem>>, vector<1x16xf32>,
          %swap3A_275 = vector.shape_cast %swap3A_274 : vector<1x16xf32> to vector<16xf32>
          %swap3A_276 = vector.shape_cast %add3A_272 : vector<16xf32> to vector<1x16xf32>
          tpu.vector_store %arg8[%swap3A, %swap3A_273], %swap3A_276 {strides = array<i32>} : memref<320x128xf32, #tpu.memory_space<vmem>>, vector<1x16xf32>,
          %get3A_277 = arith.index_cast %squeeze3A_222 : i32 to index
          %get3A_278 = arith.constant 16 : index
          %get3A_279 = tpu.vector_load %arg8[%get3A_277, %get3A_278] {strides = array<i32>} : memref<320x128xf32, #tpu.memory_space<vmem>>, vector<1x16xf32>,
          %get3A_280 = vector.shape_cast %get3A_279 : vector<1x16xf32> to vector<16xf32>
          %add3A_281 = arith.constant 12 : i32
          %add3A_282 = arith.addi %mul3A_102, %add3A_281 : i32
          %get3A_283 = arith.index_cast %add3A_282 : i32 to index
          %get3A_284 = arith.constant 16 : index
          %get3A_285 = tpu.vector_load %arg5[%get3A_283, %get3A_284] {strides = array<i32>} : memref<512x128xf32, #tpu.memory_space<vmem>>, vector<1x16xf32>,
          %get3A_286 = vector.shape_cast %get3A_285 : vector<1x16xf32> to vector<16xf32>
          %add3A_287 = arith.addf %get3A_280, %get3A_286 : vector<16xf32>
          %swap3A_288 = arith.index_cast %squeeze3A_222 : i32 to index
          %swap3A_289 = arith.constant 16 : index
          %swap3A_290 = tpu.vector_load %arg8[%swap3A_288, %swap3A_289] {strides = array<i32>} : memref<320x128xf32, #tpu.memory_space<vmem>>, vector<1x16xf32>,
          %swap3A_291 = vector.shape_cast %swap3A_290 : vector<1x16xf32> to vector<16xf32>
          %swap3A_292 = vector.shape_cast %add3A_287 : vector<16xf32> to vector<1x16xf32>
          tpu.vector_store %arg8[%swap3A_288, %swap3A_289], %swap3A_292 {strides = array<i32>} : memref<320x128xf32, #tpu.memory_space<vmem>>, vector<1x16xf32>,
          %get3A_293 = arith.index_cast %squeeze3A_222 : i32 to index
          %get3A_294 = arith.constant 32 : index
          %get3A_295 = tpu.vector_load %arg8[%get3A_293, %get3A_294] {strides = array<i32>} : memref<320x128xf32, #tpu.memory_space<vmem>>, vector<1x16xf32>,
          %get3A_296 = vector.shape_cast %get3A_295 : vector<1x16xf32> to vector<16xf32>
          %add3A_297 = arith.constant 12 : i32
          %add3A_298 = arith.addi %mul3A_102, %add3A_297 : i32
          %get3A_299 = arith.index_cast %add3A_298 : i32 to index
          %get3A_300 = arith.constant 32 : index
          %get3A_301 = tpu.vector_load %arg5[%get3A_299, %get3A_300] {strides = array<i32>} : memref<512x128xf32, #tpu.memory_space<vmem>>, vector<1x16xf32>,
          %get3A_302 = vector.shape_cast %get3A_301 : vector<1x16xf32> to vector<16xf32>
          %add3A_303 = arith.addf %get3A_296, %get3A_302 : vector<16xf32>
          %swap3A_304 = arith.index_cast %squeeze3A_222 : i32 to index
          %swap3A_305 = arith.constant 32 : index
          %swap3A_306 = tpu.vector_load %arg8[%swap3A_304, %swap3A_305] {strides = array<i32>} : memref<320x128xf32, #tpu.memory_space<vmem>>, vector<1x16xf32>,
          %swap3A_307 = vector.shape_cast %swap3A_306 : vector<1x16xf32> to vector<16xf32>
          %swap3A_308 = vector.shape_cast %add3A_303 : vector<16xf32> to vector<1x16xf32>
          tpu.vector_store %arg8[%swap3A_304, %swap3A_305], %swap3A_308 {strides = array<i32>} : memref<320x128xf32, #tpu.memory_space<vmem>>, vector<1x16xf32>,
          %get3A_309 = arith.index_cast %squeeze3A_222 : i32 to index
          %get3A_310 = arith.constant 48 : index
          %get3A_311 = tpu.vector_load %arg8[%get3A_309, %get3A_310] {strides = array<i32>} : memref<320x128xf32, #tpu.memory_space<vmem>>, vector<1x16xf32>,
          %get3A_312 = vector.shape_cast %get3A_311 : vector<1x16xf32> to vector<16xf32>
          %add3A_313 = arith.constant 12 : i32
          %add3A_314 = arith.addi %mul3A_102, %add3A_313 : i32
          %get3A_315 = arith.index_cast %add3A_314 : i32 to index
          %get3A_316 = arith.constant 48 : index
          %get3A_317 = tpu.vector_load %arg5[%get3A_315, %get3A_316] {strides = array<i32>} : memref<512x128xf32, #tpu.memory_space<vmem>>, vector<1x16xf32>,
          %get3A_318 = vector.shape_cast %get3A_317 : vector<1x16xf32> to vector<16xf32>
          %add3A_319 = arith.addf %get3A_312, %get3A_318 : vector<16xf32>
          %swap3A_320 = arith.index_cast %squeeze3A_222 : i32 to index
          %swap3A_321 = arith.constant 48 : index
          %swap3A_322 = tpu.vector_load %arg8[%swap3A_320, %swap3A_321] {strides = array<i32>} : memref<320x128xf32, #tpu.memory_space<vmem>>, vector<1x16xf32>,
          %swap3A_323 = vector.shape_cast %swap3A_322 : vector<1x16xf32> to vector<16xf32>
          %swap3A_324 = vector.shape_cast %add3A_319 : vector<16xf32> to vector<1x16xf32>
          tpu.vector_store %arg8[%swap3A_320, %swap3A_321], %swap3A_324 {strides = array<i32>} : memref<320x128xf32, #tpu.memory_space<vmem>>, vector<1x16xf32>,
          %get3A_325 = arith.index_cast %squeeze3A_222 : i32 to index
          %get3A_326 = arith.constant 64 : index
          %get3A_327 = tpu.vector_load %arg8[%get3A_325, %get3A_326] {strides = array<i32>} : memref<320x128xf32, #tpu.memory_space<vmem>>, vector<1x16xf32>,
          %get3A_328 = vector.shape_cast %get3A_327 : vector<1x16xf32> to vector<16xf32>
          %add3A_329 = arith.constant 12 : i32
          %add3A_330 = arith.addi %mul3A_102, %add3A_329 : i32
          %get3A_331 = arith.index_cast %add3A_330 : i32 to index
          %get3A_332 = arith.constant 64 : index
          %get3A_333 = tpu.vector_load %arg5[%get3A_331, %get3A_332] {strides = array<i32>} : memref<512x128xf32, #tpu.memory_space<vmem>>, vector<1x16xf32>,
          %get3A_334 = vector.shape_cast %get3A_333 : vector<1x16xf32> to vector<16xf32>
          %add3A_335 = arith.addf %get3A_328, %get3A_334 : vector<16xf32>
          %swap3A_336 = arith.index_cast %squeeze3A_222 : i32 to index
          %swap3A_337 = arith.constant 64 : index
          %swap3A_338 = tpu.vector_load %arg8[%swap3A_336, %swap3A_337] {strides = array<i32>} : memref<320x128xf32, #tpu.memory_space<vmem>>, vector<1x16xf32>,
          %swap3A_339 = vector.shape_cast %swap3A_338 : vector<1x16xf32> to vector<16xf32>
          %swap3A_340 = vector.shape_cast %add3A_335 : vector<16xf32> to vector<1x16xf32>
          tpu.vector_store %arg8[%swap3A_336, %swap3A_337], %swap3A_340 {strides = array<i32>} : memref<320x128xf32, #tpu.memory_space<vmem>>, vector<1x16xf32>,
          %get3A_341 = arith.index_cast %squeeze3A_222 : i32 to index
          %get3A_342 = arith.constant 80 : index
          %get3A_343 = tpu.vector_load %arg8[%get3A_341, %get3A_342] {strides = array<i32>} : memref<320x128xf32, #tpu.memory_space<vmem>>, vector<1x16xf32>,
          %get3A_344 = vector.shape_cast %get3A_343 : vector<1x16xf32> to vector<16xf32>
          %add3A_345 = arith.constant 12 : i32
          %add3A_346 = arith.addi %mul3A_102, %add3A_345 : i32
          %get3A_347 = arith.index_cast %add3A_346 : i32 to index
          %get3A_348 = arith.constant 80 : index
          %get3A_349 = tpu.vector_load %arg5[%get3A_347, %get3A_348] {strides = array<i32>} : memref<512x128xf32, #tpu.memory_space<vmem>>, vector<1x16xf32>,
          %get3A_350 = vector.shape_cast %get3A_349 : vector<1x16xf32> to vector<16xf32>
          %add3A_351 = arith.addf %get3A_344, %get3A_350 : vector<16xf32>
          %swap3A_352 = arith.index_cast %squeeze3A_222 : i32 to index
          %swap3A_353 = arith.constant 80 : index
          %swap3A_354 = tpu.vector_load %arg8[%swap3A_352, %swap3A_353] {strides = array<i32>} : memref<320x128xf32, #tpu.memory_space<vmem>>, vector<1x16xf32>,
          %swap3A_355 = vector.shape_cast %swap3A_354 : vector<1x16xf32> to vector<16xf32>
          %swap3A_356 = vector.shape_cast %add3A_351 : vector<16xf32> to vector<1x16xf32>
          tpu.vector_store %arg8[%swap3A_352, %swap3A_353], %swap3A_356 {strides = array<i32>} : memref<320x128xf32, #tpu.memory_space<vmem>>, vector<1x16xf32>,
          %get3A_357 = arith.index_cast %squeeze3A_222 : i32 to index
          %get3A_358 = arith.constant 96 : index
          %get3A_359 = tpu.vector_load %arg8[%get3A_357, %get3A_358] {strides = array<i32>} : memref<320x128xf32, #tpu.memory_space<vmem>>, vector<1x16xf32>,
          %get3A_360 = vector.shape_cast %get3A_359 : vector<1x16xf32> to vector<16xf32>
          %add3A_361 = arith.constant 12 : i32
          %add3A_362 = arith.addi %mul3A_102, %add3A_361 : i32
          %get3A_363 = arith.index_cast %add3A_362 : i32 to index
          %get3A_364 = arith.constant 96 : index
          %get3A_365 = tpu.vector_load %arg5[%get3A_363, %get3A_364] {strides = array<i32>} : memref<512x128xf32, #tpu.memory_space<vmem>>, vector<1x16xf32>,
          %get3A_366 = vector.shape_cast %get3A_365 : vector<1x16xf32> to vector<16xf32>
          %add3A_367 = arith.addf %get3A_360, %get3A_366 : vector<16xf32>
          %swap3A_368 = arith.index_cast %squeeze3A_222 : i32 to index
          %swap3A_369 = arith.constant 96 : index
          %swap3A_370 = tpu.vector_load %arg8[%swap3A_368, %swap3A_369] {strides = array<i32>} : memref<320x128xf32, #tpu.memory_space<vmem>>, vector<1x16xf32>,
          %swap3A_371 = vector.shape_cast %swap3A_370 : vector<1x16xf32> to vector<16xf32>
          %swap3A_372 = vector.shape_cast %add3A_367 : vector<16xf32> to vector<1x16xf32>
          tpu.vector_store %arg8[%swap3A_368, %swap3A_369], %swap3A_372 {strides = array<i32>} : memref<320x128xf32, #tpu.memory_space<vmem>>, vector<1x16xf32>,
          %get3A_373 = arith.index_cast %squeeze3A_222 : i32 to index
          %get3A_374 = arith.constant 112 : index
          %get3A_375 = tpu.vector_load %arg8[%get3A_373, %get3A_374] {strides = array<i32>} : memref<320x128xf32, #tpu.memory_space<vmem>>, vector<1x16xf32>,
          %get3A_376 = vector.shape_cast %get3A_375 : vector<1x16xf32> to vector<16xf32>
          %add3A_377 = arith.constant 12 : i32
          %add3A_378 = arith.addi %mul3A_102, %add3A_377 : i32
          %get3A_379 = arith.index_cast %add3A_378 : i32 to index
          %get3A_380 = arith.constant 112 : index
          %get3A_381 = tpu.vector_load %arg5[%get3A_379, %get3A_380] {strides = array<i32>} : memref<512x128xf32, #tpu.memory_space<vmem>>, vector<1x16xf32>,
          %get3A_382 = vector.shape_cast %get3A_381 : vector<1x16xf32> to vector<16xf32>
          %add3A_383 = arith.addf %get3A_376, %get3A_382 : vector<16xf32>
          %swap3A_384 = arith.index_cast %squeeze3A_222 : i32 to index
          %swap3A_385 = arith.constant 112 : index
          %swap3A_386 = tpu.vector_load %arg8[%swap3A_384, %swap3A_385] {strides = array<i32>} : memref<320x128xf32, #tpu.memory_space<vmem>>, vector<1x16xf32>,
          %swap3A_387 = vector.shape_cast %swap3A_386 : vector<1x16xf32> to vector<16xf32>
          %swap3A_388 = vector.shape_cast %add3A_383 : vector<16xf32> to vector<1x16xf32>
          tpu.vector_store %arg8[%swap3A_384, %swap3A_385], %swap3A_388 {strides = array<i32>} : memref<320x128xf32, #tpu.memory_space<vmem>>, vector<1x16xf32>,
        } else {
        }
        %slice3A_231 = vector.extract_strided_slice %sub3A_106 {offsets = [13], sizes = [1], strides = [1]} : vector<16xi32> to vector<1xi32>
        %squeeze3A_232 = vector.extract %slice3A_231[0] : i32 from vector<1xi32>
        %ge3A_233 = arith.constant 0 : i32
        %ge3A_234 = arith.cmpi sge, %squeeze3A_232, %ge3A_233 : i32
        %lt3A_235 = arith.constant 320 : i32
        %lt3A_236 = arith.cmpi slt, %squeeze3A_232, %lt3A_235 : i32
        %and3A_237 = arith.andi %ge3A_234, %lt3A_236 : i1
        %convert_element_type3A_238 = arith.extui %and3A_237 : i1 to i32
        %cond3A_239 = arith.constant 0 : i32
        %cond3A_240 = arith.cmpi ne, %convert_element_type3A_238, %cond3A_239 : i32
        scf.if %cond3A_240 {
          %get3A_262 = arith.index_cast %squeeze3A_232 : i32 to index
          %get3A_263 = arith.constant 0 : index
          %get3A_264 = tpu.vector_load %arg8[%get3A_262, %get3A_263] {strides = array<i32>} : memref<320x128xf32, #tpu.memory_space<vmem>>, vector<1x16xf32>,
          %get3A_265 = vector.shape_cast %get3A_264 : vector<1x16xf32> to vector<16xf32>
          %add3A_266 = arith.constant 13 : i32
          %add3A_267 = arith.addi %mul3A_102, %add3A_266 : i32
          %get3A_268 = arith.index_cast %add3A_267 : i32 to index
          %get3A_269 = arith.constant 0 : index
          %get3A_270 = tpu.vector_load %arg5[%get3A_268, %get3A_269] {strides = array<i32>} : memref<512x128xf32, #tpu.memory_space<vmem>>, vector<1x16xf32>,
          %get3A_271 = vector.shape_cast %get3A_270 : vector<1x16xf32> to vector<16xf32>
          %add3A_272 = arith.addf %get3A_265, %get3A_271 : vector<16xf32>
          %swap3A = arith.index_cast %squeeze3A_232 : i32 to index
          %swap3A_273 = arith.constant 0 : index
          %swap3A_274 = tpu.vector_load %arg8[%swap3A, %swap3A_273] {strides = array<i32>} : memref<320x128xf32, #tpu.memory_space<vmem>>, vector<1x16xf32>,
          %swap3A_275 = vector.shape_cast %swap3A_274 : vector<1x16xf32> to vector<16xf32>
          %swap3A_276 = vector.shape_cast %add3A_272 : vector<16xf32> to vector<1x16xf32>
          tpu.vector_store %arg8[%swap3A, %swap3A_273], %swap3A_276 {strides = array<i32>} : memref<320x128xf32, #tpu.memory_space<vmem>>, vector<1x16xf32>,
          %get3A_277 = arith.index_cast %squeeze3A_232 : i32 to index
          %get3A_278 = arith.constant 16 : index
          %get3A_279 = tpu.vector_load %arg8[%get3A_277, %get3A_278] {strides = array<i32>} : memref<320x128xf32, #tpu.memory_space<vmem>>, vector<1x16xf32>,
          %get3A_280 = vector.shape_cast %get3A_279 : vector<1x16xf32> to vector<16xf32>
          %add3A_281 = arith.constant 13 : i32
          %add3A_282 = arith.addi %mul3A_102, %add3A_281 : i32
          %get3A_283 = arith.index_cast %add3A_282 : i32 to index
          %get3A_284 = arith.constant 16 : index
          %get3A_285 = tpu.vector_load %arg5[%get3A_283, %get3A_284] {strides = array<i32>} : memref<512x128xf32, #tpu.memory_space<vmem>>, vector<1x16xf32>,
          %get3A_286 = vector.shape_cast %get3A_285 : vector<1x16xf32> to vector<16xf32>
          %add3A_287 = arith.addf %get3A_280, %get3A_286 : vector<16xf32>
          %swap3A_288 = arith.index_cast %squeeze3A_232 : i32 to index
          %swap3A_289 = arith.constant 16 : index
          %swap3A_290 = tpu.vector_load %arg8[%swap3A_288, %swap3A_289] {strides = array<i32>} : memref<320x128xf32, #tpu.memory_space<vmem>>, vector<1x16xf32>,
          %swap3A_291 = vector.shape_cast %swap3A_290 : vector<1x16xf32> to vector<16xf32>
          %swap3A_292 = vector.shape_cast %add3A_287 : vector<16xf32> to vector<1x16xf32>
          tpu.vector_store %arg8[%swap3A_288, %swap3A_289], %swap3A_292 {strides = array<i32>} : memref<320x128xf32, #tpu.memory_space<vmem>>, vector<1x16xf32>,
          %get3A_293 = arith.index_cast %squeeze3A_232 : i32 to index
          %get3A_294 = arith.constant 32 : index
          %get3A_295 = tpu.vector_load %arg8[%get3A_293, %get3A_294] {strides = array<i32>} : memref<320x128xf32, #tpu.memory_space<vmem>>, vector<1x16xf32>,
          %get3A_296 = vector.shape_cast %get3A_295 : vector<1x16xf32> to vector<16xf32>
          %add3A_297 = arith.constant 13 : i32
          %add3A_298 = arith.addi %mul3A_102, %add3A_297 : i32
          %get3A_299 = arith.index_cast %add3A_298 : i32 to index
          %get3A_300 = arith.constant 32 : index
          %get3A_301 = tpu.vector_load %arg5[%get3A_299, %get3A_300] {strides = array<i32>} : memref<512x128xf32, #tpu.memory_space<vmem>>, vector<1x16xf32>,
          %get3A_302 = vector.shape_cast %get3A_301 : vector<1x16xf32> to vector<16xf32>
          %add3A_303 = arith.addf %get3A_296, %get3A_302 : vector<16xf32>
          %swap3A_304 = arith.index_cast %squeeze3A_232 : i32 to index
          %swap3A_305 = arith.constant 32 : index
          %swap3A_306 = tpu.vector_load %arg8[%swap3A_304, %swap3A_305] {strides = array<i32>} : memref<320x128xf32, #tpu.memory_space<vmem>>, vector<1x16xf32>,
          %swap3A_307 = vector.shape_cast %swap3A_306 : vector<1x16xf32> to vector<16xf32>
          %swap3A_308 = vector.shape_cast %add3A_303 : vector<16xf32> to vector<1x16xf32>
          tpu.vector_store %arg8[%swap3A_304, %swap3A_305], %swap3A_308 {strides = array<i32>} : memref<320x128xf32, #tpu.memory_space<vmem>>, vector<1x16xf32>,
          %get3A_309 = arith.index_cast %squeeze3A_232 : i32 to index
          %get3A_310 = arith.constant 48 : index
          %get3A_311 = tpu.vector_load %arg8[%get3A_309, %get3A_310] {strides = array<i32>} : memref<320x128xf32, #tpu.memory_space<vmem>>, vector<1x16xf32>,
          %get3A_312 = vector.shape_cast %get3A_311 : vector<1x16xf32> to vector<16xf32>
          %add3A_313 = arith.constant 13 : i32
          %add3A_314 = arith.addi %mul3A_102, %add3A_313 : i32
          %get3A_315 = arith.index_cast %add3A_314 : i32 to index
          %get3A_316 = arith.constant 48 : index
          %get3A_317 = tpu.vector_load %arg5[%get3A_315, %get3A_316] {strides = array<i32>} : memref<512x128xf32, #tpu.memory_space<vmem>>, vector<1x16xf32>,
          %get3A_318 = vector.shape_cast %get3A_317 : vector<1x16xf32> to vector<16xf32>
          %add3A_319 = arith.addf %get3A_312, %get3A_318 : vector<16xf32>
          %swap3A_320 = arith.index_cast %squeeze3A_232 : i32 to index
          %swap3A_321 = arith.constant 48 : index
          %swap3A_322 = tpu.vector_load %arg8[%swap3A_320, %swap3A_321] {strides = array<i32>} : memref<320x128xf32, #tpu.memory_space<vmem>>, vector<1x16xf32>,
          %swap3A_323 = vector.shape_cast %swap3A_322 : vector<1x16xf32> to vector<16xf32>
          %swap3A_324 = vector.shape_cast %add3A_319 : vector<16xf32> to vector<1x16xf32>
          tpu.vector_store %arg8[%swap3A_320, %swap3A_321], %swap3A_324 {strides = array<i32>} : memref<320x128xf32, #tpu.memory_space<vmem>>, vector<1x16xf32>,
          %get3A_325 = arith.index_cast %squeeze3A_232 : i32 to index
          %get3A_326 = arith.constant 64 : index
          %get3A_327 = tpu.vector_load %arg8[%get3A_325, %get3A_326] {strides = array<i32>} : memref<320x128xf32, #tpu.memory_space<vmem>>, vector<1x16xf32>,
          %get3A_328 = vector.shape_cast %get3A_327 : vector<1x16xf32> to vector<16xf32>
          %add3A_329 = arith.constant 13 : i32
          %add3A_330 = arith.addi %mul3A_102, %add3A_329 : i32
          %get3A_331 = arith.index_cast %add3A_330 : i32 to index
          %get3A_332 = arith.constant 64 : index
          %get3A_333 = tpu.vector_load %arg5[%get3A_331, %get3A_332] {strides = array<i32>} : memref<512x128xf32, #tpu.memory_space<vmem>>, vector<1x16xf32>,
          %get3A_334 = vector.shape_cast %get3A_333 : vector<1x16xf32> to vector<16xf32>
          %add3A_335 = arith.addf %get3A_328, %get3A_334 : vector<16xf32>
          %swap3A_336 = arith.index_cast %squeeze3A_232 : i32 to index
          %swap3A_337 = arith.constant 64 : index
          %swap3A_338 = tpu.vector_load %arg8[%swap3A_336, %swap3A_337] {strides = array<i32>} : memref<320x128xf32, #tpu.memory_space<vmem>>, vector<1x16xf32>,
          %swap3A_339 = vector.shape_cast %swap3A_338 : vector<1x16xf32> to vector<16xf32>
          %swap3A_340 = vector.shape_cast %add3A_335 : vector<16xf32> to vector<1x16xf32>
          tpu.vector_store %arg8[%swap3A_336, %swap3A_337], %swap3A_340 {strides = array<i32>} : memref<320x128xf32, #tpu.memory_space<vmem>>, vector<1x16xf32>,
          %get3A_341 = arith.index_cast %squeeze3A_232 : i32 to index
          %get3A_342 = arith.constant 80 : index
          %get3A_343 = tpu.vector_load %arg8[%get3A_341, %get3A_342] {strides = array<i32>} : memref<320x128xf32, #tpu.memory_space<vmem>>, vector<1x16xf32>,
          %get3A_344 = vector.shape_cast %get3A_343 : vector<1x16xf32> to vector<16xf32>
          %add3A_345 = arith.constant 13 : i32
          %add3A_346 = arith.addi %mul3A_102, %add3A_345 : i32
          %get3A_347 = arith.index_cast %add3A_346 : i32 to index
          %get3A_348 = arith.constant 80 : index
          %get3A_349 = tpu.vector_load %arg5[%get3A_347, %get3A_348] {strides = array<i32>} : memref<512x128xf32, #tpu.memory_space<vmem>>, vector<1x16xf32>,
          %get3A_350 = vector.shape_cast %get3A_349 : vector<1x16xf32> to vector<16xf32>
          %add3A_351 = arith.addf %get3A_344, %get3A_350 : vector<16xf32>
          %swap3A_352 = arith.index_cast %squeeze3A_232 : i32 to index
          %swap3A_353 = arith.constant 80 : index
          %swap3A_354 = tpu.vector_load %arg8[%swap3A_352, %swap3A_353] {strides = array<i32>} : memref<320x128xf32, #tpu.memory_space<vmem>>, vector<1x16xf32>,
          %swap3A_355 = vector.shape_cast %swap3A_354 : vector<1x16xf32> to vector<16xf32>
          %swap3A_356 = vector.shape_cast %add3A_351 : vector<16xf32> to vector<1x16xf32>
          tpu.vector_store %arg8[%swap3A_352, %swap3A_353], %swap3A_356 {strides = array<i32>} : memref<320x128xf32, #tpu.memory_space<vmem>>, vector<1x16xf32>,
          %get3A_357 = arith.index_cast %squeeze3A_232 : i32 to index
          %get3A_358 = arith.constant 96 : index
          %get3A_359 = tpu.vector_load %arg8[%get3A_357, %get3A_358] {strides = array<i32>} : memref<320x128xf32, #tpu.memory_space<vmem>>, vector<1x16xf32>,
          %get3A_360 = vector.shape_cast %get3A_359 : vector<1x16xf32> to vector<16xf32>
          %add3A_361 = arith.constant 13 : i32
          %add3A_362 = arith.addi %mul3A_102, %add3A_361 : i32
          %get3A_363 = arith.index_cast %add3A_362 : i32 to index
          %get3A_364 = arith.constant 96 : index
          %get3A_365 = tpu.vector_load %arg5[%get3A_363, %get3A_364] {strides = array<i32>} : memref<512x128xf32, #tpu.memory_space<vmem>>, vector<1x16xf32>,
          %get3A_366 = vector.shape_cast %get3A_365 : vector<1x16xf32> to vector<16xf32>
          %add3A_367 = arith.addf %get3A_360, %get3A_366 : vector<16xf32>
          %swap3A_368 = arith.index_cast %squeeze3A_232 : i32 to index
          %swap3A_369 = arith.constant 96 : index
          %swap3A_370 = tpu.vector_load %arg8[%swap3A_368, %swap3A_369] {strides = array<i32>} : memref<320x128xf32, #tpu.memory_space<vmem>>, vector<1x16xf32>,
          %swap3A_371 = vector.shape_cast %swap3A_370 : vector<1x16xf32> to vector<16xf32>
          %swap3A_372 = vector.shape_cast %add3A_367 : vector<16xf32> to vector<1x16xf32>
          tpu.vector_store %arg8[%swap3A_368, %swap3A_369], %swap3A_372 {strides = array<i32>} : memref<320x128xf32, #tpu.memory_space<vmem>>, vector<1x16xf32>,
          %get3A_373 = arith.index_cast %squeeze3A_232 : i32 to index
          %get3A_374 = arith.constant 112 : index
          %get3A_375 = tpu.vector_load %arg8[%get3A_373, %get3A_374] {strides = array<i32>} : memref<320x128xf32, #tpu.memory_space<vmem>>, vector<1x16xf32>,
          %get3A_376 = vector.shape_cast %get3A_375 : vector<1x16xf32> to vector<16xf32>
          %add3A_377 = arith.constant 13 : i32
          %add3A_378 = arith.addi %mul3A_102, %add3A_377 : i32
          %get3A_379 = arith.index_cast %add3A_378 : i32 to index
          %get3A_380 = arith.constant 112 : index
          %get3A_381 = tpu.vector_load %arg5[%get3A_379, %get3A_380] {strides = array<i32>} : memref<512x128xf32, #tpu.memory_space<vmem>>, vector<1x16xf32>,
          %get3A_382 = vector.shape_cast %get3A_381 : vector<1x16xf32> to vector<16xf32>
          %add3A_383 = arith.addf %get3A_376, %get3A_382 : vector<16xf32>
          %swap3A_384 = arith.index_cast %squeeze3A_232 : i32 to index
          %swap3A_385 = arith.constant 112 : index
          %swap3A_386 = tpu.vector_load %arg8[%swap3A_384, %swap3A_385] {strides = array<i32>} : memref<320x128xf32, #tpu.memory_space<vmem>>, vector<1x16xf32>,
          %swap3A_387 = vector.shape_cast %swap3A_386 : vector<1x16xf32> to vector<16xf32>
          %swap3A_388 = vector.shape_cast %add3A_383 : vector<16xf32> to vector<1x16xf32>
          tpu.vector_store %arg8[%swap3A_384, %swap3A_385], %swap3A_388 {strides = array<i32>} : memref<320x128xf32, #tpu.memory_space<vmem>>, vector<1x16xf32>,
        } else {
        }
        %slice3A_241 = vector.extract_strided_slice %sub3A_106 {offsets = [14], sizes = [1], strides = [1]} : vector<16xi32> to vector<1xi32>
        %squeeze3A_242 = vector.extract %slice3A_241[0] : i32 from vector<1xi32>
        %ge3A_243 = arith.constant 0 : i32
        %ge3A_244 = arith.cmpi sge, %squeeze3A_242, %ge3A_243 : i32
        %lt3A_245 = arith.constant 320 : i32
        %lt3A_246 = arith.cmpi slt, %squeeze3A_242, %lt3A_245 : i32
        %and3A_247 = arith.andi %ge3A_244, %lt3A_246 : i1
        %convert_element_type3A_248 = arith.extui %and3A_247 : i1 to i32
        %cond3A_249 = arith.constant 0 : i32
        %cond3A_250 = arith.cmpi ne, %convert_element_type3A_248, %cond3A_249 : i32
        scf.if %cond3A_250 {
          %get3A_262 = arith.index_cast %squeeze3A_242 : i32 to index
          %get3A_263 = arith.constant 0 : index
          %get3A_264 = tpu.vector_load %arg8[%get3A_262, %get3A_263] {strides = array<i32>} : memref<320x128xf32, #tpu.memory_space<vmem>>, vector<1x16xf32>,
          %get3A_265 = vector.shape_cast %get3A_264 : vector<1x16xf32> to vector<16xf32>
          %add3A_266 = arith.constant 14 : i32
          %add3A_267 = arith.addi %mul3A_102, %add3A_266 : i32
          %get3A_268 = arith.index_cast %add3A_267 : i32 to index
          %get3A_269 = arith.constant 0 : index
          %get3A_270 = tpu.vector_load %arg5[%get3A_268, %get3A_269] {strides = array<i32>} : memref<512x128xf32, #tpu.memory_space<vmem>>, vector<1x16xf32>,
          %get3A_271 = vector.shape_cast %get3A_270 : vector<1x16xf32> to vector<16xf32>
          %add3A_272 = arith.addf %get3A_265, %get3A_271 : vector<16xf32>
          %swap3A = arith.index_cast %squeeze3A_242 : i32 to index
          %swap3A_273 = arith.constant 0 : index
          %swap3A_274 = tpu.vector_load %arg8[%swap3A, %swap3A_273] {strides = array<i32>} : memref<320x128xf32, #tpu.memory_space<vmem>>, vector<1x16xf32>,
          %swap3A_275 = vector.shape_cast %swap3A_274 : vector<1x16xf32> to vector<16xf32>
          %swap3A_276 = vector.shape_cast %add3A_272 : vector<16xf32> to vector<1x16xf32>
          tpu.vector_store %arg8[%swap3A, %swap3A_273], %swap3A_276 {strides = array<i32>} : memref<320x128xf32, #tpu.memory_space<vmem>>, vector<1x16xf32>,
          %get3A_277 = arith.index_cast %squeeze3A_242 : i32 to index
          %get3A_278 = arith.constant 16 : index
          %get3A_279 = tpu.vector_load %arg8[%get3A_277, %get3A_278] {strides = array<i32>} : memref<320x128xf32, #tpu.memory_space<vmem>>, vector<1x16xf32>,
          %get3A_280 = vector.shape_cast %get3A_279 : vector<1x16xf32> to vector<16xf32>
          %add3A_281 = arith.constant 14 : i32
          %add3A_282 = arith.addi %mul3A_102, %add3A_281 : i32
          %get3A_283 = arith.index_cast %add3A_282 : i32 to index
          %get3A_284 = arith.constant 16 : index
          %get3A_285 = tpu.vector_load %arg5[%get3A_283, %get3A_284] {strides = array<i32>} : memref<512x128xf32, #tpu.memory_space<vmem>>, vector<1x16xf32>,
          %get3A_286 = vector.shape_cast %get3A_285 : vector<1x16xf32> to vector<16xf32>
          %add3A_287 = arith.addf %get3A_280, %get3A_286 : vector<16xf32>
          %swap3A_288 = arith.index_cast %squeeze3A_242 : i32 to index
          %swap3A_289 = arith.constant 16 : index
          %swap3A_290 = tpu.vector_load %arg8[%swap3A_288, %swap3A_289] {strides = array<i32>} : memref<320x128xf32, #tpu.memory_space<vmem>>, vector<1x16xf32>,
          %swap3A_291 = vector.shape_cast %swap3A_290 : vector<1x16xf32> to vector<16xf32>
          %swap3A_292 = vector.shape_cast %add3A_287 : vector<16xf32> to vector<1x16xf32>
          tpu.vector_store %arg8[%swap3A_288, %swap3A_289], %swap3A_292 {strides = array<i32>} : memref<320x128xf32, #tpu.memory_space<vmem>>, vector<1x16xf32>,
          %get3A_293 = arith.index_cast %squeeze3A_242 : i32 to index
          %get3A_294 = arith.constant 32 : index
          %get3A_295 = tpu.vector_load %arg8[%get3A_293, %get3A_294] {strides = array<i32>} : memref<320x128xf32, #tpu.memory_space<vmem>>, vector<1x16xf32>,
          %get3A_296 = vector.shape_cast %get3A_295 : vector<1x16xf32> to vector<16xf32>
          %add3A_297 = arith.constant 14 : i32
          %add3A_298 = arith.addi %mul3A_102, %add3A_297 : i32
          %get3A_299 = arith.index_cast %add3A_298 : i32 to index
          %get3A_300 = arith.constant 32 : index
          %get3A_301 = tpu.vector_load %arg5[%get3A_299, %get3A_300] {strides = array<i32>} : memref<512x128xf32, #tpu.memory_space<vmem>>, vector<1x16xf32>,
          %get3A_302 = vector.shape_cast %get3A_301 : vector<1x16xf32> to vector<16xf32>
          %add3A_303 = arith.addf %get3A_296, %get3A_302 : vector<16xf32>
          %swap3A_304 = arith.index_cast %squeeze3A_242 : i32 to index
          %swap3A_305 = arith.constant 32 : index
          %swap3A_306 = tpu.vector_load %arg8[%swap3A_304, %swap3A_305] {strides = array<i32>} : memref<320x128xf32, #tpu.memory_space<vmem>>, vector<1x16xf32>,
          %swap3A_307 = vector.shape_cast %swap3A_306 : vector<1x16xf32> to vector<16xf32>
          %swap3A_308 = vector.shape_cast %add3A_303 : vector<16xf32> to vector<1x16xf32>
          tpu.vector_store %arg8[%swap3A_304, %swap3A_305], %swap3A_308 {strides = array<i32>} : memref<320x128xf32, #tpu.memory_space<vmem>>, vector<1x16xf32>,
          %get3A_309 = arith.index_cast %squeeze3A_242 : i32 to index
          %get3A_310 = arith.constant 48 : index
          %get3A_311 = tpu.vector_load %arg8[%get3A_309, %get3A_310] {strides = array<i32>} : memref<320x128xf32, #tpu.memory_space<vmem>>, vector<1x16xf32>,
          %get3A_312 = vector.shape_cast %get3A_311 : vector<1x16xf32> to vector<16xf32>
          %add3A_313 = arith.constant 14 : i32
          %add3A_314 = arith.addi %mul3A_102, %add3A_313 : i32
          %get3A_315 = arith.index_cast %add3A_314 : i32 to index
          %get3A_316 = arith.constant 48 : index
          %get3A_317 = tpu.vector_load %arg5[%get3A_315, %get3A_316] {strides = array<i32>} : memref<512x128xf32, #tpu.memory_space<vmem>>, vector<1x16xf32>,
          %get3A_318 = vector.shape_cast %get3A_317 : vector<1x16xf32> to vector<16xf32>
          %add3A_319 = arith.addf %get3A_312, %get3A_318 : vector<16xf32>
          %swap3A_320 = arith.index_cast %squeeze3A_242 : i32 to index
          %swap3A_321 = arith.constant 48 : index
          %swap3A_322 = tpu.vector_load %arg8[%swap3A_320, %swap3A_321] {strides = array<i32>} : memref<320x128xf32, #tpu.memory_space<vmem>>, vector<1x16xf32>,
          %swap3A_323 = vector.shape_cast %swap3A_322 : vector<1x16xf32> to vector<16xf32>
          %swap3A_324 = vector.shape_cast %add3A_319 : vector<16xf32> to vector<1x16xf32>
          tpu.vector_store %arg8[%swap3A_320, %swap3A_321], %swap3A_324 {strides = array<i32>} : memref<320x128xf32, #tpu.memory_space<vmem>>, vector<1x16xf32>,
          %get3A_325 = arith.index_cast %squeeze3A_242 : i32 to index
          %get3A_326 = arith.constant 64 : index
          %get3A_327 = tpu.vector_load %arg8[%get3A_325, %get3A_326] {strides = array<i32>} : memref<320x128xf32, #tpu.memory_space<vmem>>, vector<1x16xf32>,
          %get3A_328 = vector.shape_cast %get3A_327 : vector<1x16xf32> to vector<16xf32>
          %add3A_329 = arith.constant 14 : i32
          %add3A_330 = arith.addi %mul3A_102, %add3A_329 : i32
          %get3A_331 = arith.index_cast %add3A_330 : i32 to index
          %get3A_332 = arith.constant 64 : index
          %get3A_333 = tpu.vector_load %arg5[%get3A_331, %get3A_332] {strides = array<i32>} : memref<512x128xf32, #tpu.memory_space<vmem>>, vector<1x16xf32>,
          %get3A_334 = vector.shape_cast %get3A_333 : vector<1x16xf32> to vector<16xf32>
          %add3A_335 = arith.addf %get3A_328, %get3A_334 : vector<16xf32>
          %swap3A_336 = arith.index_cast %squeeze3A_242 : i32 to index
          %swap3A_337 = arith.constant 64 : index
          %swap3A_338 = tpu.vector_load %arg8[%swap3A_336, %swap3A_337] {strides = array<i32>} : memref<320x128xf32, #tpu.memory_space<vmem>>, vector<1x16xf32>,
          %swap3A_339 = vector.shape_cast %swap3A_338 : vector<1x16xf32> to vector<16xf32>
          %swap3A_340 = vector.shape_cast %add3A_335 : vector<16xf32> to vector<1x16xf32>
          tpu.vector_store %arg8[%swap3A_336, %swap3A_337], %swap3A_340 {strides = array<i32>} : memref<320x128xf32, #tpu.memory_space<vmem>>, vector<1x16xf32>,
          %get3A_341 = arith.index_cast %squeeze3A_242 : i32 to index
          %get3A_342 = arith.constant 80 : index
          %get3A_343 = tpu.vector_load %arg8[%get3A_341, %get3A_342] {strides = array<i32>} : memref<320x128xf32, #tpu.memory_space<vmem>>, vector<1x16xf32>,
          %get3A_344 = vector.shape_cast %get3A_343 : vector<1x16xf32> to vector<16xf32>
          %add3A_345 = arith.constant 14 : i32
          %add3A_346 = arith.addi %mul3A_102, %add3A_345 : i32
          %get3A_347 = arith.index_cast %add3A_346 : i32 to index
          %get3A_348 = arith.constant 80 : index
          %get3A_349 = tpu.vector_load %arg5[%get3A_347, %get3A_348] {strides = array<i32>} : memref<512x128xf32, #tpu.memory_space<vmem>>, vector<1x16xf32>,
          %get3A_350 = vector.shape_cast %get3A_349 : vector<1x16xf32> to vector<16xf32>
          %add3A_351 = arith.addf %get3A_344, %get3A_350 : vector<16xf32>
          %swap3A_352 = arith.index_cast %squeeze3A_242 : i32 to index
          %swap3A_353 = arith.constant 80 : index
          %swap3A_354 = tpu.vector_load %arg8[%swap3A_352, %swap3A_353] {strides = array<i32>} : memref<320x128xf32, #tpu.memory_space<vmem>>, vector<1x16xf32>,
          %swap3A_355 = vector.shape_cast %swap3A_354 : vector<1x16xf32> to vector<16xf32>
          %swap3A_356 = vector.shape_cast %add3A_351 : vector<16xf32> to vector<1x16xf32>
          tpu.vector_store %arg8[%swap3A_352, %swap3A_353], %swap3A_356 {strides = array<i32>} : memref<320x128xf32, #tpu.memory_space<vmem>>, vector<1x16xf32>,
          %get3A_357 = arith.index_cast %squeeze3A_242 : i32 to index
          %get3A_358 = arith.constant 96 : index
          %get3A_359 = tpu.vector_load %arg8[%get3A_357, %get3A_358] {strides = array<i32>} : memref<320x128xf32, #tpu.memory_space<vmem>>, vector<1x16xf32>,
          %get3A_360 = vector.shape_cast %get3A_359 : vector<1x16xf32> to vector<16xf32>
          %add3A_361 = arith.constant 14 : i32
          %add3A_362 = arith.addi %mul3A_102, %add3A_361 : i32
          %get3A_363 = arith.index_cast %add3A_362 : i32 to index
          %get3A_364 = arith.constant 96 : index
          %get3A_365 = tpu.vector_load %arg5[%get3A_363, %get3A_364] {strides = array<i32>} : memref<512x128xf32, #tpu.memory_space<vmem>>, vector<1x16xf32>,
          %get3A_366 = vector.shape_cast %get3A_365 : vector<1x16xf32> to vector<16xf32>
          %add3A_367 = arith.addf %get3A_360, %get3A_366 : vector<16xf32>
          %swap3A_368 = arith.index_cast %squeeze3A_242 : i32 to index
          %swap3A_369 = arith.constant 96 : index
          %swap3A_370 = tpu.vector_load %arg8[%swap3A_368, %swap3A_369] {strides = array<i32>} : memref<320x128xf32, #tpu.memory_space<vmem>>, vector<1x16xf32>,
          %swap3A_371 = vector.shape_cast %swap3A_370 : vector<1x16xf32> to vector<16xf32>
          %swap3A_372 = vector.shape_cast %add3A_367 : vector<16xf32> to vector<1x16xf32>
          tpu.vector_store %arg8[%swap3A_368, %swap3A_369], %swap3A_372 {strides = array<i32>} : memref<320x128xf32, #tpu.memory_space<vmem>>, vector<1x16xf32>,
          %get3A_373 = arith.index_cast %squeeze3A_242 : i32 to index
          %get3A_374 = arith.constant 112 : index
          %get3A_375 = tpu.vector_load %arg8[%get3A_373, %get3A_374] {strides = array<i32>} : memref<320x128xf32, #tpu.memory_space<vmem>>, vector<1x16xf32>,
          %get3A_376 = vector.shape_cast %get3A_375 : vector<1x16xf32> to vector<16xf32>
          %add3A_377 = arith.constant 14 : i32
          %add3A_378 = arith.addi %mul3A_102, %add3A_377 : i32
          %get3A_379 = arith.index_cast %add3A_378 : i32 to index
          %get3A_380 = arith.constant 112 : index
          %get3A_381 = tpu.vector_load %arg5[%get3A_379, %get3A_380] {strides = array<i32>} : memref<512x128xf32, #tpu.memory_space<vmem>>, vector<1x16xf32>,
          %get3A_382 = vector.shape_cast %get3A_381 : vector<1x16xf32> to vector<16xf32>
          %add3A_383 = arith.addf %get3A_376, %get3A_382 : vector<16xf32>
          %swap3A_384 = arith.index_cast %squeeze3A_242 : i32 to index
          %swap3A_385 = arith.constant 112 : index
          %swap3A_386 = tpu.vector_load %arg8[%swap3A_384, %swap3A_385] {strides = array<i32>} : memref<320x128xf32, #tpu.memory_space<vmem>>, vector<1x16xf32>,
          %swap3A_387 = vector.shape_cast %swap3A_386 : vector<1x16xf32> to vector<16xf32>
          %swap3A_388 = vector.shape_cast %add3A_383 : vector<16xf32> to vector<1x16xf32>
          tpu.vector_store %arg8[%swap3A_384, %swap3A_385], %swap3A_388 {strides = array<i32>} : memref<320x128xf32, #tpu.memory_space<vmem>>, vector<1x16xf32>,
        } else {
        }
        %slice3A_251 = vector.extract_strided_slice %sub3A_106 {offsets = [15], sizes = [1], strides = [1]} : vector<16xi32> to vector<1xi32>
        %squeeze3A_252 = vector.extract %slice3A_251[0] : i32 from vector<1xi32>
        %ge3A_253 = arith.constant 0 : i32
        %ge3A_254 = arith.cmpi sge, %squeeze3A_252, %ge3A_253 : i32
        %lt3A_255 = arith.constant 320 : i32
        %lt3A_256 = arith.cmpi slt, %squeeze3A_252, %lt3A_255 : i32
        %and3A_257 = arith.andi %ge3A_254, %lt3A_256 : i1
        %convert_element_type3A_258 = arith.extui %and3A_257 : i1 to i32
        %cond3A_259 = arith.constant 0 : i32
        %cond3A_260 = arith.cmpi ne, %convert_element_type3A_258, %cond3A_259 : i32
        scf.if %cond3A_260 {
          %get3A_262 = arith.index_cast %squeeze3A_252 : i32 to index
          %get3A_263 = arith.constant 0 : index
          %get3A_264 = tpu.vector_load %arg8[%get3A_262, %get3A_263] {strides = array<i32>} : memref<320x128xf32, #tpu.memory_space<vmem>>, vector<1x16xf32>,
          %get3A_265 = vector.shape_cast %get3A_264 : vector<1x16xf32> to vector<16xf32>
          %add3A_266 = arith.constant 15 : i32
          %add3A_267 = arith.addi %mul3A_102, %add3A_266 : i32
          %get3A_268 = arith.index_cast %add3A_267 : i32 to index
          %get3A_269 = arith.constant 0 : index
          %get3A_270 = tpu.vector_load %arg5[%get3A_268, %get3A_269] {strides = array<i32>} : memref<512x128xf32, #tpu.memory_space<vmem>>, vector<1x16xf32>,
          %get3A_271 = vector.shape_cast %get3A_270 : vector<1x16xf32> to vector<16xf32>
          %add3A_272 = arith.addf %get3A_265, %get3A_271 : vector<16xf32>
          %swap3A = arith.index_cast %squeeze3A_252 : i32 to index
          %swap3A_273 = arith.constant 0 : index
          %swap3A_274 = tpu.vector_load %arg8[%swap3A, %swap3A_273] {strides = array<i32>} : memref<320x128xf32, #tpu.memory_space<vmem>>, vector<1x16xf32>,
          %swap3A_275 = vector.shape_cast %swap3A_274 : vector<1x16xf32> to vector<16xf32>
          %swap3A_276 = vector.shape_cast %add3A_272 : vector<16xf32> to vector<1x16xf32>
          tpu.vector_store %arg8[%swap3A, %swap3A_273], %swap3A_276 {strides = array<i32>} : memref<320x128xf32, #tpu.memory_space<vmem>>, vector<1x16xf32>,
          %get3A_277 = arith.index_cast %squeeze3A_252 : i32 to index
          %get3A_278 = arith.constant 16 : index
          %get3A_279 = tpu.vector_load %arg8[%get3A_277, %get3A_278] {strides = array<i32>} : memref<320x128xf32, #tpu.memory_space<vmem>>, vector<1x16xf32>,
          %get3A_280 = vector.shape_cast %get3A_279 : vector<1x16xf32> to vector<16xf32>
          %add3A_281 = arith.constant 15 : i32
          %add3A_282 = arith.addi %mul3A_102, %add3A_281 : i32
          %get3A_283 = arith.index_cast %add3A_282 : i32 to index
          %get3A_284 = arith.constant 16 : index
          %get3A_285 = tpu.vector_load %arg5[%get3A_283, %get3A_284] {strides = array<i32>} : memref<512x128xf32, #tpu.memory_space<vmem>>, vector<1x16xf32>,
          %get3A_286 = vector.shape_cast %get3A_285 : vector<1x16xf32> to vector<16xf32>
          %add3A_287 = arith.addf %get3A_280, %get3A_286 : vector<16xf32>
          %swap3A_288 = arith.index_cast %squeeze3A_252 : i32 to index
          %swap3A_289 = arith.constant 16 : index
          %swap3A_290 = tpu.vector_load %arg8[%swap3A_288, %swap3A_289] {strides = array<i32>} : memref<320x128xf32, #tpu.memory_space<vmem>>, vector<1x16xf32>,
          %swap3A_291 = vector.shape_cast %swap3A_290 : vector<1x16xf32> to vector<16xf32>
          %swap3A_292 = vector.shape_cast %add3A_287 : vector<16xf32> to vector<1x16xf32>
          tpu.vector_store %arg8[%swap3A_288, %swap3A_289], %swap3A_292 {strides = array<i32>} : memref<320x128xf32, #tpu.memory_space<vmem>>, vector<1x16xf32>,
          %get3A_293 = arith.index_cast %squeeze3A_252 : i32 to index
          %get3A_294 = arith.constant 32 : index
          %get3A_295 = tpu.vector_load %arg8[%get3A_293, %get3A_294] {strides = array<i32>} : memref<320x128xf32, #tpu.memory_space<vmem>>, vector<1x16xf32>,
          %get3A_296 = vector.shape_cast %get3A_295 : vector<1x16xf32> to vector<16xf32>
          %add3A_297 = arith.constant 15 : i32
          %add3A_298 = arith.addi %mul3A_102, %add3A_297 : i32
          %get3A_299 = arith.index_cast %add3A_298 : i32 to index
          %get3A_300 = arith.constant 32 : index
          %get3A_301 = tpu.vector_load %arg5[%get3A_299, %get3A_300] {strides = array<i32>} : memref<512x128xf32, #tpu.memory_space<vmem>>, vector<1x16xf32>,
          %get3A_302 = vector.shape_cast %get3A_301 : vector<1x16xf32> to vector<16xf32>
          %add3A_303 = arith.addf %get3A_296, %get3A_302 : vector<16xf32>
          %swap3A_304 = arith.index_cast %squeeze3A_252 : i32 to index
          %swap3A_305 = arith.constant 32 : index
          %swap3A_306 = tpu.vector_load %arg8[%swap3A_304, %swap3A_305] {strides = array<i32>} : memref<320x128xf32, #tpu.memory_space<vmem>>, vector<1x16xf32>,
          %swap3A_307 = vector.shape_cast %swap3A_306 : vector<1x16xf32> to vector<16xf32>
          %swap3A_308 = vector.shape_cast %add3A_303 : vector<16xf32> to vector<1x16xf32>
          tpu.vector_store %arg8[%swap3A_304, %swap3A_305], %swap3A_308 {strides = array<i32>} : memref<320x128xf32, #tpu.memory_space<vmem>>, vector<1x16xf32>,
          %get3A_309 = arith.index_cast %squeeze3A_252 : i32 to index
          %get3A_310 = arith.constant 48 : index
          %get3A_311 = tpu.vector_load %arg8[%get3A_309, %get3A_310] {strides = array<i32>} : memref<320x128xf32, #tpu.memory_space<vmem>>, vector<1x16xf32>,
          %get3A_312 = vector.shape_cast %get3A_311 : vector<1x16xf32> to vector<16xf32>
          %add3A_313 = arith.constant 15 : i32
          %add3A_314 = arith.addi %mul3A_102, %add3A_313 : i32
          %get3A_315 = arith.index_cast %add3A_314 : i32 to index
          %get3A_316 = arith.constant 48 : index
          %get3A_317 = tpu.vector_load %arg5[%get3A_315, %get3A_316] {strides = array<i32>} : memref<512x128xf32, #tpu.memory_space<vmem>>, vector<1x16xf32>,
          %get3A_318 = vector.shape_cast %get3A_317 : vector<1x16xf32> to vector<16xf32>
          %add3A_319 = arith.addf %get3A_312, %get3A_318 : vector<16xf32>
          %swap3A_320 = arith.index_cast %squeeze3A_252 : i32 to index
          %swap3A_321 = arith.constant 48 : index
          %swap3A_322 = tpu.vector_load %arg8[%swap3A_320, %swap3A_321] {strides = array<i32>} : memref<320x128xf32, #tpu.memory_space<vmem>>, vector<1x16xf32>,
          %swap3A_323 = vector.shape_cast %swap3A_322 : vector<1x16xf32> to vector<16xf32>
          %swap3A_324 = vector.shape_cast %add3A_319 : vector<16xf32> to vector<1x16xf32>
          tpu.vector_store %arg8[%swap3A_320, %swap3A_321], %swap3A_324 {strides = array<i32>} : memref<320x128xf32, #tpu.memory_space<vmem>>, vector<1x16xf32>,
          %get3A_325 = arith.index_cast %squeeze3A_252 : i32 to index
          %get3A_326 = arith.constant 64 : index
          %get3A_327 = tpu.vector_load %arg8[%get3A_325, %get3A_326] {strides = array<i32>} : memref<320x128xf32, #tpu.memory_space<vmem>>, vector<1x16xf32>,
          %get3A_328 = vector.shape_cast %get3A_327 : vector<1x16xf32> to vector<16xf32>
          %add3A_329 = arith.constant 15 : i32
          %add3A_330 = arith.addi %mul3A_102, %add3A_329 : i32
          %get3A_331 = arith.index_cast %add3A_330 : i32 to index
          %get3A_332 = arith.constant 64 : index
          %get3A_333 = tpu.vector_load %arg5[%get3A_331, %get3A_332] {strides = array<i32>} : memref<512x128xf32, #tpu.memory_space<vmem>>, vector<1x16xf32>,
          %get3A_334 = vector.shape_cast %get3A_333 : vector<1x16xf32> to vector<16xf32>
          %add3A_335 = arith.addf %get3A_328, %get3A_334 : vector<16xf32>
          %swap3A_336 = arith.index_cast %squeeze3A_252 : i32 to index
          %swap3A_337 = arith.constant 64 : index
          %swap3A_338 = tpu.vector_load %arg8[%swap3A_336, %swap3A_337] {strides = array<i32>} : memref<320x128xf32, #tpu.memory_space<vmem>>, vector<1x16xf32>,
          %swap3A_339 = vector.shape_cast %swap3A_338 : vector<1x16xf32> to vector<16xf32>
          %swap3A_340 = vector.shape_cast %add3A_335 : vector<16xf32> to vector<1x16xf32>
          tpu.vector_store %arg8[%swap3A_336, %swap3A_337], %swap3A_340 {strides = array<i32>} : memref<320x128xf32, #tpu.memory_space<vmem>>, vector<1x16xf32>,
          %get3A_341 = arith.index_cast %squeeze3A_252 : i32 to index
          %get3A_342 = arith.constant 80 : index
          %get3A_343 = tpu.vector_load %arg8[%get3A_341, %get3A_342] {strides = array<i32>} : memref<320x128xf32, #tpu.memory_space<vmem>>, vector<1x16xf32>,
          %get3A_344 = vector.shape_cast %get3A_343 : vector<1x16xf32> to vector<16xf32>
          %add3A_345 = arith.constant 15 : i32
          %add3A_346 = arith.addi %mul3A_102, %add3A_345 : i32
          %get3A_347 = arith.index_cast %add3A_346 : i32 to index
          %get3A_348 = arith.constant 80 : index
          %get3A_349 = tpu.vector_load %arg5[%get3A_347, %get3A_348] {strides = array<i32>} : memref<512x128xf32, #tpu.memory_space<vmem>>, vector<1x16xf32>,
          %get3A_350 = vector.shape_cast %get3A_349 : vector<1x16xf32> to vector<16xf32>
          %add3A_351 = arith.addf %get3A_344, %get3A_350 : vector<16xf32>
          %swap3A_352 = arith.index_cast %squeeze3A_252 : i32 to index
          %swap3A_353 = arith.constant 80 : index
          %swap3A_354 = tpu.vector_load %arg8[%swap3A_352, %swap3A_353] {strides = array<i32>} : memref<320x128xf32, #tpu.memory_space<vmem>>, vector<1x16xf32>,
          %swap3A_355 = vector.shape_cast %swap3A_354 : vector<1x16xf32> to vector<16xf32>
          %swap3A_356 = vector.shape_cast %add3A_351 : vector<16xf32> to vector<1x16xf32>
          tpu.vector_store %arg8[%swap3A_352, %swap3A_353], %swap3A_356 {strides = array<i32>} : memref<320x128xf32, #tpu.memory_space<vmem>>, vector<1x16xf32>,
          %get3A_357 = arith.index_cast %squeeze3A_252 : i32 to index
          %get3A_358 = arith.constant 96 : index
          %get3A_359 = tpu.vector_load %arg8[%get3A_357, %get3A_358] {strides = array<i32>} : memref<320x128xf32, #tpu.memory_space<vmem>>, vector<1x16xf32>,
          %get3A_360 = vector.shape_cast %get3A_359 : vector<1x16xf32> to vector<16xf32>
          %add3A_361 = arith.constant 15 : i32
          %add3A_362 = arith.addi %mul3A_102, %add3A_361 : i32
          %get3A_363 = arith.index_cast %add3A_362 : i32 to index
          %get3A_364 = arith.constant 96 : index
          %get3A_365 = tpu.vector_load %arg5[%get3A_363, %get3A_364] {strides = array<i32>} : memref<512x128xf32, #tpu.memory_space<vmem>>, vector<1x16xf32>,
          %get3A_366 = vector.shape_cast %get3A_365 : vector<1x16xf32> to vector<16xf32>
          %add3A_367 = arith.addf %get3A_360, %get3A_366 : vector<16xf32>
          %swap3A_368 = arith.index_cast %squeeze3A_252 : i32 to index
          %swap3A_369 = arith.constant 96 : index
          %swap3A_370 = tpu.vector_load %arg8[%swap3A_368, %swap3A_369] {strides = array<i32>} : memref<320x128xf32, #tpu.memory_space<vmem>>, vector<1x16xf32>,
          %swap3A_371 = vector.shape_cast %swap3A_370 : vector<1x16xf32> to vector<16xf32>
          %swap3A_372 = vector.shape_cast %add3A_367 : vector<16xf32> to vector<1x16xf32>
          tpu.vector_store %arg8[%swap3A_368, %swap3A_369], %swap3A_372 {strides = array<i32>} : memref<320x128xf32, #tpu.memory_space<vmem>>, vector<1x16xf32>,
          %get3A_373 = arith.index_cast %squeeze3A_252 : i32 to index
          %get3A_374 = arith.constant 112 : index
          %get3A_375 = tpu.vector_load %arg8[%get3A_373, %get3A_374] {strides = array<i32>} : memref<320x128xf32, #tpu.memory_space<vmem>>, vector<1x16xf32>,
          %get3A_376 = vector.shape_cast %get3A_375 : vector<1x16xf32> to vector<16xf32>
          %add3A_377 = arith.constant 15 : i32
          %add3A_378 = arith.addi %mul3A_102, %add3A_377 : i32
          %get3A_379 = arith.index_cast %add3A_378 : i32 to index
          %get3A_380 = arith.constant 112 : index
          %get3A_381 = tpu.vector_load %arg5[%get3A_379, %get3A_380] {strides = array<i32>} : memref<512x128xf32, #tpu.memory_space<vmem>>, vector<1x16xf32>,
          %get3A_382 = vector.shape_cast %get3A_381 : vector<1x16xf32> to vector<16xf32>
          %add3A_383 = arith.addf %get3A_376, %get3A_382 : vector<16xf32>
          %swap3A_384 = arith.index_cast %squeeze3A_252 : i32 to index
          %swap3A_385 = arith.constant 112 : index
          %swap3A_386 = tpu.vector_load %arg8[%swap3A_384, %swap3A_385] {strides = array<i32>} : memref<320x128xf32, #tpu.memory_space<vmem>>, vector<1x16xf32>,
          %swap3A_387 = vector.shape_cast %swap3A_386 : vector<1x16xf32> to vector<16xf32>
          %swap3A_388 = vector.shape_cast %add3A_383 : vector<16xf32> to vector<1x16xf32>
          tpu.vector_store %arg8[%swap3A_384, %swap3A_385], %swap3A_388 {strides = array<i32>} : memref<320x128xf32, #tpu.memory_space<vmem>>, vector<1x16xf32>,
        } else {
        }
        %scan3A_261 = arith.constant 0 : i32
        scf.yield %scan3A_261 : i32
      }
      %scan3A_97 = arith.constant 32 : i32
      %while3A_98 = arith.constant 0 : i32
      scf.yield %while3A_98 : i32
    }
    %while3A_84 = arith.constant 1 : i32
    %while3A_85 = scf.for %while3A_86 = %while3A_81 to %while3A_77 step %while3A_84 iter_args(%while3A_87 = %while3A_83) -> (i32)  : i32 {
      %mul3A_88 = arith.constant 512 : i32
      %mul3A_89 = arith.muli %while3A_86, %mul3A_88 : i32
      %add3A_90 = arith.addi %mul3A_45, %mul3A_89 : i32
      "tpu.region"() ({
        %run_scoped3A = tpu.sem_alloc : memref<!tpu.dma_semaphore, #tpu.memory_space<semaphore_mem>>
        %dma_start3A = arith.constant 0 : i32
        %dma_start3A_99 = tpu.memref_slice %arg2[%add3A_90, %dma_start3A] : memref<320000x128xf32, #tpu.memory_space<hbm>> -> memref<512x128xf32, #tpu.memory_space<hbm>>
        %dma_start3A_100 = arith.constant 0 : i32
        %dma_start3A_101 = tpu.memref_slice %arg2[%add3A_90, %dma_start3A_100] : memref<320000x128xf32, #tpu.memory_space<hbm>> -> memref<512x128xf32, #tpu.memory_space<hbm>>
        tpu.enqueue_dma source(%dma_start3A_101 : memref<512x128xf32, #tpu.memory_space<hbm>>) target(%arg5 : memref<512x128xf32, #tpu.memory_space<vmem>>) target_semaphore(%run_scoped3A : memref<!tpu.dma_semaphore, #tpu.memory_space<semaphore_mem>>)
        %dma_wait3A = arith.constant 0 : i32
        %dma_wait3A_102 = tpu.memref_slice %arg2[%add3A_90, %dma_wait3A] : memref<320000x128xf32, #tpu.memory_space<hbm>> -> memref<512x128xf32, #tpu.memory_space<hbm>>
        %dma_wait3A_103 = arith.constant 0 : i32
        %dma_wait3A_104 = tpu.memref_slice %arg2[%add3A_90, %dma_wait3A_103] : memref<320000x128xf32, #tpu.memory_space<hbm>> -> memref<512x128xf32, #tpu.memory_space<hbm>>
        tpu.wait_dma2 semaphore(%run_scoped3A : memref<!tpu.dma_semaphore, #tpu.memory_space<semaphore_mem>>) src(%dma_wait3A_104 : memref<512x128xf32, #tpu.memory_space<hbm>>) dst(%arg5 : memref<512x128xf32, #tpu.memory_space<vmem>>)
        tpu.yield
      }) : () -> ()
      "tpu.region"() ({
        %run_scoped3A = tpu.sem_alloc : memref<!tpu.dma_semaphore, #tpu.memory_space<semaphore_mem>>
        %dma_start3A = arith.constant 0 : i32
        %dma_start3A_99 = tpu.memref_slice %arg6[%dma_start3A] : memref<528xi32, #tpu.memory_space<vmem>> -> memref<512xi32, #tpu.memory_space<vmem>>
        %dma_start3A_100 = tpu.memref_slice %arg3[%add3A_90] : memref<320000xi32, #tpu.memory_space<hbm>> -> memref<512xi32, #tpu.memory_space<hbm>>
        %dma_start3A_101 = arith.constant 0 : i32
        %dma_start3A_102 = tpu.memref_slice %arg6[%dma_start3A_101] : memref<528xi32, #tpu.memory_space<vmem>> -> memref<512xi32, #tpu.memory_space<vmem>>
        %dma_start3A_103 = tpu.memref_slice %arg3[%add3A_90] : memref<320000xi32, #tpu.memory_space<hbm>> -> memref<512xi32, #tpu.memory_space<hbm>>
        tpu.enqueue_dma source(%dma_start3A_103 : memref<512xi32, #tpu.memory_space<hbm>>) target(%dma_start3A_102 : memref<512xi32, #tpu.memory_space<vmem>>) target_semaphore(%run_scoped3A : memref<!tpu.dma_semaphore, #tpu.memory_space<semaphore_mem>>)
        %dma_wait3A = arith.constant 0 : i32
        %dma_wait3A_104 = tpu.memref_slice %arg6[%dma_wait3A] : memref<528xi32, #tpu.memory_space<vmem>> -> memref<512xi32, #tpu.memory_space<vmem>>
        %dma_wait3A_105 = tpu.memref_slice %arg3[%add3A_90] : memref<320000xi32, #tpu.memory_space<hbm>> -> memref<512xi32, #tpu.memory_space<hbm>>
        %dma_wait3A_106 = arith.constant 0 : i32
        %dma_wait3A_107 = tpu.memref_slice %arg6[%dma_wait3A_106] : memref<528xi32, #tpu.memory_space<vmem>> -> memref<512xi32, #tpu.memory_space<vmem>>
        %dma_wait3A_108 = tpu.memref_slice %arg3[%add3A_90] : memref<320000xi32, #tpu.memory_space<hbm>> -> memref<512xi32, #tpu.memory_space<hbm>>
        tpu.wait_dma2 semaphore(%run_scoped3A : memref<!tpu.dma_semaphore, #tpu.memory_space<semaphore_mem>>) src(%dma_wait3A_108 : memref<512xi32, #tpu.memory_space<hbm>>) dst(%dma_wait3A_107 : memref<512xi32, #tpu.memory_space<vmem>>)
        tpu.yield
      }) : () -> ()
      %scan3A_91 = arith.constant 0 : i32
      %scan3A_92 = arith.constant 0 : i32
      %scan3A_93 = arith.constant 32 : i32
      %scan3A_94 = arith.addi %scan3A_92, %scan3A_93 : i32
      %scan3A_95 = arith.constant 1 : i32
      %scan3A_96 = scf.for %scan3A_99 = %scan3A_92 to %scan3A_94 step %scan3A_95 iter_args(%scan3A_100 = %scan3A_91) -> (i32)  : i32 {
        %mul3A_101 = arith.constant 16 : i32
        %mul3A_102 = arith.muli %scan3A_99, %mul3A_101 : i32
        %get3A = arith.index_cast %mul3A_102 : i32 to index
        %get3A_103 = tpu.vector_load %arg6[%get3A] {strides = array<i32>} : memref<528xi32, #tpu.memory_space<vmem>>, vector<16xi32>,
        %get3A_104 = vector.shape_cast %get3A_103 : vector<16xi32> to vector<16xi32>
        %sub3A_105 = vector.broadcast %mul3A_2 : i32 to vector<16xi32>
        %sub3A_106 = arith.subi %get3A_104, %sub3A_105 : vector<16xi32>
        %slice3A = vector.extract_strided_slice %sub3A_106 {offsets = [0], sizes = [1], strides = [1]} : vector<16xi32> to vector<1xi32>
        %squeeze3A = vector.extract %slice3A[0] : i32 from vector<1xi32>
        %ge3A = arith.constant 0 : i32
        %ge3A_107 = arith.cmpi sge, %squeeze3A, %ge3A : i32
        %lt3A = arith.constant 320 : i32
        %lt3A_108 = arith.cmpi slt, %squeeze3A, %lt3A : i32
        %and3A_109 = arith.andi %ge3A_107, %lt3A_108 : i1
        %convert_element_type3A = arith.extui %and3A_109 : i1 to i32
        %cond3A = arith.constant 0 : i32
        %cond3A_110 = arith.cmpi ne, %convert_element_type3A, %cond3A : i32
        scf.if %cond3A_110 {
          %get3A_262 = arith.index_cast %squeeze3A : i32 to index
          %get3A_263 = arith.constant 0 : index
          %get3A_264 = tpu.vector_load %arg8[%get3A_262, %get3A_263] {strides = array<i32>} : memref<320x128xf32, #tpu.memory_space<vmem>>, vector<1x16xf32>,
          %get3A_265 = vector.shape_cast %get3A_264 : vector<1x16xf32> to vector<16xf32>
          %add3A_266 = arith.constant 0 : i32
          %add3A_267 = arith.addi %mul3A_102, %add3A_266 : i32
          %get3A_268 = arith.index_cast %add3A_267 : i32 to index
          %get3A_269 = arith.constant 0 : index
          %get3A_270 = tpu.vector_load %arg5[%get3A_268, %get3A_269] {strides = array<i32>} : memref<512x128xf32, #tpu.memory_space<vmem>>, vector<1x16xf32>,
          %get3A_271 = vector.shape_cast %get3A_270 : vector<1x16xf32> to vector<16xf32>
          %add3A_272 = arith.addf %get3A_265, %get3A_271 : vector<16xf32>
          %swap3A = arith.index_cast %squeeze3A : i32 to index
          %swap3A_273 = arith.constant 0 : index
          %swap3A_274 = tpu.vector_load %arg8[%swap3A, %swap3A_273] {strides = array<i32>} : memref<320x128xf32, #tpu.memory_space<vmem>>, vector<1x16xf32>,
          %swap3A_275 = vector.shape_cast %swap3A_274 : vector<1x16xf32> to vector<16xf32>
          %swap3A_276 = vector.shape_cast %add3A_272 : vector<16xf32> to vector<1x16xf32>
          tpu.vector_store %arg8[%swap3A, %swap3A_273], %swap3A_276 {strides = array<i32>} : memref<320x128xf32, #tpu.memory_space<vmem>>, vector<1x16xf32>,
          %get3A_277 = arith.index_cast %squeeze3A : i32 to index
          %get3A_278 = arith.constant 16 : index
          %get3A_279 = tpu.vector_load %arg8[%get3A_277, %get3A_278] {strides = array<i32>} : memref<320x128xf32, #tpu.memory_space<vmem>>, vector<1x16xf32>,
          %get3A_280 = vector.shape_cast %get3A_279 : vector<1x16xf32> to vector<16xf32>
          %add3A_281 = arith.constant 0 : i32
          %add3A_282 = arith.addi %mul3A_102, %add3A_281 : i32
          %get3A_283 = arith.index_cast %add3A_282 : i32 to index
          %get3A_284 = arith.constant 16 : index
          %get3A_285 = tpu.vector_load %arg5[%get3A_283, %get3A_284] {strides = array<i32>} : memref<512x128xf32, #tpu.memory_space<vmem>>, vector<1x16xf32>,
          %get3A_286 = vector.shape_cast %get3A_285 : vector<1x16xf32> to vector<16xf32>
          %add3A_287 = arith.addf %get3A_280, %get3A_286 : vector<16xf32>
          %swap3A_288 = arith.index_cast %squeeze3A : i32 to index
          %swap3A_289 = arith.constant 16 : index
          %swap3A_290 = tpu.vector_load %arg8[%swap3A_288, %swap3A_289] {strides = array<i32>} : memref<320x128xf32, #tpu.memory_space<vmem>>, vector<1x16xf32>,
          %swap3A_291 = vector.shape_cast %swap3A_290 : vector<1x16xf32> to vector<16xf32>
          %swap3A_292 = vector.shape_cast %add3A_287 : vector<16xf32> to vector<1x16xf32>
          tpu.vector_store %arg8[%swap3A_288, %swap3A_289], %swap3A_292 {strides = array<i32>} : memref<320x128xf32, #tpu.memory_space<vmem>>, vector<1x16xf32>,
          %get3A_293 = arith.index_cast %squeeze3A : i32 to index
          %get3A_294 = arith.constant 32 : index
          %get3A_295 = tpu.vector_load %arg8[%get3A_293, %get3A_294] {strides = array<i32>} : memref<320x128xf32, #tpu.memory_space<vmem>>, vector<1x16xf32>,
          %get3A_296 = vector.shape_cast %get3A_295 : vector<1x16xf32> to vector<16xf32>
          %add3A_297 = arith.constant 0 : i32
          %add3A_298 = arith.addi %mul3A_102, %add3A_297 : i32
          %get3A_299 = arith.index_cast %add3A_298 : i32 to index
          %get3A_300 = arith.constant 32 : index
          %get3A_301 = tpu.vector_load %arg5[%get3A_299, %get3A_300] {strides = array<i32>} : memref<512x128xf32, #tpu.memory_space<vmem>>, vector<1x16xf32>,
          %get3A_302 = vector.shape_cast %get3A_301 : vector<1x16xf32> to vector<16xf32>
          %add3A_303 = arith.addf %get3A_296, %get3A_302 : vector<16xf32>
          %swap3A_304 = arith.index_cast %squeeze3A : i32 to index
          %swap3A_305 = arith.constant 32 : index
          %swap3A_306 = tpu.vector_load %arg8[%swap3A_304, %swap3A_305] {strides = array<i32>} : memref<320x128xf32, #tpu.memory_space<vmem>>, vector<1x16xf32>,
          %swap3A_307 = vector.shape_cast %swap3A_306 : vector<1x16xf32> to vector<16xf32>
          %swap3A_308 = vector.shape_cast %add3A_303 : vector<16xf32> to vector<1x16xf32>
          tpu.vector_store %arg8[%swap3A_304, %swap3A_305], %swap3A_308 {strides = array<i32>} : memref<320x128xf32, #tpu.memory_space<vmem>>, vector<1x16xf32>,
          %get3A_309 = arith.index_cast %squeeze3A : i32 to index
          %get3A_310 = arith.constant 48 : index
          %get3A_311 = tpu.vector_load %arg8[%get3A_309, %get3A_310] {strides = array<i32>} : memref<320x128xf32, #tpu.memory_space<vmem>>, vector<1x16xf32>,
          %get3A_312 = vector.shape_cast %get3A_311 : vector<1x16xf32> to vector<16xf32>
          %add3A_313 = arith.constant 0 : i32
          %add3A_314 = arith.addi %mul3A_102, %add3A_313 : i32
          %get3A_315 = arith.index_cast %add3A_314 : i32 to index
          %get3A_316 = arith.constant 48 : index
          %get3A_317 = tpu.vector_load %arg5[%get3A_315, %get3A_316] {strides = array<i32>} : memref<512x128xf32, #tpu.memory_space<vmem>>, vector<1x16xf32>,
          %get3A_318 = vector.shape_cast %get3A_317 : vector<1x16xf32> to vector<16xf32>
          %add3A_319 = arith.addf %get3A_312, %get3A_318 : vector<16xf32>
          %swap3A_320 = arith.index_cast %squeeze3A : i32 to index
          %swap3A_321 = arith.constant 48 : index
          %swap3A_322 = tpu.vector_load %arg8[%swap3A_320, %swap3A_321] {strides = array<i32>} : memref<320x128xf32, #tpu.memory_space<vmem>>, vector<1x16xf32>,
          %swap3A_323 = vector.shape_cast %swap3A_322 : vector<1x16xf32> to vector<16xf32>
          %swap3A_324 = vector.shape_cast %add3A_319 : vector<16xf32> to vector<1x16xf32>
          tpu.vector_store %arg8[%swap3A_320, %swap3A_321], %swap3A_324 {strides = array<i32>} : memref<320x128xf32, #tpu.memory_space<vmem>>, vector<1x16xf32>,
          %get3A_325 = arith.index_cast %squeeze3A : i32 to index
          %get3A_326 = arith.constant 64 : index
          %get3A_327 = tpu.vector_load %arg8[%get3A_325, %get3A_326] {strides = array<i32>} : memref<320x128xf32, #tpu.memory_space<vmem>>, vector<1x16xf32>,
          %get3A_328 = vector.shape_cast %get3A_327 : vector<1x16xf32> to vector<16xf32>
          %add3A_329 = arith.constant 0 : i32
          %add3A_330 = arith.addi %mul3A_102, %add3A_329 : i32
          %get3A_331 = arith.index_cast %add3A_330 : i32 to index
          %get3A_332 = arith.constant 64 : index
          %get3A_333 = tpu.vector_load %arg5[%get3A_331, %get3A_332] {strides = array<i32>} : memref<512x128xf32, #tpu.memory_space<vmem>>, vector<1x16xf32>,
          %get3A_334 = vector.shape_cast %get3A_333 : vector<1x16xf32> to vector<16xf32>
          %add3A_335 = arith.addf %get3A_328, %get3A_334 : vector<16xf32>
          %swap3A_336 = arith.index_cast %squeeze3A : i32 to index
          %swap3A_337 = arith.constant 64 : index
          %swap3A_338 = tpu.vector_load %arg8[%swap3A_336, %swap3A_337] {strides = array<i32>} : memref<320x128xf32, #tpu.memory_space<vmem>>, vector<1x16xf32>,
          %swap3A_339 = vector.shape_cast %swap3A_338 : vector<1x16xf32> to vector<16xf32>
          %swap3A_340 = vector.shape_cast %add3A_335 : vector<16xf32> to vector<1x16xf32>
          tpu.vector_store %arg8[%swap3A_336, %swap3A_337], %swap3A_340 {strides = array<i32>} : memref<320x128xf32, #tpu.memory_space<vmem>>, vector<1x16xf32>,
          %get3A_341 = arith.index_cast %squeeze3A : i32 to index
          %get3A_342 = arith.constant 80 : index
          %get3A_343 = tpu.vector_load %arg8[%get3A_341, %get3A_342] {strides = array<i32>} : memref<320x128xf32, #tpu.memory_space<vmem>>, vector<1x16xf32>,
          %get3A_344 = vector.shape_cast %get3A_343 : vector<1x16xf32> to vector<16xf32>
          %add3A_345 = arith.constant 0 : i32
          %add3A_346 = arith.addi %mul3A_102, %add3A_345 : i32
          %get3A_347 = arith.index_cast %add3A_346 : i32 to index
          %get3A_348 = arith.constant 80 : index
          %get3A_349 = tpu.vector_load %arg5[%get3A_347, %get3A_348] {strides = array<i32>} : memref<512x128xf32, #tpu.memory_space<vmem>>, vector<1x16xf32>,
          %get3A_350 = vector.shape_cast %get3A_349 : vector<1x16xf32> to vector<16xf32>
          %add3A_351 = arith.addf %get3A_344, %get3A_350 : vector<16xf32>
          %swap3A_352 = arith.index_cast %squeeze3A : i32 to index
          %swap3A_353 = arith.constant 80 : index
          %swap3A_354 = tpu.vector_load %arg8[%swap3A_352, %swap3A_353] {strides = array<i32>} : memref<320x128xf32, #tpu.memory_space<vmem>>, vector<1x16xf32>,
          %swap3A_355 = vector.shape_cast %swap3A_354 : vector<1x16xf32> to vector<16xf32>
          %swap3A_356 = vector.shape_cast %add3A_351 : vector<16xf32> to vector<1x16xf32>
          tpu.vector_store %arg8[%swap3A_352, %swap3A_353], %swap3A_356 {strides = array<i32>} : memref<320x128xf32, #tpu.memory_space<vmem>>, vector<1x16xf32>,
          %get3A_357 = arith.index_cast %squeeze3A : i32 to index
          %get3A_358 = arith.constant 96 : index
          %get3A_359 = tpu.vector_load %arg8[%get3A_357, %get3A_358] {strides = array<i32>} : memref<320x128xf32, #tpu.memory_space<vmem>>, vector<1x16xf32>,
          %get3A_360 = vector.shape_cast %get3A_359 : vector<1x16xf32> to vector<16xf32>
          %add3A_361 = arith.constant 0 : i32
          %add3A_362 = arith.addi %mul3A_102, %add3A_361 : i32
          %get3A_363 = arith.index_cast %add3A_362 : i32 to index
          %get3A_364 = arith.constant 96 : index
          %get3A_365 = tpu.vector_load %arg5[%get3A_363, %get3A_364] {strides = array<i32>} : memref<512x128xf32, #tpu.memory_space<vmem>>, vector<1x16xf32>,
          %get3A_366 = vector.shape_cast %get3A_365 : vector<1x16xf32> to vector<16xf32>
          %add3A_367 = arith.addf %get3A_360, %get3A_366 : vector<16xf32>
          %swap3A_368 = arith.index_cast %squeeze3A : i32 to index
          %swap3A_369 = arith.constant 96 : index
          %swap3A_370 = tpu.vector_load %arg8[%swap3A_368, %swap3A_369] {strides = array<i32>} : memref<320x128xf32, #tpu.memory_space<vmem>>, vector<1x16xf32>,
          %swap3A_371 = vector.shape_cast %swap3A_370 : vector<1x16xf32> to vector<16xf32>
          %swap3A_372 = vector.shape_cast %add3A_367 : vector<16xf32> to vector<1x16xf32>
          tpu.vector_store %arg8[%swap3A_368, %swap3A_369], %swap3A_372 {strides = array<i32>} : memref<320x128xf32, #tpu.memory_space<vmem>>, vector<1x16xf32>,
          %get3A_373 = arith.index_cast %squeeze3A : i32 to index
          %get3A_374 = arith.constant 112 : index
          %get3A_375 = tpu.vector_load %arg8[%get3A_373, %get3A_374] {strides = array<i32>} : memref<320x128xf32, #tpu.memory_space<vmem>>, vector<1x16xf32>,
          %get3A_376 = vector.shape_cast %get3A_375 : vector<1x16xf32> to vector<16xf32>
          %add3A_377 = arith.constant 0 : i32
          %add3A_378 = arith.addi %mul3A_102, %add3A_377 : i32
          %get3A_379 = arith.index_cast %add3A_378 : i32 to index
          %get3A_380 = arith.constant 112 : index
          %get3A_381 = tpu.vector_load %arg5[%get3A_379, %get3A_380] {strides = array<i32>} : memref<512x128xf32, #tpu.memory_space<vmem>>, vector<1x16xf32>,
          %get3A_382 = vector.shape_cast %get3A_381 : vector<1x16xf32> to vector<16xf32>
          %add3A_383 = arith.addf %get3A_376, %get3A_382 : vector<16xf32>
          %swap3A_384 = arith.index_cast %squeeze3A : i32 to index
          %swap3A_385 = arith.constant 112 : index
          %swap3A_386 = tpu.vector_load %arg8[%swap3A_384, %swap3A_385] {strides = array<i32>} : memref<320x128xf32, #tpu.memory_space<vmem>>, vector<1x16xf32>,
          %swap3A_387 = vector.shape_cast %swap3A_386 : vector<1x16xf32> to vector<16xf32>
          %swap3A_388 = vector.shape_cast %add3A_383 : vector<16xf32> to vector<1x16xf32>
          tpu.vector_store %arg8[%swap3A_384, %swap3A_385], %swap3A_388 {strides = array<i32>} : memref<320x128xf32, #tpu.memory_space<vmem>>, vector<1x16xf32>,
        } else {
        }
        %slice3A_111 = vector.extract_strided_slice %sub3A_106 {offsets = [1], sizes = [1], strides = [1]} : vector<16xi32> to vector<1xi32>
        %squeeze3A_112 = vector.extract %slice3A_111[0] : i32 from vector<1xi32>
        %ge3A_113 = arith.constant 0 : i32
        %ge3A_114 = arith.cmpi sge, %squeeze3A_112, %ge3A_113 : i32
        %lt3A_115 = arith.constant 320 : i32
        %lt3A_116 = arith.cmpi slt, %squeeze3A_112, %lt3A_115 : i32
        %and3A_117 = arith.andi %ge3A_114, %lt3A_116 : i1
        %convert_element_type3A_118 = arith.extui %and3A_117 : i1 to i32
        %cond3A_119 = arith.constant 0 : i32
        %cond3A_120 = arith.cmpi ne, %convert_element_type3A_118, %cond3A_119 : i32
        scf.if %cond3A_120 {
          %get3A_262 = arith.index_cast %squeeze3A_112 : i32 to index
          %get3A_263 = arith.constant 0 : index
          %get3A_264 = tpu.vector_load %arg8[%get3A_262, %get3A_263] {strides = array<i32>} : memref<320x128xf32, #tpu.memory_space<vmem>>, vector<1x16xf32>,
          %get3A_265 = vector.shape_cast %get3A_264 : vector<1x16xf32> to vector<16xf32>
          %add3A_266 = arith.constant 1 : i32
          %add3A_267 = arith.addi %mul3A_102, %add3A_266 : i32
          %get3A_268 = arith.index_cast %add3A_267 : i32 to index
          %get3A_269 = arith.constant 0 : index
          %get3A_270 = tpu.vector_load %arg5[%get3A_268, %get3A_269] {strides = array<i32>} : memref<512x128xf32, #tpu.memory_space<vmem>>, vector<1x16xf32>,
          %get3A_271 = vector.shape_cast %get3A_270 : vector<1x16xf32> to vector<16xf32>
          %add3A_272 = arith.addf %get3A_265, %get3A_271 : vector<16xf32>
          %swap3A = arith.index_cast %squeeze3A_112 : i32 to index
          %swap3A_273 = arith.constant 0 : index
          %swap3A_274 = tpu.vector_load %arg8[%swap3A, %swap3A_273] {strides = array<i32>} : memref<320x128xf32, #tpu.memory_space<vmem>>, vector<1x16xf32>,
          %swap3A_275 = vector.shape_cast %swap3A_274 : vector<1x16xf32> to vector<16xf32>
          %swap3A_276 = vector.shape_cast %add3A_272 : vector<16xf32> to vector<1x16xf32>
          tpu.vector_store %arg8[%swap3A, %swap3A_273], %swap3A_276 {strides = array<i32>} : memref<320x128xf32, #tpu.memory_space<vmem>>, vector<1x16xf32>,
          %get3A_277 = arith.index_cast %squeeze3A_112 : i32 to index
          %get3A_278 = arith.constant 16 : index
          %get3A_279 = tpu.vector_load %arg8[%get3A_277, %get3A_278] {strides = array<i32>} : memref<320x128xf32, #tpu.memory_space<vmem>>, vector<1x16xf32>,
          %get3A_280 = vector.shape_cast %get3A_279 : vector<1x16xf32> to vector<16xf32>
          %add3A_281 = arith.constant 1 : i32
          %add3A_282 = arith.addi %mul3A_102, %add3A_281 : i32
          %get3A_283 = arith.index_cast %add3A_282 : i32 to index
          %get3A_284 = arith.constant 16 : index
          %get3A_285 = tpu.vector_load %arg5[%get3A_283, %get3A_284] {strides = array<i32>} : memref<512x128xf32, #tpu.memory_space<vmem>>, vector<1x16xf32>,
          %get3A_286 = vector.shape_cast %get3A_285 : vector<1x16xf32> to vector<16xf32>
          %add3A_287 = arith.addf %get3A_280, %get3A_286 : vector<16xf32>
          %swap3A_288 = arith.index_cast %squeeze3A_112 : i32 to index
          %swap3A_289 = arith.constant 16 : index
          %swap3A_290 = tpu.vector_load %arg8[%swap3A_288, %swap3A_289] {strides = array<i32>} : memref<320x128xf32, #tpu.memory_space<vmem>>, vector<1x16xf32>,
          %swap3A_291 = vector.shape_cast %swap3A_290 : vector<1x16xf32> to vector<16xf32>
          %swap3A_292 = vector.shape_cast %add3A_287 : vector<16xf32> to vector<1x16xf32>
          tpu.vector_store %arg8[%swap3A_288, %swap3A_289], %swap3A_292 {strides = array<i32>} : memref<320x128xf32, #tpu.memory_space<vmem>>, vector<1x16xf32>,
          %get3A_293 = arith.index_cast %squeeze3A_112 : i32 to index
          %get3A_294 = arith.constant 32 : index
          %get3A_295 = tpu.vector_load %arg8[%get3A_293, %get3A_294] {strides = array<i32>} : memref<320x128xf32, #tpu.memory_space<vmem>>, vector<1x16xf32>,
          %get3A_296 = vector.shape_cast %get3A_295 : vector<1x16xf32> to vector<16xf32>
          %add3A_297 = arith.constant 1 : i32
          %add3A_298 = arith.addi %mul3A_102, %add3A_297 : i32
          %get3A_299 = arith.index_cast %add3A_298 : i32 to index
          %get3A_300 = arith.constant 32 : index
          %get3A_301 = tpu.vector_load %arg5[%get3A_299, %get3A_300] {strides = array<i32>} : memref<512x128xf32, #tpu.memory_space<vmem>>, vector<1x16xf32>,
          %get3A_302 = vector.shape_cast %get3A_301 : vector<1x16xf32> to vector<16xf32>
          %add3A_303 = arith.addf %get3A_296, %get3A_302 : vector<16xf32>
          %swap3A_304 = arith.index_cast %squeeze3A_112 : i32 to index
          %swap3A_305 = arith.constant 32 : index
          %swap3A_306 = tpu.vector_load %arg8[%swap3A_304, %swap3A_305] {strides = array<i32>} : memref<320x128xf32, #tpu.memory_space<vmem>>, vector<1x16xf32>,
          %swap3A_307 = vector.shape_cast %swap3A_306 : vector<1x16xf32> to vector<16xf32>
          %swap3A_308 = vector.shape_cast %add3A_303 : vector<16xf32> to vector<1x16xf32>
          tpu.vector_store %arg8[%swap3A_304, %swap3A_305], %swap3A_308 {strides = array<i32>} : memref<320x128xf32, #tpu.memory_space<vmem>>, vector<1x16xf32>,
          %get3A_309 = arith.index_cast %squeeze3A_112 : i32 to index
          %get3A_310 = arith.constant 48 : index
          %get3A_311 = tpu.vector_load %arg8[%get3A_309, %get3A_310] {strides = array<i32>} : memref<320x128xf32, #tpu.memory_space<vmem>>, vector<1x16xf32>,
          %get3A_312 = vector.shape_cast %get3A_311 : vector<1x16xf32> to vector<16xf32>
          %add3A_313 = arith.constant 1 : i32
          %add3A_314 = arith.addi %mul3A_102, %add3A_313 : i32
          %get3A_315 = arith.index_cast %add3A_314 : i32 to index
          %get3A_316 = arith.constant 48 : index
          %get3A_317 = tpu.vector_load %arg5[%get3A_315, %get3A_316] {strides = array<i32>} : memref<512x128xf32, #tpu.memory_space<vmem>>, vector<1x16xf32>,
          %get3A_318 = vector.shape_cast %get3A_317 : vector<1x16xf32> to vector<16xf32>
          %add3A_319 = arith.addf %get3A_312, %get3A_318 : vector<16xf32>
          %swap3A_320 = arith.index_cast %squeeze3A_112 : i32 to index
          %swap3A_321 = arith.constant 48 : index
          %swap3A_322 = tpu.vector_load %arg8[%swap3A_320, %swap3A_321] {strides = array<i32>} : memref<320x128xf32, #tpu.memory_space<vmem>>, vector<1x16xf32>,
          %swap3A_323 = vector.shape_cast %swap3A_322 : vector<1x16xf32> to vector<16xf32>
          %swap3A_324 = vector.shape_cast %add3A_319 : vector<16xf32> to vector<1x16xf32>
          tpu.vector_store %arg8[%swap3A_320, %swap3A_321], %swap3A_324 {strides = array<i32>} : memref<320x128xf32, #tpu.memory_space<vmem>>, vector<1x16xf32>,
          %get3A_325 = arith.index_cast %squeeze3A_112 : i32 to index
          %get3A_326 = arith.constant 64 : index
          %get3A_327 = tpu.vector_load %arg8[%get3A_325, %get3A_326] {strides = array<i32>} : memref<320x128xf32, #tpu.memory_space<vmem>>, vector<1x16xf32>,
          %get3A_328 = vector.shape_cast %get3A_327 : vector<1x16xf32> to vector<16xf32>
          %add3A_329 = arith.constant 1 : i32
          %add3A_330 = arith.addi %mul3A_102, %add3A_329 : i32
          %get3A_331 = arith.index_cast %add3A_330 : i32 to index
          %get3A_332 = arith.constant 64 : index
          %get3A_333 = tpu.vector_load %arg5[%get3A_331, %get3A_332] {strides = array<i32>} : memref<512x128xf32, #tpu.memory_space<vmem>>, vector<1x16xf32>,
          %get3A_334 = vector.shape_cast %get3A_333 : vector<1x16xf32> to vector<16xf32>
          %add3A_335 = arith.addf %get3A_328, %get3A_334 : vector<16xf32>
          %swap3A_336 = arith.index_cast %squeeze3A_112 : i32 to index
          %swap3A_337 = arith.constant 64 : index
          %swap3A_338 = tpu.vector_load %arg8[%swap3A_336, %swap3A_337] {strides = array<i32>} : memref<320x128xf32, #tpu.memory_space<vmem>>, vector<1x16xf32>,
          %swap3A_339 = vector.shape_cast %swap3A_338 : vector<1x16xf32> to vector<16xf32>
          %swap3A_340 = vector.shape_cast %add3A_335 : vector<16xf32> to vector<1x16xf32>
          tpu.vector_store %arg8[%swap3A_336, %swap3A_337], %swap3A_340 {strides = array<i32>} : memref<320x128xf32, #tpu.memory_space<vmem>>, vector<1x16xf32>,
          %get3A_341 = arith.index_cast %squeeze3A_112 : i32 to index
          %get3A_342 = arith.constant 80 : index
          %get3A_343 = tpu.vector_load %arg8[%get3A_341, %get3A_342] {strides = array<i32>} : memref<320x128xf32, #tpu.memory_space<vmem>>, vector<1x16xf32>,
          %get3A_344 = vector.shape_cast %get3A_343 : vector<1x16xf32> to vector<16xf32>
          %add3A_345 = arith.constant 1 : i32
          %add3A_346 = arith.addi %mul3A_102, %add3A_345 : i32
          %get3A_347 = arith.index_cast %add3A_346 : i32 to index
          %get3A_348 = arith.constant 80 : index
          %get3A_349 = tpu.vector_load %arg5[%get3A_347, %get3A_348] {strides = array<i32>} : memref<512x128xf32, #tpu.memory_space<vmem>>, vector<1x16xf32>,
          %get3A_350 = vector.shape_cast %get3A_349 : vector<1x16xf32> to vector<16xf32>
          %add3A_351 = arith.addf %get3A_344, %get3A_350 : vector<16xf32>
          %swap3A_352 = arith.index_cast %squeeze3A_112 : i32 to index
          %swap3A_353 = arith.constant 80 : index
          %swap3A_354 = tpu.vector_load %arg8[%swap3A_352, %swap3A_353] {strides = array<i32>} : memref<320x128xf32, #tpu.memory_space<vmem>>, vector<1x16xf32>,
          %swap3A_355 = vector.shape_cast %swap3A_354 : vector<1x16xf32> to vector<16xf32>
          %swap3A_356 = vector.shape_cast %add3A_351 : vector<16xf32> to vector<1x16xf32>
          tpu.vector_store %arg8[%swap3A_352, %swap3A_353], %swap3A_356 {strides = array<i32>} : memref<320x128xf32, #tpu.memory_space<vmem>>, vector<1x16xf32>,
          %get3A_357 = arith.index_cast %squeeze3A_112 : i32 to index
          %get3A_358 = arith.constant 96 : index
          %get3A_359 = tpu.vector_load %arg8[%get3A_357, %get3A_358] {strides = array<i32>} : memref<320x128xf32, #tpu.memory_space<vmem>>, vector<1x16xf32>,
          %get3A_360 = vector.shape_cast %get3A_359 : vector<1x16xf32> to vector<16xf32>
          %add3A_361 = arith.constant 1 : i32
          %add3A_362 = arith.addi %mul3A_102, %add3A_361 : i32
          %get3A_363 = arith.index_cast %add3A_362 : i32 to index
          %get3A_364 = arith.constant 96 : index
          %get3A_365 = tpu.vector_load %arg5[%get3A_363, %get3A_364] {strides = array<i32>} : memref<512x128xf32, #tpu.memory_space<vmem>>, vector<1x16xf32>,
          %get3A_366 = vector.shape_cast %get3A_365 : vector<1x16xf32> to vector<16xf32>
          %add3A_367 = arith.addf %get3A_360, %get3A_366 : vector<16xf32>
          %swap3A_368 = arith.index_cast %squeeze3A_112 : i32 to index
          %swap3A_369 = arith.constant 96 : index
          %swap3A_370 = tpu.vector_load %arg8[%swap3A_368, %swap3A_369] {strides = array<i32>} : memref<320x128xf32, #tpu.memory_space<vmem>>, vector<1x16xf32>,
          %swap3A_371 = vector.shape_cast %swap3A_370 : vector<1x16xf32> to vector<16xf32>
          %swap3A_372 = vector.shape_cast %add3A_367 : vector<16xf32> to vector<1x16xf32>
          tpu.vector_store %arg8[%swap3A_368, %swap3A_369], %swap3A_372 {strides = array<i32>} : memref<320x128xf32, #tpu.memory_space<vmem>>, vector<1x16xf32>,
          %get3A_373 = arith.index_cast %squeeze3A_112 : i32 to index
          %get3A_374 = arith.constant 112 : index
          %get3A_375 = tpu.vector_load %arg8[%get3A_373, %get3A_374] {strides = array<i32>} : memref<320x128xf32, #tpu.memory_space<vmem>>, vector<1x16xf32>,
          %get3A_376 = vector.shape_cast %get3A_375 : vector<1x16xf32> to vector<16xf32>
          %add3A_377 = arith.constant 1 : i32
          %add3A_378 = arith.addi %mul3A_102, %add3A_377 : i32
          %get3A_379 = arith.index_cast %add3A_378 : i32 to index
          %get3A_380 = arith.constant 112 : index
          %get3A_381 = tpu.vector_load %arg5[%get3A_379, %get3A_380] {strides = array<i32>} : memref<512x128xf32, #tpu.memory_space<vmem>>, vector<1x16xf32>,
          %get3A_382 = vector.shape_cast %get3A_381 : vector<1x16xf32> to vector<16xf32>
          %add3A_383 = arith.addf %get3A_376, %get3A_382 : vector<16xf32>
          %swap3A_384 = arith.index_cast %squeeze3A_112 : i32 to index
          %swap3A_385 = arith.constant 112 : index
          %swap3A_386 = tpu.vector_load %arg8[%swap3A_384, %swap3A_385] {strides = array<i32>} : memref<320x128xf32, #tpu.memory_space<vmem>>, vector<1x16xf32>,
          %swap3A_387 = vector.shape_cast %swap3A_386 : vector<1x16xf32> to vector<16xf32>
          %swap3A_388 = vector.shape_cast %add3A_383 : vector<16xf32> to vector<1x16xf32>
          tpu.vector_store %arg8[%swap3A_384, %swap3A_385], %swap3A_388 {strides = array<i32>} : memref<320x128xf32, #tpu.memory_space<vmem>>, vector<1x16xf32>,
        } else {
        }
        %slice3A_121 = vector.extract_strided_slice %sub3A_106 {offsets = [2], sizes = [1], strides = [1]} : vector<16xi32> to vector<1xi32>
        %squeeze3A_122 = vector.extract %slice3A_121[0] : i32 from vector<1xi32>
        %ge3A_123 = arith.constant 0 : i32
        %ge3A_124 = arith.cmpi sge, %squeeze3A_122, %ge3A_123 : i32
        %lt3A_125 = arith.constant 320 : i32
        %lt3A_126 = arith.cmpi slt, %squeeze3A_122, %lt3A_125 : i32
        %and3A_127 = arith.andi %ge3A_124, %lt3A_126 : i1
        %convert_element_type3A_128 = arith.extui %and3A_127 : i1 to i32
        %cond3A_129 = arith.constant 0 : i32
        %cond3A_130 = arith.cmpi ne, %convert_element_type3A_128, %cond3A_129 : i32
        scf.if %cond3A_130 {
          %get3A_262 = arith.index_cast %squeeze3A_122 : i32 to index
          %get3A_263 = arith.constant 0 : index
          %get3A_264 = tpu.vector_load %arg8[%get3A_262, %get3A_263] {strides = array<i32>} : memref<320x128xf32, #tpu.memory_space<vmem>>, vector<1x16xf32>,
          %get3A_265 = vector.shape_cast %get3A_264 : vector<1x16xf32> to vector<16xf32>
          %add3A_266 = arith.constant 2 : i32
          %add3A_267 = arith.addi %mul3A_102, %add3A_266 : i32
          %get3A_268 = arith.index_cast %add3A_267 : i32 to index
          %get3A_269 = arith.constant 0 : index
          %get3A_270 = tpu.vector_load %arg5[%get3A_268, %get3A_269] {strides = array<i32>} : memref<512x128xf32, #tpu.memory_space<vmem>>, vector<1x16xf32>,
          %get3A_271 = vector.shape_cast %get3A_270 : vector<1x16xf32> to vector<16xf32>
          %add3A_272 = arith.addf %get3A_265, %get3A_271 : vector<16xf32>
          %swap3A = arith.index_cast %squeeze3A_122 : i32 to index
          %swap3A_273 = arith.constant 0 : index
          %swap3A_274 = tpu.vector_load %arg8[%swap3A, %swap3A_273] {strides = array<i32>} : memref<320x128xf32, #tpu.memory_space<vmem>>, vector<1x16xf32>,
          %swap3A_275 = vector.shape_cast %swap3A_274 : vector<1x16xf32> to vector<16xf32>
          %swap3A_276 = vector.shape_cast %add3A_272 : vector<16xf32> to vector<1x16xf32>
          tpu.vector_store %arg8[%swap3A, %swap3A_273], %swap3A_276 {strides = array<i32>} : memref<320x128xf32, #tpu.memory_space<vmem>>, vector<1x16xf32>,
          %get3A_277 = arith.index_cast %squeeze3A_122 : i32 to index
          %get3A_278 = arith.constant 16 : index
          %get3A_279 = tpu.vector_load %arg8[%get3A_277, %get3A_278] {strides = array<i32>} : memref<320x128xf32, #tpu.memory_space<vmem>>, vector<1x16xf32>,
          %get3A_280 = vector.shape_cast %get3A_279 : vector<1x16xf32> to vector<16xf32>
          %add3A_281 = arith.constant 2 : i32
          %add3A_282 = arith.addi %mul3A_102, %add3A_281 : i32
          %get3A_283 = arith.index_cast %add3A_282 : i32 to index
          %get3A_284 = arith.constant 16 : index
          %get3A_285 = tpu.vector_load %arg5[%get3A_283, %get3A_284] {strides = array<i32>} : memref<512x128xf32, #tpu.memory_space<vmem>>, vector<1x16xf32>,
          %get3A_286 = vector.shape_cast %get3A_285 : vector<1x16xf32> to vector<16xf32>
          %add3A_287 = arith.addf %get3A_280, %get3A_286 : vector<16xf32>
          %swap3A_288 = arith.index_cast %squeeze3A_122 : i32 to index
          %swap3A_289 = arith.constant 16 : index
          %swap3A_290 = tpu.vector_load %arg8[%swap3A_288, %swap3A_289] {strides = array<i32>} : memref<320x128xf32, #tpu.memory_space<vmem>>, vector<1x16xf32>,
          %swap3A_291 = vector.shape_cast %swap3A_290 : vector<1x16xf32> to vector<16xf32>
          %swap3A_292 = vector.shape_cast %add3A_287 : vector<16xf32> to vector<1x16xf32>
          tpu.vector_store %arg8[%swap3A_288, %swap3A_289], %swap3A_292 {strides = array<i32>} : memref<320x128xf32, #tpu.memory_space<vmem>>, vector<1x16xf32>,
          %get3A_293 = arith.index_cast %squeeze3A_122 : i32 to index
          %get3A_294 = arith.constant 32 : index
          %get3A_295 = tpu.vector_load %arg8[%get3A_293, %get3A_294] {strides = array<i32>} : memref<320x128xf32, #tpu.memory_space<vmem>>, vector<1x16xf32>,
          %get3A_296 = vector.shape_cast %get3A_295 : vector<1x16xf32> to vector<16xf32>
          %add3A_297 = arith.constant 2 : i32
          %add3A_298 = arith.addi %mul3A_102, %add3A_297 : i32
          %get3A_299 = arith.index_cast %add3A_298 : i32 to index
          %get3A_300 = arith.constant 32 : index
          %get3A_301 = tpu.vector_load %arg5[%get3A_299, %get3A_300] {strides = array<i32>} : memref<512x128xf32, #tpu.memory_space<vmem>>, vector<1x16xf32>,
          %get3A_302 = vector.shape_cast %get3A_301 : vector<1x16xf32> to vector<16xf32>
          %add3A_303 = arith.addf %get3A_296, %get3A_302 : vector<16xf32>
          %swap3A_304 = arith.index_cast %squeeze3A_122 : i32 to index
          %swap3A_305 = arith.constant 32 : index
          %swap3A_306 = tpu.vector_load %arg8[%swap3A_304, %swap3A_305] {strides = array<i32>} : memref<320x128xf32, #tpu.memory_space<vmem>>, vector<1x16xf32>,
          %swap3A_307 = vector.shape_cast %swap3A_306 : vector<1x16xf32> to vector<16xf32>
          %swap3A_308 = vector.shape_cast %add3A_303 : vector<16xf32> to vector<1x16xf32>
          tpu.vector_store %arg8[%swap3A_304, %swap3A_305], %swap3A_308 {strides = array<i32>} : memref<320x128xf32, #tpu.memory_space<vmem>>, vector<1x16xf32>,
          %get3A_309 = arith.index_cast %squeeze3A_122 : i32 to index
          %get3A_310 = arith.constant 48 : index
          %get3A_311 = tpu.vector_load %arg8[%get3A_309, %get3A_310] {strides = array<i32>} : memref<320x128xf32, #tpu.memory_space<vmem>>, vector<1x16xf32>,
          %get3A_312 = vector.shape_cast %get3A_311 : vector<1x16xf32> to vector<16xf32>
          %add3A_313 = arith.constant 2 : i32
          %add3A_314 = arith.addi %mul3A_102, %add3A_313 : i32
          %get3A_315 = arith.index_cast %add3A_314 : i32 to index
          %get3A_316 = arith.constant 48 : index
          %get3A_317 = tpu.vector_load %arg5[%get3A_315, %get3A_316] {strides = array<i32>} : memref<512x128xf32, #tpu.memory_space<vmem>>, vector<1x16xf32>,
          %get3A_318 = vector.shape_cast %get3A_317 : vector<1x16xf32> to vector<16xf32>
          %add3A_319 = arith.addf %get3A_312, %get3A_318 : vector<16xf32>
          %swap3A_320 = arith.index_cast %squeeze3A_122 : i32 to index
          %swap3A_321 = arith.constant 48 : index
          %swap3A_322 = tpu.vector_load %arg8[%swap3A_320, %swap3A_321] {strides = array<i32>} : memref<320x128xf32, #tpu.memory_space<vmem>>, vector<1x16xf32>,
          %swap3A_323 = vector.shape_cast %swap3A_322 : vector<1x16xf32> to vector<16xf32>
          %swap3A_324 = vector.shape_cast %add3A_319 : vector<16xf32> to vector<1x16xf32>
          tpu.vector_store %arg8[%swap3A_320, %swap3A_321], %swap3A_324 {strides = array<i32>} : memref<320x128xf32, #tpu.memory_space<vmem>>, vector<1x16xf32>,
          %get3A_325 = arith.index_cast %squeeze3A_122 : i32 to index
          %get3A_326 = arith.constant 64 : index
          %get3A_327 = tpu.vector_load %arg8[%get3A_325, %get3A_326] {strides = array<i32>} : memref<320x128xf32, #tpu.memory_space<vmem>>, vector<1x16xf32>,
          %get3A_328 = vector.shape_cast %get3A_327 : vector<1x16xf32> to vector<16xf32>
          %add3A_329 = arith.constant 2 : i32
          %add3A_330 = arith.addi %mul3A_102, %add3A_329 : i32
          %get3A_331 = arith.index_cast %add3A_330 : i32 to index
          %get3A_332 = arith.constant 64 : index
          %get3A_333 = tpu.vector_load %arg5[%get3A_331, %get3A_332] {strides = array<i32>} : memref<512x128xf32, #tpu.memory_space<vmem>>, vector<1x16xf32>,
          %get3A_334 = vector.shape_cast %get3A_333 : vector<1x16xf32> to vector<16xf32>
          %add3A_335 = arith.addf %get3A_328, %get3A_334 : vector<16xf32>
          %swap3A_336 = arith.index_cast %squeeze3A_122 : i32 to index
          %swap3A_337 = arith.constant 64 : index
          %swap3A_338 = tpu.vector_load %arg8[%swap3A_336, %swap3A_337] {strides = array<i32>} : memref<320x128xf32, #tpu.memory_space<vmem>>, vector<1x16xf32>,
          %swap3A_339 = vector.shape_cast %swap3A_338 : vector<1x16xf32> to vector<16xf32>
          %swap3A_340 = vector.shape_cast %add3A_335 : vector<16xf32> to vector<1x16xf32>
          tpu.vector_store %arg8[%swap3A_336, %swap3A_337], %swap3A_340 {strides = array<i32>} : memref<320x128xf32, #tpu.memory_space<vmem>>, vector<1x16xf32>,
          %get3A_341 = arith.index_cast %squeeze3A_122 : i32 to index
          %get3A_342 = arith.constant 80 : index
          %get3A_343 = tpu.vector_load %arg8[%get3A_341, %get3A_342] {strides = array<i32>} : memref<320x128xf32, #tpu.memory_space<vmem>>, vector<1x16xf32>,
          %get3A_344 = vector.shape_cast %get3A_343 : vector<1x16xf32> to vector<16xf32>
          %add3A_345 = arith.constant 2 : i32
          %add3A_346 = arith.addi %mul3A_102, %add3A_345 : i32
          %get3A_347 = arith.index_cast %add3A_346 : i32 to index
          %get3A_348 = arith.constant 80 : index
          %get3A_349 = tpu.vector_load %arg5[%get3A_347, %get3A_348] {strides = array<i32>} : memref<512x128xf32, #tpu.memory_space<vmem>>, vector<1x16xf32>,
          %get3A_350 = vector.shape_cast %get3A_349 : vector<1x16xf32> to vector<16xf32>
          %add3A_351 = arith.addf %get3A_344, %get3A_350 : vector<16xf32>
          %swap3A_352 = arith.index_cast %squeeze3A_122 : i32 to index
          %swap3A_353 = arith.constant 80 : index
          %swap3A_354 = tpu.vector_load %arg8[%swap3A_352, %swap3A_353] {strides = array<i32>} : memref<320x128xf32, #tpu.memory_space<vmem>>, vector<1x16xf32>,
          %swap3A_355 = vector.shape_cast %swap3A_354 : vector<1x16xf32> to vector<16xf32>
          %swap3A_356 = vector.shape_cast %add3A_351 : vector<16xf32> to vector<1x16xf32>
          tpu.vector_store %arg8[%swap3A_352, %swap3A_353], %swap3A_356 {strides = array<i32>} : memref<320x128xf32, #tpu.memory_space<vmem>>, vector<1x16xf32>,
          %get3A_357 = arith.index_cast %squeeze3A_122 : i32 to index
          %get3A_358 = arith.constant 96 : index
          %get3A_359 = tpu.vector_load %arg8[%get3A_357, %get3A_358] {strides = array<i32>} : memref<320x128xf32, #tpu.memory_space<vmem>>, vector<1x16xf32>,
          %get3A_360 = vector.shape_cast %get3A_359 : vector<1x16xf32> to vector<16xf32>
          %add3A_361 = arith.constant 2 : i32
          %add3A_362 = arith.addi %mul3A_102, %add3A_361 : i32
          %get3A_363 = arith.index_cast %add3A_362 : i32 to index
          %get3A_364 = arith.constant 96 : index
          %get3A_365 = tpu.vector_load %arg5[%get3A_363, %get3A_364] {strides = array<i32>} : memref<512x128xf32, #tpu.memory_space<vmem>>, vector<1x16xf32>,
          %get3A_366 = vector.shape_cast %get3A_365 : vector<1x16xf32> to vector<16xf32>
          %add3A_367 = arith.addf %get3A_360, %get3A_366 : vector<16xf32>
          %swap3A_368 = arith.index_cast %squeeze3A_122 : i32 to index
          %swap3A_369 = arith.constant 96 : index
          %swap3A_370 = tpu.vector_load %arg8[%swap3A_368, %swap3A_369] {strides = array<i32>} : memref<320x128xf32, #tpu.memory_space<vmem>>, vector<1x16xf32>,
          %swap3A_371 = vector.shape_cast %swap3A_370 : vector<1x16xf32> to vector<16xf32>
          %swap3A_372 = vector.shape_cast %add3A_367 : vector<16xf32> to vector<1x16xf32>
          tpu.vector_store %arg8[%swap3A_368, %swap3A_369], %swap3A_372 {strides = array<i32>} : memref<320x128xf32, #tpu.memory_space<vmem>>, vector<1x16xf32>,
          %get3A_373 = arith.index_cast %squeeze3A_122 : i32 to index
          %get3A_374 = arith.constant 112 : index
          %get3A_375 = tpu.vector_load %arg8[%get3A_373, %get3A_374] {strides = array<i32>} : memref<320x128xf32, #tpu.memory_space<vmem>>, vector<1x16xf32>,
          %get3A_376 = vector.shape_cast %get3A_375 : vector<1x16xf32> to vector<16xf32>
          %add3A_377 = arith.constant 2 : i32
          %add3A_378 = arith.addi %mul3A_102, %add3A_377 : i32
          %get3A_379 = arith.index_cast %add3A_378 : i32 to index
          %get3A_380 = arith.constant 112 : index
          %get3A_381 = tpu.vector_load %arg5[%get3A_379, %get3A_380] {strides = array<i32>} : memref<512x128xf32, #tpu.memory_space<vmem>>, vector<1x16xf32>,
          %get3A_382 = vector.shape_cast %get3A_381 : vector<1x16xf32> to vector<16xf32>
          %add3A_383 = arith.addf %get3A_376, %get3A_382 : vector<16xf32>
          %swap3A_384 = arith.index_cast %squeeze3A_122 : i32 to index
          %swap3A_385 = arith.constant 112 : index
          %swap3A_386 = tpu.vector_load %arg8[%swap3A_384, %swap3A_385] {strides = array<i32>} : memref<320x128xf32, #tpu.memory_space<vmem>>, vector<1x16xf32>,
          %swap3A_387 = vector.shape_cast %swap3A_386 : vector<1x16xf32> to vector<16xf32>
          %swap3A_388 = vector.shape_cast %add3A_383 : vector<16xf32> to vector<1x16xf32>
          tpu.vector_store %arg8[%swap3A_384, %swap3A_385], %swap3A_388 {strides = array<i32>} : memref<320x128xf32, #tpu.memory_space<vmem>>, vector<1x16xf32>,
        } else {
        }
        %slice3A_131 = vector.extract_strided_slice %sub3A_106 {offsets = [3], sizes = [1], strides = [1]} : vector<16xi32> to vector<1xi32>
        %squeeze3A_132 = vector.extract %slice3A_131[0] : i32 from vector<1xi32>
        %ge3A_133 = arith.constant 0 : i32
        %ge3A_134 = arith.cmpi sge, %squeeze3A_132, %ge3A_133 : i32
        %lt3A_135 = arith.constant 320 : i32
        %lt3A_136 = arith.cmpi slt, %squeeze3A_132, %lt3A_135 : i32
        %and3A_137 = arith.andi %ge3A_134, %lt3A_136 : i1
        %convert_element_type3A_138 = arith.extui %and3A_137 : i1 to i32
        %cond3A_139 = arith.constant 0 : i32
        %cond3A_140 = arith.cmpi ne, %convert_element_type3A_138, %cond3A_139 : i32
        scf.if %cond3A_140 {
          %get3A_262 = arith.index_cast %squeeze3A_132 : i32 to index
          %get3A_263 = arith.constant 0 : index
          %get3A_264 = tpu.vector_load %arg8[%get3A_262, %get3A_263] {strides = array<i32>} : memref<320x128xf32, #tpu.memory_space<vmem>>, vector<1x16xf32>,
          %get3A_265 = vector.shape_cast %get3A_264 : vector<1x16xf32> to vector<16xf32>
          %add3A_266 = arith.constant 3 : i32
          %add3A_267 = arith.addi %mul3A_102, %add3A_266 : i32
          %get3A_268 = arith.index_cast %add3A_267 : i32 to index
          %get3A_269 = arith.constant 0 : index
          %get3A_270 = tpu.vector_load %arg5[%get3A_268, %get3A_269] {strides = array<i32>} : memref<512x128xf32, #tpu.memory_space<vmem>>, vector<1x16xf32>,
          %get3A_271 = vector.shape_cast %get3A_270 : vector<1x16xf32> to vector<16xf32>
          %add3A_272 = arith.addf %get3A_265, %get3A_271 : vector<16xf32>
          %swap3A = arith.index_cast %squeeze3A_132 : i32 to index
          %swap3A_273 = arith.constant 0 : index
          %swap3A_274 = tpu.vector_load %arg8[%swap3A, %swap3A_273] {strides = array<i32>} : memref<320x128xf32, #tpu.memory_space<vmem>>, vector<1x16xf32>,
          %swap3A_275 = vector.shape_cast %swap3A_274 : vector<1x16xf32> to vector<16xf32>
          %swap3A_276 = vector.shape_cast %add3A_272 : vector<16xf32> to vector<1x16xf32>
          tpu.vector_store %arg8[%swap3A, %swap3A_273], %swap3A_276 {strides = array<i32>} : memref<320x128xf32, #tpu.memory_space<vmem>>, vector<1x16xf32>,
          %get3A_277 = arith.index_cast %squeeze3A_132 : i32 to index
          %get3A_278 = arith.constant 16 : index
          %get3A_279 = tpu.vector_load %arg8[%get3A_277, %get3A_278] {strides = array<i32>} : memref<320x128xf32, #tpu.memory_space<vmem>>, vector<1x16xf32>,
          %get3A_280 = vector.shape_cast %get3A_279 : vector<1x16xf32> to vector<16xf32>
          %add3A_281 = arith.constant 3 : i32
          %add3A_282 = arith.addi %mul3A_102, %add3A_281 : i32
          %get3A_283 = arith.index_cast %add3A_282 : i32 to index
          %get3A_284 = arith.constant 16 : index
          %get3A_285 = tpu.vector_load %arg5[%get3A_283, %get3A_284] {strides = array<i32>} : memref<512x128xf32, #tpu.memory_space<vmem>>, vector<1x16xf32>,
          %get3A_286 = vector.shape_cast %get3A_285 : vector<1x16xf32> to vector<16xf32>
          %add3A_287 = arith.addf %get3A_280, %get3A_286 : vector<16xf32>
          %swap3A_288 = arith.index_cast %squeeze3A_132 : i32 to index
          %swap3A_289 = arith.constant 16 : index
          %swap3A_290 = tpu.vector_load %arg8[%swap3A_288, %swap3A_289] {strides = array<i32>} : memref<320x128xf32, #tpu.memory_space<vmem>>, vector<1x16xf32>,
          %swap3A_291 = vector.shape_cast %swap3A_290 : vector<1x16xf32> to vector<16xf32>
          %swap3A_292 = vector.shape_cast %add3A_287 : vector<16xf32> to vector<1x16xf32>
          tpu.vector_store %arg8[%swap3A_288, %swap3A_289], %swap3A_292 {strides = array<i32>} : memref<320x128xf32, #tpu.memory_space<vmem>>, vector<1x16xf32>,
          %get3A_293 = arith.index_cast %squeeze3A_132 : i32 to index
          %get3A_294 = arith.constant 32 : index
          %get3A_295 = tpu.vector_load %arg8[%get3A_293, %get3A_294] {strides = array<i32>} : memref<320x128xf32, #tpu.memory_space<vmem>>, vector<1x16xf32>,
          %get3A_296 = vector.shape_cast %get3A_295 : vector<1x16xf32> to vector<16xf32>
          %add3A_297 = arith.constant 3 : i32
          %add3A_298 = arith.addi %mul3A_102, %add3A_297 : i32
          %get3A_299 = arith.index_cast %add3A_298 : i32 to index
          %get3A_300 = arith.constant 32 : index
          %get3A_301 = tpu.vector_load %arg5[%get3A_299, %get3A_300] {strides = array<i32>} : memref<512x128xf32, #tpu.memory_space<vmem>>, vector<1x16xf32>,
          %get3A_302 = vector.shape_cast %get3A_301 : vector<1x16xf32> to vector<16xf32>
          %add3A_303 = arith.addf %get3A_296, %get3A_302 : vector<16xf32>
          %swap3A_304 = arith.index_cast %squeeze3A_132 : i32 to index
          %swap3A_305 = arith.constant 32 : index
          %swap3A_306 = tpu.vector_load %arg8[%swap3A_304, %swap3A_305] {strides = array<i32>} : memref<320x128xf32, #tpu.memory_space<vmem>>, vector<1x16xf32>,
          %swap3A_307 = vector.shape_cast %swap3A_306 : vector<1x16xf32> to vector<16xf32>
          %swap3A_308 = vector.shape_cast %add3A_303 : vector<16xf32> to vector<1x16xf32>
          tpu.vector_store %arg8[%swap3A_304, %swap3A_305], %swap3A_308 {strides = array<i32>} : memref<320x128xf32, #tpu.memory_space<vmem>>, vector<1x16xf32>,
          %get3A_309 = arith.index_cast %squeeze3A_132 : i32 to index
          %get3A_310 = arith.constant 48 : index
          %get3A_311 = tpu.vector_load %arg8[%get3A_309, %get3A_310] {strides = array<i32>} : memref<320x128xf32, #tpu.memory_space<vmem>>, vector<1x16xf32>,
          %get3A_312 = vector.shape_cast %get3A_311 : vector<1x16xf32> to vector<16xf32>
          %add3A_313 = arith.constant 3 : i32
          %add3A_314 = arith.addi %mul3A_102, %add3A_313 : i32
          %get3A_315 = arith.index_cast %add3A_314 : i32 to index
          %get3A_316 = arith.constant 48 : index
          %get3A_317 = tpu.vector_load %arg5[%get3A_315, %get3A_316] {strides = array<i32>} : memref<512x128xf32, #tpu.memory_space<vmem>>, vector<1x16xf32>,
          %get3A_318 = vector.shape_cast %get3A_317 : vector<1x16xf32> to vector<16xf32>
          %add3A_319 = arith.addf %get3A_312, %get3A_318 : vector<16xf32>
          %swap3A_320 = arith.index_cast %squeeze3A_132 : i32 to index
          %swap3A_321 = arith.constant 48 : index
          %swap3A_322 = tpu.vector_load %arg8[%swap3A_320, %swap3A_321] {strides = array<i32>} : memref<320x128xf32, #tpu.memory_space<vmem>>, vector<1x16xf32>,
          %swap3A_323 = vector.shape_cast %swap3A_322 : vector<1x16xf32> to vector<16xf32>
          %swap3A_324 = vector.shape_cast %add3A_319 : vector<16xf32> to vector<1x16xf32>
          tpu.vector_store %arg8[%swap3A_320, %swap3A_321], %swap3A_324 {strides = array<i32>} : memref<320x128xf32, #tpu.memory_space<vmem>>, vector<1x16xf32>,
          %get3A_325 = arith.index_cast %squeeze3A_132 : i32 to index
          %get3A_326 = arith.constant 64 : index
          %get3A_327 = tpu.vector_load %arg8[%get3A_325, %get3A_326] {strides = array<i32>} : memref<320x128xf32, #tpu.memory_space<vmem>>, vector<1x16xf32>,
          %get3A_328 = vector.shape_cast %get3A_327 : vector<1x16xf32> to vector<16xf32>
          %add3A_329 = arith.constant 3 : i32
          %add3A_330 = arith.addi %mul3A_102, %add3A_329 : i32
          %get3A_331 = arith.index_cast %add3A_330 : i32 to index
          %get3A_332 = arith.constant 64 : index
          %get3A_333 = tpu.vector_load %arg5[%get3A_331, %get3A_332] {strides = array<i32>} : memref<512x128xf32, #tpu.memory_space<vmem>>, vector<1x16xf32>,
          %get3A_334 = vector.shape_cast %get3A_333 : vector<1x16xf32> to vector<16xf32>
          %add3A_335 = arith.addf %get3A_328, %get3A_334 : vector<16xf32>
          %swap3A_336 = arith.index_cast %squeeze3A_132 : i32 to index
          %swap3A_337 = arith.constant 64 : index
          %swap3A_338 = tpu.vector_load %arg8[%swap3A_336, %swap3A_337] {strides = array<i32>} : memref<320x128xf32, #tpu.memory_space<vmem>>, vector<1x16xf32>,
          %swap3A_339 = vector.shape_cast %swap3A_338 : vector<1x16xf32> to vector<16xf32>
          %swap3A_340 = vector.shape_cast %add3A_335 : vector<16xf32> to vector<1x16xf32>
          tpu.vector_store %arg8[%swap3A_336, %swap3A_337], %swap3A_340 {strides = array<i32>} : memref<320x128xf32, #tpu.memory_space<vmem>>, vector<1x16xf32>,
          %get3A_341 = arith.index_cast %squeeze3A_132 : i32 to index
          %get3A_342 = arith.constant 80 : index
          %get3A_343 = tpu.vector_load %arg8[%get3A_341, %get3A_342] {strides = array<i32>} : memref<320x128xf32, #tpu.memory_space<vmem>>, vector<1x16xf32>,
          %get3A_344 = vector.shape_cast %get3A_343 : vector<1x16xf32> to vector<16xf32>
          %add3A_345 = arith.constant 3 : i32
          %add3A_346 = arith.addi %mul3A_102, %add3A_345 : i32
          %get3A_347 = arith.index_cast %add3A_346 : i32 to index
          %get3A_348 = arith.constant 80 : index
          %get3A_349 = tpu.vector_load %arg5[%get3A_347, %get3A_348] {strides = array<i32>} : memref<512x128xf32, #tpu.memory_space<vmem>>, vector<1x16xf32>,
          %get3A_350 = vector.shape_cast %get3A_349 : vector<1x16xf32> to vector<16xf32>
          %add3A_351 = arith.addf %get3A_344, %get3A_350 : vector<16xf32>
          %swap3A_352 = arith.index_cast %squeeze3A_132 : i32 to index
          %swap3A_353 = arith.constant 80 : index
          %swap3A_354 = tpu.vector_load %arg8[%swap3A_352, %swap3A_353] {strides = array<i32>} : memref<320x128xf32, #tpu.memory_space<vmem>>, vector<1x16xf32>,
          %swap3A_355 = vector.shape_cast %swap3A_354 : vector<1x16xf32> to vector<16xf32>
          %swap3A_356 = vector.shape_cast %add3A_351 : vector<16xf32> to vector<1x16xf32>
          tpu.vector_store %arg8[%swap3A_352, %swap3A_353], %swap3A_356 {strides = array<i32>} : memref<320x128xf32, #tpu.memory_space<vmem>>, vector<1x16xf32>,
          %get3A_357 = arith.index_cast %squeeze3A_132 : i32 to index
          %get3A_358 = arith.constant 96 : index
          %get3A_359 = tpu.vector_load %arg8[%get3A_357, %get3A_358] {strides = array<i32>} : memref<320x128xf32, #tpu.memory_space<vmem>>, vector<1x16xf32>,
          %get3A_360 = vector.shape_cast %get3A_359 : vector<1x16xf32> to vector<16xf32>
          %add3A_361 = arith.constant 3 : i32
          %add3A_362 = arith.addi %mul3A_102, %add3A_361 : i32
          %get3A_363 = arith.index_cast %add3A_362 : i32 to index
          %get3A_364 = arith.constant 96 : index
          %get3A_365 = tpu.vector_load %arg5[%get3A_363, %get3A_364] {strides = array<i32>} : memref<512x128xf32, #tpu.memory_space<vmem>>, vector<1x16xf32>,
          %get3A_366 = vector.shape_cast %get3A_365 : vector<1x16xf32> to vector<16xf32>
          %add3A_367 = arith.addf %get3A_360, %get3A_366 : vector<16xf32>
          %swap3A_368 = arith.index_cast %squeeze3A_132 : i32 to index
          %swap3A_369 = arith.constant 96 : index
          %swap3A_370 = tpu.vector_load %arg8[%swap3A_368, %swap3A_369] {strides = array<i32>} : memref<320x128xf32, #tpu.memory_space<vmem>>, vector<1x16xf32>,
          %swap3A_371 = vector.shape_cast %swap3A_370 : vector<1x16xf32> to vector<16xf32>
          %swap3A_372 = vector.shape_cast %add3A_367 : vector<16xf32> to vector<1x16xf32>
          tpu.vector_store %arg8[%swap3A_368, %swap3A_369], %swap3A_372 {strides = array<i32>} : memref<320x128xf32, #tpu.memory_space<vmem>>, vector<1x16xf32>,
          %get3A_373 = arith.index_cast %squeeze3A_132 : i32 to index
          %get3A_374 = arith.constant 112 : index
          %get3A_375 = tpu.vector_load %arg8[%get3A_373, %get3A_374] {strides = array<i32>} : memref<320x128xf32, #tpu.memory_space<vmem>>, vector<1x16xf32>,
          %get3A_376 = vector.shape_cast %get3A_375 : vector<1x16xf32> to vector<16xf32>
          %add3A_377 = arith.constant 3 : i32
          %add3A_378 = arith.addi %mul3A_102, %add3A_377 : i32
          %get3A_379 = arith.index_cast %add3A_378 : i32 to index
          %get3A_380 = arith.constant 112 : index
          %get3A_381 = tpu.vector_load %arg5[%get3A_379, %get3A_380] {strides = array<i32>} : memref<512x128xf32, #tpu.memory_space<vmem>>, vector<1x16xf32>,
          %get3A_382 = vector.shape_cast %get3A_381 : vector<1x16xf32> to vector<16xf32>
          %add3A_383 = arith.addf %get3A_376, %get3A_382 : vector<16xf32>
          %swap3A_384 = arith.index_cast %squeeze3A_132 : i32 to index
          %swap3A_385 = arith.constant 112 : index
          %swap3A_386 = tpu.vector_load %arg8[%swap3A_384, %swap3A_385] {strides = array<i32>} : memref<320x128xf32, #tpu.memory_space<vmem>>, vector<1x16xf32>,
          %swap3A_387 = vector.shape_cast %swap3A_386 : vector<1x16xf32> to vector<16xf32>
          %swap3A_388 = vector.shape_cast %add3A_383 : vector<16xf32> to vector<1x16xf32>
          tpu.vector_store %arg8[%swap3A_384, %swap3A_385], %swap3A_388 {strides = array<i32>} : memref<320x128xf32, #tpu.memory_space<vmem>>, vector<1x16xf32>,
        } else {
        }
        %slice3A_141 = vector.extract_strided_slice %sub3A_106 {offsets = [4], sizes = [1], strides = [1]} : vector<16xi32> to vector<1xi32>
        %squeeze3A_142 = vector.extract %slice3A_141[0] : i32 from vector<1xi32>
        %ge3A_143 = arith.constant 0 : i32
        %ge3A_144 = arith.cmpi sge, %squeeze3A_142, %ge3A_143 : i32
        %lt3A_145 = arith.constant 320 : i32
        %lt3A_146 = arith.cmpi slt, %squeeze3A_142, %lt3A_145 : i32
        %and3A_147 = arith.andi %ge3A_144, %lt3A_146 : i1
        %convert_element_type3A_148 = arith.extui %and3A_147 : i1 to i32
        %cond3A_149 = arith.constant 0 : i32
        %cond3A_150 = arith.cmpi ne, %convert_element_type3A_148, %cond3A_149 : i32
        scf.if %cond3A_150 {
          %get3A_262 = arith.index_cast %squeeze3A_142 : i32 to index
          %get3A_263 = arith.constant 0 : index
          %get3A_264 = tpu.vector_load %arg8[%get3A_262, %get3A_263] {strides = array<i32>} : memref<320x128xf32, #tpu.memory_space<vmem>>, vector<1x16xf32>,
          %get3A_265 = vector.shape_cast %get3A_264 : vector<1x16xf32> to vector<16xf32>
          %add3A_266 = arith.constant 4 : i32
          %add3A_267 = arith.addi %mul3A_102, %add3A_266 : i32
          %get3A_268 = arith.index_cast %add3A_267 : i32 to index
          %get3A_269 = arith.constant 0 : index
          %get3A_270 = tpu.vector_load %arg5[%get3A_268, %get3A_269] {strides = array<i32>} : memref<512x128xf32, #tpu.memory_space<vmem>>, vector<1x16xf32>,
          %get3A_271 = vector.shape_cast %get3A_270 : vector<1x16xf32> to vector<16xf32>
          %add3A_272 = arith.addf %get3A_265, %get3A_271 : vector<16xf32>
          %swap3A = arith.index_cast %squeeze3A_142 : i32 to index
          %swap3A_273 = arith.constant 0 : index
          %swap3A_274 = tpu.vector_load %arg8[%swap3A, %swap3A_273] {strides = array<i32>} : memref<320x128xf32, #tpu.memory_space<vmem>>, vector<1x16xf32>,
          %swap3A_275 = vector.shape_cast %swap3A_274 : vector<1x16xf32> to vector<16xf32>
          %swap3A_276 = vector.shape_cast %add3A_272 : vector<16xf32> to vector<1x16xf32>
          tpu.vector_store %arg8[%swap3A, %swap3A_273], %swap3A_276 {strides = array<i32>} : memref<320x128xf32, #tpu.memory_space<vmem>>, vector<1x16xf32>,
          %get3A_277 = arith.index_cast %squeeze3A_142 : i32 to index
          %get3A_278 = arith.constant 16 : index
          %get3A_279 = tpu.vector_load %arg8[%get3A_277, %get3A_278] {strides = array<i32>} : memref<320x128xf32, #tpu.memory_space<vmem>>, vector<1x16xf32>,
          %get3A_280 = vector.shape_cast %get3A_279 : vector<1x16xf32> to vector<16xf32>
          %add3A_281 = arith.constant 4 : i32
          %add3A_282 = arith.addi %mul3A_102, %add3A_281 : i32
          %get3A_283 = arith.index_cast %add3A_282 : i32 to index
          %get3A_284 = arith.constant 16 : index
          %get3A_285 = tpu.vector_load %arg5[%get3A_283, %get3A_284] {strides = array<i32>} : memref<512x128xf32, #tpu.memory_space<vmem>>, vector<1x16xf32>,
          %get3A_286 = vector.shape_cast %get3A_285 : vector<1x16xf32> to vector<16xf32>
          %add3A_287 = arith.addf %get3A_280, %get3A_286 : vector<16xf32>
          %swap3A_288 = arith.index_cast %squeeze3A_142 : i32 to index
          %swap3A_289 = arith.constant 16 : index
          %swap3A_290 = tpu.vector_load %arg8[%swap3A_288, %swap3A_289] {strides = array<i32>} : memref<320x128xf32, #tpu.memory_space<vmem>>, vector<1x16xf32>,
          %swap3A_291 = vector.shape_cast %swap3A_290 : vector<1x16xf32> to vector<16xf32>
          %swap3A_292 = vector.shape_cast %add3A_287 : vector<16xf32> to vector<1x16xf32>
          tpu.vector_store %arg8[%swap3A_288, %swap3A_289], %swap3A_292 {strides = array<i32>} : memref<320x128xf32, #tpu.memory_space<vmem>>, vector<1x16xf32>,
          %get3A_293 = arith.index_cast %squeeze3A_142 : i32 to index
          %get3A_294 = arith.constant 32 : index
          %get3A_295 = tpu.vector_load %arg8[%get3A_293, %get3A_294] {strides = array<i32>} : memref<320x128xf32, #tpu.memory_space<vmem>>, vector<1x16xf32>,
          %get3A_296 = vector.shape_cast %get3A_295 : vector<1x16xf32> to vector<16xf32>
          %add3A_297 = arith.constant 4 : i32
          %add3A_298 = arith.addi %mul3A_102, %add3A_297 : i32
          %get3A_299 = arith.index_cast %add3A_298 : i32 to index
          %get3A_300 = arith.constant 32 : index
          %get3A_301 = tpu.vector_load %arg5[%get3A_299, %get3A_300] {strides = array<i32>} : memref<512x128xf32, #tpu.memory_space<vmem>>, vector<1x16xf32>,
          %get3A_302 = vector.shape_cast %get3A_301 : vector<1x16xf32> to vector<16xf32>
          %add3A_303 = arith.addf %get3A_296, %get3A_302 : vector<16xf32>
          %swap3A_304 = arith.index_cast %squeeze3A_142 : i32 to index
          %swap3A_305 = arith.constant 32 : index
          %swap3A_306 = tpu.vector_load %arg8[%swap3A_304, %swap3A_305] {strides = array<i32>} : memref<320x128xf32, #tpu.memory_space<vmem>>, vector<1x16xf32>,
          %swap3A_307 = vector.shape_cast %swap3A_306 : vector<1x16xf32> to vector<16xf32>
          %swap3A_308 = vector.shape_cast %add3A_303 : vector<16xf32> to vector<1x16xf32>
          tpu.vector_store %arg8[%swap3A_304, %swap3A_305], %swap3A_308 {strides = array<i32>} : memref<320x128xf32, #tpu.memory_space<vmem>>, vector<1x16xf32>,
          %get3A_309 = arith.index_cast %squeeze3A_142 : i32 to index
          %get3A_310 = arith.constant 48 : index
          %get3A_311 = tpu.vector_load %arg8[%get3A_309, %get3A_310] {strides = array<i32>} : memref<320x128xf32, #tpu.memory_space<vmem>>, vector<1x16xf32>,
          %get3A_312 = vector.shape_cast %get3A_311 : vector<1x16xf32> to vector<16xf32>
          %add3A_313 = arith.constant 4 : i32
          %add3A_314 = arith.addi %mul3A_102, %add3A_313 : i32
          %get3A_315 = arith.index_cast %add3A_314 : i32 to index
          %get3A_316 = arith.constant 48 : index
          %get3A_317 = tpu.vector_load %arg5[%get3A_315, %get3A_316] {strides = array<i32>} : memref<512x128xf32, #tpu.memory_space<vmem>>, vector<1x16xf32>,
          %get3A_318 = vector.shape_cast %get3A_317 : vector<1x16xf32> to vector<16xf32>
          %add3A_319 = arith.addf %get3A_312, %get3A_318 : vector<16xf32>
          %swap3A_320 = arith.index_cast %squeeze3A_142 : i32 to index
          %swap3A_321 = arith.constant 48 : index
          %swap3A_322 = tpu.vector_load %arg8[%swap3A_320, %swap3A_321] {strides = array<i32>} : memref<320x128xf32, #tpu.memory_space<vmem>>, vector<1x16xf32>,
          %swap3A_323 = vector.shape_cast %swap3A_322 : vector<1x16xf32> to vector<16xf32>
          %swap3A_324 = vector.shape_cast %add3A_319 : vector<16xf32> to vector<1x16xf32>
          tpu.vector_store %arg8[%swap3A_320, %swap3A_321], %swap3A_324 {strides = array<i32>} : memref<320x128xf32, #tpu.memory_space<vmem>>, vector<1x16xf32>,
          %get3A_325 = arith.index_cast %squeeze3A_142 : i32 to index
          %get3A_326 = arith.constant 64 : index
          %get3A_327 = tpu.vector_load %arg8[%get3A_325, %get3A_326] {strides = array<i32>} : memref<320x128xf32, #tpu.memory_space<vmem>>, vector<1x16xf32>,
          %get3A_328 = vector.shape_cast %get3A_327 : vector<1x16xf32> to vector<16xf32>
          %add3A_329 = arith.constant 4 : i32
          %add3A_330 = arith.addi %mul3A_102, %add3A_329 : i32
          %get3A_331 = arith.index_cast %add3A_330 : i32 to index
          %get3A_332 = arith.constant 64 : index
          %get3A_333 = tpu.vector_load %arg5[%get3A_331, %get3A_332] {strides = array<i32>} : memref<512x128xf32, #tpu.memory_space<vmem>>, vector<1x16xf32>,
          %get3A_334 = vector.shape_cast %get3A_333 : vector<1x16xf32> to vector<16xf32>
          %add3A_335 = arith.addf %get3A_328, %get3A_334 : vector<16xf32>
          %swap3A_336 = arith.index_cast %squeeze3A_142 : i32 to index
          %swap3A_337 = arith.constant 64 : index
          %swap3A_338 = tpu.vector_load %arg8[%swap3A_336, %swap3A_337] {strides = array<i32>} : memref<320x128xf32, #tpu.memory_space<vmem>>, vector<1x16xf32>,
          %swap3A_339 = vector.shape_cast %swap3A_338 : vector<1x16xf32> to vector<16xf32>
          %swap3A_340 = vector.shape_cast %add3A_335 : vector<16xf32> to vector<1x16xf32>
          tpu.vector_store %arg8[%swap3A_336, %swap3A_337], %swap3A_340 {strides = array<i32>} : memref<320x128xf32, #tpu.memory_space<vmem>>, vector<1x16xf32>,
          %get3A_341 = arith.index_cast %squeeze3A_142 : i32 to index
          %get3A_342 = arith.constant 80 : index
          %get3A_343 = tpu.vector_load %arg8[%get3A_341, %get3A_342] {strides = array<i32>} : memref<320x128xf32, #tpu.memory_space<vmem>>, vector<1x16xf32>,
          %get3A_344 = vector.shape_cast %get3A_343 : vector<1x16xf32> to vector<16xf32>
          %add3A_345 = arith.constant 4 : i32
          %add3A_346 = arith.addi %mul3A_102, %add3A_345 : i32
          %get3A_347 = arith.index_cast %add3A_346 : i32 to index
          %get3A_348 = arith.constant 80 : index
          %get3A_349 = tpu.vector_load %arg5[%get3A_347, %get3A_348] {strides = array<i32>} : memref<512x128xf32, #tpu.memory_space<vmem>>, vector<1x16xf32>,
          %get3A_350 = vector.shape_cast %get3A_349 : vector<1x16xf32> to vector<16xf32>
          %add3A_351 = arith.addf %get3A_344, %get3A_350 : vector<16xf32>
          %swap3A_352 = arith.index_cast %squeeze3A_142 : i32 to index
          %swap3A_353 = arith.constant 80 : index
          %swap3A_354 = tpu.vector_load %arg8[%swap3A_352, %swap3A_353] {strides = array<i32>} : memref<320x128xf32, #tpu.memory_space<vmem>>, vector<1x16xf32>,
          %swap3A_355 = vector.shape_cast %swap3A_354 : vector<1x16xf32> to vector<16xf32>
          %swap3A_356 = vector.shape_cast %add3A_351 : vector<16xf32> to vector<1x16xf32>
          tpu.vector_store %arg8[%swap3A_352, %swap3A_353], %swap3A_356 {strides = array<i32>} : memref<320x128xf32, #tpu.memory_space<vmem>>, vector<1x16xf32>,
          %get3A_357 = arith.index_cast %squeeze3A_142 : i32 to index
          %get3A_358 = arith.constant 96 : index
          %get3A_359 = tpu.vector_load %arg8[%get3A_357, %get3A_358] {strides = array<i32>} : memref<320x128xf32, #tpu.memory_space<vmem>>, vector<1x16xf32>,
          %get3A_360 = vector.shape_cast %get3A_359 : vector<1x16xf32> to vector<16xf32>
          %add3A_361 = arith.constant 4 : i32
          %add3A_362 = arith.addi %mul3A_102, %add3A_361 : i32
          %get3A_363 = arith.index_cast %add3A_362 : i32 to index
          %get3A_364 = arith.constant 96 : index
          %get3A_365 = tpu.vector_load %arg5[%get3A_363, %get3A_364] {strides = array<i32>} : memref<512x128xf32, #tpu.memory_space<vmem>>, vector<1x16xf32>,
          %get3A_366 = vector.shape_cast %get3A_365 : vector<1x16xf32> to vector<16xf32>
          %add3A_367 = arith.addf %get3A_360, %get3A_366 : vector<16xf32>
          %swap3A_368 = arith.index_cast %squeeze3A_142 : i32 to index
          %swap3A_369 = arith.constant 96 : index
          %swap3A_370 = tpu.vector_load %arg8[%swap3A_368, %swap3A_369] {strides = array<i32>} : memref<320x128xf32, #tpu.memory_space<vmem>>, vector<1x16xf32>,
          %swap3A_371 = vector.shape_cast %swap3A_370 : vector<1x16xf32> to vector<16xf32>
          %swap3A_372 = vector.shape_cast %add3A_367 : vector<16xf32> to vector<1x16xf32>
          tpu.vector_store %arg8[%swap3A_368, %swap3A_369], %swap3A_372 {strides = array<i32>} : memref<320x128xf32, #tpu.memory_space<vmem>>, vector<1x16xf32>,
          %get3A_373 = arith.index_cast %squeeze3A_142 : i32 to index
          %get3A_374 = arith.constant 112 : index
          %get3A_375 = tpu.vector_load %arg8[%get3A_373, %get3A_374] {strides = array<i32>} : memref<320x128xf32, #tpu.memory_space<vmem>>, vector<1x16xf32>,
          %get3A_376 = vector.shape_cast %get3A_375 : vector<1x16xf32> to vector<16xf32>
          %add3A_377 = arith.constant 4 : i32
          %add3A_378 = arith.addi %mul3A_102, %add3A_377 : i32
          %get3A_379 = arith.index_cast %add3A_378 : i32 to index
          %get3A_380 = arith.constant 112 : index
          %get3A_381 = tpu.vector_load %arg5[%get3A_379, %get3A_380] {strides = array<i32>} : memref<512x128xf32, #tpu.memory_space<vmem>>, vector<1x16xf32>,
          %get3A_382 = vector.shape_cast %get3A_381 : vector<1x16xf32> to vector<16xf32>
          %add3A_383 = arith.addf %get3A_376, %get3A_382 : vector<16xf32>
          %swap3A_384 = arith.index_cast %squeeze3A_142 : i32 to index
          %swap3A_385 = arith.constant 112 : index
          %swap3A_386 = tpu.vector_load %arg8[%swap3A_384, %swap3A_385] {strides = array<i32>} : memref<320x128xf32, #tpu.memory_space<vmem>>, vector<1x16xf32>,
          %swap3A_387 = vector.shape_cast %swap3A_386 : vector<1x16xf32> to vector<16xf32>
          %swap3A_388 = vector.shape_cast %add3A_383 : vector<16xf32> to vector<1x16xf32>
          tpu.vector_store %arg8[%swap3A_384, %swap3A_385], %swap3A_388 {strides = array<i32>} : memref<320x128xf32, #tpu.memory_space<vmem>>, vector<1x16xf32>,
        } else {
        }
        %slice3A_151 = vector.extract_strided_slice %sub3A_106 {offsets = [5], sizes = [1], strides = [1]} : vector<16xi32> to vector<1xi32>
        %squeeze3A_152 = vector.extract %slice3A_151[0] : i32 from vector<1xi32>
        %ge3A_153 = arith.constant 0 : i32
        %ge3A_154 = arith.cmpi sge, %squeeze3A_152, %ge3A_153 : i32
        %lt3A_155 = arith.constant 320 : i32
        %lt3A_156 = arith.cmpi slt, %squeeze3A_152, %lt3A_155 : i32
        %and3A_157 = arith.andi %ge3A_154, %lt3A_156 : i1
        %convert_element_type3A_158 = arith.extui %and3A_157 : i1 to i32
        %cond3A_159 = arith.constant 0 : i32
        %cond3A_160 = arith.cmpi ne, %convert_element_type3A_158, %cond3A_159 : i32
        scf.if %cond3A_160 {
          %get3A_262 = arith.index_cast %squeeze3A_152 : i32 to index
          %get3A_263 = arith.constant 0 : index
          %get3A_264 = tpu.vector_load %arg8[%get3A_262, %get3A_263] {strides = array<i32>} : memref<320x128xf32, #tpu.memory_space<vmem>>, vector<1x16xf32>,
          %get3A_265 = vector.shape_cast %get3A_264 : vector<1x16xf32> to vector<16xf32>
          %add3A_266 = arith.constant 5 : i32
          %add3A_267 = arith.addi %mul3A_102, %add3A_266 : i32
          %get3A_268 = arith.index_cast %add3A_267 : i32 to index
          %get3A_269 = arith.constant 0 : index
          %get3A_270 = tpu.vector_load %arg5[%get3A_268, %get3A_269] {strides = array<i32>} : memref<512x128xf32, #tpu.memory_space<vmem>>, vector<1x16xf32>,
          %get3A_271 = vector.shape_cast %get3A_270 : vector<1x16xf32> to vector<16xf32>
          %add3A_272 = arith.addf %get3A_265, %get3A_271 : vector<16xf32>
          %swap3A = arith.index_cast %squeeze3A_152 : i32 to index
          %swap3A_273 = arith.constant 0 : index
          %swap3A_274 = tpu.vector_load %arg8[%swap3A, %swap3A_273] {strides = array<i32>} : memref<320x128xf32, #tpu.memory_space<vmem>>, vector<1x16xf32>,
          %swap3A_275 = vector.shape_cast %swap3A_274 : vector<1x16xf32> to vector<16xf32>
          %swap3A_276 = vector.shape_cast %add3A_272 : vector<16xf32> to vector<1x16xf32>
          tpu.vector_store %arg8[%swap3A, %swap3A_273], %swap3A_276 {strides = array<i32>} : memref<320x128xf32, #tpu.memory_space<vmem>>, vector<1x16xf32>,
          %get3A_277 = arith.index_cast %squeeze3A_152 : i32 to index
          %get3A_278 = arith.constant 16 : index
          %get3A_279 = tpu.vector_load %arg8[%get3A_277, %get3A_278] {strides = array<i32>} : memref<320x128xf32, #tpu.memory_space<vmem>>, vector<1x16xf32>,
          %get3A_280 = vector.shape_cast %get3A_279 : vector<1x16xf32> to vector<16xf32>
          %add3A_281 = arith.constant 5 : i32
          %add3A_282 = arith.addi %mul3A_102, %add3A_281 : i32
          %get3A_283 = arith.index_cast %add3A_282 : i32 to index
          %get3A_284 = arith.constant 16 : index
          %get3A_285 = tpu.vector_load %arg5[%get3A_283, %get3A_284] {strides = array<i32>} : memref<512x128xf32, #tpu.memory_space<vmem>>, vector<1x16xf32>,
          %get3A_286 = vector.shape_cast %get3A_285 : vector<1x16xf32> to vector<16xf32>
          %add3A_287 = arith.addf %get3A_280, %get3A_286 : vector<16xf32>
          %swap3A_288 = arith.index_cast %squeeze3A_152 : i32 to index
          %swap3A_289 = arith.constant 16 : index
          %swap3A_290 = tpu.vector_load %arg8[%swap3A_288, %swap3A_289] {strides = array<i32>} : memref<320x128xf32, #tpu.memory_space<vmem>>, vector<1x16xf32>,
          %swap3A_291 = vector.shape_cast %swap3A_290 : vector<1x16xf32> to vector<16xf32>
          %swap3A_292 = vector.shape_cast %add3A_287 : vector<16xf32> to vector<1x16xf32>
          tpu.vector_store %arg8[%swap3A_288, %swap3A_289], %swap3A_292 {strides = array<i32>} : memref<320x128xf32, #tpu.memory_space<vmem>>, vector<1x16xf32>,
          %get3A_293 = arith.index_cast %squeeze3A_152 : i32 to index
          %get3A_294 = arith.constant 32 : index
          %get3A_295 = tpu.vector_load %arg8[%get3A_293, %get3A_294] {strides = array<i32>} : memref<320x128xf32, #tpu.memory_space<vmem>>, vector<1x16xf32>,
          %get3A_296 = vector.shape_cast %get3A_295 : vector<1x16xf32> to vector<16xf32>
          %add3A_297 = arith.constant 5 : i32
          %add3A_298 = arith.addi %mul3A_102, %add3A_297 : i32
          %get3A_299 = arith.index_cast %add3A_298 : i32 to index
          %get3A_300 = arith.constant 32 : index
          %get3A_301 = tpu.vector_load %arg5[%get3A_299, %get3A_300] {strides = array<i32>} : memref<512x128xf32, #tpu.memory_space<vmem>>, vector<1x16xf32>,
          %get3A_302 = vector.shape_cast %get3A_301 : vector<1x16xf32> to vector<16xf32>
          %add3A_303 = arith.addf %get3A_296, %get3A_302 : vector<16xf32>
          %swap3A_304 = arith.index_cast %squeeze3A_152 : i32 to index
          %swap3A_305 = arith.constant 32 : index
          %swap3A_306 = tpu.vector_load %arg8[%swap3A_304, %swap3A_305] {strides = array<i32>} : memref<320x128xf32, #tpu.memory_space<vmem>>, vector<1x16xf32>,
          %swap3A_307 = vector.shape_cast %swap3A_306 : vector<1x16xf32> to vector<16xf32>
          %swap3A_308 = vector.shape_cast %add3A_303 : vector<16xf32> to vector<1x16xf32>
          tpu.vector_store %arg8[%swap3A_304, %swap3A_305], %swap3A_308 {strides = array<i32>} : memref<320x128xf32, #tpu.memory_space<vmem>>, vector<1x16xf32>,
          %get3A_309 = arith.index_cast %squeeze3A_152 : i32 to index
          %get3A_310 = arith.constant 48 : index
          %get3A_311 = tpu.vector_load %arg8[%get3A_309, %get3A_310] {strides = array<i32>} : memref<320x128xf32, #tpu.memory_space<vmem>>, vector<1x16xf32>,
          %get3A_312 = vector.shape_cast %get3A_311 : vector<1x16xf32> to vector<16xf32>
          %add3A_313 = arith.constant 5 : i32
          %add3A_314 = arith.addi %mul3A_102, %add3A_313 : i32
          %get3A_315 = arith.index_cast %add3A_314 : i32 to index
          %get3A_316 = arith.constant 48 : index
          %get3A_317 = tpu.vector_load %arg5[%get3A_315, %get3A_316] {strides = array<i32>} : memref<512x128xf32, #tpu.memory_space<vmem>>, vector<1x16xf32>,
          %get3A_318 = vector.shape_cast %get3A_317 : vector<1x16xf32> to vector<16xf32>
          %add3A_319 = arith.addf %get3A_312, %get3A_318 : vector<16xf32>
          %swap3A_320 = arith.index_cast %squeeze3A_152 : i32 to index
          %swap3A_321 = arith.constant 48 : index
          %swap3A_322 = tpu.vector_load %arg8[%swap3A_320, %swap3A_321] {strides = array<i32>} : memref<320x128xf32, #tpu.memory_space<vmem>>, vector<1x16xf32>,
          %swap3A_323 = vector.shape_cast %swap3A_322 : vector<1x16xf32> to vector<16xf32>
          %swap3A_324 = vector.shape_cast %add3A_319 : vector<16xf32> to vector<1x16xf32>
          tpu.vector_store %arg8[%swap3A_320, %swap3A_321], %swap3A_324 {strides = array<i32>} : memref<320x128xf32, #tpu.memory_space<vmem>>, vector<1x16xf32>,
          %get3A_325 = arith.index_cast %squeeze3A_152 : i32 to index
          %get3A_326 = arith.constant 64 : index
          %get3A_327 = tpu.vector_load %arg8[%get3A_325, %get3A_326] {strides = array<i32>} : memref<320x128xf32, #tpu.memory_space<vmem>>, vector<1x16xf32>,
          %get3A_328 = vector.shape_cast %get3A_327 : vector<1x16xf32> to vector<16xf32>
          %add3A_329 = arith.constant 5 : i32
          %add3A_330 = arith.addi %mul3A_102, %add3A_329 : i32
          %get3A_331 = arith.index_cast %add3A_330 : i32 to index
          %get3A_332 = arith.constant 64 : index
          %get3A_333 = tpu.vector_load %arg5[%get3A_331, %get3A_332] {strides = array<i32>} : memref<512x128xf32, #tpu.memory_space<vmem>>, vector<1x16xf32>,
          %get3A_334 = vector.shape_cast %get3A_333 : vector<1x16xf32> to vector<16xf32>
          %add3A_335 = arith.addf %get3A_328, %get3A_334 : vector<16xf32>
          %swap3A_336 = arith.index_cast %squeeze3A_152 : i32 to index
          %swap3A_337 = arith.constant 64 : index
          %swap3A_338 = tpu.vector_load %arg8[%swap3A_336, %swap3A_337] {strides = array<i32>} : memref<320x128xf32, #tpu.memory_space<vmem>>, vector<1x16xf32>,
          %swap3A_339 = vector.shape_cast %swap3A_338 : vector<1x16xf32> to vector<16xf32>
          %swap3A_340 = vector.shape_cast %add3A_335 : vector<16xf32> to vector<1x16xf32>
          tpu.vector_store %arg8[%swap3A_336, %swap3A_337], %swap3A_340 {strides = array<i32>} : memref<320x128xf32, #tpu.memory_space<vmem>>, vector<1x16xf32>,
          %get3A_341 = arith.index_cast %squeeze3A_152 : i32 to index
          %get3A_342 = arith.constant 80 : index
          %get3A_343 = tpu.vector_load %arg8[%get3A_341, %get3A_342] {strides = array<i32>} : memref<320x128xf32, #tpu.memory_space<vmem>>, vector<1x16xf32>,
          %get3A_344 = vector.shape_cast %get3A_343 : vector<1x16xf32> to vector<16xf32>
          %add3A_345 = arith.constant 5 : i32
          %add3A_346 = arith.addi %mul3A_102, %add3A_345 : i32
          %get3A_347 = arith.index_cast %add3A_346 : i32 to index
          %get3A_348 = arith.constant 80 : index
          %get3A_349 = tpu.vector_load %arg5[%get3A_347, %get3A_348] {strides = array<i32>} : memref<512x128xf32, #tpu.memory_space<vmem>>, vector<1x16xf32>,
          %get3A_350 = vector.shape_cast %get3A_349 : vector<1x16xf32> to vector<16xf32>
          %add3A_351 = arith.addf %get3A_344, %get3A_350 : vector<16xf32>
          %swap3A_352 = arith.index_cast %squeeze3A_152 : i32 to index
          %swap3A_353 = arith.constant 80 : index
          %swap3A_354 = tpu.vector_load %arg8[%swap3A_352, %swap3A_353] {strides = array<i32>} : memref<320x128xf32, #tpu.memory_space<vmem>>, vector<1x16xf32>,
          %swap3A_355 = vector.shape_cast %swap3A_354 : vector<1x16xf32> to vector<16xf32>
          %swap3A_356 = vector.shape_cast %add3A_351 : vector<16xf32> to vector<1x16xf32>
          tpu.vector_store %arg8[%swap3A_352, %swap3A_353], %swap3A_356 {strides = array<i32>} : memref<320x128xf32, #tpu.memory_space<vmem>>, vector<1x16xf32>,
          %get3A_357 = arith.index_cast %squeeze3A_152 : i32 to index
          %get3A_358 = arith.constant 96 : index
          %get3A_359 = tpu.vector_load %arg8[%get3A_357, %get3A_358] {strides = array<i32>} : memref<320x128xf32, #tpu.memory_space<vmem>>, vector<1x16xf32>,
          %get3A_360 = vector.shape_cast %get3A_359 : vector<1x16xf32> to vector<16xf32>
          %add3A_361 = arith.constant 5 : i32
          %add3A_362 = arith.addi %mul3A_102, %add3A_361 : i32
          %get3A_363 = arith.index_cast %add3A_362 : i32 to index
          %get3A_364 = arith.constant 96 : index
          %get3A_365 = tpu.vector_load %arg5[%get3A_363, %get3A_364] {strides = array<i32>} : memref<512x128xf32, #tpu.memory_space<vmem>>, vector<1x16xf32>,
          %get3A_366 = vector.shape_cast %get3A_365 : vector<1x16xf32> to vector<16xf32>
          %add3A_367 = arith.addf %get3A_360, %get3A_366 : vector<16xf32>
          %swap3A_368 = arith.index_cast %squeeze3A_152 : i32 to index
          %swap3A_369 = arith.constant 96 : index
          %swap3A_370 = tpu.vector_load %arg8[%swap3A_368, %swap3A_369] {strides = array<i32>} : memref<320x128xf32, #tpu.memory_space<vmem>>, vector<1x16xf32>,
          %swap3A_371 = vector.shape_cast %swap3A_370 : vector<1x16xf32> to vector<16xf32>
          %swap3A_372 = vector.shape_cast %add3A_367 : vector<16xf32> to vector<1x16xf32>
          tpu.vector_store %arg8[%swap3A_368, %swap3A_369], %swap3A_372 {strides = array<i32>} : memref<320x128xf32, #tpu.memory_space<vmem>>, vector<1x16xf32>,
          %get3A_373 = arith.index_cast %squeeze3A_152 : i32 to index
          %get3A_374 = arith.constant 112 : index
          %get3A_375 = tpu.vector_load %arg8[%get3A_373, %get3A_374] {strides = array<i32>} : memref<320x128xf32, #tpu.memory_space<vmem>>, vector<1x16xf32>,
          %get3A_376 = vector.shape_cast %get3A_375 : vector<1x16xf32> to vector<16xf32>
          %add3A_377 = arith.constant 5 : i32
          %add3A_378 = arith.addi %mul3A_102, %add3A_377 : i32
          %get3A_379 = arith.index_cast %add3A_378 : i32 to index
          %get3A_380 = arith.constant 112 : index
          %get3A_381 = tpu.vector_load %arg5[%get3A_379, %get3A_380] {strides = array<i32>} : memref<512x128xf32, #tpu.memory_space<vmem>>, vector<1x16xf32>,
          %get3A_382 = vector.shape_cast %get3A_381 : vector<1x16xf32> to vector<16xf32>
          %add3A_383 = arith.addf %get3A_376, %get3A_382 : vector<16xf32>
          %swap3A_384 = arith.index_cast %squeeze3A_152 : i32 to index
          %swap3A_385 = arith.constant 112 : index
          %swap3A_386 = tpu.vector_load %arg8[%swap3A_384, %swap3A_385] {strides = array<i32>} : memref<320x128xf32, #tpu.memory_space<vmem>>, vector<1x16xf32>,
          %swap3A_387 = vector.shape_cast %swap3A_386 : vector<1x16xf32> to vector<16xf32>
          %swap3A_388 = vector.shape_cast %add3A_383 : vector<16xf32> to vector<1x16xf32>
          tpu.vector_store %arg8[%swap3A_384, %swap3A_385], %swap3A_388 {strides = array<i32>} : memref<320x128xf32, #tpu.memory_space<vmem>>, vector<1x16xf32>,
        } else {
        }
        %slice3A_161 = vector.extract_strided_slice %sub3A_106 {offsets = [6], sizes = [1], strides = [1]} : vector<16xi32> to vector<1xi32>
        %squeeze3A_162 = vector.extract %slice3A_161[0] : i32 from vector<1xi32>
        %ge3A_163 = arith.constant 0 : i32
        %ge3A_164 = arith.cmpi sge, %squeeze3A_162, %ge3A_163 : i32
        %lt3A_165 = arith.constant 320 : i32
        %lt3A_166 = arith.cmpi slt, %squeeze3A_162, %lt3A_165 : i32
        %and3A_167 = arith.andi %ge3A_164, %lt3A_166 : i1
        %convert_element_type3A_168 = arith.extui %and3A_167 : i1 to i32
        %cond3A_169 = arith.constant 0 : i32
        %cond3A_170 = arith.cmpi ne, %convert_element_type3A_168, %cond3A_169 : i32
        scf.if %cond3A_170 {
          %get3A_262 = arith.index_cast %squeeze3A_162 : i32 to index
          %get3A_263 = arith.constant 0 : index
          %get3A_264 = tpu.vector_load %arg8[%get3A_262, %get3A_263] {strides = array<i32>} : memref<320x128xf32, #tpu.memory_space<vmem>>, vector<1x16xf32>,
          %get3A_265 = vector.shape_cast %get3A_264 : vector<1x16xf32> to vector<16xf32>
          %add3A_266 = arith.constant 6 : i32
          %add3A_267 = arith.addi %mul3A_102, %add3A_266 : i32
          %get3A_268 = arith.index_cast %add3A_267 : i32 to index
          %get3A_269 = arith.constant 0 : index
          %get3A_270 = tpu.vector_load %arg5[%get3A_268, %get3A_269] {strides = array<i32>} : memref<512x128xf32, #tpu.memory_space<vmem>>, vector<1x16xf32>,
          %get3A_271 = vector.shape_cast %get3A_270 : vector<1x16xf32> to vector<16xf32>
          %add3A_272 = arith.addf %get3A_265, %get3A_271 : vector<16xf32>
          %swap3A = arith.index_cast %squeeze3A_162 : i32 to index
          %swap3A_273 = arith.constant 0 : index
          %swap3A_274 = tpu.vector_load %arg8[%swap3A, %swap3A_273] {strides = array<i32>} : memref<320x128xf32, #tpu.memory_space<vmem>>, vector<1x16xf32>,
          %swap3A_275 = vector.shape_cast %swap3A_274 : vector<1x16xf32> to vector<16xf32>
          %swap3A_276 = vector.shape_cast %add3A_272 : vector<16xf32> to vector<1x16xf32>
          tpu.vector_store %arg8[%swap3A, %swap3A_273], %swap3A_276 {strides = array<i32>} : memref<320x128xf32, #tpu.memory_space<vmem>>, vector<1x16xf32>,
          %get3A_277 = arith.index_cast %squeeze3A_162 : i32 to index
          %get3A_278 = arith.constant 16 : index
          %get3A_279 = tpu.vector_load %arg8[%get3A_277, %get3A_278] {strides = array<i32>} : memref<320x128xf32, #tpu.memory_space<vmem>>, vector<1x16xf32>,
          %get3A_280 = vector.shape_cast %get3A_279 : vector<1x16xf32> to vector<16xf32>
          %add3A_281 = arith.constant 6 : i32
          %add3A_282 = arith.addi %mul3A_102, %add3A_281 : i32
          %get3A_283 = arith.index_cast %add3A_282 : i32 to index
          %get3A_284 = arith.constant 16 : index
          %get3A_285 = tpu.vector_load %arg5[%get3A_283, %get3A_284] {strides = array<i32>} : memref<512x128xf32, #tpu.memory_space<vmem>>, vector<1x16xf32>,
          %get3A_286 = vector.shape_cast %get3A_285 : vector<1x16xf32> to vector<16xf32>
          %add3A_287 = arith.addf %get3A_280, %get3A_286 : vector<16xf32>
          %swap3A_288 = arith.index_cast %squeeze3A_162 : i32 to index
          %swap3A_289 = arith.constant 16 : index
          %swap3A_290 = tpu.vector_load %arg8[%swap3A_288, %swap3A_289] {strides = array<i32>} : memref<320x128xf32, #tpu.memory_space<vmem>>, vector<1x16xf32>,
          %swap3A_291 = vector.shape_cast %swap3A_290 : vector<1x16xf32> to vector<16xf32>
          %swap3A_292 = vector.shape_cast %add3A_287 : vector<16xf32> to vector<1x16xf32>
          tpu.vector_store %arg8[%swap3A_288, %swap3A_289], %swap3A_292 {strides = array<i32>} : memref<320x128xf32, #tpu.memory_space<vmem>>, vector<1x16xf32>,
          %get3A_293 = arith.index_cast %squeeze3A_162 : i32 to index
          %get3A_294 = arith.constant 32 : index
          %get3A_295 = tpu.vector_load %arg8[%get3A_293, %get3A_294] {strides = array<i32>} : memref<320x128xf32, #tpu.memory_space<vmem>>, vector<1x16xf32>,
          %get3A_296 = vector.shape_cast %get3A_295 : vector<1x16xf32> to vector<16xf32>
          %add3A_297 = arith.constant 6 : i32
          %add3A_298 = arith.addi %mul3A_102, %add3A_297 : i32
          %get3A_299 = arith.index_cast %add3A_298 : i32 to index
          %get3A_300 = arith.constant 32 : index
          %get3A_301 = tpu.vector_load %arg5[%get3A_299, %get3A_300] {strides = array<i32>} : memref<512x128xf32, #tpu.memory_space<vmem>>, vector<1x16xf32>,
          %get3A_302 = vector.shape_cast %get3A_301 : vector<1x16xf32> to vector<16xf32>
          %add3A_303 = arith.addf %get3A_296, %get3A_302 : vector<16xf32>
          %swap3A_304 = arith.index_cast %squeeze3A_162 : i32 to index
          %swap3A_305 = arith.constant 32 : index
          %swap3A_306 = tpu.vector_load %arg8[%swap3A_304, %swap3A_305] {strides = array<i32>} : memref<320x128xf32, #tpu.memory_space<vmem>>, vector<1x16xf32>,
          %swap3A_307 = vector.shape_cast %swap3A_306 : vector<1x16xf32> to vector<16xf32>
          %swap3A_308 = vector.shape_cast %add3A_303 : vector<16xf32> to vector<1x16xf32>
          tpu.vector_store %arg8[%swap3A_304, %swap3A_305], %swap3A_308 {strides = array<i32>} : memref<320x128xf32, #tpu.memory_space<vmem>>, vector<1x16xf32>,
          %get3A_309 = arith.index_cast %squeeze3A_162 : i32 to index
          %get3A_310 = arith.constant 48 : index
          %get3A_311 = tpu.vector_load %arg8[%get3A_309, %get3A_310] {strides = array<i32>} : memref<320x128xf32, #tpu.memory_space<vmem>>, vector<1x16xf32>,
          %get3A_312 = vector.shape_cast %get3A_311 : vector<1x16xf32> to vector<16xf32>
          %add3A_313 = arith.constant 6 : i32
          %add3A_314 = arith.addi %mul3A_102, %add3A_313 : i32
          %get3A_315 = arith.index_cast %add3A_314 : i32 to index
          %get3A_316 = arith.constant 48 : index
          %get3A_317 = tpu.vector_load %arg5[%get3A_315, %get3A_316] {strides = array<i32>} : memref<512x128xf32, #tpu.memory_space<vmem>>, vector<1x16xf32>,
          %get3A_318 = vector.shape_cast %get3A_317 : vector<1x16xf32> to vector<16xf32>
          %add3A_319 = arith.addf %get3A_312, %get3A_318 : vector<16xf32>
          %swap3A_320 = arith.index_cast %squeeze3A_162 : i32 to index
          %swap3A_321 = arith.constant 48 : index
          %swap3A_322 = tpu.vector_load %arg8[%swap3A_320, %swap3A_321] {strides = array<i32>} : memref<320x128xf32, #tpu.memory_space<vmem>>, vector<1x16xf32>,
          %swap3A_323 = vector.shape_cast %swap3A_322 : vector<1x16xf32> to vector<16xf32>
          %swap3A_324 = vector.shape_cast %add3A_319 : vector<16xf32> to vector<1x16xf32>
          tpu.vector_store %arg8[%swap3A_320, %swap3A_321], %swap3A_324 {strides = array<i32>} : memref<320x128xf32, #tpu.memory_space<vmem>>, vector<1x16xf32>,
          %get3A_325 = arith.index_cast %squeeze3A_162 : i32 to index
          %get3A_326 = arith.constant 64 : index
          %get3A_327 = tpu.vector_load %arg8[%get3A_325, %get3A_326] {strides = array<i32>} : memref<320x128xf32, #tpu.memory_space<vmem>>, vector<1x16xf32>,
          %get3A_328 = vector.shape_cast %get3A_327 : vector<1x16xf32> to vector<16xf32>
          %add3A_329 = arith.constant 6 : i32
          %add3A_330 = arith.addi %mul3A_102, %add3A_329 : i32
          %get3A_331 = arith.index_cast %add3A_330 : i32 to index
          %get3A_332 = arith.constant 64 : index
          %get3A_333 = tpu.vector_load %arg5[%get3A_331, %get3A_332] {strides = array<i32>} : memref<512x128xf32, #tpu.memory_space<vmem>>, vector<1x16xf32>,
          %get3A_334 = vector.shape_cast %get3A_333 : vector<1x16xf32> to vector<16xf32>
          %add3A_335 = arith.addf %get3A_328, %get3A_334 : vector<16xf32>
          %swap3A_336 = arith.index_cast %squeeze3A_162 : i32 to index
          %swap3A_337 = arith.constant 64 : index
          %swap3A_338 = tpu.vector_load %arg8[%swap3A_336, %swap3A_337] {strides = array<i32>} : memref<320x128xf32, #tpu.memory_space<vmem>>, vector<1x16xf32>,
          %swap3A_339 = vector.shape_cast %swap3A_338 : vector<1x16xf32> to vector<16xf32>
          %swap3A_340 = vector.shape_cast %add3A_335 : vector<16xf32> to vector<1x16xf32>
          tpu.vector_store %arg8[%swap3A_336, %swap3A_337], %swap3A_340 {strides = array<i32>} : memref<320x128xf32, #tpu.memory_space<vmem>>, vector<1x16xf32>,
          %get3A_341 = arith.index_cast %squeeze3A_162 : i32 to index
          %get3A_342 = arith.constant 80 : index
          %get3A_343 = tpu.vector_load %arg8[%get3A_341, %get3A_342] {strides = array<i32>} : memref<320x128xf32, #tpu.memory_space<vmem>>, vector<1x16xf32>,
          %get3A_344 = vector.shape_cast %get3A_343 : vector<1x16xf32> to vector<16xf32>
          %add3A_345 = arith.constant 6 : i32
          %add3A_346 = arith.addi %mul3A_102, %add3A_345 : i32
          %get3A_347 = arith.index_cast %add3A_346 : i32 to index
          %get3A_348 = arith.constant 80 : index
          %get3A_349 = tpu.vector_load %arg5[%get3A_347, %get3A_348] {strides = array<i32>} : memref<512x128xf32, #tpu.memory_space<vmem>>, vector<1x16xf32>,
          %get3A_350 = vector.shape_cast %get3A_349 : vector<1x16xf32> to vector<16xf32>
          %add3A_351 = arith.addf %get3A_344, %get3A_350 : vector<16xf32>
          %swap3A_352 = arith.index_cast %squeeze3A_162 : i32 to index
          %swap3A_353 = arith.constant 80 : index
          %swap3A_354 = tpu.vector_load %arg8[%swap3A_352, %swap3A_353] {strides = array<i32>} : memref<320x128xf32, #tpu.memory_space<vmem>>, vector<1x16xf32>,
          %swap3A_355 = vector.shape_cast %swap3A_354 : vector<1x16xf32> to vector<16xf32>
          %swap3A_356 = vector.shape_cast %add3A_351 : vector<16xf32> to vector<1x16xf32>
          tpu.vector_store %arg8[%swap3A_352, %swap3A_353], %swap3A_356 {strides = array<i32>} : memref<320x128xf32, #tpu.memory_space<vmem>>, vector<1x16xf32>,
          %get3A_357 = arith.index_cast %squeeze3A_162 : i32 to index
          %get3A_358 = arith.constant 96 : index
          %get3A_359 = tpu.vector_load %arg8[%get3A_357, %get3A_358] {strides = array<i32>} : memref<320x128xf32, #tpu.memory_space<vmem>>, vector<1x16xf32>,
          %get3A_360 = vector.shape_cast %get3A_359 : vector<1x16xf32> to vector<16xf32>
          %add3A_361 = arith.constant 6 : i32
          %add3A_362 = arith.addi %mul3A_102, %add3A_361 : i32
          %get3A_363 = arith.index_cast %add3A_362 : i32 to index
          %get3A_364 = arith.constant 96 : index
          %get3A_365 = tpu.vector_load %arg5[%get3A_363, %get3A_364] {strides = array<i32>} : memref<512x128xf32, #tpu.memory_space<vmem>>, vector<1x16xf32>,
          %get3A_366 = vector.shape_cast %get3A_365 : vector<1x16xf32> to vector<16xf32>
          %add3A_367 = arith.addf %get3A_360, %get3A_366 : vector<16xf32>
          %swap3A_368 = arith.index_cast %squeeze3A_162 : i32 to index
          %swap3A_369 = arith.constant 96 : index
          %swap3A_370 = tpu.vector_load %arg8[%swap3A_368, %swap3A_369] {strides = array<i32>} : memref<320x128xf32, #tpu.memory_space<vmem>>, vector<1x16xf32>,
          %swap3A_371 = vector.shape_cast %swap3A_370 : vector<1x16xf32> to vector<16xf32>
          %swap3A_372 = vector.shape_cast %add3A_367 : vector<16xf32> to vector<1x16xf32>
          tpu.vector_store %arg8[%swap3A_368, %swap3A_369], %swap3A_372 {strides = array<i32>} : memref<320x128xf32, #tpu.memory_space<vmem>>, vector<1x16xf32>,
          %get3A_373 = arith.index_cast %squeeze3A_162 : i32 to index
          %get3A_374 = arith.constant 112 : index
          %get3A_375 = tpu.vector_load %arg8[%get3A_373, %get3A_374] {strides = array<i32>} : memref<320x128xf32, #tpu.memory_space<vmem>>, vector<1x16xf32>,
          %get3A_376 = vector.shape_cast %get3A_375 : vector<1x16xf32> to vector<16xf32>
          %add3A_377 = arith.constant 6 : i32
          %add3A_378 = arith.addi %mul3A_102, %add3A_377 : i32
          %get3A_379 = arith.index_cast %add3A_378 : i32 to index
          %get3A_380 = arith.constant 112 : index
          %get3A_381 = tpu.vector_load %arg5[%get3A_379, %get3A_380] {strides = array<i32>} : memref<512x128xf32, #tpu.memory_space<vmem>>, vector<1x16xf32>,
          %get3A_382 = vector.shape_cast %get3A_381 : vector<1x16xf32> to vector<16xf32>
          %add3A_383 = arith.addf %get3A_376, %get3A_382 : vector<16xf32>
          %swap3A_384 = arith.index_cast %squeeze3A_162 : i32 to index
          %swap3A_385 = arith.constant 112 : index
          %swap3A_386 = tpu.vector_load %arg8[%swap3A_384, %swap3A_385] {strides = array<i32>} : memref<320x128xf32, #tpu.memory_space<vmem>>, vector<1x16xf32>,
          %swap3A_387 = vector.shape_cast %swap3A_386 : vector<1x16xf32> to vector<16xf32>
          %swap3A_388 = vector.shape_cast %add3A_383 : vector<16xf32> to vector<1x16xf32>
          tpu.vector_store %arg8[%swap3A_384, %swap3A_385], %swap3A_388 {strides = array<i32>} : memref<320x128xf32, #tpu.memory_space<vmem>>, vector<1x16xf32>,
        } else {
        }
        %slice3A_171 = vector.extract_strided_slice %sub3A_106 {offsets = [7], sizes = [1], strides = [1]} : vector<16xi32> to vector<1xi32>
        %squeeze3A_172 = vector.extract %slice3A_171[0] : i32 from vector<1xi32>
        %ge3A_173 = arith.constant 0 : i32
        %ge3A_174 = arith.cmpi sge, %squeeze3A_172, %ge3A_173 : i32
        %lt3A_175 = arith.constant 320 : i32
        %lt3A_176 = arith.cmpi slt, %squeeze3A_172, %lt3A_175 : i32
        %and3A_177 = arith.andi %ge3A_174, %lt3A_176 : i1
        %convert_element_type3A_178 = arith.extui %and3A_177 : i1 to i32
        %cond3A_179 = arith.constant 0 : i32
        %cond3A_180 = arith.cmpi ne, %convert_element_type3A_178, %cond3A_179 : i32
        scf.if %cond3A_180 {
          %get3A_262 = arith.index_cast %squeeze3A_172 : i32 to index
          %get3A_263 = arith.constant 0 : index
          %get3A_264 = tpu.vector_load %arg8[%get3A_262, %get3A_263] {strides = array<i32>} : memref<320x128xf32, #tpu.memory_space<vmem>>, vector<1x16xf32>,
          %get3A_265 = vector.shape_cast %get3A_264 : vector<1x16xf32> to vector<16xf32>
          %add3A_266 = arith.constant 7 : i32
          %add3A_267 = arith.addi %mul3A_102, %add3A_266 : i32
          %get3A_268 = arith.index_cast %add3A_267 : i32 to index
          %get3A_269 = arith.constant 0 : index
          %get3A_270 = tpu.vector_load %arg5[%get3A_268, %get3A_269] {strides = array<i32>} : memref<512x128xf32, #tpu.memory_space<vmem>>, vector<1x16xf32>,
          %get3A_271 = vector.shape_cast %get3A_270 : vector<1x16xf32> to vector<16xf32>
          %add3A_272 = arith.addf %get3A_265, %get3A_271 : vector<16xf32>
          %swap3A = arith.index_cast %squeeze3A_172 : i32 to index
          %swap3A_273 = arith.constant 0 : index
          %swap3A_274 = tpu.vector_load %arg8[%swap3A, %swap3A_273] {strides = array<i32>} : memref<320x128xf32, #tpu.memory_space<vmem>>, vector<1x16xf32>,
          %swap3A_275 = vector.shape_cast %swap3A_274 : vector<1x16xf32> to vector<16xf32>
          %swap3A_276 = vector.shape_cast %add3A_272 : vector<16xf32> to vector<1x16xf32>
          tpu.vector_store %arg8[%swap3A, %swap3A_273], %swap3A_276 {strides = array<i32>} : memref<320x128xf32, #tpu.memory_space<vmem>>, vector<1x16xf32>,
          %get3A_277 = arith.index_cast %squeeze3A_172 : i32 to index
          %get3A_278 = arith.constant 16 : index
          %get3A_279 = tpu.vector_load %arg8[%get3A_277, %get3A_278] {strides = array<i32>} : memref<320x128xf32, #tpu.memory_space<vmem>>, vector<1x16xf32>,
          %get3A_280 = vector.shape_cast %get3A_279 : vector<1x16xf32> to vector<16xf32>
          %add3A_281 = arith.constant 7 : i32
          %add3A_282 = arith.addi %mul3A_102, %add3A_281 : i32
          %get3A_283 = arith.index_cast %add3A_282 : i32 to index
          %get3A_284 = arith.constant 16 : index
          %get3A_285 = tpu.vector_load %arg5[%get3A_283, %get3A_284] {strides = array<i32>} : memref<512x128xf32, #tpu.memory_space<vmem>>, vector<1x16xf32>,
          %get3A_286 = vector.shape_cast %get3A_285 : vector<1x16xf32> to vector<16xf32>
          %add3A_287 = arith.addf %get3A_280, %get3A_286 : vector<16xf32>
          %swap3A_288 = arith.index_cast %squeeze3A_172 : i32 to index
          %swap3A_289 = arith.constant 16 : index
          %swap3A_290 = tpu.vector_load %arg8[%swap3A_288, %swap3A_289] {strides = array<i32>} : memref<320x128xf32, #tpu.memory_space<vmem>>, vector<1x16xf32>,
          %swap3A_291 = vector.shape_cast %swap3A_290 : vector<1x16xf32> to vector<16xf32>
          %swap3A_292 = vector.shape_cast %add3A_287 : vector<16xf32> to vector<1x16xf32>
          tpu.vector_store %arg8[%swap3A_288, %swap3A_289], %swap3A_292 {strides = array<i32>} : memref<320x128xf32, #tpu.memory_space<vmem>>, vector<1x16xf32>,
          %get3A_293 = arith.index_cast %squeeze3A_172 : i32 to index
          %get3A_294 = arith.constant 32 : index
          %get3A_295 = tpu.vector_load %arg8[%get3A_293, %get3A_294] {strides = array<i32>} : memref<320x128xf32, #tpu.memory_space<vmem>>, vector<1x16xf32>,
          %get3A_296 = vector.shape_cast %get3A_295 : vector<1x16xf32> to vector<16xf32>
          %add3A_297 = arith.constant 7 : i32
          %add3A_298 = arith.addi %mul3A_102, %add3A_297 : i32
          %get3A_299 = arith.index_cast %add3A_298 : i32 to index
          %get3A_300 = arith.constant 32 : index
          %get3A_301 = tpu.vector_load %arg5[%get3A_299, %get3A_300] {strides = array<i32>} : memref<512x128xf32, #tpu.memory_space<vmem>>, vector<1x16xf32>,
          %get3A_302 = vector.shape_cast %get3A_301 : vector<1x16xf32> to vector<16xf32>
          %add3A_303 = arith.addf %get3A_296, %get3A_302 : vector<16xf32>
          %swap3A_304 = arith.index_cast %squeeze3A_172 : i32 to index
          %swap3A_305 = arith.constant 32 : index
          %swap3A_306 = tpu.vector_load %arg8[%swap3A_304, %swap3A_305] {strides = array<i32>} : memref<320x128xf32, #tpu.memory_space<vmem>>, vector<1x16xf32>,
          %swap3A_307 = vector.shape_cast %swap3A_306 : vector<1x16xf32> to vector<16xf32>
          %swap3A_308 = vector.shape_cast %add3A_303 : vector<16xf32> to vector<1x16xf32>
          tpu.vector_store %arg8[%swap3A_304, %swap3A_305], %swap3A_308 {strides = array<i32>} : memref<320x128xf32, #tpu.memory_space<vmem>>, vector<1x16xf32>,
          %get3A_309 = arith.index_cast %squeeze3A_172 : i32 to index
          %get3A_310 = arith.constant 48 : index
          %get3A_311 = tpu.vector_load %arg8[%get3A_309, %get3A_310] {strides = array<i32>} : memref<320x128xf32, #tpu.memory_space<vmem>>, vector<1x16xf32>,
          %get3A_312 = vector.shape_cast %get3A_311 : vector<1x16xf32> to vector<16xf32>
          %add3A_313 = arith.constant 7 : i32
          %add3A_314 = arith.addi %mul3A_102, %add3A_313 : i32
          %get3A_315 = arith.index_cast %add3A_314 : i32 to index
          %get3A_316 = arith.constant 48 : index
          %get3A_317 = tpu.vector_load %arg5[%get3A_315, %get3A_316] {strides = array<i32>} : memref<512x128xf32, #tpu.memory_space<vmem>>, vector<1x16xf32>,
          %get3A_318 = vector.shape_cast %get3A_317 : vector<1x16xf32> to vector<16xf32>
          %add3A_319 = arith.addf %get3A_312, %get3A_318 : vector<16xf32>
          %swap3A_320 = arith.index_cast %squeeze3A_172 : i32 to index
          %swap3A_321 = arith.constant 48 : index
          %swap3A_322 = tpu.vector_load %arg8[%swap3A_320, %swap3A_321] {strides = array<i32>} : memref<320x128xf32, #tpu.memory_space<vmem>>, vector<1x16xf32>,
          %swap3A_323 = vector.shape_cast %swap3A_322 : vector<1x16xf32> to vector<16xf32>
          %swap3A_324 = vector.shape_cast %add3A_319 : vector<16xf32> to vector<1x16xf32>
          tpu.vector_store %arg8[%swap3A_320, %swap3A_321], %swap3A_324 {strides = array<i32>} : memref<320x128xf32, #tpu.memory_space<vmem>>, vector<1x16xf32>,
          %get3A_325 = arith.index_cast %squeeze3A_172 : i32 to index
          %get3A_326 = arith.constant 64 : index
          %get3A_327 = tpu.vector_load %arg8[%get3A_325, %get3A_326] {strides = array<i32>} : memref<320x128xf32, #tpu.memory_space<vmem>>, vector<1x16xf32>,
          %get3A_328 = vector.shape_cast %get3A_327 : vector<1x16xf32> to vector<16xf32>
          %add3A_329 = arith.constant 7 : i32
          %add3A_330 = arith.addi %mul3A_102, %add3A_329 : i32
          %get3A_331 = arith.index_cast %add3A_330 : i32 to index
          %get3A_332 = arith.constant 64 : index
          %get3A_333 = tpu.vector_load %arg5[%get3A_331, %get3A_332] {strides = array<i32>} : memref<512x128xf32, #tpu.memory_space<vmem>>, vector<1x16xf32>,
          %get3A_334 = vector.shape_cast %get3A_333 : vector<1x16xf32> to vector<16xf32>
          %add3A_335 = arith.addf %get3A_328, %get3A_334 : vector<16xf32>
          %swap3A_336 = arith.index_cast %squeeze3A_172 : i32 to index
          %swap3A_337 = arith.constant 64 : index
          %swap3A_338 = tpu.vector_load %arg8[%swap3A_336, %swap3A_337] {strides = array<i32>} : memref<320x128xf32, #tpu.memory_space<vmem>>, vector<1x16xf32>,
          %swap3A_339 = vector.shape_cast %swap3A_338 : vector<1x16xf32> to vector<16xf32>
          %swap3A_340 = vector.shape_cast %add3A_335 : vector<16xf32> to vector<1x16xf32>
          tpu.vector_store %arg8[%swap3A_336, %swap3A_337], %swap3A_340 {strides = array<i32>} : memref<320x128xf32, #tpu.memory_space<vmem>>, vector<1x16xf32>,
          %get3A_341 = arith.index_cast %squeeze3A_172 : i32 to index
          %get3A_342 = arith.constant 80 : index
          %get3A_343 = tpu.vector_load %arg8[%get3A_341, %get3A_342] {strides = array<i32>} : memref<320x128xf32, #tpu.memory_space<vmem>>, vector<1x16xf32>,
          %get3A_344 = vector.shape_cast %get3A_343 : vector<1x16xf32> to vector<16xf32>
          %add3A_345 = arith.constant 7 : i32
          %add3A_346 = arith.addi %mul3A_102, %add3A_345 : i32
          %get3A_347 = arith.index_cast %add3A_346 : i32 to index
          %get3A_348 = arith.constant 80 : index
          %get3A_349 = tpu.vector_load %arg5[%get3A_347, %get3A_348] {strides = array<i32>} : memref<512x128xf32, #tpu.memory_space<vmem>>, vector<1x16xf32>,
          %get3A_350 = vector.shape_cast %get3A_349 : vector<1x16xf32> to vector<16xf32>
          %add3A_351 = arith.addf %get3A_344, %get3A_350 : vector<16xf32>
          %swap3A_352 = arith.index_cast %squeeze3A_172 : i32 to index
          %swap3A_353 = arith.constant 80 : index
          %swap3A_354 = tpu.vector_load %arg8[%swap3A_352, %swap3A_353] {strides = array<i32>} : memref<320x128xf32, #tpu.memory_space<vmem>>, vector<1x16xf32>,
          %swap3A_355 = vector.shape_cast %swap3A_354 : vector<1x16xf32> to vector<16xf32>
          %swap3A_356 = vector.shape_cast %add3A_351 : vector<16xf32> to vector<1x16xf32>
          tpu.vector_store %arg8[%swap3A_352, %swap3A_353], %swap3A_356 {strides = array<i32>} : memref<320x128xf32, #tpu.memory_space<vmem>>, vector<1x16xf32>,
          %get3A_357 = arith.index_cast %squeeze3A_172 : i32 to index
          %get3A_358 = arith.constant 96 : index
          %get3A_359 = tpu.vector_load %arg8[%get3A_357, %get3A_358] {strides = array<i32>} : memref<320x128xf32, #tpu.memory_space<vmem>>, vector<1x16xf32>,
          %get3A_360 = vector.shape_cast %get3A_359 : vector<1x16xf32> to vector<16xf32>
          %add3A_361 = arith.constant 7 : i32
          %add3A_362 = arith.addi %mul3A_102, %add3A_361 : i32
          %get3A_363 = arith.index_cast %add3A_362 : i32 to index
          %get3A_364 = arith.constant 96 : index
          %get3A_365 = tpu.vector_load %arg5[%get3A_363, %get3A_364] {strides = array<i32>} : memref<512x128xf32, #tpu.memory_space<vmem>>, vector<1x16xf32>,
          %get3A_366 = vector.shape_cast %get3A_365 : vector<1x16xf32> to vector<16xf32>
          %add3A_367 = arith.addf %get3A_360, %get3A_366 : vector<16xf32>
          %swap3A_368 = arith.index_cast %squeeze3A_172 : i32 to index
          %swap3A_369 = arith.constant 96 : index
          %swap3A_370 = tpu.vector_load %arg8[%swap3A_368, %swap3A_369] {strides = array<i32>} : memref<320x128xf32, #tpu.memory_space<vmem>>, vector<1x16xf32>,
          %swap3A_371 = vector.shape_cast %swap3A_370 : vector<1x16xf32> to vector<16xf32>
          %swap3A_372 = vector.shape_cast %add3A_367 : vector<16xf32> to vector<1x16xf32>
          tpu.vector_store %arg8[%swap3A_368, %swap3A_369], %swap3A_372 {strides = array<i32>} : memref<320x128xf32, #tpu.memory_space<vmem>>, vector<1x16xf32>,
          %get3A_373 = arith.index_cast %squeeze3A_172 : i32 to index
          %get3A_374 = arith.constant 112 : index
          %get3A_375 = tpu.vector_load %arg8[%get3A_373, %get3A_374] {strides = array<i32>} : memref<320x128xf32, #tpu.memory_space<vmem>>, vector<1x16xf32>,
          %get3A_376 = vector.shape_cast %get3A_375 : vector<1x16xf32> to vector<16xf32>
          %add3A_377 = arith.constant 7 : i32
          %add3A_378 = arith.addi %mul3A_102, %add3A_377 : i32
          %get3A_379 = arith.index_cast %add3A_378 : i32 to index
          %get3A_380 = arith.constant 112 : index
          %get3A_381 = tpu.vector_load %arg5[%get3A_379, %get3A_380] {strides = array<i32>} : memref<512x128xf32, #tpu.memory_space<vmem>>, vector<1x16xf32>,
          %get3A_382 = vector.shape_cast %get3A_381 : vector<1x16xf32> to vector<16xf32>
          %add3A_383 = arith.addf %get3A_376, %get3A_382 : vector<16xf32>
          %swap3A_384 = arith.index_cast %squeeze3A_172 : i32 to index
          %swap3A_385 = arith.constant 112 : index
          %swap3A_386 = tpu.vector_load %arg8[%swap3A_384, %swap3A_385] {strides = array<i32>} : memref<320x128xf32, #tpu.memory_space<vmem>>, vector<1x16xf32>,
          %swap3A_387 = vector.shape_cast %swap3A_386 : vector<1x16xf32> to vector<16xf32>
          %swap3A_388 = vector.shape_cast %add3A_383 : vector<16xf32> to vector<1x16xf32>
          tpu.vector_store %arg8[%swap3A_384, %swap3A_385], %swap3A_388 {strides = array<i32>} : memref<320x128xf32, #tpu.memory_space<vmem>>, vector<1x16xf32>,
        } else {
        }
        %slice3A_181 = vector.extract_strided_slice %sub3A_106 {offsets = [8], sizes = [1], strides = [1]} : vector<16xi32> to vector<1xi32>
        %squeeze3A_182 = vector.extract %slice3A_181[0] : i32 from vector<1xi32>
        %ge3A_183 = arith.constant 0 : i32
        %ge3A_184 = arith.cmpi sge, %squeeze3A_182, %ge3A_183 : i32
        %lt3A_185 = arith.constant 320 : i32
        %lt3A_186 = arith.cmpi slt, %squeeze3A_182, %lt3A_185 : i32
        %and3A_187 = arith.andi %ge3A_184, %lt3A_186 : i1
        %convert_element_type3A_188 = arith.extui %and3A_187 : i1 to i32
        %cond3A_189 = arith.constant 0 : i32
        %cond3A_190 = arith.cmpi ne, %convert_element_type3A_188, %cond3A_189 : i32
        scf.if %cond3A_190 {
          %get3A_262 = arith.index_cast %squeeze3A_182 : i32 to index
          %get3A_263 = arith.constant 0 : index
          %get3A_264 = tpu.vector_load %arg8[%get3A_262, %get3A_263] {strides = array<i32>} : memref<320x128xf32, #tpu.memory_space<vmem>>, vector<1x16xf32>,
          %get3A_265 = vector.shape_cast %get3A_264 : vector<1x16xf32> to vector<16xf32>
          %add3A_266 = arith.constant 8 : i32
          %add3A_267 = arith.addi %mul3A_102, %add3A_266 : i32
          %get3A_268 = arith.index_cast %add3A_267 : i32 to index
          %get3A_269 = arith.constant 0 : index
          %get3A_270 = tpu.vector_load %arg5[%get3A_268, %get3A_269] {strides = array<i32>} : memref<512x128xf32, #tpu.memory_space<vmem>>, vector<1x16xf32>,
          %get3A_271 = vector.shape_cast %get3A_270 : vector<1x16xf32> to vector<16xf32>
          %add3A_272 = arith.addf %get3A_265, %get3A_271 : vector<16xf32>
          %swap3A = arith.index_cast %squeeze3A_182 : i32 to index
          %swap3A_273 = arith.constant 0 : index
          %swap3A_274 = tpu.vector_load %arg8[%swap3A, %swap3A_273] {strides = array<i32>} : memref<320x128xf32, #tpu.memory_space<vmem>>, vector<1x16xf32>,
          %swap3A_275 = vector.shape_cast %swap3A_274 : vector<1x16xf32> to vector<16xf32>
          %swap3A_276 = vector.shape_cast %add3A_272 : vector<16xf32> to vector<1x16xf32>
          tpu.vector_store %arg8[%swap3A, %swap3A_273], %swap3A_276 {strides = array<i32>} : memref<320x128xf32, #tpu.memory_space<vmem>>, vector<1x16xf32>,
          %get3A_277 = arith.index_cast %squeeze3A_182 : i32 to index
          %get3A_278 = arith.constant 16 : index
          %get3A_279 = tpu.vector_load %arg8[%get3A_277, %get3A_278] {strides = array<i32>} : memref<320x128xf32, #tpu.memory_space<vmem>>, vector<1x16xf32>,
          %get3A_280 = vector.shape_cast %get3A_279 : vector<1x16xf32> to vector<16xf32>
          %add3A_281 = arith.constant 8 : i32
          %add3A_282 = arith.addi %mul3A_102, %add3A_281 : i32
          %get3A_283 = arith.index_cast %add3A_282 : i32 to index
          %get3A_284 = arith.constant 16 : index
          %get3A_285 = tpu.vector_load %arg5[%get3A_283, %get3A_284] {strides = array<i32>} : memref<512x128xf32, #tpu.memory_space<vmem>>, vector<1x16xf32>,
          %get3A_286 = vector.shape_cast %get3A_285 : vector<1x16xf32> to vector<16xf32>
          %add3A_287 = arith.addf %get3A_280, %get3A_286 : vector<16xf32>
          %swap3A_288 = arith.index_cast %squeeze3A_182 : i32 to index
          %swap3A_289 = arith.constant 16 : index
          %swap3A_290 = tpu.vector_load %arg8[%swap3A_288, %swap3A_289] {strides = array<i32>} : memref<320x128xf32, #tpu.memory_space<vmem>>, vector<1x16xf32>,
          %swap3A_291 = vector.shape_cast %swap3A_290 : vector<1x16xf32> to vector<16xf32>
          %swap3A_292 = vector.shape_cast %add3A_287 : vector<16xf32> to vector<1x16xf32>
          tpu.vector_store %arg8[%swap3A_288, %swap3A_289], %swap3A_292 {strides = array<i32>} : memref<320x128xf32, #tpu.memory_space<vmem>>, vector<1x16xf32>,
          %get3A_293 = arith.index_cast %squeeze3A_182 : i32 to index
          %get3A_294 = arith.constant 32 : index
          %get3A_295 = tpu.vector_load %arg8[%get3A_293, %get3A_294] {strides = array<i32>} : memref<320x128xf32, #tpu.memory_space<vmem>>, vector<1x16xf32>,
          %get3A_296 = vector.shape_cast %get3A_295 : vector<1x16xf32> to vector<16xf32>
          %add3A_297 = arith.constant 8 : i32
          %add3A_298 = arith.addi %mul3A_102, %add3A_297 : i32
          %get3A_299 = arith.index_cast %add3A_298 : i32 to index
          %get3A_300 = arith.constant 32 : index
          %get3A_301 = tpu.vector_load %arg5[%get3A_299, %get3A_300] {strides = array<i32>} : memref<512x128xf32, #tpu.memory_space<vmem>>, vector<1x16xf32>,
          %get3A_302 = vector.shape_cast %get3A_301 : vector<1x16xf32> to vector<16xf32>
          %add3A_303 = arith.addf %get3A_296, %get3A_302 : vector<16xf32>
          %swap3A_304 = arith.index_cast %squeeze3A_182 : i32 to index
          %swap3A_305 = arith.constant 32 : index
          %swap3A_306 = tpu.vector_load %arg8[%swap3A_304, %swap3A_305] {strides = array<i32>} : memref<320x128xf32, #tpu.memory_space<vmem>>, vector<1x16xf32>,
          %swap3A_307 = vector.shape_cast %swap3A_306 : vector<1x16xf32> to vector<16xf32>
          %swap3A_308 = vector.shape_cast %add3A_303 : vector<16xf32> to vector<1x16xf32>
          tpu.vector_store %arg8[%swap3A_304, %swap3A_305], %swap3A_308 {strides = array<i32>} : memref<320x128xf32, #tpu.memory_space<vmem>>, vector<1x16xf32>,
          %get3A_309 = arith.index_cast %squeeze3A_182 : i32 to index
          %get3A_310 = arith.constant 48 : index
          %get3A_311 = tpu.vector_load %arg8[%get3A_309, %get3A_310] {strides = array<i32>} : memref<320x128xf32, #tpu.memory_space<vmem>>, vector<1x16xf32>,
          %get3A_312 = vector.shape_cast %get3A_311 : vector<1x16xf32> to vector<16xf32>
          %add3A_313 = arith.constant 8 : i32
          %add3A_314 = arith.addi %mul3A_102, %add3A_313 : i32
          %get3A_315 = arith.index_cast %add3A_314 : i32 to index
          %get3A_316 = arith.constant 48 : index
          %get3A_317 = tpu.vector_load %arg5[%get3A_315, %get3A_316] {strides = array<i32>} : memref<512x128xf32, #tpu.memory_space<vmem>>, vector<1x16xf32>,
          %get3A_318 = vector.shape_cast %get3A_317 : vector<1x16xf32> to vector<16xf32>
          %add3A_319 = arith.addf %get3A_312, %get3A_318 : vector<16xf32>
          %swap3A_320 = arith.index_cast %squeeze3A_182 : i32 to index
          %swap3A_321 = arith.constant 48 : index
          %swap3A_322 = tpu.vector_load %arg8[%swap3A_320, %swap3A_321] {strides = array<i32>} : memref<320x128xf32, #tpu.memory_space<vmem>>, vector<1x16xf32>,
          %swap3A_323 = vector.shape_cast %swap3A_322 : vector<1x16xf32> to vector<16xf32>
          %swap3A_324 = vector.shape_cast %add3A_319 : vector<16xf32> to vector<1x16xf32>
          tpu.vector_store %arg8[%swap3A_320, %swap3A_321], %swap3A_324 {strides = array<i32>} : memref<320x128xf32, #tpu.memory_space<vmem>>, vector<1x16xf32>,
          %get3A_325 = arith.index_cast %squeeze3A_182 : i32 to index
          %get3A_326 = arith.constant 64 : index
          %get3A_327 = tpu.vector_load %arg8[%get3A_325, %get3A_326] {strides = array<i32>} : memref<320x128xf32, #tpu.memory_space<vmem>>, vector<1x16xf32>,
          %get3A_328 = vector.shape_cast %get3A_327 : vector<1x16xf32> to vector<16xf32>
          %add3A_329 = arith.constant 8 : i32
          %add3A_330 = arith.addi %mul3A_102, %add3A_329 : i32
          %get3A_331 = arith.index_cast %add3A_330 : i32 to index
          %get3A_332 = arith.constant 64 : index
          %get3A_333 = tpu.vector_load %arg5[%get3A_331, %get3A_332] {strides = array<i32>} : memref<512x128xf32, #tpu.memory_space<vmem>>, vector<1x16xf32>,
          %get3A_334 = vector.shape_cast %get3A_333 : vector<1x16xf32> to vector<16xf32>
          %add3A_335 = arith.addf %get3A_328, %get3A_334 : vector<16xf32>
          %swap3A_336 = arith.index_cast %squeeze3A_182 : i32 to index
          %swap3A_337 = arith.constant 64 : index
          %swap3A_338 = tpu.vector_load %arg8[%swap3A_336, %swap3A_337] {strides = array<i32>} : memref<320x128xf32, #tpu.memory_space<vmem>>, vector<1x16xf32>,
          %swap3A_339 = vector.shape_cast %swap3A_338 : vector<1x16xf32> to vector<16xf32>
          %swap3A_340 = vector.shape_cast %add3A_335 : vector<16xf32> to vector<1x16xf32>
          tpu.vector_store %arg8[%swap3A_336, %swap3A_337], %swap3A_340 {strides = array<i32>} : memref<320x128xf32, #tpu.memory_space<vmem>>, vector<1x16xf32>,
          %get3A_341 = arith.index_cast %squeeze3A_182 : i32 to index
          %get3A_342 = arith.constant 80 : index
          %get3A_343 = tpu.vector_load %arg8[%get3A_341, %get3A_342] {strides = array<i32>} : memref<320x128xf32, #tpu.memory_space<vmem>>, vector<1x16xf32>,
          %get3A_344 = vector.shape_cast %get3A_343 : vector<1x16xf32> to vector<16xf32>
          %add3A_345 = arith.constant 8 : i32
          %add3A_346 = arith.addi %mul3A_102, %add3A_345 : i32
          %get3A_347 = arith.index_cast %add3A_346 : i32 to index
          %get3A_348 = arith.constant 80 : index
          %get3A_349 = tpu.vector_load %arg5[%get3A_347, %get3A_348] {strides = array<i32>} : memref<512x128xf32, #tpu.memory_space<vmem>>, vector<1x16xf32>,
          %get3A_350 = vector.shape_cast %get3A_349 : vector<1x16xf32> to vector<16xf32>
          %add3A_351 = arith.addf %get3A_344, %get3A_350 : vector<16xf32>
          %swap3A_352 = arith.index_cast %squeeze3A_182 : i32 to index
          %swap3A_353 = arith.constant 80 : index
          %swap3A_354 = tpu.vector_load %arg8[%swap3A_352, %swap3A_353] {strides = array<i32>} : memref<320x128xf32, #tpu.memory_space<vmem>>, vector<1x16xf32>,
          %swap3A_355 = vector.shape_cast %swap3A_354 : vector<1x16xf32> to vector<16xf32>
          %swap3A_356 = vector.shape_cast %add3A_351 : vector<16xf32> to vector<1x16xf32>
          tpu.vector_store %arg8[%swap3A_352, %swap3A_353], %swap3A_356 {strides = array<i32>} : memref<320x128xf32, #tpu.memory_space<vmem>>, vector<1x16xf32>,
          %get3A_357 = arith.index_cast %squeeze3A_182 : i32 to index
          %get3A_358 = arith.constant 96 : index
          %get3A_359 = tpu.vector_load %arg8[%get3A_357, %get3A_358] {strides = array<i32>} : memref<320x128xf32, #tpu.memory_space<vmem>>, vector<1x16xf32>,
          %get3A_360 = vector.shape_cast %get3A_359 : vector<1x16xf32> to vector<16xf32>
          %add3A_361 = arith.constant 8 : i32
          %add3A_362 = arith.addi %mul3A_102, %add3A_361 : i32
          %get3A_363 = arith.index_cast %add3A_362 : i32 to index
          %get3A_364 = arith.constant 96 : index
          %get3A_365 = tpu.vector_load %arg5[%get3A_363, %get3A_364] {strides = array<i32>} : memref<512x128xf32, #tpu.memory_space<vmem>>, vector<1x16xf32>,
          %get3A_366 = vector.shape_cast %get3A_365 : vector<1x16xf32> to vector<16xf32>
          %add3A_367 = arith.addf %get3A_360, %get3A_366 : vector<16xf32>
          %swap3A_368 = arith.index_cast %squeeze3A_182 : i32 to index
          %swap3A_369 = arith.constant 96 : index
          %swap3A_370 = tpu.vector_load %arg8[%swap3A_368, %swap3A_369] {strides = array<i32>} : memref<320x128xf32, #tpu.memory_space<vmem>>, vector<1x16xf32>,
          %swap3A_371 = vector.shape_cast %swap3A_370 : vector<1x16xf32> to vector<16xf32>
          %swap3A_372 = vector.shape_cast %add3A_367 : vector<16xf32> to vector<1x16xf32>
          tpu.vector_store %arg8[%swap3A_368, %swap3A_369], %swap3A_372 {strides = array<i32>} : memref<320x128xf32, #tpu.memory_space<vmem>>, vector<1x16xf32>,
          %get3A_373 = arith.index_cast %squeeze3A_182 : i32 to index
          %get3A_374 = arith.constant 112 : index
          %get3A_375 = tpu.vector_load %arg8[%get3A_373, %get3A_374] {strides = array<i32>} : memref<320x128xf32, #tpu.memory_space<vmem>>, vector<1x16xf32>,
          %get3A_376 = vector.shape_cast %get3A_375 : vector<1x16xf32> to vector<16xf32>
          %add3A_377 = arith.constant 8 : i32
          %add3A_378 = arith.addi %mul3A_102, %add3A_377 : i32
          %get3A_379 = arith.index_cast %add3A_378 : i32 to index
          %get3A_380 = arith.constant 112 : index
          %get3A_381 = tpu.vector_load %arg5[%get3A_379, %get3A_380] {strides = array<i32>} : memref<512x128xf32, #tpu.memory_space<vmem>>, vector<1x16xf32>,
          %get3A_382 = vector.shape_cast %get3A_381 : vector<1x16xf32> to vector<16xf32>
          %add3A_383 = arith.addf %get3A_376, %get3A_382 : vector<16xf32>
          %swap3A_384 = arith.index_cast %squeeze3A_182 : i32 to index
          %swap3A_385 = arith.constant 112 : index
          %swap3A_386 = tpu.vector_load %arg8[%swap3A_384, %swap3A_385] {strides = array<i32>} : memref<320x128xf32, #tpu.memory_space<vmem>>, vector<1x16xf32>,
          %swap3A_387 = vector.shape_cast %swap3A_386 : vector<1x16xf32> to vector<16xf32>
          %swap3A_388 = vector.shape_cast %add3A_383 : vector<16xf32> to vector<1x16xf32>
          tpu.vector_store %arg8[%swap3A_384, %swap3A_385], %swap3A_388 {strides = array<i32>} : memref<320x128xf32, #tpu.memory_space<vmem>>, vector<1x16xf32>,
        } else {
        }
        %slice3A_191 = vector.extract_strided_slice %sub3A_106 {offsets = [9], sizes = [1], strides = [1]} : vector<16xi32> to vector<1xi32>
        %squeeze3A_192 = vector.extract %slice3A_191[0] : i32 from vector<1xi32>
        %ge3A_193 = arith.constant 0 : i32
        %ge3A_194 = arith.cmpi sge, %squeeze3A_192, %ge3A_193 : i32
        %lt3A_195 = arith.constant 320 : i32
        %lt3A_196 = arith.cmpi slt, %squeeze3A_192, %lt3A_195 : i32
        %and3A_197 = arith.andi %ge3A_194, %lt3A_196 : i1
        %convert_element_type3A_198 = arith.extui %and3A_197 : i1 to i32
        %cond3A_199 = arith.constant 0 : i32
        %cond3A_200 = arith.cmpi ne, %convert_element_type3A_198, %cond3A_199 : i32
        scf.if %cond3A_200 {
          %get3A_262 = arith.index_cast %squeeze3A_192 : i32 to index
          %get3A_263 = arith.constant 0 : index
          %get3A_264 = tpu.vector_load %arg8[%get3A_262, %get3A_263] {strides = array<i32>} : memref<320x128xf32, #tpu.memory_space<vmem>>, vector<1x16xf32>,
          %get3A_265 = vector.shape_cast %get3A_264 : vector<1x16xf32> to vector<16xf32>
          %add3A_266 = arith.constant 9 : i32
          %add3A_267 = arith.addi %mul3A_102, %add3A_266 : i32
          %get3A_268 = arith.index_cast %add3A_267 : i32 to index
          %get3A_269 = arith.constant 0 : index
          %get3A_270 = tpu.vector_load %arg5[%get3A_268, %get3A_269] {strides = array<i32>} : memref<512x128xf32, #tpu.memory_space<vmem>>, vector<1x16xf32>,
          %get3A_271 = vector.shape_cast %get3A_270 : vector<1x16xf32> to vector<16xf32>
          %add3A_272 = arith.addf %get3A_265, %get3A_271 : vector<16xf32>
          %swap3A = arith.index_cast %squeeze3A_192 : i32 to index
          %swap3A_273 = arith.constant 0 : index
          %swap3A_274 = tpu.vector_load %arg8[%swap3A, %swap3A_273] {strides = array<i32>} : memref<320x128xf32, #tpu.memory_space<vmem>>, vector<1x16xf32>,
          %swap3A_275 = vector.shape_cast %swap3A_274 : vector<1x16xf32> to vector<16xf32>
          %swap3A_276 = vector.shape_cast %add3A_272 : vector<16xf32> to vector<1x16xf32>
          tpu.vector_store %arg8[%swap3A, %swap3A_273], %swap3A_276 {strides = array<i32>} : memref<320x128xf32, #tpu.memory_space<vmem>>, vector<1x16xf32>,
          %get3A_277 = arith.index_cast %squeeze3A_192 : i32 to index
          %get3A_278 = arith.constant 16 : index
          %get3A_279 = tpu.vector_load %arg8[%get3A_277, %get3A_278] {strides = array<i32>} : memref<320x128xf32, #tpu.memory_space<vmem>>, vector<1x16xf32>,
          %get3A_280 = vector.shape_cast %get3A_279 : vector<1x16xf32> to vector<16xf32>
          %add3A_281 = arith.constant 9 : i32
          %add3A_282 = arith.addi %mul3A_102, %add3A_281 : i32
          %get3A_283 = arith.index_cast %add3A_282 : i32 to index
          %get3A_284 = arith.constant 16 : index
          %get3A_285 = tpu.vector_load %arg5[%get3A_283, %get3A_284] {strides = array<i32>} : memref<512x128xf32, #tpu.memory_space<vmem>>, vector<1x16xf32>,
          %get3A_286 = vector.shape_cast %get3A_285 : vector<1x16xf32> to vector<16xf32>
          %add3A_287 = arith.addf %get3A_280, %get3A_286 : vector<16xf32>
          %swap3A_288 = arith.index_cast %squeeze3A_192 : i32 to index
          %swap3A_289 = arith.constant 16 : index
          %swap3A_290 = tpu.vector_load %arg8[%swap3A_288, %swap3A_289] {strides = array<i32>} : memref<320x128xf32, #tpu.memory_space<vmem>>, vector<1x16xf32>,
          %swap3A_291 = vector.shape_cast %swap3A_290 : vector<1x16xf32> to vector<16xf32>
          %swap3A_292 = vector.shape_cast %add3A_287 : vector<16xf32> to vector<1x16xf32>
          tpu.vector_store %arg8[%swap3A_288, %swap3A_289], %swap3A_292 {strides = array<i32>} : memref<320x128xf32, #tpu.memory_space<vmem>>, vector<1x16xf32>,
          %get3A_293 = arith.index_cast %squeeze3A_192 : i32 to index
          %get3A_294 = arith.constant 32 : index
          %get3A_295 = tpu.vector_load %arg8[%get3A_293, %get3A_294] {strides = array<i32>} : memref<320x128xf32, #tpu.memory_space<vmem>>, vector<1x16xf32>,
          %get3A_296 = vector.shape_cast %get3A_295 : vector<1x16xf32> to vector<16xf32>
          %add3A_297 = arith.constant 9 : i32
          %add3A_298 = arith.addi %mul3A_102, %add3A_297 : i32
          %get3A_299 = arith.index_cast %add3A_298 : i32 to index
          %get3A_300 = arith.constant 32 : index
          %get3A_301 = tpu.vector_load %arg5[%get3A_299, %get3A_300] {strides = array<i32>} : memref<512x128xf32, #tpu.memory_space<vmem>>, vector<1x16xf32>,
          %get3A_302 = vector.shape_cast %get3A_301 : vector<1x16xf32> to vector<16xf32>
          %add3A_303 = arith.addf %get3A_296, %get3A_302 : vector<16xf32>
          %swap3A_304 = arith.index_cast %squeeze3A_192 : i32 to index
          %swap3A_305 = arith.constant 32 : index
          %swap3A_306 = tpu.vector_load %arg8[%swap3A_304, %swap3A_305] {strides = array<i32>} : memref<320x128xf32, #tpu.memory_space<vmem>>, vector<1x16xf32>,
          %swap3A_307 = vector.shape_cast %swap3A_306 : vector<1x16xf32> to vector<16xf32>
          %swap3A_308 = vector.shape_cast %add3A_303 : vector<16xf32> to vector<1x16xf32>
          tpu.vector_store %arg8[%swap3A_304, %swap3A_305], %swap3A_308 {strides = array<i32>} : memref<320x128xf32, #tpu.memory_space<vmem>>, vector<1x16xf32>,
          %get3A_309 = arith.index_cast %squeeze3A_192 : i32 to index
          %get3A_310 = arith.constant 48 : index
          %get3A_311 = tpu.vector_load %arg8[%get3A_309, %get3A_310] {strides = array<i32>} : memref<320x128xf32, #tpu.memory_space<vmem>>, vector<1x16xf32>,
          %get3A_312 = vector.shape_cast %get3A_311 : vector<1x16xf32> to vector<16xf32>
          %add3A_313 = arith.constant 9 : i32
          %add3A_314 = arith.addi %mul3A_102, %add3A_313 : i32
          %get3A_315 = arith.index_cast %add3A_314 : i32 to index
          %get3A_316 = arith.constant 48 : index
          %get3A_317 = tpu.vector_load %arg5[%get3A_315, %get3A_316] {strides = array<i32>} : memref<512x128xf32, #tpu.memory_space<vmem>>, vector<1x16xf32>,
          %get3A_318 = vector.shape_cast %get3A_317 : vector<1x16xf32> to vector<16xf32>
          %add3A_319 = arith.addf %get3A_312, %get3A_318 : vector<16xf32>
          %swap3A_320 = arith.index_cast %squeeze3A_192 : i32 to index
          %swap3A_321 = arith.constant 48 : index
          %swap3A_322 = tpu.vector_load %arg8[%swap3A_320, %swap3A_321] {strides = array<i32>} : memref<320x128xf32, #tpu.memory_space<vmem>>, vector<1x16xf32>,
          %swap3A_323 = vector.shape_cast %swap3A_322 : vector<1x16xf32> to vector<16xf32>
          %swap3A_324 = vector.shape_cast %add3A_319 : vector<16xf32> to vector<1x16xf32>
          tpu.vector_store %arg8[%swap3A_320, %swap3A_321], %swap3A_324 {strides = array<i32>} : memref<320x128xf32, #tpu.memory_space<vmem>>, vector<1x16xf32>,
          %get3A_325 = arith.index_cast %squeeze3A_192 : i32 to index
          %get3A_326 = arith.constant 64 : index
          %get3A_327 = tpu.vector_load %arg8[%get3A_325, %get3A_326] {strides = array<i32>} : memref<320x128xf32, #tpu.memory_space<vmem>>, vector<1x16xf32>,
          %get3A_328 = vector.shape_cast %get3A_327 : vector<1x16xf32> to vector<16xf32>
          %add3A_329 = arith.constant 9 : i32
          %add3A_330 = arith.addi %mul3A_102, %add3A_329 : i32
          %get3A_331 = arith.index_cast %add3A_330 : i32 to index
          %get3A_332 = arith.constant 64 : index
          %get3A_333 = tpu.vector_load %arg5[%get3A_331, %get3A_332] {strides = array<i32>} : memref<512x128xf32, #tpu.memory_space<vmem>>, vector<1x16xf32>,
          %get3A_334 = vector.shape_cast %get3A_333 : vector<1x16xf32> to vector<16xf32>
          %add3A_335 = arith.addf %get3A_328, %get3A_334 : vector<16xf32>
          %swap3A_336 = arith.index_cast %squeeze3A_192 : i32 to index
          %swap3A_337 = arith.constant 64 : index
          %swap3A_338 = tpu.vector_load %arg8[%swap3A_336, %swap3A_337] {strides = array<i32>} : memref<320x128xf32, #tpu.memory_space<vmem>>, vector<1x16xf32>,
          %swap3A_339 = vector.shape_cast %swap3A_338 : vector<1x16xf32> to vector<16xf32>
          %swap3A_340 = vector.shape_cast %add3A_335 : vector<16xf32> to vector<1x16xf32>
          tpu.vector_store %arg8[%swap3A_336, %swap3A_337], %swap3A_340 {strides = array<i32>} : memref<320x128xf32, #tpu.memory_space<vmem>>, vector<1x16xf32>,
          %get3A_341 = arith.index_cast %squeeze3A_192 : i32 to index
          %get3A_342 = arith.constant 80 : index
          %get3A_343 = tpu.vector_load %arg8[%get3A_341, %get3A_342] {strides = array<i32>} : memref<320x128xf32, #tpu.memory_space<vmem>>, vector<1x16xf32>,
          %get3A_344 = vector.shape_cast %get3A_343 : vector<1x16xf32> to vector<16xf32>
          %add3A_345 = arith.constant 9 : i32
          %add3A_346 = arith.addi %mul3A_102, %add3A_345 : i32
          %get3A_347 = arith.index_cast %add3A_346 : i32 to index
          %get3A_348 = arith.constant 80 : index
          %get3A_349 = tpu.vector_load %arg5[%get3A_347, %get3A_348] {strides = array<i32>} : memref<512x128xf32, #tpu.memory_space<vmem>>, vector<1x16xf32>,
          %get3A_350 = vector.shape_cast %get3A_349 : vector<1x16xf32> to vector<16xf32>
          %add3A_351 = arith.addf %get3A_344, %get3A_350 : vector<16xf32>
          %swap3A_352 = arith.index_cast %squeeze3A_192 : i32 to index
          %swap3A_353 = arith.constant 80 : index
          %swap3A_354 = tpu.vector_load %arg8[%swap3A_352, %swap3A_353] {strides = array<i32>} : memref<320x128xf32, #tpu.memory_space<vmem>>, vector<1x16xf32>,
          %swap3A_355 = vector.shape_cast %swap3A_354 : vector<1x16xf32> to vector<16xf32>
          %swap3A_356 = vector.shape_cast %add3A_351 : vector<16xf32> to vector<1x16xf32>
          tpu.vector_store %arg8[%swap3A_352, %swap3A_353], %swap3A_356 {strides = array<i32>} : memref<320x128xf32, #tpu.memory_space<vmem>>, vector<1x16xf32>,
          %get3A_357 = arith.index_cast %squeeze3A_192 : i32 to index
          %get3A_358 = arith.constant 96 : index
          %get3A_359 = tpu.vector_load %arg8[%get3A_357, %get3A_358] {strides = array<i32>} : memref<320x128xf32, #tpu.memory_space<vmem>>, vector<1x16xf32>,
          %get3A_360 = vector.shape_cast %get3A_359 : vector<1x16xf32> to vector<16xf32>
          %add3A_361 = arith.constant 9 : i32
          %add3A_362 = arith.addi %mul3A_102, %add3A_361 : i32
          %get3A_363 = arith.index_cast %add3A_362 : i32 to index
          %get3A_364 = arith.constant 96 : index
          %get3A_365 = tpu.vector_load %arg5[%get3A_363, %get3A_364] {strides = array<i32>} : memref<512x128xf32, #tpu.memory_space<vmem>>, vector<1x16xf32>,
          %get3A_366 = vector.shape_cast %get3A_365 : vector<1x16xf32> to vector<16xf32>
          %add3A_367 = arith.addf %get3A_360, %get3A_366 : vector<16xf32>
          %swap3A_368 = arith.index_cast %squeeze3A_192 : i32 to index
          %swap3A_369 = arith.constant 96 : index
          %swap3A_370 = tpu.vector_load %arg8[%swap3A_368, %swap3A_369] {strides = array<i32>} : memref<320x128xf32, #tpu.memory_space<vmem>>, vector<1x16xf32>,
          %swap3A_371 = vector.shape_cast %swap3A_370 : vector<1x16xf32> to vector<16xf32>
          %swap3A_372 = vector.shape_cast %add3A_367 : vector<16xf32> to vector<1x16xf32>
          tpu.vector_store %arg8[%swap3A_368, %swap3A_369], %swap3A_372 {strides = array<i32>} : memref<320x128xf32, #tpu.memory_space<vmem>>, vector<1x16xf32>,
          %get3A_373 = arith.index_cast %squeeze3A_192 : i32 to index
          %get3A_374 = arith.constant 112 : index
          %get3A_375 = tpu.vector_load %arg8[%get3A_373, %get3A_374] {strides = array<i32>} : memref<320x128xf32, #tpu.memory_space<vmem>>, vector<1x16xf32>,
          %get3A_376 = vector.shape_cast %get3A_375 : vector<1x16xf32> to vector<16xf32>
          %add3A_377 = arith.constant 9 : i32
          %add3A_378 = arith.addi %mul3A_102, %add3A_377 : i32
          %get3A_379 = arith.index_cast %add3A_378 : i32 to index
          %get3A_380 = arith.constant 112 : index
          %get3A_381 = tpu.vector_load %arg5[%get3A_379, %get3A_380] {strides = array<i32>} : memref<512x128xf32, #tpu.memory_space<vmem>>, vector<1x16xf32>,
          %get3A_382 = vector.shape_cast %get3A_381 : vector<1x16xf32> to vector<16xf32>
          %add3A_383 = arith.addf %get3A_376, %get3A_382 : vector<16xf32>
          %swap3A_384 = arith.index_cast %squeeze3A_192 : i32 to index
          %swap3A_385 = arith.constant 112 : index
          %swap3A_386 = tpu.vector_load %arg8[%swap3A_384, %swap3A_385] {strides = array<i32>} : memref<320x128xf32, #tpu.memory_space<vmem>>, vector<1x16xf32>,
          %swap3A_387 = vector.shape_cast %swap3A_386 : vector<1x16xf32> to vector<16xf32>
          %swap3A_388 = vector.shape_cast %add3A_383 : vector<16xf32> to vector<1x16xf32>
          tpu.vector_store %arg8[%swap3A_384, %swap3A_385], %swap3A_388 {strides = array<i32>} : memref<320x128xf32, #tpu.memory_space<vmem>>, vector<1x16xf32>,
        } else {
        }
        %slice3A_201 = vector.extract_strided_slice %sub3A_106 {offsets = [10], sizes = [1], strides = [1]} : vector<16xi32> to vector<1xi32>
        %squeeze3A_202 = vector.extract %slice3A_201[0] : i32 from vector<1xi32>
        %ge3A_203 = arith.constant 0 : i32
        %ge3A_204 = arith.cmpi sge, %squeeze3A_202, %ge3A_203 : i32
        %lt3A_205 = arith.constant 320 : i32
        %lt3A_206 = arith.cmpi slt, %squeeze3A_202, %lt3A_205 : i32
        %and3A_207 = arith.andi %ge3A_204, %lt3A_206 : i1
        %convert_element_type3A_208 = arith.extui %and3A_207 : i1 to i32
        %cond3A_209 = arith.constant 0 : i32
        %cond3A_210 = arith.cmpi ne, %convert_element_type3A_208, %cond3A_209 : i32
        scf.if %cond3A_210 {
          %get3A_262 = arith.index_cast %squeeze3A_202 : i32 to index
          %get3A_263 = arith.constant 0 : index
          %get3A_264 = tpu.vector_load %arg8[%get3A_262, %get3A_263] {strides = array<i32>} : memref<320x128xf32, #tpu.memory_space<vmem>>, vector<1x16xf32>,
          %get3A_265 = vector.shape_cast %get3A_264 : vector<1x16xf32> to vector<16xf32>
          %add3A_266 = arith.constant 10 : i32
          %add3A_267 = arith.addi %mul3A_102, %add3A_266 : i32
          %get3A_268 = arith.index_cast %add3A_267 : i32 to index
          %get3A_269 = arith.constant 0 : index
          %get3A_270 = tpu.vector_load %arg5[%get3A_268, %get3A_269] {strides = array<i32>} : memref<512x128xf32, #tpu.memory_space<vmem>>, vector<1x16xf32>,
          %get3A_271 = vector.shape_cast %get3A_270 : vector<1x16xf32> to vector<16xf32>
          %add3A_272 = arith.addf %get3A_265, %get3A_271 : vector<16xf32>
          %swap3A = arith.index_cast %squeeze3A_202 : i32 to index
          %swap3A_273 = arith.constant 0 : index
          %swap3A_274 = tpu.vector_load %arg8[%swap3A, %swap3A_273] {strides = array<i32>} : memref<320x128xf32, #tpu.memory_space<vmem>>, vector<1x16xf32>,
          %swap3A_275 = vector.shape_cast %swap3A_274 : vector<1x16xf32> to vector<16xf32>
          %swap3A_276 = vector.shape_cast %add3A_272 : vector<16xf32> to vector<1x16xf32>
          tpu.vector_store %arg8[%swap3A, %swap3A_273], %swap3A_276 {strides = array<i32>} : memref<320x128xf32, #tpu.memory_space<vmem>>, vector<1x16xf32>,
          %get3A_277 = arith.index_cast %squeeze3A_202 : i32 to index
          %get3A_278 = arith.constant 16 : index
          %get3A_279 = tpu.vector_load %arg8[%get3A_277, %get3A_278] {strides = array<i32>} : memref<320x128xf32, #tpu.memory_space<vmem>>, vector<1x16xf32>,
          %get3A_280 = vector.shape_cast %get3A_279 : vector<1x16xf32> to vector<16xf32>
          %add3A_281 = arith.constant 10 : i32
          %add3A_282 = arith.addi %mul3A_102, %add3A_281 : i32
          %get3A_283 = arith.index_cast %add3A_282 : i32 to index
          %get3A_284 = arith.constant 16 : index
          %get3A_285 = tpu.vector_load %arg5[%get3A_283, %get3A_284] {strides = array<i32>} : memref<512x128xf32, #tpu.memory_space<vmem>>, vector<1x16xf32>,
          %get3A_286 = vector.shape_cast %get3A_285 : vector<1x16xf32> to vector<16xf32>
          %add3A_287 = arith.addf %get3A_280, %get3A_286 : vector<16xf32>
          %swap3A_288 = arith.index_cast %squeeze3A_202 : i32 to index
          %swap3A_289 = arith.constant 16 : index
          %swap3A_290 = tpu.vector_load %arg8[%swap3A_288, %swap3A_289] {strides = array<i32>} : memref<320x128xf32, #tpu.memory_space<vmem>>, vector<1x16xf32>,
          %swap3A_291 = vector.shape_cast %swap3A_290 : vector<1x16xf32> to vector<16xf32>
          %swap3A_292 = vector.shape_cast %add3A_287 : vector<16xf32> to vector<1x16xf32>
          tpu.vector_store %arg8[%swap3A_288, %swap3A_289], %swap3A_292 {strides = array<i32>} : memref<320x128xf32, #tpu.memory_space<vmem>>, vector<1x16xf32>,
          %get3A_293 = arith.index_cast %squeeze3A_202 : i32 to index
          %get3A_294 = arith.constant 32 : index
          %get3A_295 = tpu.vector_load %arg8[%get3A_293, %get3A_294] {strides = array<i32>} : memref<320x128xf32, #tpu.memory_space<vmem>>, vector<1x16xf32>,
          %get3A_296 = vector.shape_cast %get3A_295 : vector<1x16xf32> to vector<16xf32>
          %add3A_297 = arith.constant 10 : i32
          %add3A_298 = arith.addi %mul3A_102, %add3A_297 : i32
          %get3A_299 = arith.index_cast %add3A_298 : i32 to index
          %get3A_300 = arith.constant 32 : index
          %get3A_301 = tpu.vector_load %arg5[%get3A_299, %get3A_300] {strides = array<i32>} : memref<512x128xf32, #tpu.memory_space<vmem>>, vector<1x16xf32>,
          %get3A_302 = vector.shape_cast %get3A_301 : vector<1x16xf32> to vector<16xf32>
          %add3A_303 = arith.addf %get3A_296, %get3A_302 : vector<16xf32>
          %swap3A_304 = arith.index_cast %squeeze3A_202 : i32 to index
          %swap3A_305 = arith.constant 32 : index
          %swap3A_306 = tpu.vector_load %arg8[%swap3A_304, %swap3A_305] {strides = array<i32>} : memref<320x128xf32, #tpu.memory_space<vmem>>, vector<1x16xf32>,
          %swap3A_307 = vector.shape_cast %swap3A_306 : vector<1x16xf32> to vector<16xf32>
          %swap3A_308 = vector.shape_cast %add3A_303 : vector<16xf32> to vector<1x16xf32>
          tpu.vector_store %arg8[%swap3A_304, %swap3A_305], %swap3A_308 {strides = array<i32>} : memref<320x128xf32, #tpu.memory_space<vmem>>, vector<1x16xf32>,
          %get3A_309 = arith.index_cast %squeeze3A_202 : i32 to index
          %get3A_310 = arith.constant 48 : index
          %get3A_311 = tpu.vector_load %arg8[%get3A_309, %get3A_310] {strides = array<i32>} : memref<320x128xf32, #tpu.memory_space<vmem>>, vector<1x16xf32>,
          %get3A_312 = vector.shape_cast %get3A_311 : vector<1x16xf32> to vector<16xf32>
          %add3A_313 = arith.constant 10 : i32
          %add3A_314 = arith.addi %mul3A_102, %add3A_313 : i32
          %get3A_315 = arith.index_cast %add3A_314 : i32 to index
          %get3A_316 = arith.constant 48 : index
          %get3A_317 = tpu.vector_load %arg5[%get3A_315, %get3A_316] {strides = array<i32>} : memref<512x128xf32, #tpu.memory_space<vmem>>, vector<1x16xf32>,
          %get3A_318 = vector.shape_cast %get3A_317 : vector<1x16xf32> to vector<16xf32>
          %add3A_319 = arith.addf %get3A_312, %get3A_318 : vector<16xf32>
          %swap3A_320 = arith.index_cast %squeeze3A_202 : i32 to index
          %swap3A_321 = arith.constant 48 : index
          %swap3A_322 = tpu.vector_load %arg8[%swap3A_320, %swap3A_321] {strides = array<i32>} : memref<320x128xf32, #tpu.memory_space<vmem>>, vector<1x16xf32>,
          %swap3A_323 = vector.shape_cast %swap3A_322 : vector<1x16xf32> to vector<16xf32>
          %swap3A_324 = vector.shape_cast %add3A_319 : vector<16xf32> to vector<1x16xf32>
          tpu.vector_store %arg8[%swap3A_320, %swap3A_321], %swap3A_324 {strides = array<i32>} : memref<320x128xf32, #tpu.memory_space<vmem>>, vector<1x16xf32>,
          %get3A_325 = arith.index_cast %squeeze3A_202 : i32 to index
          %get3A_326 = arith.constant 64 : index
          %get3A_327 = tpu.vector_load %arg8[%get3A_325, %get3A_326] {strides = array<i32>} : memref<320x128xf32, #tpu.memory_space<vmem>>, vector<1x16xf32>,
          %get3A_328 = vector.shape_cast %get3A_327 : vector<1x16xf32> to vector<16xf32>
          %add3A_329 = arith.constant 10 : i32
          %add3A_330 = arith.addi %mul3A_102, %add3A_329 : i32
          %get3A_331 = arith.index_cast %add3A_330 : i32 to index
          %get3A_332 = arith.constant 64 : index
          %get3A_333 = tpu.vector_load %arg5[%get3A_331, %get3A_332] {strides = array<i32>} : memref<512x128xf32, #tpu.memory_space<vmem>>, vector<1x16xf32>,
          %get3A_334 = vector.shape_cast %get3A_333 : vector<1x16xf32> to vector<16xf32>
          %add3A_335 = arith.addf %get3A_328, %get3A_334 : vector<16xf32>
          %swap3A_336 = arith.index_cast %squeeze3A_202 : i32 to index
          %swap3A_337 = arith.constant 64 : index
          %swap3A_338 = tpu.vector_load %arg8[%swap3A_336, %swap3A_337] {strides = array<i32>} : memref<320x128xf32, #tpu.memory_space<vmem>>, vector<1x16xf32>,
          %swap3A_339 = vector.shape_cast %swap3A_338 : vector<1x16xf32> to vector<16xf32>
          %swap3A_340 = vector.shape_cast %add3A_335 : vector<16xf32> to vector<1x16xf32>
          tpu.vector_store %arg8[%swap3A_336, %swap3A_337], %swap3A_340 {strides = array<i32>} : memref<320x128xf32, #tpu.memory_space<vmem>>, vector<1x16xf32>,
          %get3A_341 = arith.index_cast %squeeze3A_202 : i32 to index
          %get3A_342 = arith.constant 80 : index
          %get3A_343 = tpu.vector_load %arg8[%get3A_341, %get3A_342] {strides = array<i32>} : memref<320x128xf32, #tpu.memory_space<vmem>>, vector<1x16xf32>,
          %get3A_344 = vector.shape_cast %get3A_343 : vector<1x16xf32> to vector<16xf32>
          %add3A_345 = arith.constant 10 : i32
          %add3A_346 = arith.addi %mul3A_102, %add3A_345 : i32
          %get3A_347 = arith.index_cast %add3A_346 : i32 to index
          %get3A_348 = arith.constant 80 : index
          %get3A_349 = tpu.vector_load %arg5[%get3A_347, %get3A_348] {strides = array<i32>} : memref<512x128xf32, #tpu.memory_space<vmem>>, vector<1x16xf32>,
          %get3A_350 = vector.shape_cast %get3A_349 : vector<1x16xf32> to vector<16xf32>
          %add3A_351 = arith.addf %get3A_344, %get3A_350 : vector<16xf32>
          %swap3A_352 = arith.index_cast %squeeze3A_202 : i32 to index
          %swap3A_353 = arith.constant 80 : index
          %swap3A_354 = tpu.vector_load %arg8[%swap3A_352, %swap3A_353] {strides = array<i32>} : memref<320x128xf32, #tpu.memory_space<vmem>>, vector<1x16xf32>,
          %swap3A_355 = vector.shape_cast %swap3A_354 : vector<1x16xf32> to vector<16xf32>
          %swap3A_356 = vector.shape_cast %add3A_351 : vector<16xf32> to vector<1x16xf32>
          tpu.vector_store %arg8[%swap3A_352, %swap3A_353], %swap3A_356 {strides = array<i32>} : memref<320x128xf32, #tpu.memory_space<vmem>>, vector<1x16xf32>,
          %get3A_357 = arith.index_cast %squeeze3A_202 : i32 to index
          %get3A_358 = arith.constant 96 : index
          %get3A_359 = tpu.vector_load %arg8[%get3A_357, %get3A_358] {strides = array<i32>} : memref<320x128xf32, #tpu.memory_space<vmem>>, vector<1x16xf32>,
          %get3A_360 = vector.shape_cast %get3A_359 : vector<1x16xf32> to vector<16xf32>
          %add3A_361 = arith.constant 10 : i32
          %add3A_362 = arith.addi %mul3A_102, %add3A_361 : i32
          %get3A_363 = arith.index_cast %add3A_362 : i32 to index
          %get3A_364 = arith.constant 96 : index
          %get3A_365 = tpu.vector_load %arg5[%get3A_363, %get3A_364] {strides = array<i32>} : memref<512x128xf32, #tpu.memory_space<vmem>>, vector<1x16xf32>,
          %get3A_366 = vector.shape_cast %get3A_365 : vector<1x16xf32> to vector<16xf32>
          %add3A_367 = arith.addf %get3A_360, %get3A_366 : vector<16xf32>
          %swap3A_368 = arith.index_cast %squeeze3A_202 : i32 to index
          %swap3A_369 = arith.constant 96 : index
          %swap3A_370 = tpu.vector_load %arg8[%swap3A_368, %swap3A_369] {strides = array<i32>} : memref<320x128xf32, #tpu.memory_space<vmem>>, vector<1x16xf32>,
          %swap3A_371 = vector.shape_cast %swap3A_370 : vector<1x16xf32> to vector<16xf32>
          %swap3A_372 = vector.shape_cast %add3A_367 : vector<16xf32> to vector<1x16xf32>
          tpu.vector_store %arg8[%swap3A_368, %swap3A_369], %swap3A_372 {strides = array<i32>} : memref<320x128xf32, #tpu.memory_space<vmem>>, vector<1x16xf32>,
          %get3A_373 = arith.index_cast %squeeze3A_202 : i32 to index
          %get3A_374 = arith.constant 112 : index
          %get3A_375 = tpu.vector_load %arg8[%get3A_373, %get3A_374] {strides = array<i32>} : memref<320x128xf32, #tpu.memory_space<vmem>>, vector<1x16xf32>,
          %get3A_376 = vector.shape_cast %get3A_375 : vector<1x16xf32> to vector<16xf32>
          %add3A_377 = arith.constant 10 : i32
          %add3A_378 = arith.addi %mul3A_102, %add3A_377 : i32
          %get3A_379 = arith.index_cast %add3A_378 : i32 to index
          %get3A_380 = arith.constant 112 : index
          %get3A_381 = tpu.vector_load %arg5[%get3A_379, %get3A_380] {strides = array<i32>} : memref<512x128xf32, #tpu.memory_space<vmem>>, vector<1x16xf32>,
          %get3A_382 = vector.shape_cast %get3A_381 : vector<1x16xf32> to vector<16xf32>
          %add3A_383 = arith.addf %get3A_376, %get3A_382 : vector<16xf32>
          %swap3A_384 = arith.index_cast %squeeze3A_202 : i32 to index
          %swap3A_385 = arith.constant 112 : index
          %swap3A_386 = tpu.vector_load %arg8[%swap3A_384, %swap3A_385] {strides = array<i32>} : memref<320x128xf32, #tpu.memory_space<vmem>>, vector<1x16xf32>,
          %swap3A_387 = vector.shape_cast %swap3A_386 : vector<1x16xf32> to vector<16xf32>
          %swap3A_388 = vector.shape_cast %add3A_383 : vector<16xf32> to vector<1x16xf32>
          tpu.vector_store %arg8[%swap3A_384, %swap3A_385], %swap3A_388 {strides = array<i32>} : memref<320x128xf32, #tpu.memory_space<vmem>>, vector<1x16xf32>,
        } else {
        }
        %slice3A_211 = vector.extract_strided_slice %sub3A_106 {offsets = [11], sizes = [1], strides = [1]} : vector<16xi32> to vector<1xi32>
        %squeeze3A_212 = vector.extract %slice3A_211[0] : i32 from vector<1xi32>
        %ge3A_213 = arith.constant 0 : i32
        %ge3A_214 = arith.cmpi sge, %squeeze3A_212, %ge3A_213 : i32
        %lt3A_215 = arith.constant 320 : i32
        %lt3A_216 = arith.cmpi slt, %squeeze3A_212, %lt3A_215 : i32
        %and3A_217 = arith.andi %ge3A_214, %lt3A_216 : i1
        %convert_element_type3A_218 = arith.extui %and3A_217 : i1 to i32
        %cond3A_219 = arith.constant 0 : i32
        %cond3A_220 = arith.cmpi ne, %convert_element_type3A_218, %cond3A_219 : i32
        scf.if %cond3A_220 {
          %get3A_262 = arith.index_cast %squeeze3A_212 : i32 to index
          %get3A_263 = arith.constant 0 : index
          %get3A_264 = tpu.vector_load %arg8[%get3A_262, %get3A_263] {strides = array<i32>} : memref<320x128xf32, #tpu.memory_space<vmem>>, vector<1x16xf32>,
          %get3A_265 = vector.shape_cast %get3A_264 : vector<1x16xf32> to vector<16xf32>
          %add3A_266 = arith.constant 11 : i32
          %add3A_267 = arith.addi %mul3A_102, %add3A_266 : i32
          %get3A_268 = arith.index_cast %add3A_267 : i32 to index
          %get3A_269 = arith.constant 0 : index
          %get3A_270 = tpu.vector_load %arg5[%get3A_268, %get3A_269] {strides = array<i32>} : memref<512x128xf32, #tpu.memory_space<vmem>>, vector<1x16xf32>,
          %get3A_271 = vector.shape_cast %get3A_270 : vector<1x16xf32> to vector<16xf32>
          %add3A_272 = arith.addf %get3A_265, %get3A_271 : vector<16xf32>
          %swap3A = arith.index_cast %squeeze3A_212 : i32 to index
          %swap3A_273 = arith.constant 0 : index
          %swap3A_274 = tpu.vector_load %arg8[%swap3A, %swap3A_273] {strides = array<i32>} : memref<320x128xf32, #tpu.memory_space<vmem>>, vector<1x16xf32>,
          %swap3A_275 = vector.shape_cast %swap3A_274 : vector<1x16xf32> to vector<16xf32>
          %swap3A_276 = vector.shape_cast %add3A_272 : vector<16xf32> to vector<1x16xf32>
          tpu.vector_store %arg8[%swap3A, %swap3A_273], %swap3A_276 {strides = array<i32>} : memref<320x128xf32, #tpu.memory_space<vmem>>, vector<1x16xf32>,
          %get3A_277 = arith.index_cast %squeeze3A_212 : i32 to index
          %get3A_278 = arith.constant 16 : index
          %get3A_279 = tpu.vector_load %arg8[%get3A_277, %get3A_278] {strides = array<i32>} : memref<320x128xf32, #tpu.memory_space<vmem>>, vector<1x16xf32>,
          %get3A_280 = vector.shape_cast %get3A_279 : vector<1x16xf32> to vector<16xf32>
          %add3A_281 = arith.constant 11 : i32
          %add3A_282 = arith.addi %mul3A_102, %add3A_281 : i32
          %get3A_283 = arith.index_cast %add3A_282 : i32 to index
          %get3A_284 = arith.constant 16 : index
          %get3A_285 = tpu.vector_load %arg5[%get3A_283, %get3A_284] {strides = array<i32>} : memref<512x128xf32, #tpu.memory_space<vmem>>, vector<1x16xf32>,
          %get3A_286 = vector.shape_cast %get3A_285 : vector<1x16xf32> to vector<16xf32>
          %add3A_287 = arith.addf %get3A_280, %get3A_286 : vector<16xf32>
          %swap3A_288 = arith.index_cast %squeeze3A_212 : i32 to index
          %swap3A_289 = arith.constant 16 : index
          %swap3A_290 = tpu.vector_load %arg8[%swap3A_288, %swap3A_289] {strides = array<i32>} : memref<320x128xf32, #tpu.memory_space<vmem>>, vector<1x16xf32>,
          %swap3A_291 = vector.shape_cast %swap3A_290 : vector<1x16xf32> to vector<16xf32>
          %swap3A_292 = vector.shape_cast %add3A_287 : vector<16xf32> to vector<1x16xf32>
          tpu.vector_store %arg8[%swap3A_288, %swap3A_289], %swap3A_292 {strides = array<i32>} : memref<320x128xf32, #tpu.memory_space<vmem>>, vector<1x16xf32>,
          %get3A_293 = arith.index_cast %squeeze3A_212 : i32 to index
          %get3A_294 = arith.constant 32 : index
          %get3A_295 = tpu.vector_load %arg8[%get3A_293, %get3A_294] {strides = array<i32>} : memref<320x128xf32, #tpu.memory_space<vmem>>, vector<1x16xf32>,
          %get3A_296 = vector.shape_cast %get3A_295 : vector<1x16xf32> to vector<16xf32>
          %add3A_297 = arith.constant 11 : i32
          %add3A_298 = arith.addi %mul3A_102, %add3A_297 : i32
          %get3A_299 = arith.index_cast %add3A_298 : i32 to index
          %get3A_300 = arith.constant 32 : index
          %get3A_301 = tpu.vector_load %arg5[%get3A_299, %get3A_300] {strides = array<i32>} : memref<512x128xf32, #tpu.memory_space<vmem>>, vector<1x16xf32>,
          %get3A_302 = vector.shape_cast %get3A_301 : vector<1x16xf32> to vector<16xf32>
          %add3A_303 = arith.addf %get3A_296, %get3A_302 : vector<16xf32>
          %swap3A_304 = arith.index_cast %squeeze3A_212 : i32 to index
          %swap3A_305 = arith.constant 32 : index
          %swap3A_306 = tpu.vector_load %arg8[%swap3A_304, %swap3A_305] {strides = array<i32>} : memref<320x128xf32, #tpu.memory_space<vmem>>, vector<1x16xf32>,
          %swap3A_307 = vector.shape_cast %swap3A_306 : vector<1x16xf32> to vector<16xf32>
          %swap3A_308 = vector.shape_cast %add3A_303 : vector<16xf32> to vector<1x16xf32>
          tpu.vector_store %arg8[%swap3A_304, %swap3A_305], %swap3A_308 {strides = array<i32>} : memref<320x128xf32, #tpu.memory_space<vmem>>, vector<1x16xf32>,
          %get3A_309 = arith.index_cast %squeeze3A_212 : i32 to index
          %get3A_310 = arith.constant 48 : index
          %get3A_311 = tpu.vector_load %arg8[%get3A_309, %get3A_310] {strides = array<i32>} : memref<320x128xf32, #tpu.memory_space<vmem>>, vector<1x16xf32>,
          %get3A_312 = vector.shape_cast %get3A_311 : vector<1x16xf32> to vector<16xf32>
          %add3A_313 = arith.constant 11 : i32
          %add3A_314 = arith.addi %mul3A_102, %add3A_313 : i32
          %get3A_315 = arith.index_cast %add3A_314 : i32 to index
          %get3A_316 = arith.constant 48 : index
          %get3A_317 = tpu.vector_load %arg5[%get3A_315, %get3A_316] {strides = array<i32>} : memref<512x128xf32, #tpu.memory_space<vmem>>, vector<1x16xf32>,
          %get3A_318 = vector.shape_cast %get3A_317 : vector<1x16xf32> to vector<16xf32>
          %add3A_319 = arith.addf %get3A_312, %get3A_318 : vector<16xf32>
          %swap3A_320 = arith.index_cast %squeeze3A_212 : i32 to index
          %swap3A_321 = arith.constant 48 : index
          %swap3A_322 = tpu.vector_load %arg8[%swap3A_320, %swap3A_321] {strides = array<i32>} : memref<320x128xf32, #tpu.memory_space<vmem>>, vector<1x16xf32>,
          %swap3A_323 = vector.shape_cast %swap3A_322 : vector<1x16xf32> to vector<16xf32>
          %swap3A_324 = vector.shape_cast %add3A_319 : vector<16xf32> to vector<1x16xf32>
          tpu.vector_store %arg8[%swap3A_320, %swap3A_321], %swap3A_324 {strides = array<i32>} : memref<320x128xf32, #tpu.memory_space<vmem>>, vector<1x16xf32>,
          %get3A_325 = arith.index_cast %squeeze3A_212 : i32 to index
          %get3A_326 = arith.constant 64 : index
          %get3A_327 = tpu.vector_load %arg8[%get3A_325, %get3A_326] {strides = array<i32>} : memref<320x128xf32, #tpu.memory_space<vmem>>, vector<1x16xf32>,
          %get3A_328 = vector.shape_cast %get3A_327 : vector<1x16xf32> to vector<16xf32>
          %add3A_329 = arith.constant 11 : i32
          %add3A_330 = arith.addi %mul3A_102, %add3A_329 : i32
          %get3A_331 = arith.index_cast %add3A_330 : i32 to index
          %get3A_332 = arith.constant 64 : index
          %get3A_333 = tpu.vector_load %arg5[%get3A_331, %get3A_332] {strides = array<i32>} : memref<512x128xf32, #tpu.memory_space<vmem>>, vector<1x16xf32>,
          %get3A_334 = vector.shape_cast %get3A_333 : vector<1x16xf32> to vector<16xf32>
          %add3A_335 = arith.addf %get3A_328, %get3A_334 : vector<16xf32>
          %swap3A_336 = arith.index_cast %squeeze3A_212 : i32 to index
          %swap3A_337 = arith.constant 64 : index
          %swap3A_338 = tpu.vector_load %arg8[%swap3A_336, %swap3A_337] {strides = array<i32>} : memref<320x128xf32, #tpu.memory_space<vmem>>, vector<1x16xf32>,
          %swap3A_339 = vector.shape_cast %swap3A_338 : vector<1x16xf32> to vector<16xf32>
          %swap3A_340 = vector.shape_cast %add3A_335 : vector<16xf32> to vector<1x16xf32>
          tpu.vector_store %arg8[%swap3A_336, %swap3A_337], %swap3A_340 {strides = array<i32>} : memref<320x128xf32, #tpu.memory_space<vmem>>, vector<1x16xf32>,
          %get3A_341 = arith.index_cast %squeeze3A_212 : i32 to index
          %get3A_342 = arith.constant 80 : index
          %get3A_343 = tpu.vector_load %arg8[%get3A_341, %get3A_342] {strides = array<i32>} : memref<320x128xf32, #tpu.memory_space<vmem>>, vector<1x16xf32>,
          %get3A_344 = vector.shape_cast %get3A_343 : vector<1x16xf32> to vector<16xf32>
          %add3A_345 = arith.constant 11 : i32
          %add3A_346 = arith.addi %mul3A_102, %add3A_345 : i32
          %get3A_347 = arith.index_cast %add3A_346 : i32 to index
          %get3A_348 = arith.constant 80 : index
          %get3A_349 = tpu.vector_load %arg5[%get3A_347, %get3A_348] {strides = array<i32>} : memref<512x128xf32, #tpu.memory_space<vmem>>, vector<1x16xf32>,
          %get3A_350 = vector.shape_cast %get3A_349 : vector<1x16xf32> to vector<16xf32>
          %add3A_351 = arith.addf %get3A_344, %get3A_350 : vector<16xf32>
          %swap3A_352 = arith.index_cast %squeeze3A_212 : i32 to index
          %swap3A_353 = arith.constant 80 : index
          %swap3A_354 = tpu.vector_load %arg8[%swap3A_352, %swap3A_353] {strides = array<i32>} : memref<320x128xf32, #tpu.memory_space<vmem>>, vector<1x16xf32>,
          %swap3A_355 = vector.shape_cast %swap3A_354 : vector<1x16xf32> to vector<16xf32>
          %swap3A_356 = vector.shape_cast %add3A_351 : vector<16xf32> to vector<1x16xf32>
          tpu.vector_store %arg8[%swap3A_352, %swap3A_353], %swap3A_356 {strides = array<i32>} : memref<320x128xf32, #tpu.memory_space<vmem>>, vector<1x16xf32>,
          %get3A_357 = arith.index_cast %squeeze3A_212 : i32 to index
          %get3A_358 = arith.constant 96 : index
          %get3A_359 = tpu.vector_load %arg8[%get3A_357, %get3A_358] {strides = array<i32>} : memref<320x128xf32, #tpu.memory_space<vmem>>, vector<1x16xf32>,
          %get3A_360 = vector.shape_cast %get3A_359 : vector<1x16xf32> to vector<16xf32>
          %add3A_361 = arith.constant 11 : i32
          %add3A_362 = arith.addi %mul3A_102, %add3A_361 : i32
          %get3A_363 = arith.index_cast %add3A_362 : i32 to index
          %get3A_364 = arith.constant 96 : index
          %get3A_365 = tpu.vector_load %arg5[%get3A_363, %get3A_364] {strides = array<i32>} : memref<512x128xf32, #tpu.memory_space<vmem>>, vector<1x16xf32>,
          %get3A_366 = vector.shape_cast %get3A_365 : vector<1x16xf32> to vector<16xf32>
          %add3A_367 = arith.addf %get3A_360, %get3A_366 : vector<16xf32>
          %swap3A_368 = arith.index_cast %squeeze3A_212 : i32 to index
          %swap3A_369 = arith.constant 96 : index
          %swap3A_370 = tpu.vector_load %arg8[%swap3A_368, %swap3A_369] {strides = array<i32>} : memref<320x128xf32, #tpu.memory_space<vmem>>, vector<1x16xf32>,
          %swap3A_371 = vector.shape_cast %swap3A_370 : vector<1x16xf32> to vector<16xf32>
          %swap3A_372 = vector.shape_cast %add3A_367 : vector<16xf32> to vector<1x16xf32>
          tpu.vector_store %arg8[%swap3A_368, %swap3A_369], %swap3A_372 {strides = array<i32>} : memref<320x128xf32, #tpu.memory_space<vmem>>, vector<1x16xf32>,
          %get3A_373 = arith.index_cast %squeeze3A_212 : i32 to index
          %get3A_374 = arith.constant 112 : index
          %get3A_375 = tpu.vector_load %arg8[%get3A_373, %get3A_374] {strides = array<i32>} : memref<320x128xf32, #tpu.memory_space<vmem>>, vector<1x16xf32>,
          %get3A_376 = vector.shape_cast %get3A_375 : vector<1x16xf32> to vector<16xf32>
          %add3A_377 = arith.constant 11 : i32
          %add3A_378 = arith.addi %mul3A_102, %add3A_377 : i32
          %get3A_379 = arith.index_cast %add3A_378 : i32 to index
          %get3A_380 = arith.constant 112 : index
          %get3A_381 = tpu.vector_load %arg5[%get3A_379, %get3A_380] {strides = array<i32>} : memref<512x128xf32, #tpu.memory_space<vmem>>, vector<1x16xf32>,
          %get3A_382 = vector.shape_cast %get3A_381 : vector<1x16xf32> to vector<16xf32>
          %add3A_383 = arith.addf %get3A_376, %get3A_382 : vector<16xf32>
          %swap3A_384 = arith.index_cast %squeeze3A_212 : i32 to index
          %swap3A_385 = arith.constant 112 : index
          %swap3A_386 = tpu.vector_load %arg8[%swap3A_384, %swap3A_385] {strides = array<i32>} : memref<320x128xf32, #tpu.memory_space<vmem>>, vector<1x16xf32>,
          %swap3A_387 = vector.shape_cast %swap3A_386 : vector<1x16xf32> to vector<16xf32>
          %swap3A_388 = vector.shape_cast %add3A_383 : vector<16xf32> to vector<1x16xf32>
          tpu.vector_store %arg8[%swap3A_384, %swap3A_385], %swap3A_388 {strides = array<i32>} : memref<320x128xf32, #tpu.memory_space<vmem>>, vector<1x16xf32>,
        } else {
        }
        %slice3A_221 = vector.extract_strided_slice %sub3A_106 {offsets = [12], sizes = [1], strides = [1]} : vector<16xi32> to vector<1xi32>
        %squeeze3A_222 = vector.extract %slice3A_221[0] : i32 from vector<1xi32>
        %ge3A_223 = arith.constant 0 : i32
        %ge3A_224 = arith.cmpi sge, %squeeze3A_222, %ge3A_223 : i32
        %lt3A_225 = arith.constant 320 : i32
        %lt3A_226 = arith.cmpi slt, %squeeze3A_222, %lt3A_225 : i32
        %and3A_227 = arith.andi %ge3A_224, %lt3A_226 : i1
        %convert_element_type3A_228 = arith.extui %and3A_227 : i1 to i32
        %cond3A_229 = arith.constant 0 : i32
        %cond3A_230 = arith.cmpi ne, %convert_element_type3A_228, %cond3A_229 : i32
        scf.if %cond3A_230 {
          %get3A_262 = arith.index_cast %squeeze3A_222 : i32 to index
          %get3A_263 = arith.constant 0 : index
          %get3A_264 = tpu.vector_load %arg8[%get3A_262, %get3A_263] {strides = array<i32>} : memref<320x128xf32, #tpu.memory_space<vmem>>, vector<1x16xf32>,
          %get3A_265 = vector.shape_cast %get3A_264 : vector<1x16xf32> to vector<16xf32>
          %add3A_266 = arith.constant 12 : i32
          %add3A_267 = arith.addi %mul3A_102, %add3A_266 : i32
          %get3A_268 = arith.index_cast %add3A_267 : i32 to index
          %get3A_269 = arith.constant 0 : index
          %get3A_270 = tpu.vector_load %arg5[%get3A_268, %get3A_269] {strides = array<i32>} : memref<512x128xf32, #tpu.memory_space<vmem>>, vector<1x16xf32>,
          %get3A_271 = vector.shape_cast %get3A_270 : vector<1x16xf32> to vector<16xf32>
          %add3A_272 = arith.addf %get3A_265, %get3A_271 : vector<16xf32>
          %swap3A = arith.index_cast %squeeze3A_222 : i32 to index
          %swap3A_273 = arith.constant 0 : index
          %swap3A_274 = tpu.vector_load %arg8[%swap3A, %swap3A_273] {strides = array<i32>} : memref<320x128xf32, #tpu.memory_space<vmem>>, vector<1x16xf32>,
          %swap3A_275 = vector.shape_cast %swap3A_274 : vector<1x16xf32> to vector<16xf32>
          %swap3A_276 = vector.shape_cast %add3A_272 : vector<16xf32> to vector<1x16xf32>
          tpu.vector_store %arg8[%swap3A, %swap3A_273], %swap3A_276 {strides = array<i32>} : memref<320x128xf32, #tpu.memory_space<vmem>>, vector<1x16xf32>,
          %get3A_277 = arith.index_cast %squeeze3A_222 : i32 to index
          %get3A_278 = arith.constant 16 : index
          %get3A_279 = tpu.vector_load %arg8[%get3A_277, %get3A_278] {strides = array<i32>} : memref<320x128xf32, #tpu.memory_space<vmem>>, vector<1x16xf32>,
          %get3A_280 = vector.shape_cast %get3A_279 : vector<1x16xf32> to vector<16xf32>
          %add3A_281 = arith.constant 12 : i32
          %add3A_282 = arith.addi %mul3A_102, %add3A_281 : i32
          %get3A_283 = arith.index_cast %add3A_282 : i32 to index
          %get3A_284 = arith.constant 16 : index
          %get3A_285 = tpu.vector_load %arg5[%get3A_283, %get3A_284] {strides = array<i32>} : memref<512x128xf32, #tpu.memory_space<vmem>>, vector<1x16xf32>,
          %get3A_286 = vector.shape_cast %get3A_285 : vector<1x16xf32> to vector<16xf32>
          %add3A_287 = arith.addf %get3A_280, %get3A_286 : vector<16xf32>
          %swap3A_288 = arith.index_cast %squeeze3A_222 : i32 to index
          %swap3A_289 = arith.constant 16 : index
          %swap3A_290 = tpu.vector_load %arg8[%swap3A_288, %swap3A_289] {strides = array<i32>} : memref<320x128xf32, #tpu.memory_space<vmem>>, vector<1x16xf32>,
          %swap3A_291 = vector.shape_cast %swap3A_290 : vector<1x16xf32> to vector<16xf32>
          %swap3A_292 = vector.shape_cast %add3A_287 : vector<16xf32> to vector<1x16xf32>
          tpu.vector_store %arg8[%swap3A_288, %swap3A_289], %swap3A_292 {strides = array<i32>} : memref<320x128xf32, #tpu.memory_space<vmem>>, vector<1x16xf32>,
          %get3A_293 = arith.index_cast %squeeze3A_222 : i32 to index
          %get3A_294 = arith.constant 32 : index
          %get3A_295 = tpu.vector_load %arg8[%get3A_293, %get3A_294] {strides = array<i32>} : memref<320x128xf32, #tpu.memory_space<vmem>>, vector<1x16xf32>,
          %get3A_296 = vector.shape_cast %get3A_295 : vector<1x16xf32> to vector<16xf32>
          %add3A_297 = arith.constant 12 : i32
          %add3A_298 = arith.addi %mul3A_102, %add3A_297 : i32
          %get3A_299 = arith.index_cast %add3A_298 : i32 to index
          %get3A_300 = arith.constant 32 : index
          %get3A_301 = tpu.vector_load %arg5[%get3A_299, %get3A_300] {strides = array<i32>} : memref<512x128xf32, #tpu.memory_space<vmem>>, vector<1x16xf32>,
          %get3A_302 = vector.shape_cast %get3A_301 : vector<1x16xf32> to vector<16xf32>
          %add3A_303 = arith.addf %get3A_296, %get3A_302 : vector<16xf32>
          %swap3A_304 = arith.index_cast %squeeze3A_222 : i32 to index
          %swap3A_305 = arith.constant 32 : index
          %swap3A_306 = tpu.vector_load %arg8[%swap3A_304, %swap3A_305] {strides = array<i32>} : memref<320x128xf32, #tpu.memory_space<vmem>>, vector<1x16xf32>,
          %swap3A_307 = vector.shape_cast %swap3A_306 : vector<1x16xf32> to vector<16xf32>
          %swap3A_308 = vector.shape_cast %add3A_303 : vector<16xf32> to vector<1x16xf32>
          tpu.vector_store %arg8[%swap3A_304, %swap3A_305], %swap3A_308 {strides = array<i32>} : memref<320x128xf32, #tpu.memory_space<vmem>>, vector<1x16xf32>,
          %get3A_309 = arith.index_cast %squeeze3A_222 : i32 to index
          %get3A_310 = arith.constant 48 : index
          %get3A_311 = tpu.vector_load %arg8[%get3A_309, %get3A_310] {strides = array<i32>} : memref<320x128xf32, #tpu.memory_space<vmem>>, vector<1x16xf32>,
          %get3A_312 = vector.shape_cast %get3A_311 : vector<1x16xf32> to vector<16xf32>
          %add3A_313 = arith.constant 12 : i32
          %add3A_314 = arith.addi %mul3A_102, %add3A_313 : i32
          %get3A_315 = arith.index_cast %add3A_314 : i32 to index
          %get3A_316 = arith.constant 48 : index
          %get3A_317 = tpu.vector_load %arg5[%get3A_315, %get3A_316] {strides = array<i32>} : memref<512x128xf32, #tpu.memory_space<vmem>>, vector<1x16xf32>,
          %get3A_318 = vector.shape_cast %get3A_317 : vector<1x16xf32> to vector<16xf32>
          %add3A_319 = arith.addf %get3A_312, %get3A_318 : vector<16xf32>
          %swap3A_320 = arith.index_cast %squeeze3A_222 : i32 to index
          %swap3A_321 = arith.constant 48 : index
          %swap3A_322 = tpu.vector_load %arg8[%swap3A_320, %swap3A_321] {strides = array<i32>} : memref<320x128xf32, #tpu.memory_space<vmem>>, vector<1x16xf32>,
          %swap3A_323 = vector.shape_cast %swap3A_322 : vector<1x16xf32> to vector<16xf32>
          %swap3A_324 = vector.shape_cast %add3A_319 : vector<16xf32> to vector<1x16xf32>
          tpu.vector_store %arg8[%swap3A_320, %swap3A_321], %swap3A_324 {strides = array<i32>} : memref<320x128xf32, #tpu.memory_space<vmem>>, vector<1x16xf32>,
          %get3A_325 = arith.index_cast %squeeze3A_222 : i32 to index
          %get3A_326 = arith.constant 64 : index
          %get3A_327 = tpu.vector_load %arg8[%get3A_325, %get3A_326] {strides = array<i32>} : memref<320x128xf32, #tpu.memory_space<vmem>>, vector<1x16xf32>,
          %get3A_328 = vector.shape_cast %get3A_327 : vector<1x16xf32> to vector<16xf32>
          %add3A_329 = arith.constant 12 : i32
          %add3A_330 = arith.addi %mul3A_102, %add3A_329 : i32
          %get3A_331 = arith.index_cast %add3A_330 : i32 to index
          %get3A_332 = arith.constant 64 : index
          %get3A_333 = tpu.vector_load %arg5[%get3A_331, %get3A_332] {strides = array<i32>} : memref<512x128xf32, #tpu.memory_space<vmem>>, vector<1x16xf32>,
          %get3A_334 = vector.shape_cast %get3A_333 : vector<1x16xf32> to vector<16xf32>
          %add3A_335 = arith.addf %get3A_328, %get3A_334 : vector<16xf32>
          %swap3A_336 = arith.index_cast %squeeze3A_222 : i32 to index
          %swap3A_337 = arith.constant 64 : index
          %swap3A_338 = tpu.vector_load %arg8[%swap3A_336, %swap3A_337] {strides = array<i32>} : memref<320x128xf32, #tpu.memory_space<vmem>>, vector<1x16xf32>,
          %swap3A_339 = vector.shape_cast %swap3A_338 : vector<1x16xf32> to vector<16xf32>
          %swap3A_340 = vector.shape_cast %add3A_335 : vector<16xf32> to vector<1x16xf32>
          tpu.vector_store %arg8[%swap3A_336, %swap3A_337], %swap3A_340 {strides = array<i32>} : memref<320x128xf32, #tpu.memory_space<vmem>>, vector<1x16xf32>,
          %get3A_341 = arith.index_cast %squeeze3A_222 : i32 to index
          %get3A_342 = arith.constant 80 : index
          %get3A_343 = tpu.vector_load %arg8[%get3A_341, %get3A_342] {strides = array<i32>} : memref<320x128xf32, #tpu.memory_space<vmem>>, vector<1x16xf32>,
          %get3A_344 = vector.shape_cast %get3A_343 : vector<1x16xf32> to vector<16xf32>
          %add3A_345 = arith.constant 12 : i32
          %add3A_346 = arith.addi %mul3A_102, %add3A_345 : i32
          %get3A_347 = arith.index_cast %add3A_346 : i32 to index
          %get3A_348 = arith.constant 80 : index
          %get3A_349 = tpu.vector_load %arg5[%get3A_347, %get3A_348] {strides = array<i32>} : memref<512x128xf32, #tpu.memory_space<vmem>>, vector<1x16xf32>,
          %get3A_350 = vector.shape_cast %get3A_349 : vector<1x16xf32> to vector<16xf32>
          %add3A_351 = arith.addf %get3A_344, %get3A_350 : vector<16xf32>
          %swap3A_352 = arith.index_cast %squeeze3A_222 : i32 to index
          %swap3A_353 = arith.constant 80 : index
          %swap3A_354 = tpu.vector_load %arg8[%swap3A_352, %swap3A_353] {strides = array<i32>} : memref<320x128xf32, #tpu.memory_space<vmem>>, vector<1x16xf32>,
          %swap3A_355 = vector.shape_cast %swap3A_354 : vector<1x16xf32> to vector<16xf32>
          %swap3A_356 = vector.shape_cast %add3A_351 : vector<16xf32> to vector<1x16xf32>
          tpu.vector_store %arg8[%swap3A_352, %swap3A_353], %swap3A_356 {strides = array<i32>} : memref<320x128xf32, #tpu.memory_space<vmem>>, vector<1x16xf32>,
          %get3A_357 = arith.index_cast %squeeze3A_222 : i32 to index
          %get3A_358 = arith.constant 96 : index
          %get3A_359 = tpu.vector_load %arg8[%get3A_357, %get3A_358] {strides = array<i32>} : memref<320x128xf32, #tpu.memory_space<vmem>>, vector<1x16xf32>,
          %get3A_360 = vector.shape_cast %get3A_359 : vector<1x16xf32> to vector<16xf32>
          %add3A_361 = arith.constant 12 : i32
          %add3A_362 = arith.addi %mul3A_102, %add3A_361 : i32
          %get3A_363 = arith.index_cast %add3A_362 : i32 to index
          %get3A_364 = arith.constant 96 : index
          %get3A_365 = tpu.vector_load %arg5[%get3A_363, %get3A_364] {strides = array<i32>} : memref<512x128xf32, #tpu.memory_space<vmem>>, vector<1x16xf32>,
          %get3A_366 = vector.shape_cast %get3A_365 : vector<1x16xf32> to vector<16xf32>
          %add3A_367 = arith.addf %get3A_360, %get3A_366 : vector<16xf32>
          %swap3A_368 = arith.index_cast %squeeze3A_222 : i32 to index
          %swap3A_369 = arith.constant 96 : index
          %swap3A_370 = tpu.vector_load %arg8[%swap3A_368, %swap3A_369] {strides = array<i32>} : memref<320x128xf32, #tpu.memory_space<vmem>>, vector<1x16xf32>,
          %swap3A_371 = vector.shape_cast %swap3A_370 : vector<1x16xf32> to vector<16xf32>
          %swap3A_372 = vector.shape_cast %add3A_367 : vector<16xf32> to vector<1x16xf32>
          tpu.vector_store %arg8[%swap3A_368, %swap3A_369], %swap3A_372 {strides = array<i32>} : memref<320x128xf32, #tpu.memory_space<vmem>>, vector<1x16xf32>,
          %get3A_373 = arith.index_cast %squeeze3A_222 : i32 to index
          %get3A_374 = arith.constant 112 : index
          %get3A_375 = tpu.vector_load %arg8[%get3A_373, %get3A_374] {strides = array<i32>} : memref<320x128xf32, #tpu.memory_space<vmem>>, vector<1x16xf32>,
          %get3A_376 = vector.shape_cast %get3A_375 : vector<1x16xf32> to vector<16xf32>
          %add3A_377 = arith.constant 12 : i32
          %add3A_378 = arith.addi %mul3A_102, %add3A_377 : i32
          %get3A_379 = arith.index_cast %add3A_378 : i32 to index
          %get3A_380 = arith.constant 112 : index
          %get3A_381 = tpu.vector_load %arg5[%get3A_379, %get3A_380] {strides = array<i32>} : memref<512x128xf32, #tpu.memory_space<vmem>>, vector<1x16xf32>,
          %get3A_382 = vector.shape_cast %get3A_381 : vector<1x16xf32> to vector<16xf32>
          %add3A_383 = arith.addf %get3A_376, %get3A_382 : vector<16xf32>
          %swap3A_384 = arith.index_cast %squeeze3A_222 : i32 to index
          %swap3A_385 = arith.constant 112 : index
          %swap3A_386 = tpu.vector_load %arg8[%swap3A_384, %swap3A_385] {strides = array<i32>} : memref<320x128xf32, #tpu.memory_space<vmem>>, vector<1x16xf32>,
          %swap3A_387 = vector.shape_cast %swap3A_386 : vector<1x16xf32> to vector<16xf32>
          %swap3A_388 = vector.shape_cast %add3A_383 : vector<16xf32> to vector<1x16xf32>
          tpu.vector_store %arg8[%swap3A_384, %swap3A_385], %swap3A_388 {strides = array<i32>} : memref<320x128xf32, #tpu.memory_space<vmem>>, vector<1x16xf32>,
        } else {
        }
        %slice3A_231 = vector.extract_strided_slice %sub3A_106 {offsets = [13], sizes = [1], strides = [1]} : vector<16xi32> to vector<1xi32>
        %squeeze3A_232 = vector.extract %slice3A_231[0] : i32 from vector<1xi32>
        %ge3A_233 = arith.constant 0 : i32
        %ge3A_234 = arith.cmpi sge, %squeeze3A_232, %ge3A_233 : i32
        %lt3A_235 = arith.constant 320 : i32
        %lt3A_236 = arith.cmpi slt, %squeeze3A_232, %lt3A_235 : i32
        %and3A_237 = arith.andi %ge3A_234, %lt3A_236 : i1
        %convert_element_type3A_238 = arith.extui %and3A_237 : i1 to i32
        %cond3A_239 = arith.constant 0 : i32
        %cond3A_240 = arith.cmpi ne, %convert_element_type3A_238, %cond3A_239 : i32
        scf.if %cond3A_240 {
          %get3A_262 = arith.index_cast %squeeze3A_232 : i32 to index
          %get3A_263 = arith.constant 0 : index
          %get3A_264 = tpu.vector_load %arg8[%get3A_262, %get3A_263] {strides = array<i32>} : memref<320x128xf32, #tpu.memory_space<vmem>>, vector<1x16xf32>,
          %get3A_265 = vector.shape_cast %get3A_264 : vector<1x16xf32> to vector<16xf32>
          %add3A_266 = arith.constant 13 : i32
          %add3A_267 = arith.addi %mul3A_102, %add3A_266 : i32
          %get3A_268 = arith.index_cast %add3A_267 : i32 to index
          %get3A_269 = arith.constant 0 : index
          %get3A_270 = tpu.vector_load %arg5[%get3A_268, %get3A_269] {strides = array<i32>} : memref<512x128xf32, #tpu.memory_space<vmem>>, vector<1x16xf32>,
          %get3A_271 = vector.shape_cast %get3A_270 : vector<1x16xf32> to vector<16xf32>
          %add3A_272 = arith.addf %get3A_265, %get3A_271 : vector<16xf32>
          %swap3A = arith.index_cast %squeeze3A_232 : i32 to index
          %swap3A_273 = arith.constant 0 : index
          %swap3A_274 = tpu.vector_load %arg8[%swap3A, %swap3A_273] {strides = array<i32>} : memref<320x128xf32, #tpu.memory_space<vmem>>, vector<1x16xf32>,
          %swap3A_275 = vector.shape_cast %swap3A_274 : vector<1x16xf32> to vector<16xf32>
          %swap3A_276 = vector.shape_cast %add3A_272 : vector<16xf32> to vector<1x16xf32>
          tpu.vector_store %arg8[%swap3A, %swap3A_273], %swap3A_276 {strides = array<i32>} : memref<320x128xf32, #tpu.memory_space<vmem>>, vector<1x16xf32>,
          %get3A_277 = arith.index_cast %squeeze3A_232 : i32 to index
          %get3A_278 = arith.constant 16 : index
          %get3A_279 = tpu.vector_load %arg8[%get3A_277, %get3A_278] {strides = array<i32>} : memref<320x128xf32, #tpu.memory_space<vmem>>, vector<1x16xf32>,
          %get3A_280 = vector.shape_cast %get3A_279 : vector<1x16xf32> to vector<16xf32>
          %add3A_281 = arith.constant 13 : i32
          %add3A_282 = arith.addi %mul3A_102, %add3A_281 : i32
          %get3A_283 = arith.index_cast %add3A_282 : i32 to index
          %get3A_284 = arith.constant 16 : index
          %get3A_285 = tpu.vector_load %arg5[%get3A_283, %get3A_284] {strides = array<i32>} : memref<512x128xf32, #tpu.memory_space<vmem>>, vector<1x16xf32>,
          %get3A_286 = vector.shape_cast %get3A_285 : vector<1x16xf32> to vector<16xf32>
          %add3A_287 = arith.addf %get3A_280, %get3A_286 : vector<16xf32>
          %swap3A_288 = arith.index_cast %squeeze3A_232 : i32 to index
          %swap3A_289 = arith.constant 16 : index
          %swap3A_290 = tpu.vector_load %arg8[%swap3A_288, %swap3A_289] {strides = array<i32>} : memref<320x128xf32, #tpu.memory_space<vmem>>, vector<1x16xf32>,
          %swap3A_291 = vector.shape_cast %swap3A_290 : vector<1x16xf32> to vector<16xf32>
          %swap3A_292 = vector.shape_cast %add3A_287 : vector<16xf32> to vector<1x16xf32>
          tpu.vector_store %arg8[%swap3A_288, %swap3A_289], %swap3A_292 {strides = array<i32>} : memref<320x128xf32, #tpu.memory_space<vmem>>, vector<1x16xf32>,
          %get3A_293 = arith.index_cast %squeeze3A_232 : i32 to index
          %get3A_294 = arith.constant 32 : index
          %get3A_295 = tpu.vector_load %arg8[%get3A_293, %get3A_294] {strides = array<i32>} : memref<320x128xf32, #tpu.memory_space<vmem>>, vector<1x16xf32>,
          %get3A_296 = vector.shape_cast %get3A_295 : vector<1x16xf32> to vector<16xf32>
          %add3A_297 = arith.constant 13 : i32
          %add3A_298 = arith.addi %mul3A_102, %add3A_297 : i32
          %get3A_299 = arith.index_cast %add3A_298 : i32 to index
          %get3A_300 = arith.constant 32 : index
          %get3A_301 = tpu.vector_load %arg5[%get3A_299, %get3A_300] {strides = array<i32>} : memref<512x128xf32, #tpu.memory_space<vmem>>, vector<1x16xf32>,
          %get3A_302 = vector.shape_cast %get3A_301 : vector<1x16xf32> to vector<16xf32>
          %add3A_303 = arith.addf %get3A_296, %get3A_302 : vector<16xf32>
          %swap3A_304 = arith.index_cast %squeeze3A_232 : i32 to index
          %swap3A_305 = arith.constant 32 : index
          %swap3A_306 = tpu.vector_load %arg8[%swap3A_304, %swap3A_305] {strides = array<i32>} : memref<320x128xf32, #tpu.memory_space<vmem>>, vector<1x16xf32>,
          %swap3A_307 = vector.shape_cast %swap3A_306 : vector<1x16xf32> to vector<16xf32>
          %swap3A_308 = vector.shape_cast %add3A_303 : vector<16xf32> to vector<1x16xf32>
          tpu.vector_store %arg8[%swap3A_304, %swap3A_305], %swap3A_308 {strides = array<i32>} : memref<320x128xf32, #tpu.memory_space<vmem>>, vector<1x16xf32>,
          %get3A_309 = arith.index_cast %squeeze3A_232 : i32 to index
          %get3A_310 = arith.constant 48 : index
          %get3A_311 = tpu.vector_load %arg8[%get3A_309, %get3A_310] {strides = array<i32>} : memref<320x128xf32, #tpu.memory_space<vmem>>, vector<1x16xf32>,
          %get3A_312 = vector.shape_cast %get3A_311 : vector<1x16xf32> to vector<16xf32>
          %add3A_313 = arith.constant 13 : i32
          %add3A_314 = arith.addi %mul3A_102, %add3A_313 : i32
          %get3A_315 = arith.index_cast %add3A_314 : i32 to index
          %get3A_316 = arith.constant 48 : index
          %get3A_317 = tpu.vector_load %arg5[%get3A_315, %get3A_316] {strides = array<i32>} : memref<512x128xf32, #tpu.memory_space<vmem>>, vector<1x16xf32>,
          %get3A_318 = vector.shape_cast %get3A_317 : vector<1x16xf32> to vector<16xf32>
          %add3A_319 = arith.addf %get3A_312, %get3A_318 : vector<16xf32>
          %swap3A_320 = arith.index_cast %squeeze3A_232 : i32 to index
          %swap3A_321 = arith.constant 48 : index
          %swap3A_322 = tpu.vector_load %arg8[%swap3A_320, %swap3A_321] {strides = array<i32>} : memref<320x128xf32, #tpu.memory_space<vmem>>, vector<1x16xf32>,
          %swap3A_323 = vector.shape_cast %swap3A_322 : vector<1x16xf32> to vector<16xf32>
          %swap3A_324 = vector.shape_cast %add3A_319 : vector<16xf32> to vector<1x16xf32>
          tpu.vector_store %arg8[%swap3A_320, %swap3A_321], %swap3A_324 {strides = array<i32>} : memref<320x128xf32, #tpu.memory_space<vmem>>, vector<1x16xf32>,
          %get3A_325 = arith.index_cast %squeeze3A_232 : i32 to index
          %get3A_326 = arith.constant 64 : index
          %get3A_327 = tpu.vector_load %arg8[%get3A_325, %get3A_326] {strides = array<i32>} : memref<320x128xf32, #tpu.memory_space<vmem>>, vector<1x16xf32>,
          %get3A_328 = vector.shape_cast %get3A_327 : vector<1x16xf32> to vector<16xf32>
          %add3A_329 = arith.constant 13 : i32
          %add3A_330 = arith.addi %mul3A_102, %add3A_329 : i32
          %get3A_331 = arith.index_cast %add3A_330 : i32 to index
          %get3A_332 = arith.constant 64 : index
          %get3A_333 = tpu.vector_load %arg5[%get3A_331, %get3A_332] {strides = array<i32>} : memref<512x128xf32, #tpu.memory_space<vmem>>, vector<1x16xf32>,
          %get3A_334 = vector.shape_cast %get3A_333 : vector<1x16xf32> to vector<16xf32>
          %add3A_335 = arith.addf %get3A_328, %get3A_334 : vector<16xf32>
          %swap3A_336 = arith.index_cast %squeeze3A_232 : i32 to index
          %swap3A_337 = arith.constant 64 : index
          %swap3A_338 = tpu.vector_load %arg8[%swap3A_336, %swap3A_337] {strides = array<i32>} : memref<320x128xf32, #tpu.memory_space<vmem>>, vector<1x16xf32>,
          %swap3A_339 = vector.shape_cast %swap3A_338 : vector<1x16xf32> to vector<16xf32>
          %swap3A_340 = vector.shape_cast %add3A_335 : vector<16xf32> to vector<1x16xf32>
          tpu.vector_store %arg8[%swap3A_336, %swap3A_337], %swap3A_340 {strides = array<i32>} : memref<320x128xf32, #tpu.memory_space<vmem>>, vector<1x16xf32>,
          %get3A_341 = arith.index_cast %squeeze3A_232 : i32 to index
          %get3A_342 = arith.constant 80 : index
          %get3A_343 = tpu.vector_load %arg8[%get3A_341, %get3A_342] {strides = array<i32>} : memref<320x128xf32, #tpu.memory_space<vmem>>, vector<1x16xf32>,
          %get3A_344 = vector.shape_cast %get3A_343 : vector<1x16xf32> to vector<16xf32>
          %add3A_345 = arith.constant 13 : i32
          %add3A_346 = arith.addi %mul3A_102, %add3A_345 : i32
          %get3A_347 = arith.index_cast %add3A_346 : i32 to index
          %get3A_348 = arith.constant 80 : index
          %get3A_349 = tpu.vector_load %arg5[%get3A_347, %get3A_348] {strides = array<i32>} : memref<512x128xf32, #tpu.memory_space<vmem>>, vector<1x16xf32>,
          %get3A_350 = vector.shape_cast %get3A_349 : vector<1x16xf32> to vector<16xf32>
          %add3A_351 = arith.addf %get3A_344, %get3A_350 : vector<16xf32>
          %swap3A_352 = arith.index_cast %squeeze3A_232 : i32 to index
          %swap3A_353 = arith.constant 80 : index
          %swap3A_354 = tpu.vector_load %arg8[%swap3A_352, %swap3A_353] {strides = array<i32>} : memref<320x128xf32, #tpu.memory_space<vmem>>, vector<1x16xf32>,
          %swap3A_355 = vector.shape_cast %swap3A_354 : vector<1x16xf32> to vector<16xf32>
          %swap3A_356 = vector.shape_cast %add3A_351 : vector<16xf32> to vector<1x16xf32>
          tpu.vector_store %arg8[%swap3A_352, %swap3A_353], %swap3A_356 {strides = array<i32>} : memref<320x128xf32, #tpu.memory_space<vmem>>, vector<1x16xf32>,
          %get3A_357 = arith.index_cast %squeeze3A_232 : i32 to index
          %get3A_358 = arith.constant 96 : index
          %get3A_359 = tpu.vector_load %arg8[%get3A_357, %get3A_358] {strides = array<i32>} : memref<320x128xf32, #tpu.memory_space<vmem>>, vector<1x16xf32>,
          %get3A_360 = vector.shape_cast %get3A_359 : vector<1x16xf32> to vector<16xf32>
          %add3A_361 = arith.constant 13 : i32
          %add3A_362 = arith.addi %mul3A_102, %add3A_361 : i32
          %get3A_363 = arith.index_cast %add3A_362 : i32 to index
          %get3A_364 = arith.constant 96 : index
          %get3A_365 = tpu.vector_load %arg5[%get3A_363, %get3A_364] {strides = array<i32>} : memref<512x128xf32, #tpu.memory_space<vmem>>, vector<1x16xf32>,
          %get3A_366 = vector.shape_cast %get3A_365 : vector<1x16xf32> to vector<16xf32>
          %add3A_367 = arith.addf %get3A_360, %get3A_366 : vector<16xf32>
          %swap3A_368 = arith.index_cast %squeeze3A_232 : i32 to index
          %swap3A_369 = arith.constant 96 : index
          %swap3A_370 = tpu.vector_load %arg8[%swap3A_368, %swap3A_369] {strides = array<i32>} : memref<320x128xf32, #tpu.memory_space<vmem>>, vector<1x16xf32>,
          %swap3A_371 = vector.shape_cast %swap3A_370 : vector<1x16xf32> to vector<16xf32>
          %swap3A_372 = vector.shape_cast %add3A_367 : vector<16xf32> to vector<1x16xf32>
          tpu.vector_store %arg8[%swap3A_368, %swap3A_369], %swap3A_372 {strides = array<i32>} : memref<320x128xf32, #tpu.memory_space<vmem>>, vector<1x16xf32>,
          %get3A_373 = arith.index_cast %squeeze3A_232 : i32 to index
          %get3A_374 = arith.constant 112 : index
          %get3A_375 = tpu.vector_load %arg8[%get3A_373, %get3A_374] {strides = array<i32>} : memref<320x128xf32, #tpu.memory_space<vmem>>, vector<1x16xf32>,
          %get3A_376 = vector.shape_cast %get3A_375 : vector<1x16xf32> to vector<16xf32>
          %add3A_377 = arith.constant 13 : i32
          %add3A_378 = arith.addi %mul3A_102, %add3A_377 : i32
          %get3A_379 = arith.index_cast %add3A_378 : i32 to index
          %get3A_380 = arith.constant 112 : index
          %get3A_381 = tpu.vector_load %arg5[%get3A_379, %get3A_380] {strides = array<i32>} : memref<512x128xf32, #tpu.memory_space<vmem>>, vector<1x16xf32>,
          %get3A_382 = vector.shape_cast %get3A_381 : vector<1x16xf32> to vector<16xf32>
          %add3A_383 = arith.addf %get3A_376, %get3A_382 : vector<16xf32>
          %swap3A_384 = arith.index_cast %squeeze3A_232 : i32 to index
          %swap3A_385 = arith.constant 112 : index
          %swap3A_386 = tpu.vector_load %arg8[%swap3A_384, %swap3A_385] {strides = array<i32>} : memref<320x128xf32, #tpu.memory_space<vmem>>, vector<1x16xf32>,
          %swap3A_387 = vector.shape_cast %swap3A_386 : vector<1x16xf32> to vector<16xf32>
          %swap3A_388 = vector.shape_cast %add3A_383 : vector<16xf32> to vector<1x16xf32>
          tpu.vector_store %arg8[%swap3A_384, %swap3A_385], %swap3A_388 {strides = array<i32>} : memref<320x128xf32, #tpu.memory_space<vmem>>, vector<1x16xf32>,
        } else {
        }
        %slice3A_241 = vector.extract_strided_slice %sub3A_106 {offsets = [14], sizes = [1], strides = [1]} : vector<16xi32> to vector<1xi32>
        %squeeze3A_242 = vector.extract %slice3A_241[0] : i32 from vector<1xi32>
        %ge3A_243 = arith.constant 0 : i32
        %ge3A_244 = arith.cmpi sge, %squeeze3A_242, %ge3A_243 : i32
        %lt3A_245 = arith.constant 320 : i32
        %lt3A_246 = arith.cmpi slt, %squeeze3A_242, %lt3A_245 : i32
        %and3A_247 = arith.andi %ge3A_244, %lt3A_246 : i1
        %convert_element_type3A_248 = arith.extui %and3A_247 : i1 to i32
        %cond3A_249 = arith.constant 0 : i32
        %cond3A_250 = arith.cmpi ne, %convert_element_type3A_248, %cond3A_249 : i32
        scf.if %cond3A_250 {
          %get3A_262 = arith.index_cast %squeeze3A_242 : i32 to index
          %get3A_263 = arith.constant 0 : index
          %get3A_264 = tpu.vector_load %arg8[%get3A_262, %get3A_263] {strides = array<i32>} : memref<320x128xf32, #tpu.memory_space<vmem>>, vector<1x16xf32>,
          %get3A_265 = vector.shape_cast %get3A_264 : vector<1x16xf32> to vector<16xf32>
          %add3A_266 = arith.constant 14 : i32
          %add3A_267 = arith.addi %mul3A_102, %add3A_266 : i32
          %get3A_268 = arith.index_cast %add3A_267 : i32 to index
          %get3A_269 = arith.constant 0 : index
          %get3A_270 = tpu.vector_load %arg5[%get3A_268, %get3A_269] {strides = array<i32>} : memref<512x128xf32, #tpu.memory_space<vmem>>, vector<1x16xf32>,
          %get3A_271 = vector.shape_cast %get3A_270 : vector<1x16xf32> to vector<16xf32>
          %add3A_272 = arith.addf %get3A_265, %get3A_271 : vector<16xf32>
          %swap3A = arith.index_cast %squeeze3A_242 : i32 to index
          %swap3A_273 = arith.constant 0 : index
          %swap3A_274 = tpu.vector_load %arg8[%swap3A, %swap3A_273] {strides = array<i32>} : memref<320x128xf32, #tpu.memory_space<vmem>>, vector<1x16xf32>,
          %swap3A_275 = vector.shape_cast %swap3A_274 : vector<1x16xf32> to vector<16xf32>
          %swap3A_276 = vector.shape_cast %add3A_272 : vector<16xf32> to vector<1x16xf32>
          tpu.vector_store %arg8[%swap3A, %swap3A_273], %swap3A_276 {strides = array<i32>} : memref<320x128xf32, #tpu.memory_space<vmem>>, vector<1x16xf32>,
          %get3A_277 = arith.index_cast %squeeze3A_242 : i32 to index
          %get3A_278 = arith.constant 16 : index
          %get3A_279 = tpu.vector_load %arg8[%get3A_277, %get3A_278] {strides = array<i32>} : memref<320x128xf32, #tpu.memory_space<vmem>>, vector<1x16xf32>,
          %get3A_280 = vector.shape_cast %get3A_279 : vector<1x16xf32> to vector<16xf32>
          %add3A_281 = arith.constant 14 : i32
          %add3A_282 = arith.addi %mul3A_102, %add3A_281 : i32
          %get3A_283 = arith.index_cast %add3A_282 : i32 to index
          %get3A_284 = arith.constant 16 : index
          %get3A_285 = tpu.vector_load %arg5[%get3A_283, %get3A_284] {strides = array<i32>} : memref<512x128xf32, #tpu.memory_space<vmem>>, vector<1x16xf32>,
          %get3A_286 = vector.shape_cast %get3A_285 : vector<1x16xf32> to vector<16xf32>
          %add3A_287 = arith.addf %get3A_280, %get3A_286 : vector<16xf32>
          %swap3A_288 = arith.index_cast %squeeze3A_242 : i32 to index
          %swap3A_289 = arith.constant 16 : index
          %swap3A_290 = tpu.vector_load %arg8[%swap3A_288, %swap3A_289] {strides = array<i32>} : memref<320x128xf32, #tpu.memory_space<vmem>>, vector<1x16xf32>,
          %swap3A_291 = vector.shape_cast %swap3A_290 : vector<1x16xf32> to vector<16xf32>
          %swap3A_292 = vector.shape_cast %add3A_287 : vector<16xf32> to vector<1x16xf32>
          tpu.vector_store %arg8[%swap3A_288, %swap3A_289], %swap3A_292 {strides = array<i32>} : memref<320x128xf32, #tpu.memory_space<vmem>>, vector<1x16xf32>,
          %get3A_293 = arith.index_cast %squeeze3A_242 : i32 to index
          %get3A_294 = arith.constant 32 : index
          %get3A_295 = tpu.vector_load %arg8[%get3A_293, %get3A_294] {strides = array<i32>} : memref<320x128xf32, #tpu.memory_space<vmem>>, vector<1x16xf32>,
          %get3A_296 = vector.shape_cast %get3A_295 : vector<1x16xf32> to vector<16xf32>
          %add3A_297 = arith.constant 14 : i32
          %add3A_298 = arith.addi %mul3A_102, %add3A_297 : i32
          %get3A_299 = arith.index_cast %add3A_298 : i32 to index
          %get3A_300 = arith.constant 32 : index
          %get3A_301 = tpu.vector_load %arg5[%get3A_299, %get3A_300] {strides = array<i32>} : memref<512x128xf32, #tpu.memory_space<vmem>>, vector<1x16xf32>,
          %get3A_302 = vector.shape_cast %get3A_301 : vector<1x16xf32> to vector<16xf32>
          %add3A_303 = arith.addf %get3A_296, %get3A_302 : vector<16xf32>
          %swap3A_304 = arith.index_cast %squeeze3A_242 : i32 to index
          %swap3A_305 = arith.constant 32 : index
          %swap3A_306 = tpu.vector_load %arg8[%swap3A_304, %swap3A_305] {strides = array<i32>} : memref<320x128xf32, #tpu.memory_space<vmem>>, vector<1x16xf32>,
          %swap3A_307 = vector.shape_cast %swap3A_306 : vector<1x16xf32> to vector<16xf32>
          %swap3A_308 = vector.shape_cast %add3A_303 : vector<16xf32> to vector<1x16xf32>
          tpu.vector_store %arg8[%swap3A_304, %swap3A_305], %swap3A_308 {strides = array<i32>} : memref<320x128xf32, #tpu.memory_space<vmem>>, vector<1x16xf32>,
          %get3A_309 = arith.index_cast %squeeze3A_242 : i32 to index
          %get3A_310 = arith.constant 48 : index
          %get3A_311 = tpu.vector_load %arg8[%get3A_309, %get3A_310] {strides = array<i32>} : memref<320x128xf32, #tpu.memory_space<vmem>>, vector<1x16xf32>,
          %get3A_312 = vector.shape_cast %get3A_311 : vector<1x16xf32> to vector<16xf32>
          %add3A_313 = arith.constant 14 : i32
          %add3A_314 = arith.addi %mul3A_102, %add3A_313 : i32
          %get3A_315 = arith.index_cast %add3A_314 : i32 to index
          %get3A_316 = arith.constant 48 : index
          %get3A_317 = tpu.vector_load %arg5[%get3A_315, %get3A_316] {strides = array<i32>} : memref<512x128xf32, #tpu.memory_space<vmem>>, vector<1x16xf32>,
          %get3A_318 = vector.shape_cast %get3A_317 : vector<1x16xf32> to vector<16xf32>
          %add3A_319 = arith.addf %get3A_312, %get3A_318 : vector<16xf32>
          %swap3A_320 = arith.index_cast %squeeze3A_242 : i32 to index
          %swap3A_321 = arith.constant 48 : index
          %swap3A_322 = tpu.vector_load %arg8[%swap3A_320, %swap3A_321] {strides = array<i32>} : memref<320x128xf32, #tpu.memory_space<vmem>>, vector<1x16xf32>,
          %swap3A_323 = vector.shape_cast %swap3A_322 : vector<1x16xf32> to vector<16xf32>
          %swap3A_324 = vector.shape_cast %add3A_319 : vector<16xf32> to vector<1x16xf32>
          tpu.vector_store %arg8[%swap3A_320, %swap3A_321], %swap3A_324 {strides = array<i32>} : memref<320x128xf32, #tpu.memory_space<vmem>>, vector<1x16xf32>,
          %get3A_325 = arith.index_cast %squeeze3A_242 : i32 to index
          %get3A_326 = arith.constant 64 : index
          %get3A_327 = tpu.vector_load %arg8[%get3A_325, %get3A_326] {strides = array<i32>} : memref<320x128xf32, #tpu.memory_space<vmem>>, vector<1x16xf32>,
          %get3A_328 = vector.shape_cast %get3A_327 : vector<1x16xf32> to vector<16xf32>
          %add3A_329 = arith.constant 14 : i32
          %add3A_330 = arith.addi %mul3A_102, %add3A_329 : i32
          %get3A_331 = arith.index_cast %add3A_330 : i32 to index
          %get3A_332 = arith.constant 64 : index
          %get3A_333 = tpu.vector_load %arg5[%get3A_331, %get3A_332] {strides = array<i32>} : memref<512x128xf32, #tpu.memory_space<vmem>>, vector<1x16xf32>,
          %get3A_334 = vector.shape_cast %get3A_333 : vector<1x16xf32> to vector<16xf32>
          %add3A_335 = arith.addf %get3A_328, %get3A_334 : vector<16xf32>
          %swap3A_336 = arith.index_cast %squeeze3A_242 : i32 to index
          %swap3A_337 = arith.constant 64 : index
          %swap3A_338 = tpu.vector_load %arg8[%swap3A_336, %swap3A_337] {strides = array<i32>} : memref<320x128xf32, #tpu.memory_space<vmem>>, vector<1x16xf32>,
          %swap3A_339 = vector.shape_cast %swap3A_338 : vector<1x16xf32> to vector<16xf32>
          %swap3A_340 = vector.shape_cast %add3A_335 : vector<16xf32> to vector<1x16xf32>
          tpu.vector_store %arg8[%swap3A_336, %swap3A_337], %swap3A_340 {strides = array<i32>} : memref<320x128xf32, #tpu.memory_space<vmem>>, vector<1x16xf32>,
          %get3A_341 = arith.index_cast %squeeze3A_242 : i32 to index
          %get3A_342 = arith.constant 80 : index
          %get3A_343 = tpu.vector_load %arg8[%get3A_341, %get3A_342] {strides = array<i32>} : memref<320x128xf32, #tpu.memory_space<vmem>>, vector<1x16xf32>,
          %get3A_344 = vector.shape_cast %get3A_343 : vector<1x16xf32> to vector<16xf32>
          %add3A_345 = arith.constant 14 : i32
          %add3A_346 = arith.addi %mul3A_102, %add3A_345 : i32
          %get3A_347 = arith.index_cast %add3A_346 : i32 to index
          %get3A_348 = arith.constant 80 : index
          %get3A_349 = tpu.vector_load %arg5[%get3A_347, %get3A_348] {strides = array<i32>} : memref<512x128xf32, #tpu.memory_space<vmem>>, vector<1x16xf32>,
          %get3A_350 = vector.shape_cast %get3A_349 : vector<1x16xf32> to vector<16xf32>
          %add3A_351 = arith.addf %get3A_344, %get3A_350 : vector<16xf32>
          %swap3A_352 = arith.index_cast %squeeze3A_242 : i32 to index
          %swap3A_353 = arith.constant 80 : index
          %swap3A_354 = tpu.vector_load %arg8[%swap3A_352, %swap3A_353] {strides = array<i32>} : memref<320x128xf32, #tpu.memory_space<vmem>>, vector<1x16xf32>,
          %swap3A_355 = vector.shape_cast %swap3A_354 : vector<1x16xf32> to vector<16xf32>
          %swap3A_356 = vector.shape_cast %add3A_351 : vector<16xf32> to vector<1x16xf32>
          tpu.vector_store %arg8[%swap3A_352, %swap3A_353], %swap3A_356 {strides = array<i32>} : memref<320x128xf32, #tpu.memory_space<vmem>>, vector<1x16xf32>,
          %get3A_357 = arith.index_cast %squeeze3A_242 : i32 to index
          %get3A_358 = arith.constant 96 : index
          %get3A_359 = tpu.vector_load %arg8[%get3A_357, %get3A_358] {strides = array<i32>} : memref<320x128xf32, #tpu.memory_space<vmem>>, vector<1x16xf32>,
          %get3A_360 = vector.shape_cast %get3A_359 : vector<1x16xf32> to vector<16xf32>
          %add3A_361 = arith.constant 14 : i32
          %add3A_362 = arith.addi %mul3A_102, %add3A_361 : i32
          %get3A_363 = arith.index_cast %add3A_362 : i32 to index
          %get3A_364 = arith.constant 96 : index
          %get3A_365 = tpu.vector_load %arg5[%get3A_363, %get3A_364] {strides = array<i32>} : memref<512x128xf32, #tpu.memory_space<vmem>>, vector<1x16xf32>,
          %get3A_366 = vector.shape_cast %get3A_365 : vector<1x16xf32> to vector<16xf32>
          %add3A_367 = arith.addf %get3A_360, %get3A_366 : vector<16xf32>
          %swap3A_368 = arith.index_cast %squeeze3A_242 : i32 to index
          %swap3A_369 = arith.constant 96 : index
          %swap3A_370 = tpu.vector_load %arg8[%swap3A_368, %swap3A_369] {strides = array<i32>} : memref<320x128xf32, #tpu.memory_space<vmem>>, vector<1x16xf32>,
          %swap3A_371 = vector.shape_cast %swap3A_370 : vector<1x16xf32> to vector<16xf32>
          %swap3A_372 = vector.shape_cast %add3A_367 : vector<16xf32> to vector<1x16xf32>
          tpu.vector_store %arg8[%swap3A_368, %swap3A_369], %swap3A_372 {strides = array<i32>} : memref<320x128xf32, #tpu.memory_space<vmem>>, vector<1x16xf32>,
          %get3A_373 = arith.index_cast %squeeze3A_242 : i32 to index
          %get3A_374 = arith.constant 112 : index
          %get3A_375 = tpu.vector_load %arg8[%get3A_373, %get3A_374] {strides = array<i32>} : memref<320x128xf32, #tpu.memory_space<vmem>>, vector<1x16xf32>,
          %get3A_376 = vector.shape_cast %get3A_375 : vector<1x16xf32> to vector<16xf32>
          %add3A_377 = arith.constant 14 : i32
          %add3A_378 = arith.addi %mul3A_102, %add3A_377 : i32
          %get3A_379 = arith.index_cast %add3A_378 : i32 to index
          %get3A_380 = arith.constant 112 : index
          %get3A_381 = tpu.vector_load %arg5[%get3A_379, %get3A_380] {strides = array<i32>} : memref<512x128xf32, #tpu.memory_space<vmem>>, vector<1x16xf32>,
          %get3A_382 = vector.shape_cast %get3A_381 : vector<1x16xf32> to vector<16xf32>
          %add3A_383 = arith.addf %get3A_376, %get3A_382 : vector<16xf32>
          %swap3A_384 = arith.index_cast %squeeze3A_242 : i32 to index
          %swap3A_385 = arith.constant 112 : index
          %swap3A_386 = tpu.vector_load %arg8[%swap3A_384, %swap3A_385] {strides = array<i32>} : memref<320x128xf32, #tpu.memory_space<vmem>>, vector<1x16xf32>,
          %swap3A_387 = vector.shape_cast %swap3A_386 : vector<1x16xf32> to vector<16xf32>
          %swap3A_388 = vector.shape_cast %add3A_383 : vector<16xf32> to vector<1x16xf32>
          tpu.vector_store %arg8[%swap3A_384, %swap3A_385], %swap3A_388 {strides = array<i32>} : memref<320x128xf32, #tpu.memory_space<vmem>>, vector<1x16xf32>,
        } else {
        }
        %slice3A_251 = vector.extract_strided_slice %sub3A_106 {offsets = [15], sizes = [1], strides = [1]} : vector<16xi32> to vector<1xi32>
        %squeeze3A_252 = vector.extract %slice3A_251[0] : i32 from vector<1xi32>
        %ge3A_253 = arith.constant 0 : i32
        %ge3A_254 = arith.cmpi sge, %squeeze3A_252, %ge3A_253 : i32
        %lt3A_255 = arith.constant 320 : i32
        %lt3A_256 = arith.cmpi slt, %squeeze3A_252, %lt3A_255 : i32
        %and3A_257 = arith.andi %ge3A_254, %lt3A_256 : i1
        %convert_element_type3A_258 = arith.extui %and3A_257 : i1 to i32
        %cond3A_259 = arith.constant 0 : i32
        %cond3A_260 = arith.cmpi ne, %convert_element_type3A_258, %cond3A_259 : i32
        scf.if %cond3A_260 {
          %get3A_262 = arith.index_cast %squeeze3A_252 : i32 to index
          %get3A_263 = arith.constant 0 : index
          %get3A_264 = tpu.vector_load %arg8[%get3A_262, %get3A_263] {strides = array<i32>} : memref<320x128xf32, #tpu.memory_space<vmem>>, vector<1x16xf32>,
          %get3A_265 = vector.shape_cast %get3A_264 : vector<1x16xf32> to vector<16xf32>
          %add3A_266 = arith.constant 15 : i32
          %add3A_267 = arith.addi %mul3A_102, %add3A_266 : i32
          %get3A_268 = arith.index_cast %add3A_267 : i32 to index
          %get3A_269 = arith.constant 0 : index
          %get3A_270 = tpu.vector_load %arg5[%get3A_268, %get3A_269] {strides = array<i32>} : memref<512x128xf32, #tpu.memory_space<vmem>>, vector<1x16xf32>,
          %get3A_271 = vector.shape_cast %get3A_270 : vector<1x16xf32> to vector<16xf32>
          %add3A_272 = arith.addf %get3A_265, %get3A_271 : vector<16xf32>
          %swap3A = arith.index_cast %squeeze3A_252 : i32 to index
          %swap3A_273 = arith.constant 0 : index
          %swap3A_274 = tpu.vector_load %arg8[%swap3A, %swap3A_273] {strides = array<i32>} : memref<320x128xf32, #tpu.memory_space<vmem>>, vector<1x16xf32>,
          %swap3A_275 = vector.shape_cast %swap3A_274 : vector<1x16xf32> to vector<16xf32>
          %swap3A_276 = vector.shape_cast %add3A_272 : vector<16xf32> to vector<1x16xf32>
          tpu.vector_store %arg8[%swap3A, %swap3A_273], %swap3A_276 {strides = array<i32>} : memref<320x128xf32, #tpu.memory_space<vmem>>, vector<1x16xf32>,
          %get3A_277 = arith.index_cast %squeeze3A_252 : i32 to index
          %get3A_278 = arith.constant 16 : index
          %get3A_279 = tpu.vector_load %arg8[%get3A_277, %get3A_278] {strides = array<i32>} : memref<320x128xf32, #tpu.memory_space<vmem>>, vector<1x16xf32>,
          %get3A_280 = vector.shape_cast %get3A_279 : vector<1x16xf32> to vector<16xf32>
          %add3A_281 = arith.constant 15 : i32
          %add3A_282 = arith.addi %mul3A_102, %add3A_281 : i32
          %get3A_283 = arith.index_cast %add3A_282 : i32 to index
          %get3A_284 = arith.constant 16 : index
          %get3A_285 = tpu.vector_load %arg5[%get3A_283, %get3A_284] {strides = array<i32>} : memref<512x128xf32, #tpu.memory_space<vmem>>, vector<1x16xf32>,
          %get3A_286 = vector.shape_cast %get3A_285 : vector<1x16xf32> to vector<16xf32>
          %add3A_287 = arith.addf %get3A_280, %get3A_286 : vector<16xf32>
          %swap3A_288 = arith.index_cast %squeeze3A_252 : i32 to index
          %swap3A_289 = arith.constant 16 : index
          %swap3A_290 = tpu.vector_load %arg8[%swap3A_288, %swap3A_289] {strides = array<i32>} : memref<320x128xf32, #tpu.memory_space<vmem>>, vector<1x16xf32>,
          %swap3A_291 = vector.shape_cast %swap3A_290 : vector<1x16xf32> to vector<16xf32>
          %swap3A_292 = vector.shape_cast %add3A_287 : vector<16xf32> to vector<1x16xf32>
          tpu.vector_store %arg8[%swap3A_288, %swap3A_289], %swap3A_292 {strides = array<i32>} : memref<320x128xf32, #tpu.memory_space<vmem>>, vector<1x16xf32>,
          %get3A_293 = arith.index_cast %squeeze3A_252 : i32 to index
          %get3A_294 = arith.constant 32 : index
          %get3A_295 = tpu.vector_load %arg8[%get3A_293, %get3A_294] {strides = array<i32>} : memref<320x128xf32, #tpu.memory_space<vmem>>, vector<1x16xf32>,
          %get3A_296 = vector.shape_cast %get3A_295 : vector<1x16xf32> to vector<16xf32>
          %add3A_297 = arith.constant 15 : i32
          %add3A_298 = arith.addi %mul3A_102, %add3A_297 : i32
          %get3A_299 = arith.index_cast %add3A_298 : i32 to index
          %get3A_300 = arith.constant 32 : index
          %get3A_301 = tpu.vector_load %arg5[%get3A_299, %get3A_300] {strides = array<i32>} : memref<512x128xf32, #tpu.memory_space<vmem>>, vector<1x16xf32>,
          %get3A_302 = vector.shape_cast %get3A_301 : vector<1x16xf32> to vector<16xf32>
          %add3A_303 = arith.addf %get3A_296, %get3A_302 : vector<16xf32>
          %swap3A_304 = arith.index_cast %squeeze3A_252 : i32 to index
          %swap3A_305 = arith.constant 32 : index
          %swap3A_306 = tpu.vector_load %arg8[%swap3A_304, %swap3A_305] {strides = array<i32>} : memref<320x128xf32, #tpu.memory_space<vmem>>, vector<1x16xf32>,
          %swap3A_307 = vector.shape_cast %swap3A_306 : vector<1x16xf32> to vector<16xf32>
          %swap3A_308 = vector.shape_cast %add3A_303 : vector<16xf32> to vector<1x16xf32>
          tpu.vector_store %arg8[%swap3A_304, %swap3A_305], %swap3A_308 {strides = array<i32>} : memref<320x128xf32, #tpu.memory_space<vmem>>, vector<1x16xf32>,
          %get3A_309 = arith.index_cast %squeeze3A_252 : i32 to index
          %get3A_310 = arith.constant 48 : index
          %get3A_311 = tpu.vector_load %arg8[%get3A_309, %get3A_310] {strides = array<i32>} : memref<320x128xf32, #tpu.memory_space<vmem>>, vector<1x16xf32>,
          %get3A_312 = vector.shape_cast %get3A_311 : vector<1x16xf32> to vector<16xf32>
          %add3A_313 = arith.constant 15 : i32
          %add3A_314 = arith.addi %mul3A_102, %add3A_313 : i32
          %get3A_315 = arith.index_cast %add3A_314 : i32 to index
          %get3A_316 = arith.constant 48 : index
          %get3A_317 = tpu.vector_load %arg5[%get3A_315, %get3A_316] {strides = array<i32>} : memref<512x128xf32, #tpu.memory_space<vmem>>, vector<1x16xf32>,
          %get3A_318 = vector.shape_cast %get3A_317 : vector<1x16xf32> to vector<16xf32>
          %add3A_319 = arith.addf %get3A_312, %get3A_318 : vector<16xf32>
          %swap3A_320 = arith.index_cast %squeeze3A_252 : i32 to index
          %swap3A_321 = arith.constant 48 : index
          %swap3A_322 = tpu.vector_load %arg8[%swap3A_320, %swap3A_321] {strides = array<i32>} : memref<320x128xf32, #tpu.memory_space<vmem>>, vector<1x16xf32>,
          %swap3A_323 = vector.shape_cast %swap3A_322 : vector<1x16xf32> to vector<16xf32>
          %swap3A_324 = vector.shape_cast %add3A_319 : vector<16xf32> to vector<1x16xf32>
          tpu.vector_store %arg8[%swap3A_320, %swap3A_321], %swap3A_324 {strides = array<i32>} : memref<320x128xf32, #tpu.memory_space<vmem>>, vector<1x16xf32>,
          %get3A_325 = arith.index_cast %squeeze3A_252 : i32 to index
          %get3A_326 = arith.constant 64 : index
          %get3A_327 = tpu.vector_load %arg8[%get3A_325, %get3A_326] {strides = array<i32>} : memref<320x128xf32, #tpu.memory_space<vmem>>, vector<1x16xf32>,
          %get3A_328 = vector.shape_cast %get3A_327 : vector<1x16xf32> to vector<16xf32>
          %add3A_329 = arith.constant 15 : i32
          %add3A_330 = arith.addi %mul3A_102, %add3A_329 : i32
          %get3A_331 = arith.index_cast %add3A_330 : i32 to index
          %get3A_332 = arith.constant 64 : index
          %get3A_333 = tpu.vector_load %arg5[%get3A_331, %get3A_332] {strides = array<i32>} : memref<512x128xf32, #tpu.memory_space<vmem>>, vector<1x16xf32>,
          %get3A_334 = vector.shape_cast %get3A_333 : vector<1x16xf32> to vector<16xf32>
          %add3A_335 = arith.addf %get3A_328, %get3A_334 : vector<16xf32>
          %swap3A_336 = arith.index_cast %squeeze3A_252 : i32 to index
          %swap3A_337 = arith.constant 64 : index
          %swap3A_338 = tpu.vector_load %arg8[%swap3A_336, %swap3A_337] {strides = array<i32>} : memref<320x128xf32, #tpu.memory_space<vmem>>, vector<1x16xf32>,
          %swap3A_339 = vector.shape_cast %swap3A_338 : vector<1x16xf32> to vector<16xf32>
          %swap3A_340 = vector.shape_cast %add3A_335 : vector<16xf32> to vector<1x16xf32>
          tpu.vector_store %arg8[%swap3A_336, %swap3A_337], %swap3A_340 {strides = array<i32>} : memref<320x128xf32, #tpu.memory_space<vmem>>, vector<1x16xf32>,
          %get3A_341 = arith.index_cast %squeeze3A_252 : i32 to index
          %get3A_342 = arith.constant 80 : index
          %get3A_343 = tpu.vector_load %arg8[%get3A_341, %get3A_342] {strides = array<i32>} : memref<320x128xf32, #tpu.memory_space<vmem>>, vector<1x16xf32>,
          %get3A_344 = vector.shape_cast %get3A_343 : vector<1x16xf32> to vector<16xf32>
          %add3A_345 = arith.constant 15 : i32
          %add3A_346 = arith.addi %mul3A_102, %add3A_345 : i32
          %get3A_347 = arith.index_cast %add3A_346 : i32 to index
          %get3A_348 = arith.constant 80 : index
          %get3A_349 = tpu.vector_load %arg5[%get3A_347, %get3A_348] {strides = array<i32>} : memref<512x128xf32, #tpu.memory_space<vmem>>, vector<1x16xf32>,
          %get3A_350 = vector.shape_cast %get3A_349 : vector<1x16xf32> to vector<16xf32>
          %add3A_351 = arith.addf %get3A_344, %get3A_350 : vector<16xf32>
          %swap3A_352 = arith.index_cast %squeeze3A_252 : i32 to index
          %swap3A_353 = arith.constant 80 : index
          %swap3A_354 = tpu.vector_load %arg8[%swap3A_352, %swap3A_353] {strides = array<i32>} : memref<320x128xf32, #tpu.memory_space<vmem>>, vector<1x16xf32>,
          %swap3A_355 = vector.shape_cast %swap3A_354 : vector<1x16xf32> to vector<16xf32>
          %swap3A_356 = vector.shape_cast %add3A_351 : vector<16xf32> to vector<1x16xf32>
          tpu.vector_store %arg8[%swap3A_352, %swap3A_353], %swap3A_356 {strides = array<i32>} : memref<320x128xf32, #tpu.memory_space<vmem>>, vector<1x16xf32>,
          %get3A_357 = arith.index_cast %squeeze3A_252 : i32 to index
          %get3A_358 = arith.constant 96 : index
          %get3A_359 = tpu.vector_load %arg8[%get3A_357, %get3A_358] {strides = array<i32>} : memref<320x128xf32, #tpu.memory_space<vmem>>, vector<1x16xf32>,
          %get3A_360 = vector.shape_cast %get3A_359 : vector<1x16xf32> to vector<16xf32>
          %add3A_361 = arith.constant 15 : i32
          %add3A_362 = arith.addi %mul3A_102, %add3A_361 : i32
          %get3A_363 = arith.index_cast %add3A_362 : i32 to index
          %get3A_364 = arith.constant 96 : index
          %get3A_365 = tpu.vector_load %arg5[%get3A_363, %get3A_364] {strides = array<i32>} : memref<512x128xf32, #tpu.memory_space<vmem>>, vector<1x16xf32>,
          %get3A_366 = vector.shape_cast %get3A_365 : vector<1x16xf32> to vector<16xf32>
          %add3A_367 = arith.addf %get3A_360, %get3A_366 : vector<16xf32>
          %swap3A_368 = arith.index_cast %squeeze3A_252 : i32 to index
          %swap3A_369 = arith.constant 96 : index
          %swap3A_370 = tpu.vector_load %arg8[%swap3A_368, %swap3A_369] {strides = array<i32>} : memref<320x128xf32, #tpu.memory_space<vmem>>, vector<1x16xf32>,
          %swap3A_371 = vector.shape_cast %swap3A_370 : vector<1x16xf32> to vector<16xf32>
          %swap3A_372 = vector.shape_cast %add3A_367 : vector<16xf32> to vector<1x16xf32>
          tpu.vector_store %arg8[%swap3A_368, %swap3A_369], %swap3A_372 {strides = array<i32>} : memref<320x128xf32, #tpu.memory_space<vmem>>, vector<1x16xf32>,
          %get3A_373 = arith.index_cast %squeeze3A_252 : i32 to index
          %get3A_374 = arith.constant 112 : index
          %get3A_375 = tpu.vector_load %arg8[%get3A_373, %get3A_374] {strides = array<i32>} : memref<320x128xf32, #tpu.memory_space<vmem>>, vector<1x16xf32>,
          %get3A_376 = vector.shape_cast %get3A_375 : vector<1x16xf32> to vector<16xf32>
          %add3A_377 = arith.constant 15 : i32
          %add3A_378 = arith.addi %mul3A_102, %add3A_377 : i32
          %get3A_379 = arith.index_cast %add3A_378 : i32 to index
          %get3A_380 = arith.constant 112 : index
          %get3A_381 = tpu.vector_load %arg5[%get3A_379, %get3A_380] {strides = array<i32>} : memref<512x128xf32, #tpu.memory_space<vmem>>, vector<1x16xf32>,
          %get3A_382 = vector.shape_cast %get3A_381 : vector<1x16xf32> to vector<16xf32>
          %add3A_383 = arith.addf %get3A_376, %get3A_382 : vector<16xf32>
          %swap3A_384 = arith.index_cast %squeeze3A_252 : i32 to index
          %swap3A_385 = arith.constant 112 : index
          %swap3A_386 = tpu.vector_load %arg8[%swap3A_384, %swap3A_385] {strides = array<i32>} : memref<320x128xf32, #tpu.memory_space<vmem>>, vector<1x16xf32>,
          %swap3A_387 = vector.shape_cast %swap3A_386 : vector<1x16xf32> to vector<16xf32>
          %swap3A_388 = vector.shape_cast %add3A_383 : vector<16xf32> to vector<1x16xf32>
          tpu.vector_store %arg8[%swap3A_384, %swap3A_385], %swap3A_388 {strides = array<i32>} : memref<320x128xf32, #tpu.memory_space<vmem>>, vector<1x16xf32>,
        } else {
        }
        %scan3A_261 = arith.constant 0 : i32
        scf.yield %scan3A_261 : i32
      }
      %scan3A_97 = arith.constant 32 : i32
      %while3A_98 = arith.constant 0 : i32
      scf.yield %while3A_98 : i32
    }
    "tpu.region"() ({
      %run_scoped3A = tpu.sem_alloc : memref<!tpu.dma_semaphore, #tpu.memory_space<semaphore_mem>>
      %dma_start3A = arith.constant 0 : i32
      %dma_start3A_86 = tpu.memref_slice %arg4[%mul3A_2, %dma_start3A] : memref<10240x128xf32, #tpu.memory_space<hbm>> -> memref<320x128xf32, #tpu.memory_space<hbm>>
      %dma_start3A_87 = arith.constant 0 : i32
      %dma_start3A_88 = tpu.memref_slice %arg4[%mul3A_2, %dma_start3A_87] : memref<10240x128xf32, #tpu.memory_space<hbm>> -> memref<320x128xf32, #tpu.memory_space<hbm>>
      tpu.enqueue_dma source(%arg8 : memref<320x128xf32, #tpu.memory_space<vmem>>) target(%dma_start3A_88 : memref<320x128xf32, #tpu.memory_space<hbm>>) target_semaphore(%run_scoped3A : memref<!tpu.dma_semaphore, #tpu.memory_space<semaphore_mem>>)
      %dma_wait3A = arith.constant 0 : i32
      %dma_wait3A_89 = tpu.memref_slice %arg4[%mul3A_2, %dma_wait3A] : memref<10240x128xf32, #tpu.memory_space<hbm>> -> memref<320x128xf32, #tpu.memory_space<hbm>>
      %dma_wait3A_90 = arith.constant 0 : i32
      %dma_wait3A_91 = tpu.memref_slice %arg4[%mul3A_2, %dma_wait3A_90] : memref<10240x128xf32, #tpu.memory_space<hbm>> -> memref<320x128xf32, #tpu.memory_space<hbm>>
      tpu.wait_dma2 semaphore(%run_scoped3A : memref<!tpu.dma_semaphore, #tpu.memory_space<semaphore_mem>>) src(%arg8 : memref<320x128xf32, #tpu.memory_space<vmem>>) dst(%dma_wait3A_91 : memref<320x128xf32, #tpu.memory_space<hbm>>)
      tpu.yield
    }) : () -> ()
    return
  }
}

module attributes {stable_mosaic.version = 14 : i64} {
  func.func @_counts_body(%arg0: i32, %arg1: memref<1x5x512xi32, #tpu.memory_space<vmem>>, %arg2: memref<80x128xf32, #tpu.memory_space<vmem>>) attributes {dimension_semantics = [#tpu.dimension_semantics<arbitrary>], iteration_bounds = array<i64: 125>, scalar_prefetch = 0 : i64, scratch_operands = 0 : i64, tpu.core_type = #tpu.core_type<tc>, window_params = [{transform_indices = @transform_0, window_bounds = array<i64: 1, 5, 512>}, {pipeline_mode = #tpu.pipeline_mode<synchronous>, transform_indices = @transform_1, window_bounds = array<i64: 80, 128>}]} {
    %eq3A = arith.constant 0 : i32
    %eq3A_0 = arith.cmpi eq, %arg0, %eq3A : i32
    %convert_element_type3A = arith.extui %eq3A_0 : i1 to i32
    %cond3A = arith.constant 0 : i32
    %cond3A_1 = arith.cmpi ne, %convert_element_type3A, %cond3A : i32
    scf.if %cond3A_1 {
      %broadcast_in_dim3A = arith.constant 0.000000e+00 : f32
      %broadcast_in_dim3A_62 = vector.broadcast %broadcast_in_dim3A : f32 to vector<80x128xf32>
      %swap3A = arith.constant 0 : index
      %swap3A_63 = arith.constant 0 : index
      %swap3A_64 = vector.load %arg2[%swap3A, %swap3A_63] : memref<80x128xf32, #tpu.memory_space<vmem>>, vector<80x128xf32>
      tpu.vector_store %arg2[%swap3A, %swap3A_63], %broadcast_in_dim3A_62 {strides = array<i32>} : memref<80x128xf32, #tpu.memory_space<vmem>>, vector<80x128xf32>,
    } else {
    }
    %get3A = arith.constant 0 : index
    %get3A_2 = arith.constant 0 : index
    %get3A_3 = arith.constant 0 : index
    %get3A_4 = vector.load %arg1[%get3A, %get3A_2, %get3A_3] : memref<1x5x512xi32, #tpu.memory_space<vmem>>, vector<1x5x512xi32>
    %get3A_5 = vector.shape_cast %get3A_4 : vector<1x5x512xi32> to vector<5x512xi32>
    %slice3A = vector.extract_strided_slice %get3A_5 {offsets = [0, 0], sizes = [1, 1], strides = [1, 1]} : vector<5x512xi32> to vector<1x1xi32>
    %squeeze3A = vector.extract %slice3A[0, 0] : i32 from vector<1x1xi32>
    %slice3A_6 = vector.extract_strided_slice %get3A_5 {offsets = [4, 511], sizes = [1, 1], strides = [1, 1]} : vector<5x512xi32> to vector<1x1xi32>
    %squeeze3A_7 = vector.extract %slice3A_6[0, 0] : i32 from vector<1x1xi32>
    %jit3A = arith.constant 128 : i32
    %div3A = arith.divsi %squeeze3A, %jit3A : i32
    %sign3A = arith.constant 0 : i32
    %sign3A_8 = arith.cmpi sgt, %squeeze3A, %sign3A : i32
    %sign3A_9 = arith.extui %sign3A_8 : i1 to i32
    %sign3A_10 = arith.constant 0 : i32
    %sign3A_11 = arith.cmpi slt, %squeeze3A, %sign3A_10 : i32
    %sign3A_12 = arith.extui %sign3A_11 : i1 to i32
    %sign3A_13 = arith.subi %sign3A_9, %sign3A_12 : i32
    %sign3A_14 = arith.constant 0 : i32
    %sign3A_15 = arith.cmpi sgt, %jit3A, %sign3A_14 : i32
    %sign3A_16 = arith.extui %sign3A_15 : i1 to i32
    %sign3A_17 = arith.constant 0 : i32
    %sign3A_18 = arith.cmpi slt, %jit3A, %sign3A_17 : i32
    %sign3A_19 = arith.extui %sign3A_18 : i1 to i32
    %sign3A_20 = arith.subi %sign3A_16, %sign3A_19 : i32
    %ne3A = arith.cmpi ne, %sign3A_13, %sign3A_20 : i32
    %rem3A = arith.remsi %squeeze3A, %jit3A : i32
    %ne3A_21 = arith.constant 0 : i32
    %ne3A_22 = arith.cmpi ne, %rem3A, %ne3A_21 : i32
    %and3A = arith.andi %ne3A, %ne3A_22 : i1
    %sub3A = arith.constant 1 : i32
    %sub3A_23 = arith.subi %div3A, %sub3A : i32
    %select_n3A = arith.select %and3A, %sub3A_23, %div3A : i32
    %mul3A = arith.constant 128 : i32
    %mul3A_24 = arith.muli %select_n3A, %mul3A : i32
    %sub3A_25 = arith.subi %squeeze3A_7, %mul3A_24 : i32
    %jit3A_26 = arith.constant 128 : i32
    %div3A_27 = arith.divsi %sub3A_25, %jit3A_26 : i32
    %sign3A_28 = arith.constant 0 : i32
    %sign3A_29 = arith.cmpi sgt, %sub3A_25, %sign3A_28 : i32
    %sign3A_30 = arith.extui %sign3A_29 : i1 to i32
    %sign3A_31 = arith.constant 0 : i32
    %sign3A_32 = arith.cmpi slt, %sub3A_25, %sign3A_31 : i32
    %sign3A_33 = arith.extui %sign3A_32 : i1 to i32
    %sign3A_34 = arith.subi %sign3A_30, %sign3A_33 : i32
    %sign3A_35 = arith.constant 0 : i32
    %sign3A_36 = arith.cmpi sgt, %jit3A_26, %sign3A_35 : i32
    %sign3A_37 = arith.extui %sign3A_36 : i1 to i32
    %sign3A_38 = arith.constant 0 : i32
    %sign3A_39 = arith.cmpi slt, %jit3A_26, %sign3A_38 : i32
    %sign3A_40 = arith.extui %sign3A_39 : i1 to i32
    %sign3A_41 = arith.subi %sign3A_37, %sign3A_40 : i32
    %ne3A_42 = arith.cmpi ne, %sign3A_34, %sign3A_41 : i32
    %rem3A_43 = arith.remsi %sub3A_25, %jit3A_26 : i32
    %ne3A_44 = arith.constant 0 : i32
    %ne3A_45 = arith.cmpi ne, %rem3A_43, %ne3A_44 : i32
    %and3A_46 = arith.andi %ne3A_42, %ne3A_45 : i1
    %sub3A_47 = arith.constant 1 : i32
    %sub3A_48 = arith.subi %div3A_27, %sub3A_47 : i32
    %select_n3A_49 = arith.select %and3A_46, %sub3A_48, %div3A_27 : i32
    %add3A = arith.constant 1 : i32
    %add3A_50 = arith.addi %select_n3A_49, %add3A : i32
    %while3A = arith.constant 0 : i32
    %while3A_51 = arith.constant 0 : i32
    %while3A_52 = arith.subi %add3A_50, %while3A : i32
    %while3A_53 = arith.addi %while3A, %while3A_52 : i32
    %while3A_54 = arith.constant 1 : i32
    %while3A_55 = arith.divsi %while3A_52, %while3A_54 : i32
    %while3A_56 = arith.muli %while3A_55, %while3A_54 : i32
    %while3A_57 = arith.addi %while3A, %while3A_56 : i32
    %while3A_58 = arith.constant 1 : i32
    %while3A_59 = scf.for %while3A_62 = %while3A to %while3A_57 step %while3A_58 iter_args(%while3A_63 = %while3A_51) -> (i32)  : i32 {
      %mul3A_64 = arith.constant 128 : i32
      %mul3A_65 = arith.muli %while3A_62, %mul3A_64 : i32
      %add3A_66 = arith.addi %mul3A_24, %mul3A_65 : i32
      %iota3A = tpu.iota {dimensions = array<i32: 2>} : vector<1x1x128xi32>
      %add3A_67 = vector.broadcast %add3A_66 : i32 to vector<1x1x128xi32>
      %add3A_68 = arith.addi %add3A_67, %iota3A : vector<1x1x128xi32>
      %broadcast_in_dim3A = vector.shape_cast %get3A_5 : vector<5x512xi32> to vector<5x512x1xi32>
      %eq3A_69 = vector.broadcast %broadcast_in_dim3A : vector<5x512x1xi32> to vector<5x512x128xi32>
      %eq3A_70 = vector.broadcast %add3A_68 : vector<1x1x128xi32> to vector<5x512x128xi32>
      %eq3A_71 = arith.cmpi eq, %eq3A_69, %eq3A_70 : vector<5x512x128xi32>
      %convert_element_type3A_72 = arith.extui %eq3A_71 : vector<5x512x128xi1> to vector<5x512x128xi32>
      %convert_element_type3A_73 = arith.sitofp %convert_element_type3A_72 : vector<5x512x128xi32> to vector<5x512x128xf32>
      %reduce_sum3A = arith.constant dense<0.000000e+00> : vector<128xf32>
      %reduce_sum3A_74 = vector.multi_reduction <add>, %convert_element_type3A_73, %reduce_sum3A [0, 1] : vector<5x512x128xf32> to vector<128xf32>
      %reshape3A = vector.shape_cast %reduce_sum3A_74 : vector<128xf32> to vector<1x128xf32>
      %jit3A_75 = arith.constant 128 : i32
      %div3A_76 = arith.divsi %add3A_66, %jit3A_75 : i32
      %sign3A_77 = arith.constant 0 : i32
      %sign3A_78 = arith.cmpi sgt, %add3A_66, %sign3A_77 : i32
      %sign3A_79 = arith.extui %sign3A_78 : i1 to i32
      %sign3A_80 = arith.constant 0 : i32
      %sign3A_81 = arith.cmpi slt, %add3A_66, %sign3A_80 : i32
      %sign3A_82 = arith.extui %sign3A_81 : i1 to i32
      %sign3A_83 = arith.subi %sign3A_79, %sign3A_82 : i32
      %sign3A_84 = arith.constant 0 : i32
      %sign3A_85 = arith.cmpi sgt, %jit3A_75, %sign3A_84 : i32
      %sign3A_86 = arith.extui %sign3A_85 : i1 to i32
      %sign3A_87 = arith.constant 0 : i32
      %sign3A_88 = arith.cmpi slt, %jit3A_75, %sign3A_87 : i32
      %sign3A_89 = arith.extui %sign3A_88 : i1 to i32
      %sign3A_90 = arith.subi %sign3A_86, %sign3A_89 : i32
      %ne3A_91 = arith.cmpi ne, %sign3A_83, %sign3A_90 : i32
      %rem3A_92 = arith.remsi %add3A_66, %jit3A_75 : i32
      %ne3A_93 = arith.constant 0 : i32
      %ne3A_94 = arith.cmpi ne, %rem3A_92, %ne3A_93 : i32
      %and3A_95 = arith.andi %ne3A_91, %ne3A_94 : i1
      %sub3A_96 = arith.constant 1 : i32
      %sub3A_97 = arith.subi %div3A_76, %sub3A_96 : i32
      %select_n3A_98 = arith.select %and3A_95, %sub3A_97, %div3A_76 : i32
      %get3A_99 = arith.index_cast %select_n3A_98 : i32 to index
      %get3A_100 = arith.constant 0 : index
      %get3A_101 = vector.load %arg2[%get3A_99, %get3A_100] : memref<80x128xf32, #tpu.memory_space<vmem>>, vector<1x128xf32>
      %add3A_102 = arith.addf %get3A_101, %reshape3A : vector<1x128xf32>
      %swap3A = arith.index_cast %select_n3A_98 : i32 to index
      %swap3A_103 = arith.constant 0 : index
      %swap3A_104 = vector.load %arg2[%swap3A, %swap3A_103] : memref<80x128xf32, #tpu.memory_space<vmem>>, vector<1x128xf32>
      tpu.vector_store %arg2[%swap3A, %swap3A_103], %add3A_102 {strides = array<i32>} : memref<80x128xf32, #tpu.memory_space<vmem>>, vector<1x128xf32>,
      %while3A_105 = arith.constant 0 : i32
      scf.yield %while3A_105 : i32
    }
    %while3A_60 = arith.constant 1 : i32
    %while3A_61 = scf.for %while3A_62 = %while3A_57 to %while3A_53 step %while3A_60 iter_args(%while3A_63 = %while3A_59) -> (i32)  : i32 {
      %mul3A_64 = arith.constant 128 : i32
      %mul3A_65 = arith.muli %while3A_62, %mul3A_64 : i32
      %add3A_66 = arith.addi %mul3A_24, %mul3A_65 : i32
      %iota3A = tpu.iota {dimensions = array<i32: 2>} : vector<1x1x128xi32>
      %add3A_67 = vector.broadcast %add3A_66 : i32 to vector<1x1x128xi32>
      %add3A_68 = arith.addi %add3A_67, %iota3A : vector<1x1x128xi32>
      %broadcast_in_dim3A = vector.shape_cast %get3A_5 : vector<5x512xi32> to vector<5x512x1xi32>
      %eq3A_69 = vector.broadcast %broadcast_in_dim3A : vector<5x512x1xi32> to vector<5x512x128xi32>
      %eq3A_70 = vector.broadcast %add3A_68 : vector<1x1x128xi32> to vector<5x512x128xi32>
      %eq3A_71 = arith.cmpi eq, %eq3A_69, %eq3A_70 : vector<5x512x128xi32>
      %convert_element_type3A_72 = arith.extui %eq3A_71 : vector<5x512x128xi1> to vector<5x512x128xi32>
      %convert_element_type3A_73 = arith.sitofp %convert_element_type3A_72 : vector<5x512x128xi32> to vector<5x512x128xf32>
      %reduce_sum3A = arith.constant dense<0.000000e+00> : vector<128xf32>
      %reduce_sum3A_74 = vector.multi_reduction <add>, %convert_element_type3A_73, %reduce_sum3A [0, 1] : vector<5x512x128xf32> to vector<128xf32>
      %reshape3A = vector.shape_cast %reduce_sum3A_74 : vector<128xf32> to vector<1x128xf32>
      %jit3A_75 = arith.constant 128 : i32
      %div3A_76 = arith.divsi %add3A_66, %jit3A_75 : i32
      %sign3A_77 = arith.constant 0 : i32
      %sign3A_78 = arith.cmpi sgt, %add3A_66, %sign3A_77 : i32
      %sign3A_79 = arith.extui %sign3A_78 : i1 to i32
      %sign3A_80 = arith.constant 0 : i32
      %sign3A_81 = arith.cmpi slt, %add3A_66, %sign3A_80 : i32
      %sign3A_82 = arith.extui %sign3A_81 : i1 to i32
      %sign3A_83 = arith.subi %sign3A_79, %sign3A_82 : i32
      %sign3A_84 = arith.constant 0 : i32
      %sign3A_85 = arith.cmpi sgt, %jit3A_75, %sign3A_84 : i32
      %sign3A_86 = arith.extui %sign3A_85 : i1 to i32
      %sign3A_87 = arith.constant 0 : i32
      %sign3A_88 = arith.cmpi slt, %jit3A_75, %sign3A_87 : i32
      %sign3A_89 = arith.extui %sign3A_88 : i1 to i32
      %sign3A_90 = arith.subi %sign3A_86, %sign3A_89 : i32
      %ne3A_91 = arith.cmpi ne, %sign3A_83, %sign3A_90 : i32
      %rem3A_92 = arith.remsi %add3A_66, %jit3A_75 : i32
      %ne3A_93 = arith.constant 0 : i32
      %ne3A_94 = arith.cmpi ne, %rem3A_92, %ne3A_93 : i32
      %and3A_95 = arith.andi %ne3A_91, %ne3A_94 : i1
      %sub3A_96 = arith.constant 1 : i32
      %sub3A_97 = arith.subi %div3A_76, %sub3A_96 : i32
      %select_n3A_98 = arith.select %and3A_95, %sub3A_97, %div3A_76 : i32
      %get3A_99 = arith.index_cast %select_n3A_98 : i32 to index
      %get3A_100 = arith.constant 0 : index
      %get3A_101 = vector.load %arg2[%get3A_99, %get3A_100] : memref<80x128xf32, #tpu.memory_space<vmem>>, vector<1x128xf32>
      %add3A_102 = arith.addf %get3A_101, %reshape3A : vector<1x128xf32>
      %swap3A = arith.index_cast %select_n3A_98 : i32 to index
      %swap3A_103 = arith.constant 0 : index
      %swap3A_104 = vector.load %arg2[%swap3A, %swap3A_103] : memref<80x128xf32, #tpu.memory_space<vmem>>, vector<1x128xf32>
      tpu.vector_store %arg2[%swap3A, %swap3A_103], %add3A_102 {strides = array<i32>} : memref<80x128xf32, #tpu.memory_space<vmem>>, vector<1x128xf32>,
      %while3A_105 = arith.constant 0 : i32
      scf.yield %while3A_105 : i32
    }
    return
  }
  func.func @transform_0(%arg0: i32) -> (i32, i32, i32) {
    %c0_i32 = arith.constant 0 : i32
    %c0_i32_0 = arith.constant 0 : i32
    %c0_i32_1 = arith.constant 0 : i32
    return %arg0, %c0_i32, %c0_i32_0 : i32, i32, i32
  }
  func.func @transform_1(%arg0: i32) -> (i32, i32) {
    %c0_i32 = arith.constant 0 : i32
    %c0_i32_0 = arith.constant 0 : i32
    %c0_i32_1 = arith.constant 0 : i32
    return %c0_i32, %c0_i32_0 : i32, i32
  }
}

module attributes {stable_mosaic.version = 14 : i64} {
  func.func @_mlp_body(%arg0: i32, %arg1: memref<2048x128xf32, #tpu.memory_space<vmem>>, %arg2: memref<2048x1xf32, #tpu.memory_space<vmem>>, %arg3: memref<128x128xf32, #tpu.memory_space<vmem>>, %arg4: memref<1x128xf32, #tpu.memory_space<vmem>>, %arg5: memref<128x256xf32, #tpu.memory_space<vmem>>, %arg6: memref<1x256xf32, #tpu.memory_space<vmem>>, %arg7: memref<256x128xf32, #tpu.memory_space<vmem>>, %arg8: memref<1x128xf32, #tpu.memory_space<vmem>>, %arg9: memref<2048x128xf32, #tpu.memory_space<vmem>>) attributes {dimension_semantics = [#tpu.dimension_semantics<arbitrary>], iteration_bounds = array<i64: 5>, scalar_prefetch = 0 : i64, scratch_operands = 0 : i64, tpu.core_type = #tpu.core_type<tc>, window_params = [{transform_indices = @transform_0, window_bounds = array<i64: 2048, 128>}, {transform_indices = @transform_1, window_bounds = array<i64: 2048, 1>}, {pipeline_mode = #tpu.pipeline_mode<synchronous>, transform_indices = @transform_2, window_bounds = array<i64: 128, 128>}, {pipeline_mode = #tpu.pipeline_mode<synchronous>, transform_indices = @transform_3, window_bounds = array<i64: 1, 128>}, {pipeline_mode = #tpu.pipeline_mode<synchronous>, transform_indices = @transform_4, window_bounds = array<i64: 128, 256>}, {pipeline_mode = #tpu.pipeline_mode<synchronous>, transform_indices = @transform_5, window_bounds = array<i64: 1, 256>}, {pipeline_mode = #tpu.pipeline_mode<synchronous>, transform_indices = @transform_6, window_bounds = array<i64: 256, 128>}, {pipeline_mode = #tpu.pipeline_mode<synchronous>, transform_indices = @transform_7, window_bounds = array<i64: 1, 128>}, {transform_indices = @transform_8, window_bounds = array<i64: 2048, 128>}]} {
    %get3A = arith.constant 0 : index
    %get3A_0 = arith.constant 0 : index
    %get3A_1 = vector.load %arg1[%get3A, %get3A_0] : memref<2048x128xf32, #tpu.memory_space<vmem>>, vector<2048x128xf32>
    %get3A_2 = arith.constant 0 : index
    %get3A_3 = arith.constant 0 : index
    %get3A_4 = vector.load %arg2[%get3A_2, %get3A_3] : memref<2048x1xf32, #tpu.memory_space<vmem>>, vector<2048x1xf32>
    %get3A_5 = arith.constant 0 : index
    %get3A_6 = arith.constant 0 : index
    %get3A_7 = vector.load %arg3[%get3A_5, %get3A_6] : memref<128x128xf32, #tpu.memory_space<vmem>>, vector<128x128xf32>
    %dot_general3A = arith.constant dense<0.000000e+00> : vector<2048x128xf32>
    %dot_general3A_8 = tpu.matmul %get3A_1, %get3A_7, %dot_general3A {dimension_numbers = #tpu.dot_dimension_numbers<[1], [0], [0], [1], [0, 0, 1, 1], [], []>, transpose_lhs_hint = false} : vector<2048x128xf32>, vector<128x128xf32>, vector<2048x128xf32> -> vector<2048x128xf32>
    %get3A_9 = arith.constant 0 : index
    %get3A_10 = arith.constant 0 : index
    %get3A_11 = vector.load %arg4[%get3A_9, %get3A_10] : memref<1x128xf32, #tpu.memory_space<vmem>>, vector<1x128xf32>
    %mul3A = vector.broadcast %get3A_4 : vector<2048x1xf32> to vector<2048x128xf32>
    %mul3A_12 = vector.broadcast %get3A_11 : vector<1x128xf32> to vector<2048x128xf32>
    %mul3A_13 = arith.mulf %mul3A, %mul3A_12 : vector<2048x128xf32>
    %add3A = arith.addf %dot_general3A_8, %mul3A_13 : vector<2048x128xf32>
    %get3A_14 = arith.constant 0 : index
    %get3A_15 = arith.constant 0 : index
    %get3A_16 = vector.load %arg5[%get3A_14, %get3A_15] : memref<128x256xf32, #tpu.memory_space<vmem>>, vector<128x256xf32>
    %dot_general3A_17 = arith.constant dense<0.000000e+00> : vector<2048x256xf32>
    %dot_general3A_18 = tpu.matmul %add3A, %get3A_16, %dot_general3A_17 {dimension_numbers = #tpu.dot_dimension_numbers<[1], [0], [0], [1], [0, 0, 1, 1], [], []>, transpose_lhs_hint = false} : vector<2048x128xf32>, vector<128x256xf32>, vector<2048x256xf32> -> vector<2048x256xf32>
    %get3A_19 = arith.constant 0 : index
    %get3A_20 = arith.constant 0 : index
    %get3A_21 = vector.load %arg6[%get3A_19, %get3A_20] : memref<1x256xf32, #tpu.memory_space<vmem>>, vector<1x256xf32>
    %add3A_22 = vector.broadcast %get3A_21 : vector<1x256xf32> to vector<2048x256xf32>
    %add3A_23 = arith.addf %dot_general3A_18, %add3A_22 : vector<2048x256xf32>
    %max3A = arith.constant 0.000000e+00 : f32
    %max3A_24 = vector.broadcast %max3A : f32 to vector<2048x256xf32>
    %max3A_25 = arith.maximumf %add3A_23, %max3A_24 : vector<2048x256xf32>
    %get3A_26 = arith.constant 0 : index
    %get3A_27 = arith.constant 0 : index
    %get3A_28 = vector.load %arg7[%get3A_26, %get3A_27] : memref<256x128xf32, #tpu.memory_space<vmem>>, vector<256x128xf32>
    %dot_general3A_29 = arith.constant dense<0.000000e+00> : vector<2048x128xf32>
    %dot_general3A_30 = tpu.matmul %max3A_25, %get3A_28, %dot_general3A_29 {dimension_numbers = #tpu.dot_dimension_numbers<[1], [0], [0], [1], [0, 0, 1, 1], [], []>, transpose_lhs_hint = false} : vector<2048x256xf32>, vector<256x128xf32>, vector<2048x128xf32> -> vector<2048x128xf32>
    %get3A_31 = arith.constant 0 : index
    %get3A_32 = arith.constant 0 : index
    %get3A_33 = vector.load %arg8[%get3A_31, %get3A_32] : memref<1x128xf32, #tpu.memory_space<vmem>>, vector<1x128xf32>
    %add3A_34 = vector.broadcast %get3A_33 : vector<1x128xf32> to vector<2048x128xf32>
    %add3A_35 = arith.addf %dot_general3A_30, %add3A_34 : vector<2048x128xf32>
    %swap3A = arith.constant 0 : index
    %swap3A_36 = arith.constant 0 : index
    %swap3A_37 = vector.load %arg9[%swap3A, %swap3A_36] : memref<2048x128xf32, #tpu.memory_space<vmem>>, vector<2048x128xf32>
    tpu.vector_store %arg9[%swap3A, %swap3A_36], %add3A_35 {strides = array<i32>} : memref<2048x128xf32, #tpu.memory_space<vmem>>, vector<2048x128xf32>,
    return
  }
  func.func @transform_0(%arg0: i32) -> (i32, i32) {
    %c0_i32 = arith.constant 0 : i32
    %c0_i32_0 = arith.constant 0 : i32
    return %arg0, %c0_i32 : i32, i32
  }
  func.func @transform_1(%arg0: i32) -> (i32, i32) {
    %c0_i32 = arith.constant 0 : i32
    %c0_i32_0 = arith.constant 0 : i32
    return %arg0, %c0_i32 : i32, i32
  }
  func.func @transform_2(%arg0: i32) -> (i32, i32) {
    %c0_i32 = arith.constant 0 : i32
    %c0_i32_0 = arith.constant 0 : i32
    %c0_i32_1 = arith.constant 0 : i32
    return %c0_i32, %c0_i32_0 : i32, i32
  }
  func.func @transform_3(%arg0: i32) -> (i32, i32) {
    %c0_i32 = arith.constant 0 : i32
    %c0_i32_0 = arith.constant 0 : i32
    %c0_i32_1 = arith.constant 0 : i32
    return %c0_i32, %c0_i32_0 : i32, i32
  }
  func.func @transform_4(%arg0: i32) -> (i32, i32) {
    %c0_i32 = arith.constant 0 : i32
    %c0_i32_0 = arith.constant 0 : i32
    %c0_i32_1 = arith.constant 0 : i32
    return %c0_i32, %c0_i32_0 : i32, i32
  }
  func.func @transform_5(%arg0: i32) -> (i32, i32) {
    %c0_i32 = arith.constant 0 : i32
    %c0_i32_0 = arith.constant 0 : i32
    %c0_i32_1 = arith.constant 0 : i32
    return %c0_i32, %c0_i32_0 : i32, i32
  }
  func.func @transform_6(%arg0: i32) -> (i32, i32) {
    %c0_i32 = arith.constant 0 : i32
    %c0_i32_0 = arith.constant 0 : i32
    %c0_i32_1 = arith.constant 0 : i32
    return %c0_i32, %c0_i32_0 : i32, i32
  }
  func.func @transform_7(%arg0: i32) -> (i32, i32) {
    %c0_i32 = arith.constant 0 : i32
    %c0_i32_0 = arith.constant 0 : i32
    %c0_i32_1 = arith.constant 0 : i32
    return %c0_i32, %c0_i32_0 : i32, i32
  }
  func.func @transform_8(%arg0: i32) -> (i32, i32) {
    %c0_i32 = arith.constant 0 : i32
    %c0_i32_0 = arith.constant 0 : i32
    return %arg0, %c0_i32 : i32, i32
  }
}

</mosaic_0001>

<sc_bundles>
// kernel: kernel.5.cloned.1.call-start
scs
__scs_entry_jumppad:
0x0: {  	(pc) =	sbr.rel $0x88, $3  }
0x1: {  	(tag) =	ssettag $0x0;
	lr =	simm.s32 $0x1  }
0x2: {  	[smem:$0x3F99] =	sst lr;
	_ =	strace $0xD0000000  }
0x3: {  	_ = 	snop  }
0x4: {  	_ = 	snop  }
0x5: {  	_ = 	snop  }
0x6: {  	_ = 	snop  }
0x7: {  	_ = 	snop  }
__scs_overlays_trampoline_lowered:
0x8: {  	[smem:$0x3FA8] =	sst s0  }
0x9: {  	[smem:$0x3FA9] =	sst s1  }
0xa: {  	[smem:$0x3FAA] =	sst s2  }
0xb: {  	[smem:$0x3FAB] =	sst s3  }
0xc: {  	[smem:$0x3FAC] =	sst s4  }
0xd: {  	[smem:$0x3FAD] =	sst s5  }
0xe: {  	[smem:$0x3FAE] =	sst s6  }
0xf: {  	[smem:$0x3FAF] =	sst s7  }
0x10: {  	[smem:$0x3FB0] =	sst s8  }
0x11: {  	[smem:$0x3FB1] =	sst s9;
	s0 =	simm.s32 @!p0 $0x0  }
0x12: {  	s1 =	sld [smem:$0x3F97];
	s0 =	simm.s32 @p0 $0x1  }
0x13: {  	[smem:$0x3FB2] =	sst s0;
	s0 =	simm.s32 @!p1 $0x0  }
0x14: {  	s2 =	sld [smem:$0x3F96];
	s0 =	simm.s32 @p1 $0x1  }
0x15: {  	[smem:$0x3FB3] =	sst s0;
	s0 =	simm.s32 @!p2 $0x0  }
0x16: {  	s3 =	sld [smem:$0x3FDB];
	s0 =	simm.s32 @p2 $0x1  }
0x17: {  	s4 =	simm.s32 $0x1BF5;
	[smem:$0x3FB5] =	sst s0  }
0x18: {  	s0 =	sld [smem:$0x3F98];
	_ =	swait.ge [sflag:s4], $0x0  }
0x19: {  	s7 =	sld [smem:$0x3F99]  }
0x1a: {  	s8 =	sadd.s32 $0xFFFFE003, lr  }
0x1b: {  	s9 =	sadd.s32 $0xFFFFFEF7, lr;
	s5 =	simm.s32 $0xFFFFFFFF;
	p2 =	slt.u32 s8, $0xFFFFF086  }
0x1c: {  	p1 =	slt.u32 s9, $0xF7A;
	s5 =	simm.s32 @!p2 $0x0  }
0x1d: {  	s5 =	simm.s32 @p1 $0x1;
	p0 =	seq.s32 s7, s2  }
0x1e: {  	s7 =	smul.u32 @!p0 $0xF7A, s2;
	p2 =	seq.s32 @!p0 s5, $0x0  }
0x1f: {  	s9 =	smul.u32 $0xF7A, s1;
	s8 =	simm.s32 @!p0 $0x1BF5;
	p2 =	por !p2, p0  }
0x20: {  	[sflag:s8] =	ssyncset.s32 @!p0 $0xFFFFF086;
	s6 =	sadd.s32 @!p0 s3, s7;
	s7 =	simm.s32 @!p0 $0x108  }
0x21: {  	s3 =	sadd.s32 s3, s9;
	s6 =	sadd.s32 @!p0 $0x88, s6;
	s7 =	simm.s32 @p2 $0x1082  }
0x22: {  	[simem:s7], [sflag:s8] =	dma.local @!p0 [hbm:s6], $0xF7A  }
0x23: {  	s9 =	sor.u32 $0xD0000000, s2;
	s6 =	simm.s32 $0x108;
	_ =	swait.ge @!p0 [sflag:s8], $0x0  }
0x24: {  	s3 =	sadd.s32 $0x88, s3;
	s6 =	simm.s32 @!p1 $0x1082;
	[sflag:s4] =	ssyncset.s32 $0xFFFFF086  }
0x25: {  	[simem:s6], [sflag:s4] =	dma.local [hbm:s3], $0xF7A  }
0x26: {  	[smem:$0x3F99] =	sst s1;
	(tag) =	ssettag s2;
	_ =	strace s9  }
0x27: {  	s1 =	sld [smem:$0x3FA9]  }
0x28: {  	s2 =	sld [smem:$0x3FAA]  }
0x29: {  	s4 =	sld [smem:$0x3FAC]  }
0x2a: {  	p0 =	seq.s32 s5, $0x0;
	s5 =	sld [smem:$0x3FAD]  }
0x2b: {  	s6 =	sld [smem:$0x3FAE]  }
0x2c: {  	s7 =	sld [smem:$0x3FAF]  }
0x2d: {  	s3 =	simm.s32 $0x108;
	s8 =	sld [smem:$0x3FB0]  }
0x2e: {  	s3 =	simm.s32 @!p0 $0x1082;
	s9 =	sld [smem:$0x3FB1]  }
0x2f: {  	lr =	sadd.s32 s0, s3;
	s0 =	sld [smem:$0x3FA8]  }
0x30: {  	s3 =	sld [smem:$0x3FAB]  }
0x31: {  	[smem:$0x3FB4] =	sst s10  }
0x32: {  	s10 =	sld [smem:$0x3FB2];
	_ =	sdelay $0x3  }
0x33: {  	p0 =	seq.s32 s10, $0x1;
	s10 =	sld [smem:$0x3FB4];
	_ =	sdelay $0x3  }
0x34: {  	[smem:$0x3FB4] =	sst s10  }
0x35: {  	s10 =	sld [smem:$0x3FB3];
	_ =	sdelay $0x3  }
0x36: {  	p1 =	seq.s32 s10, $0x1;
	s10 =	sld [smem:$0x3FB4];
	_ =	sdelay $0x3  }
0x37: {  	[smem:$0x3FB4] =	sst s10  }
0x38: {  	s10 =	sld [smem:$0x3FB5]  }
0x39: {  	_ = 	snop;
	(pc) =	sbr.ind lr, $3  }
0x3a: {  	_ = 	snop  }
0x3b: {  	_ = 	snop  }
0x3c: {  	p2 =	seq.s32 s10, $0x1;
	s10 =	sld [smem:$0x3FB4]  }
0x3d: {  	_ =	shalt  }
0x3e: {  	_ =	shalt  }
0x3f: {  	_ =	shalt  }
0x40: {  	_ =	shalt  }
0x41: {  	_ =	shalt  }
0x42: {  	_ =	shalt  }
0x43: {  	_ =	shalt  }
0x44: {  	_ =	shalt  }
0x45: {  	_ =	shalt  }
0x46: {  	_ =	shalt  }
0x47: {  	_ =	shalt  }
0x48: {  	_ =	shalt  }
0x49: {  	_ =	shalt  }
0x4a: {  	_ =	shalt  }
0x4b: {  	_ =	shalt  }
0x4c: {  	_ =	shalt  }
0x4d: {  	_ =	shalt  }
0x4e: {  	_ =	shalt  }
0x4f: {  	_ =	shalt  }
0x50: {  	_ =	shalt  }
0x51: {  	_ =	shalt  }
0x52: {  	_ =	shalt  }
0x53: {  	_ =	shalt  }
0x54: {  	_ =	shalt  }
0x55: {  	_ =	shalt  }
0x56: {  	_ =	shalt  }
0x57: {  	_ =	shalt  }
0x58: {  	_ =	shalt  }
0x59: {  	_ =	shalt  }
0x5a: {  	_ =	shalt  }
0x5b: {  	_ =	shalt  }
0x5c: {  	_ =	shalt  }
0x5d: {  	_ =	shalt  }
0x5e: {  	_ =	shalt  }
0x5f: {  	_ =	shalt  }
0x60: {  	_ =	shalt  }
0x61: {  	_ =	shalt  }
0x62: {  	_ =	shalt  }
0x63: {  	_ =	shalt  }
0x64: {  	_ =	shalt  }
0x65: {  	_ =	shalt  }
0x66: {  	_ =	shalt  }
0x67: {  	_ =	shalt  }
0x68: {  	_ =	shalt  }
0x69: {  	_ =	shalt  }
0x6a: {  	_ =	shalt  }
0x6b: {  	_ =	shalt  }
0x6c: {  	_ =	shalt  }
0x6d: {  	_ =	shalt  }
0x6e: {  	_ =	shalt  }
0x6f: {  	_ =	shalt  }
0x70: {  	_ =	shalt  }
0x71: {  	_ =	shalt  }
0x72: {  	_ =	shalt  }
0x73: {  	_ =	shalt  }
0x74: {  	_ =	shalt  }
0x75: {  	_ =	shalt  }
0x76: {  	_ =	shalt  }
0x77: {  	_ =	shalt  }
0x78: {  	_ =	shalt  }
0x79: {  	_ =	shalt  }
0x7a: {  	_ =	shalt  }
0x7b: {  	_ =	shalt  }
0x7c: {  	_ =	shalt  }
0x7d: {  	_ =	shalt  }
0x7e: {  	_ =	shalt  }
0x7f: {  	_ =	shalt  }
0x80: {  	_ =	shalt  }
0x81: {  	_ =	shalt  }
0x82: {  	_ =	shalt  }
0x83: {  	_ =	shalt  }
0x84: {  	_ =	shalt  }
0x85: {  	_ =	shalt  }
0x86: {  	_ =	shalt  }
0x87: {  	_ =	shalt  }
.Lfunc_end0:
.L_simem_size_0:
called_computation_lowered:
.L_overlay_start_0:
0x88: {  	s2 =	sld [smem:$0x3FD9]  }
0x89: {  	s3 =	sld [smem:$0x3FFE];
	_ =	sdelay $0x1  }
0x8a: {  	s1 =	srdreg.scid  }
0x8b: {  	s0 =	sand.u32 $0x1, s1  }
0x8c: {  	s17 =	sshll.u32 s0, $0xA;
	s2 =	sadd.s32 s3, s2  }
0x8d: {  	s2 =	sadd.s32 s2, s17  }
0x8e: {  	[smem:$0x3FC0] =	sst s2  }
0x8f: {  	_ = 	snop  }
0x90: {  	s2 =	sld [smem:$0x3FC9]  }
0x91: {  	s18 =	sld [smem:$0x3FC8];
	(tm) =	ssettm $0x1  }
0x92: {  	s4 =	sld [smem:$0x3FFB];
	_ =	sdelay $0x3  }
0x93: {  	_ =	strace s4  }
0x94: {  	s4 =	sld [smem:$0x3FFC];
	_ =	sdelay $0x3  }
0x95: {  	_ =	strace s4  }
0x96: {  	s4 =	sld [smem:$0x3FFD];
	_ =	sdelay $0x3  }
0x97: {  	_ =	strace s4  }
0x98: {  	_ =	strace $0x8FFFFFFF  }
0x99: {  	s19 =	sld [smem:$0x3FDB];
	_ =	sdelay $0x1  }
0x9a: {  	s5 =	simm.s32 $_scs_section_size  }
0x9b: {  	s6 =	simm.s32 $_size__tile_overlayer_lowered;
	s7 =	simm.s32 $_tile_overlayer_lowered  }
0x9c: {  	s22 =	simm.s32 $0x1BFF;
	s21 =	sshll.u32 s7, $0x1;
	s4 =	sadd.s32 s5, s19  }
0x9d: {  	s8 =	simm.s32 $0x0;
	s20 =	sshll.u32 s6, $0x1;
	s6 =	sadd.s32 s21, s4  }
0x9e: {  	[timem:s8], [sflag:s22] =	dma.local [hbm:s6], s20  }
0x9f: {  	_ =	swait.ge [sflag:s22], s20  }
0xa0: {  	s5 =	ssub.s32 $0x0, s20;
	[sflag:s22] =	ssyncset.done $0x0  }
0xa1: {  	[sflag:s22] =	ssyncadd.s32 s5;
	_ =	sdelay $0x1  }
0xa2: {  	s23 =	simm.s32 $0x1B8B  }
0xa3: {  	_ =	swait.ge [sflag:s23], $0x1  }
0xa4: {  	[sflag:s23] =	ssyncset.done $0x0  }
0xa5: {  	s25 =	simm.s32 $0x1B8E;
	s24 =	sld [smem:$0x3FFE];
	[sflag:s23] =	ssyncadd.s32 $0xFFFFFFFF  }
0xa6: {  	s26 =	simm.s32 $execute0_lowered;
	[smem:$0x3FD2] =	sst s25  }
0xa7: {  	s6 =	sshll.u32 s26, $0x1;
	_ =	strace $0x80000046;
	[dreg:$0x1] =	wrdreg $0xFFFFFFFF  }
0xa8: {  	s28 =	simm.s32 $_size_execute0_lowered;
	s4 =	sadd.s32 s4, s6;
	[dreg:$0x0] =	wrdreg $0x0  }
0xa9: {  	s6 =	sshll.u32 s28, $0x1;
	[dreg:$0x2] =	wrdreg s4  }
0xaa: {  	[dreg:$0x3] =	wrdreg s6  }
0xab: {  	[dreg:$0x4] =	wrdreg $0xC0  }
0xac: {  	_ =	task [dreg:s8], $0x5FFFF  }
0xad: {  	[dreg:$0x1] =	wrdreg $0xFFFFFFFF  }
0xae: {  	[dreg:$0x0] =	wrdreg $0x60  }
0xaf: {  	[dreg:$0x2] =	wrdreg s2  }
0xb0: {  	[dreg:$0x3] =	wrdreg s18  }
0xb1: {  	[dreg:$0x4] =	wrdreg s24  }
0xb2: {  	[dreg:$0x5] =	wrdreg $0x9  }
0xb3: {  	_ =	task.clear_ibuf [dreg:s8], $0x6FFFF;
	_ =	strace $0x90000046  }
0xb4: {  	s29 =	simm.s32 $0x9;
	_ =	strace $0x80000048  }
0xb5: {  	_ =	swait.ge [sflag:s29], $0x1  }
0xb6: {  	[sflag:s29] =	ssyncadd.s32 $0xFFFFFFFF  }
0xb7: {  	_ =	strace $0x90000048  }
0xb8: {  	_ =	sfence  }
0xb9: {  	s30 =	sld [smem:$0x0];
	_ =	sdelay $0x2  }
0xba: {  	s31 =	sshll.u32 s1, $0xD;
	s1 =	sshrl.u32 s1, $0x2  }
0xbb: {  	s3 =	sand.u32 $0x4000, s31;
	s1 =	sadd.s32 s1, s30  }
0xbc: {  	s0 =	sor.u32 s3, s0;
	s1 =	sshll.u32 s1, $0x11  }
0xbd: {  	s0 =	sor.u32 s1, s0  }
0xbe: {  	s0 =	sadd.s32 $0x8F2B, s0  }
0xbf: {  	[sflag:s0] =	ssyncadd.remote.s32 $0x1  }
0xc0: {  	_ =	sfence.sel $0xFFFF  }
0xc1: {  	[dreg:$0x0] =	wrdreg $0xFFFFFFFF;
	(pc) =	sbr.abs _section_cstart, $3  }
0xc2: {  	[dreg:$0x1] =	wrdreg $0xFFFFFFFF  }
0xc3: {  	_ =	task.clear_ibuf [dreg:s8], $0x2FFFF;
	_ =	strace $0x9FFFFFFF  }
0xc4: {  	(tm) =	ssettm $0x7FFFFFFF  }
0xc5: {  	_ =	shalt  }
tec
execute0_lowered:
.L_overlay_start_1:
0x0: {  	(tag) =	ssettag $0x1  }
0x1: {  	s1 =	rddreg [dreg:$0x0]  }
0x2: {  	s2 =	srdreg.scid;
	s3 =	rddreg [dreg:$0x1]  }
0x3: {  	s0 =	stileid.u32;
	s6 =	rddreg [dreg:$0x2];
	s4 =	simm.s32 $0x0  }
0x4: {  	s10 =	simm.s32 $0x10280;
	s11 =	simm.s32 $0x10000;
	s12 =	simm.s32 $0x10300  }
0x5: {  	s13 =	simm.s32 $0x0;
	s5 =	sand.u32 $0x1, s2;
	s28 =	sshll.u32 s0, $0x1  }
.Ltmp0:
0x6: {  	s2 =	rddreg [dreg:$0x3];
	s7 =	sor.u32 s5, s28;
	(pc) =	sbr.rel .LBB2_1-.Ltmp0, $4  }
0x7: {  	[smem:$0x7FF] =	sst s4;
	s9 =	ssub.s32 $0x2, s5;
	s8 =	smul.u32 $0x1400, s7  }
0x8: {  	_ =	strace $0x80000047;
	s5 =	smul.u32 $0x140, s7;
	s30 =	sshrl.u32 s9, $0x1  }
0x9: {  	s31 =	ssub.s32 s9, s30;
	s9 =	simm.s32 $0x1;
	s29 =	sadd.s32 s8, s6  }
0xa: {  	v1 =	vimm.f32 $0.0e+00;
	s6 =	sadd.s32 $0x140, s5;
	s8 =	smax.u32 s31, $0x1;
	v0 =	vmov s5;
	s7 =	sadd.s32 $0x1400, s29  }
.LBB2_11:
0xb: {  	s13 =	sadd.s32 $0x1, s13  }
0xc: {  	p0 =	sne.s32 s13, s8  }
.Ltmp1:
0xd: {  	_ = 	snop;
	(pc) =	sbr.rel @!p0 .LBB2_12-.Ltmp1, $4  }
0xe: {  	[hbm4b:s7+s4] =	stream.linear.scatter [tilespmem:s12], [sflag:$0x1], $0xA000, $0x38;
	[tilespmem:$0x1A300] =	vst v63  }
0xf: {  	_ =	swait.ge [sflag:s9], $0xA000  }
0x10: {  	[sflag:s9] =	ssyncset.done $0x0  }
0x11: {  	[sflag:s9] =	ssyncadd.s32 $0xFFFF6000  }
.LBB2_1:
0x12: {  	s14 =	simm.s32 $0x0;
	s15 =	simm.s32 $0x200  }
.LBB2_2:
0x13: {  	p0 =	sne.s32 s15, $0x27E00;
	[tilespmem:s14+$0x10370] =	vst v1;
	s16 =	simm.s32 $0x4E200  }
0x14: {  	[tilespmem:s14+$0x10300] =	vst v1  }
0x15: {  	[tilespmem:s14+$0x10310] =	vst v1  }
.Ltmp2:
0x16: {  	[tilespmem:s14+$0x10320] =	vst v1;
	(pc) =	sbr.rel @p0 .LBB2_2-.Ltmp2, $4  }
0x17: {  	[tilespmem:s14+$0x10330] =	vst v1  }
0x18: {  	[tilespmem:s14+$0x10340] =	vst v1  }
0x19: {  	[tilespmem:s14+$0x10350] =	vst v1  }
0x1a: {  	[tilespmem:s14+$0x10360] =	vst v1;
	s14 =	sshra.s32 s15, $0x2;
	s15 =	sadd.s32 $0x200, s15  }
0x1b: {  	s15 =	simm.s32 $0x4E200  }
0x1c: {  	s15 =	sand.u32 $0x1, s15  }
0x1d: {  	p0 =	por $0x0, $0x0;
	p1 =	seq.s32 s15, $0x1  }
0x1e: {  	p0 =	por !p0, !p1  }
0x1f: {  	s17 =	simm.s32 $0x1;
	p0 =	por !p0, !p0  }
0x20: {  	s17 =	simm.s32 @!p0 $0x0  }
0x21: {  	s18 =	ssub.s32 $0x27100, s17  }
0x22: {  	s26 =	sand.u32 $0x7, s18  }
0x23: {  	s19 =	sshra.s32 s18, $0x1F;
	p5 =	slt.s32 s18, $0x1;
	p6 =	sne.s32 s26, $0x0  }
0x24: {  	s28 =	sshrl.u32 s19, $0x1D;
	p0 =	por !p5, !p6  }
0x25: {  	[tilespmem:s14+$0x10370] =	vst v1;
	s19 =	simm.s32 $0x1;
	s15 =	sadd.s32 s28, s18;
	p0 =	por !p0, !p0  }
0x26: {  	[tilespmem:s14+$0x10300] =	vst v1;
	s15 =	sshrl.u32 s15, $0x3;
	s19 =	simm.s32 @!p0 $0x0  }
0x27: {  	[tilespmem:s14+$0x10310] =	vst v1;
	s15 =	ssub.s32 s15, s19  }
0x28: {  	[tilespmem:s14+$0x10320] =	vst v1;
	s19 =	sshll.u32 s15, $0x3  }
0x29: {  	[tilespmem:s14+$0x10330] =	vst v1;
	p0 =	slt.s32 s19, $0x4E1E0  }
0x2a: {  	[tilespmem:s14+$0x10340] =	vst v1;
	s19 =	simm.s32 @!p0 $0x4E1E0  }
0x2b: {  	[tilespmem:s14+$0x10350] =	vst v1;
	s20 =	sshrl.u32 s19, $0x3  }
0x2c: {  	[tilespmem:s14+$0x10360] =	vst v1;
	s15 =	simm.s32 $0x0;
	s29 =	sadd.s32 s3, s20  }
0x2d: {  	[tilespmem:s10], [sflag:$0x1] =	stream.linear.gather [hbm4b:s29+s15], $0x20, $0x38;
	[tilespmem:$0x1A300] =	vst v63  }
0x2e: {  	_ =	swait.ge [sflag:s9], $0x20  }
0x2f: {  	[sflag:s9] =	ssyncset.done $0x0  }
0x30: {  	s30 =	ssub.s32 s18, s19;
	[sflag:s9] =	ssyncadd.s32 $0xFFFFFFE0  }
0x31: {  	v2 =	vld [tilespmem:s30+$0x10280];
	_ =	sdelay $0x4  }
0x32: {  	(v2sf) =	vpush v2, $0x0;
	_ =	sdelay $0xe  }
0x33: {  	s14 =	simm.s32 $0x0;
	s22 =	simm.s32 $0x4E200;
	s31 =	spop (v2sf)  }
0x34: {  	s21 =	sadd.s32 $0x1, s18;
	s19 =	simm.s32 $0x12;
	p1 =	slt.s32 s31, s5  }
.LBB2_4:
0x35: {  	p0 =	sne.s32 s19, $0x1;
	s14 =	smov.u32 @p1 s21;
	s18 =	smov.u32 @p1 s22  }
0x36: {  	s19 =	sadd.s32 $0xFFFFFFFF, s19;
	s20 =	sadd.s32 s14, s18  }
0x37: {  	s21 =	sshrl.u32 s20, $0x1F;
	s22 =	sand.u32 $0x1, s20  }
0x38: {  	p1 =	slt.s32 s20, $0x1;
	s21 =	sadd.s32 s21, s20;
	p2 =	seq.s32 s22, $0x1  }
0x39: {  	p1 =	por !p1, !p2  }
0x3a: {  	s20 =	sshra.s32 s21, $0x1;
	s21 =	simm.s32 $0x1;
	p1 =	por !p1, !p1  }
0x3b: {  	s21 =	simm.s32 @!p1 $0x0  }
0x3c: {  	s20 =	ssub.s32 s20, s21  }
0x3d: {  	s21 =	sshra.s32 s20, $0x1F;
	s22 =	sand.u32 $0x7, s20  }
0x3e: {  	p1 =	slt.s32 s20, $0x1;
	s21 =	sshrl.u32 s21, $0x1D;
	p2 =	sne.s32 s22, $0x0  }
0x3f: {  	s21 =	sadd.s32 s21, s20;
	p1 =	por !p1, !p2  }
0x40: {  	s22 =	simm.s32 $0x1;
	p1 =	por !p1, !p1  }
0x41: {  	s21 =	sshrl.u32 s21, $0x3;
	s22 =	simm.s32 @!p1 $0x0  }
0x42: {  	s21 =	ssub.s32 s21, s22  }
0x43: {  	s21 =	sshll.u32 s21, $0x3  }
0x44: {  	p1 =	slt.s32 s21, $0x4E1E0  }
0x45: {  	s21 =	simm.s32 @!p1 $0x4E1E0  }
0x46: {  	s22 =	sshrl.u32 s21, $0x3;
	s21 =	ssub.s32 s20, s21  }
0x47: {  	s22 =	sadd.s32 s3, s22  }
0x48: {  	[tilespmem:s10], [sflag:$0x1] =	stream.linear.gather [hbm4b:s22+s15], $0x20, $0x38;
	[tilespmem:$0x1A300] =	vst v63  }
0x49: {  	_ =	swait.ge [sflag:s9], $0x20  }
0x4a: {  	[sflag:s9] =	ssyncset.done $0x0  }
0x4b: {  	[sflag:s9] =	ssyncadd.s32 $0xFFFFFFE0  }
0x4c: {  	v2 =	vld [tilespmem:s21+$0x10280];
	_ =	sdelay $0x4  }
0x4d: {  	(v2sf) =	vpush v2, $0x0;
	_ =	sdelay $0xb  }
.Ltmp3:
0x4e: {  	(pc) =	sbr.rel @p0 .LBB2_4-.Ltmp3, $3  }
0x4f: {  	_ =	sdelay $0x1  }
0x50: {  	s22 =	smov.u32 s18;
	s21 =	spop (v2sf)  }
0x51: {  	s18 =	smov.u32 s20;
	p1 =	slt.s32 s21, s5;
	s21 =	sadd.s32 $0x1, s20  }
0x52: {  	s17 =	ssub.s32 $0x27100, s17  }
0x53: {  	s18 =	sand.u32 $0x7, s17  }
0x54: {  	s19 =	sshra.s32 s17, $0x1F;
	p0 =	slt.s32 s17, $0x1;
	p2 =	sne.s32 s18, $0x0  }
0x55: {  	s29 =	sshrl.u32 s19, $0x1D;
	p0 =	por !p0, !p2  }
0x56: {  	s19 =	simm.s32 $0x1;
	s18 =	sadd.s32 s29, s17;
	p0 =	por !p0, !p0  }
0x57: {  	s18 =	sshrl.u32 s18, $0x3;
	s19 =	simm.s32 @!p0 $0x0  }
0x58: {  	s18 =	ssub.s32 s18, s19  }
0x59: {  	s18 =	sshll.u32 s18, $0x3  }
0x5a: {  	p0 =	slt.s32 s18, $0x4E1E0  }
0x5b: {  	s18 =	simm.s32 @!p0 $0x4E1E0  }
0x5c: {  	s30 =	sshrl.u32 s18, $0x3  }
0x5d: {  	s19 =	sadd.s32 s3, s30  }
0x5e: {  	[tilespmem:s10], [sflag:$0x1] =	stream.linear.gather [hbm4b:s19+s4], $0x20, $0x38;
	[tilespmem:$0x1A300] =	vst v63  }
0x5f: {  	_ =	swait.ge [sflag:s9], $0x20  }
0x60: {  	[sflag:s9] =	ssyncset.done $0x0  }
0x61: {  	s18 =	ssub.s32 s17, s18;
	[sflag:s9] =	ssyncadd.s32 $0xFFFFFFE0  }
0x62: {  	v2 =	vld [tilespmem:s18+$0x10280];
	_ =	sdelay $0x4  }
0x63: {  	(v2sf) =	vpush v2, $0x0;
	_ =	sdelay $0xe  }
0x64: {  	s14 =	smov.u32 @p1 s21;
	s31 =	spop (v2sf)  }
0x65: {  	s20 =	sadd.s32 $0x1, s17;
	s18 =	simm.s32 $0x12;
	p1 =	slt.s32 s31, s6  }
.LBB2_6:
0x66: {  	p0 =	sne.s32 s18, $0x1;
	s15 =	smov.u32 @p1 s20;
	s17 =	smov.u32 @p1 s16  }
0x67: {  	s18 =	sadd.s32 $0xFFFFFFFF, s18;
	s16 =	sadd.s32 s15, s17  }
0x68: {  	s19 =	sshrl.u32 s16, $0x1F;
	s20 =	sand.u32 $0x1, s16  }
0x69: {  	p1 =	slt.s32 s16, $0x1;
	s19 =	sadd.s32 s19, s16;
	p2 =	seq.s32 s20, $0x1  }
0x6a: {  	p1 =	por !p1, !p2  }
0x6b: {  	s16 =	sshra.s32 s19, $0x1;
	s19 =	simm.s32 $0x1;
	p1 =	por !p1, !p1  }
0x6c: {  	s19 =	simm.s32 @!p1 $0x0  }
0x6d: {  	s19 =	ssub.s32 s16, s19  }
0x6e: {  	s16 =	sshra.s32 s19, $0x1F;
	s20 =	sand.u32 $0x7, s19  }
0x6f: {  	p1 =	slt.s32 s19, $0x1;
	s16 =	sshrl.u32 s16, $0x1D;
	p2 =	sne.s32 s20, $0x0  }
0x70: {  	s16 =	sadd.s32 s16, s19;
	p1 =	por !p1, !p2  }
0x71: {  	s20 =	simm.s32 $0x1;
	p1 =	por !p1, !p1  }
0x72: {  	s16 =	sshrl.u32 s16, $0x3;
	s20 =	simm.s32 @!p1 $0x0  }
0x73: {  	s16 =	ssub.s32 s16, s20  }
0x74: {  	s16 =	sshll.u32 s16, $0x3  }
0x75: {  	p1 =	slt.s32 s16, $0x4E1E0  }
0x76: {  	s16 =	simm.s32 @!p1 $0x4E1E0  }
0x77: {  	s20 =	sshrl.u32 s16, $0x3;
	s16 =	ssub.s32 s19, s16  }
0x78: {  	s20 =	sadd.s32 s3, s20  }
0x79: {  	[tilespmem:s10], [sflag:$0x1] =	stream.linear.gather [hbm4b:s20+s4], $0x20, $0x38;
	[tilespmem:$0x1A300] =	vst v63  }
0x7a: {  	_ =	swait.ge [sflag:s9], $0x20  }
0x7b: {  	[sflag:s9] =	ssyncset.done $0x0  }
0x7c: {  	[sflag:s9] =	ssyncadd.s32 $0xFFFFFFE0  }
0x7d: {  	v2 =	vld [tilespmem:s16+$0x10280];
	_ =	sdelay $0x4  }
0x7e: {  	(v2sf) =	vpush v2, $0x0;
	_ =	sdelay $0xb  }
.Ltmp4:
0x7f: {  	(pc) =	sbr.rel @p0 .LBB2_6-.Ltmp4, $3  }
0x80: {  	_ =	sdelay $0x1  }
0x81: {  	s20 =	sadd.s32 $0x1, s19;
	s16 =	spop (v2sf)  }
0x82: {  	p1 =	slt.s32 s16, s6;
	s16 =	smov.u32 s17;
	s17 =	smov.u32 s19  }
0x83: {  	s16 =	sand.u32 $0x1FF, s14  }
0x84: {  	s28 =	sshra.s32 s14, $0x1F;
	p2 =	slt.s32 s14, $0x1;
	p0 =	sne.s32 s16, $0x0  }
0x85: {  	s16 =	sshrl.u32 s28, $0x17;
	p0 =	por !p2, !p0  }
0x86: {  	s29 =	sadd.s32 s16, s14;
	s16 =	simm.s32 $0x1;
	p0 =	por !p0, !p0  }
0x87: {  	s14 =	sshra.s32 s29, $0x9;
	s16 =	simm.s32 @!p0 $0x0  }
0x88: {  	s14 =	ssub.s32 s14, s16  }
0x89: {  	s15 =	smov.u32 @p1 s20;
	s16 =	sshll.u32 s14, $0x9  }
0x8a: {  	s15 =	ssub.s32 s15, s16  }
0x8b: {  	s15 =	sadd.s32 $0x1FF, s15  }
0x8c: {  	s30 =	sand.u32 $0x1FF, s15  }
0x8d: {  	s17 =	sshra.s32 s15, $0x1F;
	p5 =	slt.s32 s15, $0x1;
	p6 =	sne.s32 s30, $0x0  }
0x8e: {  	s31 =	sshrl.u32 s17, $0x17;
	p0 =	por !p5, !p6  }
0x8f: {  	s16 =	simm.s32 $0x1;
	s15 =	sadd.s32 s31, s15;
	p0 =	por !p0, !p0  }
0x90: {  	s15 =	sshra.s32 s15, $0x9;
	s16 =	simm.s32 @!p0 $0x0  }
0x91: {  	s15 =	ssub.s32 s15, s16  }
0x92: {  	p0 =	slt.s32 s15, $0x1  }
.Ltmp5:
0x93: {  	_ = 	snop;
	(pc) =	sbr.rel @p0 .LBB2_11-.Ltmp5, $2  }
0x94: {  	_ =	sdelay $0x2  }
0x95: {  	s17 =	simm.s32 $0x0;
	s16 =	simm.s32 $0x0  }
.LBB2_8:
0x96: {  	s18 =	sadd.s32 s14, s17  }
0x97: {  	s19 =	sshll.u32 s18, $0xD  }
0x98: {  	s19 =	sand.u32 $0x1FFFE000, s19  }
0x99: {  	s19 =	sadd.s32 s1, s19  }
0x9a: {  	[tilespmem:s16], [sflag:$0x1] =	stream.linear.gather [hbm4b:s19+s16], $0x10000, $0x38;
	[tilespmem:$0x1A300] =	vst v63  }
0x9b: {  	s18 =	sshll.u32 s18, $0x6;
	_ =	swait.ge [sflag:s9], $0x10000  }
0x9c: {  	s18 =	sand.u32 $0x1FFFFFC0, s18;
	[sflag:s9] =	ssyncset.done $0x0  }
0x9d: {  	s18 =	sadd.s32 s3, s18;
	[sflag:s9] =	ssyncadd.s32 $0xFFFF0000  }
0x9e: {  	[tilespmem:s11], [sflag:$0x1] =	stream.linear.gather [hbm4b:s18+s16], $0x200, $0x38;
	[tilespmem:$0x1A300] =	vst v63  }
0x9f: {  	_ =	swait.ge [sflag:s9], $0x200  }
0xa0: {  	[sflag:s9] =	ssyncset.done $0x0  }
0xa1: {  	s19 =	simm.s32 $0x0;
	s18 =	simm.s32 $0x400;
	[sflag:s9] =	ssyncadd.s32 $0xFFFFFE00  }
.LBB2_9:
0xa2: {  	s20 =	sshra.s32 s19, $0x2  }
0xa3: {  	v2 =	vld [tilespmem:s20+$0x10000];
	_ =	sdelay $0x4  }
0xa4: {  	v2 =	vsub.s32 v2, v0  }
0xa5: {  	(v2sf) =	vpush v2, $0x0;
	_ =	sdelay $0xe  }
0xa6: {  	s20 =	spop (v2sf)  }
0xa7: {  	p1 =	sgt.u32 s20, $0x13F  }
0xa8: {  	s20 =	sshll.u32 @!p1 s20, $0x7  }
0xa9: {  	v4 =	vld @!p1 [tilespmem:s18+$0xFFFFFC00];
	s20 =	sand.u32 @!p1 $0x3FFFFF80, s20  }
0xaa: {  	v3 =	vld @!p1 [tilespmem:s20+$0x10300];
	_ =	sdelay $0x4  }
0xab: {  	v3 =	vadd.f32 @!p1 v4, v3;
	_ =	sdelay $0x1  }
0xac: {  	[tilespmem:s20+$0x10300] =	vst @!p1 v3;
	v3 =	vld @!p1 [tilespmem:s20+$0x10310]  }
0xad: {  	v4 =	vld @!p1 [tilespmem:s18+$0xFFFFFC10];
	_ =	sdelay $0x4  }
0xae: {  	v3 =	vadd.f32 @!p1 v4, v3;
	_ =	sdelay $0x1  }
0xaf: {  	[tilespmem:s20+$0x10310] =	vst @!p1 v3;
	v3 =	vld @!p1 [tilespmem:s20+$0x10320]  }
0xb0: {  	v4 =	vld @!p1 [tilespmem:s18+$0xFFFFFC20];
	_ =	sdelay $0x4  }
0xb1: {  	v3 =	vadd.f32 @!p1 v4, v3;
	_ =	sdelay $0x1  }
0xb2: {  	[tilespmem:s20+$0x10320] =	vst @!p1 v3;
	v3 =	vld @!p1 [tilespmem:s20+$0x10330]  }
0xb3: {  	v4 =	vld @!p1 [tilespmem:s18+$0xFFFFFC30];
	_ =	sdelay $0x4  }
0xb4: {  	v3 =	vadd.f32 @!p1 v4, v3;
	_ =	sdelay $0x1  }
0xb5: {  	[tilespmem:s20+$0x10330] =	vst @!p1 v3;
	v3 =	vld @!p1 [tilespmem:s20+$0x10340]  }
0xb6: {  	v4 =	vld @!p1 [tilespmem:s18+$0xFFFFFC40];
	_ =	sdelay $0x4  }
0xb7: {  	v3 =	vadd.f32 @!p1 v4, v3;
	_ =	sdelay $0x1  }
0xb8: {  	[tilespmem:s20+$0x10340] =	vst @!p1 v3;
	v3 =	vld @!p1 [tilespmem:s20+$0x10350]  }
0xb9: {  	v4 =	vld @!p1 [tilespmem:s18+$0xFFFFFC50];
	_ =	sdelay $0x4  }
0xba: {  	(v2sf) =	vpush v2, $0x1;
	v3 =	vadd.f32 @!p1 v4, v3;
	_ =	sdelay $0x1  }
0xbb: {  	[tilespmem:s20+$0x10350] =	vst @!p1 v3;
	v3 =	vld @!p1 [tilespmem:s20+$0x10360]  }
0xbc: {  	v4 =	vld @!p1 [tilespmem:s18+$0xFFFFFC60];
	_ =	sdelay $0x4  }
0xbd: {  	v3 =	vadd.f32 @!p1 v4, v3;
	_ =	sdelay $0x1  }
0xbe: {  	[tilespmem:s20+$0x10360] =	vst @!p1 v3;
	v3 =	vld @!p1 [tilespmem:s20+$0x10370]  }
0xbf: {  	v4 =	vld @!p1 [tilespmem:s18+$0xFFFFFC70];
	_ =	sdelay $0x3  }
0xc0: {  	s21 =	spop (v2sf)  }
0xc1: {  	p0 =	sgt.u32 s21, $0x13F;
	v3 =	vadd.f32 @!p1 v4, v3  }
0xc2: {  	s21 =	sshll.u32 @!p0 s21, $0x7  }
0xc3: {  	[tilespmem:s20+$0x10370] =	vst @!p1 v3;
	s20 =	sand.u32 @!p0 $0x3FFFFF80, s21  }
0xc4: {  	v3 =	vld @!p0 [tilespmem:s20+$0x10300]  }
0xc5: {  	v4 =	vld @!p0 [tilespmem:s18+$0xFFFFFC80];
	_ =	sdelay $0x4  }
0xc6: {  	v3 =	vadd.f32 @!p0 v4, v3;
	_ =	sdelay $0x1  }
0xc7: {  	[tilespmem:s20+$0x10300] =	vst @!p0 v3;
	v3 =	vld @!p0 [tilespmem:s20+$0x10310]  }
0xc8: {  	v4 =	vld @!p0 [tilespmem:s18+$0xFFFFFC90];
	_ =	sdelay $0x4  }
0xc9: {  	v3 =	vadd.f32 @!p0 v4, v3;
	_ =	sdelay $0x1  }
0xca: {  	[tilespmem:s20+$0x10310] =	vst @!p0 v3;
	v3 =	vld @!p0 [tilespmem:s20+$0x10320]  }
0xcb: {  	v4 =	vld @!p0 [tilespmem:s18+$0xFFFFFCA0];
	_ =	sdelay $0x4  }
0xcc: {  	v3 =	vadd.f32 @!p0 v4, v3;
	_ =	sdelay $0x1  }
0xcd: {  	[tilespmem:s20+$0x10320] =	vst @!p0 v3;
	v3 =	vld @!p0 [tilespmem:s20+$0x10330]  }
0xce: {  	v4 =	vld @!p0 [tilespmem:s18+$0xFFFFFCB0];
	_ =	sdelay $0x4  }
0xcf: {  	v3 =	vadd.f32 @!p0 v4, v3;
	_ =	sdelay $0x1  }
0xd0: {  	[tilespmem:s20+$0x10330] =	vst @!p0 v3;
	v3 =	vld @!p0 [tilespmem:s20+$0x10340]  }
0xd1: {  	v4 =	vld @!p0 [tilespmem:s18+$0xFFFFFCC0];
	_ =	sdelay $0x4  }
0xd2: {  	v3 =	vadd.f32 @!p0 v4, v3;
	_ =	sdelay $0x1  }
0xd3: {  	[tilespmem:s20+$0x10340] =	vst @!p0 v3;
	v3 =	vld @!p0 [tilespmem:s20+$0x10350]  }
0xd4: {  	v4 =	vld @!p0 [tilespmem:s18+$0xFFFFFCD0];
	_ =	sdelay $0x4  }
0xd5: {  	(v2sf) =	vpush v2, $0x2;
	v3 =	vadd.f32 @!p0 v4, v3;
	_ =	sdelay $0x1  }
0xd6: {  	[tilespmem:s20+$0x10350] =	vst @!p0 v3;
	v3 =	vld @!p0 [tilespmem:s20+$0x10360]  }
0xd7: {  	v4 =	vld @!p0 [tilespmem:s18+$0xFFFFFCE0];
	_ =	sdelay $0x4  }
0xd8: {  	v3 =	vadd.f32 @!p0 v4, v3;
	_ =	sdelay $0x1  }
0xd9: {  	[tilespmem:s20+$0x10360] =	vst @!p0 v3;
	v3 =	vld @!p0 [tilespmem:s20+$0x10370]  }
0xda: {  	v4 =	vld @!p0 [tilespmem:s18+$0xFFFFFCF0];
	_ =	sdelay $0x3  }
0xdb: {  	s21 =	spop (v2sf)  }
0xdc: {  	p1 =	sgt.u32 s21, $0x13F;
	v3 =	vadd.f32 @!p0 v4, v3  }
0xdd: {  	s21 =	sshll.u32 @!p1 s21, $0x7  }
0xde: {  	[tilespmem:s20+$0x10370] =	vst @!p0 v3;
	s20 =	sand.u32 @!p1 $0x3FFFFF80, s21  }
0xdf: {  	v3 =	vld @!p1 [tilespmem:s20+$0x10300]  }
0xe0: {  	v4 =	vld @!p1 [tilespmem:s18+$0xFFFFFD00];
	_ =	sdelay $0x4  }
0xe1: {  	v3 =	vadd.f32 @!p1 v4, v3;
	_ =	sdelay $0x1  }
0xe2: {  	[tilespmem:s20+$0x10300] =	vst @!p1 v3;
	v3 =	vld @!p1 [tilespmem:s20+$0x10310]  }
0xe3: {  	v4 =	vld @!p1 [tilespmem:s18+$0xFFFFFD10];
	_ =	sdelay $0x4  }
0xe4: {  	v3 =	vadd.f32 @!p1 v4, v3;
	_ =	sdelay $0x1  }
0xe5: {  	[tilespmem:s20+$0x10310] =	vst @!p1 v3;
	v3 =	vld @!p1 [tilespmem:s20+$0x10320]  }
0xe6: {  	v4 =	vld @!p1 [tilespmem:s18+$0xFFFFFD20];
	_ =	sdelay $0x4  }
0xe7: {  	v3 =	vadd.f32 @!p1 v4, v3;
	_ =	sdelay $0x1  }
0xe8: {  	[tilespmem:s20+$0x10320] =	vst @!p1 v3;
	v3 =	vld @!p1 [tilespmem:s20+$0x10330]  }
0xe9: {  	v4 =	vld @!p1 [tilespmem:s18+$0xFFFFFD30];
	_ =	sdelay $0x4  }
0xea: {  	v3 =	vadd.f32 @!p1 v4, v3;
	_ =	sdelay $0x1  }
0xeb: {  	[tilespmem:s20+$0x10330] =	vst @!p1 v3;
	v3 =	vld @!p1 [tilespmem:s20+$0x10340]  }
0xec: {  	v4 =	vld @!p1 [tilespmem:s18+$0xFFFFFD40];
	_ =	sdelay $0x4  }
0xed: {  	v3 =	vadd.f32 @!p1 v4, v3;
	_ =	sdelay $0x1  }
0xee: {  	[tilespmem:s20+$0x10340] =	vst @!p1 v3;
	v3 =	vld @!p1 [tilespmem:s20+$0x10350]  }
0xef: {  	v4 =	vld @!p1 [tilespmem:s18+$0xFFFFFD50];
	_ =	sdelay $0x4  }
0xf0: {  	(v2sf) =	vpush v2, $0x3;
	v3 =	vadd.f32 @!p1 v4, v3;
	_ =	sdelay $0x1  }
0xf1: {  	[tilespmem:s20+$0x10350] =	vst @!p1 v3;
	v3 =	vld @!p1 [tilespmem:s20+$0x10360]  }
0xf2: {  	v4 =	vld @!p1 [tilespmem:s18+$0xFFFFFD60];
	_ =	sdelay $0x4  }
0xf3: {  	v3 =	vadd.f32 @!p1 v4, v3;
	_ =	sdelay $0x1  }
0xf4: {  	[tilespmem:s20+$0x10360] =	vst @!p1 v3;
	v3 =	vld @!p1 [tilespmem:s20+$0x10370]  }
0xf5: {  	v4 =	vld @!p1 [tilespmem:s18+$0xFFFFFD70];
	_ =	sdelay $0x3  }
0xf6: {  	s21 =	spop (v2sf)  }
0xf7: {  	p0 =	sgt.u32 s21, $0x13F;
	v3 =	vadd.f32 @!p1 v4, v3  }
0xf8: {  	s21 =	sshll.u32 @!p0 s21, $0x7  }
0xf9: {  	[tilespmem:s20+$0x10370] =	vst @!p1 v3;
	s20 =	sand.u32 @!p0 $0x3FFFFF80, s21  }
0xfa: {  	v3 =	vld @!p0 [tilespmem:s20+$0x10300]  }
0xfb: {  	v4 =	vld @!p0 [tilespmem:s18+$0xFFFFFD80];
	_ =	sdelay $0x4  }
0xfc: {  	v3 =	vadd.f32 @!p0 v4, v3;
	_ =	sdelay $0x1  }
0xfd: {  	[tilespmem:s20+$0x10300] =	vst @!p0 v3;
	v3 =	vld @!p0 [tilespmem:s20+$0x10310]  }
0xfe: {  	v4 =	vld @!p0 [tilespmem:s18+$0xFFFFFD90];
	_ =	sdelay $0x4  }
0xff: {  	v3 =	vadd.f32 @!p0 v4, v3;
	_ =	sdelay $0x1  }
0x100: {  	[tilespmem:s20+$0x10310] =	vst @!p0 v3;
	v3 =	vld @!p0 [tilespmem:s20+$0x10320]  }
0x101: {  	v4 =	vld @!p0 [tilespmem:s18+$0xFFFFFDA0];
	_ =	sdelay $0x4  }
0x102: {  	v3 =	vadd.f32 @!p0 v4, v3;
	_ =	sdelay $0x1  }
0x103: {  	[tilespmem:s20+$0x10320] =	vst @!p0 v3;
	v3 =	vld @!p0 [tilespmem:s20+$0x10330]  }
0x104: {  	v4 =	vld @!p0 [tilespmem:s18+$0xFFFFFDB0];
	_ =	sdelay $0x4  }
0x105: {  	v3 =	vadd.f32 @!p0 v4, v3;
	_ =	sdelay $0x1  }
0x106: {  	[tilespmem:s20+$0x10330] =	vst @!p0 v3;
	v3 =	vld @!p0 [tilespmem:s20+$0x10340]  }
0x107: {  	v4 =	vld @!p0 [tilespmem:s18+$0xFFFFFDC0];
	_ =	sdelay $0x4  }
0x108: {  	v3 =	vadd.f32 @!p0 v4, v3;
	_ =	sdelay $0x1  }
0x109: {  	[tilespmem:s20+$0x10340] =	vst @!p0 v3;
	v3 =	vld @!p0 [tilespmem:s20+$0x10350]  }
0x10a: {  	v4 =	vld @!p0 [tilespmem:s18+$0xFFFFFDD0];
	_ =	sdelay $0x4  }
0x10b: {  	(v2sf) =	vpush v2, $0x4;
	v3 =	vadd.f32 @!p0 v4, v3;
	_ =	sdelay $0x1  }
0x10c: {  	[tilespmem:s20+$0x10350] =	vst @!p0 v3;
	v3 =	vld @!p0 [tilespmem:s20+$0x10360]  }
0x10d: {  	v4 =	vld @!p0 [tilespmem:s18+$0xFFFFFDE0];
	_ =	sdelay $0x4  }
0x10e: {  	v3 =	vadd.f32 @!p0 v4, v3;
	_ =	sdelay $0x1  }
0x10f: {  	[tilespmem:s20+$0x10360] =	vst @!p0 v3;
	v3 =	vld @!p0 [tilespmem:s20+$0x10370]  }
0x110: {  	v4 =	vld @!p0 [tilespmem:s18+$0xFFFFFDF0];
	_ =	sdelay $0x3  }
0x111: {  	s21 =	spop (v2sf)  }
0x112: {  	p1 =	sgt.u32 s21, $0x13F;
	v3 =	vadd.f32 @!p0 v4, v3  }
0x113: {  	s21 =	sshll.u32 @!p1 s21, $0x7  }
0x114: {  	[tilespmem:s20+$0x10370] =	vst @!p0 v3;
	s20 =	sand.u32 @!p1 $0x3FFFFF80, s21  }
0x115: {  	v3 =	vld @!p1 [tilespmem:s20+$0x10300]  }
0x116: {  	v4 =	vld @!p1 [tilespmem:s18+$0xFFFFFE00];
	_ =	sdelay $0x4  }
0x117: {  	v3 =	vadd.f32 @!p1 v4, v3;
	_ =	sdelay $0x1  }
0x118: {  	[tilespmem:s20+$0x10300] =	vst @!p1 v3;
	v3 =	vld @!p1 [tilespmem:s20+$0x10310]  }
0x119: {  	v4 =	vld @!p1 [tilespmem:s18+$0xFFFFFE10];
	_ =	sdelay $0x4  }
0x11a: {  	v3 =	vadd.f32 @!p1 v4, v3;
	_ =	sdelay $0x1  }
0x11b: {  	[tilespmem:s20+$0x10310] =	vst @!p1 v3;
	v3 =	vld @!p1 [tilespmem:s20+$0x10320]  }
0x11c: {  	v4 =	vld @!p1 [tilespmem:s18+$0xFFFFFE20];
	_ =	sdelay $0x4  }
0x11d: {  	v3 =	vadd.f32 @!p1 v4, v3;
	_ =	sdelay $0x1  }
0x11e: {  	[tilespmem:s20+$0x10320] =	vst @!p1 v3;
	v3 =	vld @!p1 [tilespmem:s20+$0x10330]  }
0x11f: {  	v4 =	vld @!p1 [tilespmem:s18+$0xFFFFFE30];
	_ =	sdelay $0x4  }
0x120: {  	v3 =	vadd.f32 @!p1 v4, v3;
	_ =	sdelay $0x1  }
0x121: {  	[tilespmem:s20+$0x10330] =	vst @!p1 v3;
	v3 =	vld @!p1 [tilespmem:s20+$0x10340]  }
0x122: {  	v4 =	vld @!p1 [tilespmem:s18+$0xFFFFFE40];
	_ =	sdelay $0x4  }
0x123: {  	v3 =	vadd.f32 @!p1 v4, v3;
	_ =	sdelay $0x1  }
0x124: {  	[tilespmem:s20+$0x10340] =	vst @!p1 v3;
	v3 =	vld @!p1 [tilespmem:s20+$0x10350]  }
0x125: {  	v4 =	vld @!p1 [tilespmem:s18+$0xFFFFFE50];
	_ =	sdelay $0x4  }
0x126: {  	(v2sf) =	vpush v2, $0x5;
	v3 =	vadd.f32 @!p1 v4, v3;
	_ =	sdelay $0x1  }
0x127: {  	[tilespmem:s20+$0x10350] =	vst @!p1 v3;
	v3 =	vld @!p1 [tilespmem:s20+$0x10360]  }
0x128: {  	v4 =	vld @!p1 [tilespmem:s18+$0xFFFFFE60];
	_ =	sdelay $0x4  }
0x129: {  	v3 =	vadd.f32 @!p1 v4, v3;
	_ =	sdelay $0x1  }
0x12a: {  	[tilespmem:s20+$0x10360] =	vst @!p1 v3;
	v3 =	vld @!p1 [tilespmem:s20+$0x10370]  }
0x12b: {  	v4 =	vld @!p1 [tilespmem:s18+$0xFFFFFE70];
	_ =	sdelay $0x3  }
0x12c: {  	s21 =	spop (v2sf)  }
0x12d: {  	p0 =	sgt.u32 s21, $0x13F;
	v3 =	vadd.f32 @!p1 v4, v3  }
0x12e: {  	s21 =	sshll.u32 @!p0 s21, $0x7  }
0x12f: {  	[tilespmem:s20+$0x10370] =	vst @!p1 v3;
	s20 =	sand.u32 @!p0 $0x3FFFFF80, s21  }
0x130: {  	v3 =	vld @!p0 [tilespmem:s20+$0x10300]  }
0x131: {  	v4 =	vld @!p0 [tilespmem:s18+$0xFFFFFE80];
	_ =	sdelay $0x4  }
0x132: {  	v3 =	vadd.f32 @!p0 v4, v3;
	_ =	sdelay $0x1  }
0x133: {  	[tilespmem:s20+$0x10300] =	vst @!p0 v3;
	v3 =	vld @!p0 [tilespmem:s20+$0x10310]  }
0x134: {  	v4 =	vld @!p0 [tilespmem:s18+$0xFFFFFE90];
	_ =	sdelay $0x4  }
0x135: {  	v3 =	vadd.f32 @!p0 v4, v3;
	_ =	sdelay $0x1  }
0x136: {  	[tilespmem:s20+$0x10310] =	vst @!p0 v3;
	v3 =	vld @!p0 [tilespmem:s20+$0x10320]  }
0x137: {  	v4 =	vld @!p0 [tilespmem:s18+$0xFFFFFEA0];
	_ =	sdelay $0x4  }
0x138: {  	v3 =	vadd.f32 @!p0 v4, v3;
	_ =	sdelay $0x1  }
0x139: {  	[tilespmem:s20+$0x10320] =	vst @!p0 v3;
	v3 =	vld @!p0 [tilespmem:s20+$0x10330]  }
0x13a: {  	v4 =	vld @!p0 [tilespmem:s18+$0xFFFFFEB0];
	_ =	sdelay $0x4  }
0x13b: {  	v3 =	vadd.f32 @!p0 v4, v3;
	_ =	sdelay $0x1  }
0x13c: {  	[tilespmem:s20+$0x10330] =	vst @!p0 v3;
	v3 =	vld @!p0 [tilespmem:s20+$0x10340]  }
0x13d: {  	v4 =	vld @!p0 [tilespmem:s18+$0xFFFFFEC0];
	_ =	sdelay $0x4  }
0x13e: {  	v3 =	vadd.f32 @!p0 v4, v3;
	_ =	sdelay $0x1  }
0x13f: {  	[tilespmem:s20+$0x10340] =	vst @!p0 v3;
	v3 =	vld @!p0 [tilespmem:s20+$0x10350]  }
0x140: {  	v4 =	vld @!p0 [tilespmem:s18+$0xFFFFFED0];
	_ =	sdelay $0x4  }
0x141: {  	(v2sf) =	vpush v2, $0x6;
	v3 =	vadd.f32 @!p0 v4, v3;
	_ =	sdelay $0x1  }
0x142: {  	[tilespmem:s20+$0x10350] =	vst @!p0 v3;
	v3 =	vld @!p0 [tilespmem:s20+$0x10360]  }
0x143: {  	v4 =	vld @!p0 [tilespmem:s18+$0xFFFFFEE0];
	_ =	sdelay $0x4  }
0x144: {  	v3 =	vadd.f32 @!p0 v4, v3;
	_ =	sdelay $0x1  }
0x145: {  	[tilespmem:s20+$0x10360] =	vst @!p0 v3;
	v3 =	vld @!p0 [tilespmem:s20+$0x10370]  }
0x146: {  	v4 =	vld @!p0 [tilespmem:s18+$0xFFFFFEF0];
	_ =	sdelay $0x3  }
0x147: {  	s21 =	spop (v2sf)  }
0x148: {  	p1 =	sgt.u32 s21, $0x13F;
	v3 =	vadd.f32 @!p0 v4, v3  }
0x149: {  	s21 =	sshll.u32 @!p1 s21, $0x7  }
0x14a: {  	[tilespmem:s20+$0x10370] =	vst @!p0 v3;
	s20 =	sand.u32 @!p1 $0x3FFFFF80, s21  }
0x14b: {  	v3 =	vld @!p1 [tilespmem:s20+$0x10300]  }
0x14c: {  	v4 =	vld @!p1 [tilespmem:s18+$0xFFFFFF00];
	_ =	sdelay $0x4  }
0x14d: {  	v3 =	vadd.f32 @!p1 v4, v3;
	_ =	sdelay $0x1  }
0x14e: {  	[tilespmem:s20+$0x10300] =	vst @!p1 v3;
	v3 =	vld @!p1 [tilespmem:s20+$0x10310]  }
0x14f: {  	v4 =	vld @!p1 [tilespmem:s18+$0xFFFFFF10];
	_ =	sdelay $0x4  }
0x150: {  	v3 =	vadd.f32 @!p1 v4, v3;
	_ =	sdelay $0x1  }
0x151: {  	[tilespmem:s20+$0x10310] =	vst @!p1 v3;
	v3 =	vld @!p1 [tilespmem:s20+$0x10320]  }
0x152: {  	v4 =	vld @!p1 [tilespmem:s18+$0xFFFFFF20];
	_ =	sdelay $0x4  }
0x153: {  	v3 =	vadd.f32 @!p1 v4, v3;
	_ =	sdelay $0x1  }
0x154: {  	[tilespmem:s20+$0x10320] =	vst @!p1 v3;
	v3 =	vld @!p1 [tilespmem:s20+$0x10330]  }
0x155: {  	v4 =	vld @!p1 [tilespmem:s18+$0xFFFFFF30];
	_ =	sdelay $0x4  }
0x156: {  	v3 =	vadd.f32 @!p1 v4, v3;
	_ =	sdelay $0x1  }
0x157: {  	[tilespmem:s20+$0x10330] =	vst @!p1 v3;
	v3 =	vld @!p1 [tilespmem:s20+$0x10340]  }
0x158: {  	v4 =	vld @!p1 [tilespmem:s18+$0xFFFFFF40];
	_ =	sdelay $0x4  }
0x159: {  	v3 =	vadd.f32 @!p1 v4, v3;
	_ =	sdelay $0x1  }
0x15a: {  	[tilespmem:s20+$0x10340] =	vst @!p1 v3;
	v3 =	vld @!p1 [tilespmem:s20+$0x10350]  }
0x15b: {  	v4 =	vld @!p1 [tilespmem:s18+$0xFFFFFF50];
	_ =	sdelay $0x4  }
0x15c: {  	(v2sf) =	vpush v2, $0x7;
	v3 =	vadd.f32 @!p1 v4, v3;
	_ =	sdelay $0x1  }
0x15d: {  	[tilespmem:s20+$0x10350] =	vst @!p1 v3;
	v3 =	vld @!p1 [tilespmem:s20+$0x10360]  }
0x15e: {  	v4 =	vld @!p1 [tilespmem:s18+$0xFFFFFF60];
	_ =	sdelay $0x4  }
0x15f: {  	v3 =	vadd.f32 @!p1 v4, v3;
	_ =	sdelay $0x1  }
0x160: {  	[tilespmem:s20+$0x10360] =	vst @!p1 v3;
	v3 =	vld @!p1 [tilespmem:s20+$0x10370]  }
0x161: {  	v4 =	vld @!p1 [tilespmem:s18+$0xFFFFFF70];
	_ =	sdelay $0x3  }
0x162: {  	s21 =	spop (v2sf)  }
0x163: {  	p0 =	sgt.u32 s21, $0x13F;
	v3 =	vadd.f32 @!p1 v4, v3  }
0x164: {  	s21 =	sshll.u32 @!p0 s21, $0x7  }
0x165: {  	[tilespmem:s20+$0x10370] =	vst @!p1 v3;
	s20 =	sand.u32 @!p0 $0x3FFFFF80, s21  }
0x166: {  	v3 =	vld @!p0 [tilespmem:s20+$0x10300]  }
0x167: {  	v4 =	vld @!p0 [tilespmem:s18+$0xFFFFFF80];
	_ =	sdelay $0x4  }
0x168: {  	v3 =	vadd.f32 @!p0 v4, v3;
	_ =	sdelay $0x1  }
0x169: {  	[tilespmem:s20+$0x10300] =	vst @!p0 v3;
	v3 =	vld @!p0 [tilespmem:s20+$0x10310]  }
0x16a: {  	v4 =	vld @!p0 [tilespmem:s18+$0xFFFFFF90];
	_ =	sdelay $0x4  }
0x16b: {  	v3 =	vadd.f32 @!p0 v4, v3;
	_ =	sdelay $0x1  }
0x16c: {  	[tilespmem:s20+$0x10310] =	vst @!p0 v3;
	v3 =	vld @!p0 [tilespmem:s20+$0x10320]  }
0x16d: {  	v4 =	vld @!p0 [tilespmem:s18+$0xFFFFFFA0];
	_ =	sdelay $0x4  }
0x16e: {  	v3 =	vadd.f32 @!p0 v4, v3;
	_ =	sdelay $0x1  }
0x16f: {  	[tilespmem:s20+$0x10320] =	vst @!p0 v3;
	v3 =	vld @!p0 [tilespmem:s20+$0x10330]  }
0x170: {  	v4 =	vld @!p0 [tilespmem:s18+$0xFFFFFFB0];
	_ =	sdelay $0x4  }
0x171: {  	v3 =	vadd.f32 @!p0 v4, v3;
	_ =	sdelay $0x1  }
0x172: {  	[tilespmem:s20+$0x10330] =	vst @!p0 v3;
	v3 =	vld @!p0 [tilespmem:s20+$0x10340]  }
0x173: {  	v4 =	vld @!p0 [tilespmem:s18+$0xFFFFFFC0];
	_ =	sdelay $0x4  }
0x174: {  	v3 =	vadd.f32 @!p0 v4, v3;
	_ =	sdelay $0x1  }
0x175: {  	[tilespmem:s20+$0x10340] =	vst @!p0 v3;
	v3 =	vld @!p0 [tilespmem:s20+$0x10350]  }
0x176: {  	v4 =	vld @!p0 [tilespmem:s18+$0xFFFFFFD0];
	_ =	sdelay $0x4  }
0x177: {  	(v2sf) =	vpush v2, $0x8;
	v3 =	vadd.f32 @!p0 v4, v3;
	_ =	sdelay $0x1  }
0x178: {  	[tilespmem:s20+$0x10350] =	vst @!p0 v3;
	v3 =	vld @!p0 [tilespmem:s20+$0x10360]  }
0x179: {  	v4 =	vld @!p0 [tilespmem:s18+$0xFFFFFFE0];
	_ =	sdelay $0x4  }
0x17a: {  	v3 =	vadd.f32 @!p0 v4, v3;
	_ =	sdelay $0x1  }
0x17b: {  	[tilespmem:s20+$0x10360] =	vst @!p0 v3;
	v3 =	vld @!p0 [tilespmem:s20+$0x10370]  }
0x17c: {  	v4 =	vld @!p0 [tilespmem:s18+$0xFFFFFFF0];
	_ =	sdelay $0x3  }
0x17d: {  	s21 =	spop (v2sf)  }
0x17e: {  	p1 =	sgt.u32 s21, $0x13F;
	v3 =	vadd.f32 @!p0 v4, v3  }
0x17f: {  	s21 =	sshll.u32 @!p1 s21, $0x7  }
0x180: {  	[tilespmem:s20+$0x10370] =	vst @!p0 v3;
	s20 =	sand.u32 @!p1 $0x3FFFFF80, s21  }
0x181: {  	v3 =	vld @!p1 [tilespmem:s20+$0x10300]  }
0x182: {  	v4 =	vld @!p1 [tilespmem:s18+$0x0];
	_ =	sdelay $0x4  }
0x183: {  	v3 =	vadd.f32 @!p1 v4, v3;
	_ =	sdelay $0x1  }
0x184: {  	[tilespmem:s20+$0x10300] =	vst @!p1 v3;
	v3 =	vld @!p1 [tilespmem:s20+$0x10310]  }
0x185: {  	v4 =	vld @!p1 [tilespmem:s18+$0x10];
	_ =	sdelay $0x4  }
0x186: {  	v3 =	vadd.f32 @!p1 v4, v3;
	_ =	sdelay $0x1  }
0x187: {  	[tilespmem:s20+$0x10310] =	vst @!p1 v3;
	v3 =	vld @!p1 [tilespmem:s20+$0x10320]  }
0x188: {  	v4 =	vld @!p1 [tilespmem:s18+$0x20];
	_ =	sdelay $0x4  }
0x189: {  	v3 =	vadd.f32 @!p1 v4, v3;
	_ =	sdelay $0x1  }
0x18a: {  	[tilespmem:s20+$0x10320] =	vst @!p1 v3;
	v3 =	vld @!p1 [tilespmem:s20+$0x10330]  }
0x18b: {  	v4 =	vld @!p1 [tilespmem:s18+$0x30];
	_ =	sdelay $0x4  }
0x18c: {  	v3 =	vadd.f32 @!p1 v4, v3;
	_ =	sdelay $0x1  }
0x18d: {  	[tilespmem:s20+$0x10330] =	vst @!p1 v3;
	v3 =	vld @!p1 [tilespmem:s20+$0x10340]  }
0x18e: {  	v4 =	vld @!p1 [tilespmem:s18+$0x40];
	_ =	sdelay $0x4  }
0x18f: {  	v3 =	vadd.f32 @!p1 v4, v3;
	_ =	sdelay $0x1  }
0x190: {  	[tilespmem:s20+$0x10340] =	vst @!p1 v3;
	v3 =	vld @!p1 [tilespmem:s20+$0x10350]  }
0x191: {  	v4 =	vld @!p1 [tilespmem:s18+$0x50];
	_ =	sdelay $0x4  }
0x192: {  	(v2sf) =	vpush v2, $0x9;
	v3 =	vadd.f32 @!p1 v4, v3;
	_ =	sdelay $0x1  }
0x193: {  	[tilespmem:s20+$0x10350] =	vst @!p1 v3;
	v3 =	vld @!p1 [tilespmem:s20+$0x10360]  }
0x194: {  	v4 =	vld @!p1 [tilespmem:s18+$0x60];
	_ =	sdelay $0x4  }
0x195: {  	v3 =	vadd.f32 @!p1 v4, v3;
	_ =	sdelay $0x1  }
0x196: {  	[tilespmem:s20+$0x10360] =	vst @!p1 v3;
	v3 =	vld @!p1 [tilespmem:s20+$0x10370]  }
0x197: {  	v4 =	vld @!p1 [tilespmem:s18+$0x70];
	_ =	sdelay $0x3  }
0x198: {  	s21 =	spop (v2sf)  }
0x199: {  	p0 =	sgt.u32 s21, $0x13F;
	v3 =	vadd.f32 @!p1 v4, v3  }
0x19a: {  	s21 =	sshll.u32 @!p0 s21, $0x7  }
0x19b: {  	[tilespmem:s20+$0x10370] =	vst @!p1 v3;
	s20 =	sand.u32 @!p0 $0x3FFFFF80, s21  }
0x19c: {  	v3 =	vld @!p0 [tilespmem:s20+$0x10300]  }
0x19d: {  	v4 =	vld @!p0 [tilespmem:s18+$0x80];
	_ =	sdelay $0x4  }
0x19e: {  	v3 =	vadd.f32 @!p0 v4, v3;
	_ =	sdelay $0x1  }
0x19f: {  	[tilespmem:s20+$0x10300] =	vst @!p0 v3;
	v3 =	vld @!p0 [tilespmem:s20+$0x10310]  }
0x1a0: {  	v4 =	vld @!p0 [tilespmem:s18+$0x90];
	_ =	sdelay $0x4  }
0x1a1: {  	v3 =	vadd.f32 @!p0 v4, v3;
	_ =	sdelay $0x1  }
0x1a2: {  	[tilespmem:s20+$0x10310] =	vst @!p0 v3;
	v3 =	vld @!p0 [tilespmem:s20+$0x10320]  }
0x1a3: {  	v4 =	vld @!p0 [tilespmem:s18+$0xA0];
	_ =	sdelay $0x4  }
0x1a4: {  	v3 =	vadd.f32 @!p0 v4, v3;
	_ =	sdelay $0x1  }
0x1a5: {  	[tilespmem:s20+$0x10320] =	vst @!p0 v3;
	v3 =	vld @!p0 [tilespmem:s20+$0x10330]  }
0x1a6: {  	v4 =	vld @!p0 [tilespmem:s18+$0xB0];
	_ =	sdelay $0x4  }
0x1a7: {  	v3 =	vadd.f32 @!p0 v4, v3;
	_ =	sdelay $0x1  }
0x1a8: {  	[tilespmem:s20+$0x10330] =	vst @!p0 v3;
	v3 =	vld @!p0 [tilespmem:s20+$0x10340]  }
0x1a9: {  	v4 =	vld @!p0 [tilespmem:s18+$0xC0];
	_ =	sdelay $0x4  }
0x1aa: {  	v3 =	vadd.f32 @!p0 v4, v3;
	_ =	sdelay $0x1  }
0x1ab: {  	[tilespmem:s20+$0x10340] =	vst @!p0 v3;
	v3 =	vld @!p0 [tilespmem:s20+$0x10350]  }
0x1ac: {  	v4 =	vld @!p0 [tilespmem:s18+$0xD0];
	_ =	sdelay $0x4  }
0x1ad: {  	(v2sf) =	vpush v2, $0xA;
	v3 =	vadd.f32 @!p0 v4, v3;
	_ =	sdelay $0x1  }
0x1ae: {  	[tilespmem:s20+$0x10350] =	vst @!p0 v3;
	v3 =	vld @!p0 [tilespmem:s20+$0x10360]  }
0x1af: {  	v4 =	vld @!p0 [tilespmem:s18+$0xE0];
	_ =	sdelay $0x4  }
0x1b0: {  	v3 =	vadd.f32 @!p0 v4, v3;
	_ =	sdelay $0x1  }
0x1b1: {  	[tilespmem:s20+$0x10360] =	vst @!p0 v3;
	v3 =	vld @!p0 [tilespmem:s20+$0x10370]  }
0x1b2: {  	v4 =	vld @!p0 [tilespmem:s18+$0xF0];
	_ =	sdelay $0x3  }
0x1b3: {  	s21 =	spop (v2sf)  }
0x1b4: {  	p1 =	sgt.u32 s21, $0x13F;
	v3 =	vadd.f32 @!p0 v4, v3  }
0x1b5: {  	s21 =	sshll.u32 @!p1 s21, $0x7  }
0x1b6: {  	[tilespmem:s20+$0x10370] =	vst @!p0 v3;
	s20 =	sand.u32 @!p1 $0x3FFFFF80, s21  }
0x1b7: {  	v3 =	vld @!p1 [tilespmem:s20+$0x10300]  }
0x1b8: {  	v4 =	vld @!p1 [tilespmem:s18+$0x100];
	_ =	sdelay $0x4  }
0x1b9: {  	v3 =	vadd.f32 @!p1 v4, v3;
	_ =	sdelay $0x1  }
0x1ba: {  	[tilespmem:s20+$0x10300] =	vst @!p1 v3;
	v3 =	vld @!p1 [tilespmem:s20+$0x10310]  }
0x1bb: {  	v4 =	vld @!p1 [tilespmem:s18+$0x110];
	_ =	sdelay $0x4  }
0x1bc: {  	v3 =	vadd.f32 @!p1 v4, v3;
	_ =	sdelay $0x1  }
0x1bd: {  	[tilespmem:s20+$0x10310] =	vst @!p1 v3;
	v3 =	vld @!p1 [tilespmem:s20+$0x10320]  }
0x1be: {  	v4 =	vld @!p1 [tilespmem:s18+$0x120];
	_ =	sdelay $0x4  }
0x1bf: {  	v3 =	vadd.f32 @!p1 v4, v3;
	_ =	sdelay $0x1  }
0x1c0: {  	[tilespmem:s20+$0x10320] =	vst @!p1 v3;
	v3 =	vld @!p1 [tilespmem:s20+$0x10330]  }
0x1c1: {  	v4 =	vld @!p1 [tilespmem:s18+$0x130];
	_ =	sdelay $0x4  }
0x1c2: {  	v3 =	vadd.f32 @!p1 v4, v3;
	_ =	sdelay $0x1  }
0x1c3: {  	[tilespmem:s20+$0x10330] =	vst @!p1 v3;
	v3 =	vld @!p1 [tilespmem:s20+$0x10340]  }
0x1c4: {  	v4 =	vld @!p1 [tilespmem:s18+$0x140];
	_ =	sdelay $0x4  }
0x1c5: {  	v3 =	vadd.f32 @!p1 v4, v3;
	_ =	sdelay $0x1  }
0x1c6: {  	[tilespmem:s20+$0x10340] =	vst @!p1 v3;
	v3 =	vld @!p1 [tilespmem:s20+$0x10350]  }
0x1c7: {  	v4 =	vld @!p1 [tilespmem:s18+$0x150];
	_ =	sdelay $0x4  }
0x1c8: {  	(v2sf) =	vpush v2, $0xB;
	v3 =	vadd.f32 @!p1 v4, v3;
	_ =	sdelay $0x1  }
0x1c9: {  	[tilespmem:s20+$0x10350] =	vst @!p1 v3;
	v3 =	vld @!p1 [tilespmem:s20+$0x10360]  }
0x1ca: {  	v4 =	vld @!p1 [tilespmem:s18+$0x160];
	_ =	sdelay $0x4  }
0x1cb: {  	v3 =	vadd.f32 @!p1 v4, v3;
	_ =	sdelay $0x1  }
0x1cc: {  	[tilespmem:s20+$0x10360] =	vst @!p1 v3;
	v3 =	vld @!p1 [tilespmem:s20+$0x10370]  }
0x1cd: {  	v4 =	vld @!p1 [tilespmem:s18+$0x170];
	_ =	sdelay $0x3  }
0x1ce: {  	s21 =	spop (v2sf)  }
0x1cf: {  	p0 =	sgt.u32 s21, $0x13F;
	v3 =	vadd.f32 @!p1 v4, v3  }
0x1d0: {  	s21 =	sshll.u32 @!p0 s21, $0x7  }
0x1d1: {  	[tilespmem:s20+$0x10370] =	vst @!p1 v3;
	s20 =	sand.u32 @!p0 $0x3FFFFF80, s21  }
0x1d2: {  	v3 =	vld @!p0 [tilespmem:s20+$0x10300]  }
0x1d3: {  	v4 =	vld @!p0 [tilespmem:s18+$0x180];
	_ =	sdelay $0x4  }
0x1d4: {  	v3 =	vadd.f32 @!p0 v4, v3;
	_ =	sdelay $0x1  }
0x1d5: {  	[tilespmem:s20+$0x10300] =	vst @!p0 v3;
	v3 =	vld @!p0 [tilespmem:s20+$0x10310]  }
0x1d6: {  	v4 =	vld @!p0 [tilespmem:s18+$0x190];
	_ =	sdelay $0x4  }
0x1d7: {  	v3 =	vadd.f32 @!p0 v4, v3;
	_ =	sdelay $0x1  }
0x1d8: {  	[tilespmem:s20+$0x10310] =	vst @!p0 v3;
	v3 =	vld @!p0 [tilespmem:s20+$0x10320]  }
0x1d9: {  	v4 =	vld @!p0 [tilespmem:s18+$0x1A0];
	_ =	sdelay $0x4  }
0x1da: {  	v3 =	vadd.f32 @!p0 v4, v3;
	_ =	sdelay $0x1  }
0x1db: {  	[tilespmem:s20+$0x10320] =	vst @!p0 v3;
	v3 =	vld @!p0 [tilespmem:s20+$0x10330]  }
0x1dc: {  	v4 =	vld @!p0 [tilespmem:s18+$0x1B0];
	_ =	sdelay $0x4  }
0x1dd: {  	v3 =	vadd.f32 @!p0 v4, v3;
	_ =	sdelay $0x1  }
0x1de: {  	[tilespmem:s20+$0x10330] =	vst @!p0 v3;
	v3 =	vld @!p0 [tilespmem:s20+$0x10340]  }
0x1df: {  	v4 =	vld @!p0 [tilespmem:s18+$0x1C0];
	_ =	sdelay $0x4  }
0x1e0: {  	v3 =	vadd.f32 @!p0 v4, v3;
	_ =	sdelay $0x1  }
0x1e1: {  	[tilespmem:s20+$0x10340] =	vst @!p0 v3;
	v3 =	vld @!p0 [tilespmem:s20+$0x10350]  }
0x1e2: {  	v4 =	vld @!p0 [tilespmem:s18+$0x1D0];
	_ =	sdelay $0x4  }
0x1e3: {  	(v2sf) =	vpush v2, $0xC;
	v3 =	vadd.f32 @!p0 v4, v3;
	_ =	sdelay $0x1  }
0x1e4: {  	[tilespmem:s20+$0x10350] =	vst @!p0 v3;
	v3 =	vld @!p0 [tilespmem:s20+$0x10360]  }
0x1e5: {  	v4 =	vld @!p0 [tilespmem:s18+$0x1E0];
	_ =	sdelay $0x4  }
0x1e6: {  	v3 =	vadd.f32 @!p0 v4, v3;
	_ =	sdelay $0x1  }
0x1e7: {  	[tilespmem:s20+$0x10360] =	vst @!p0 v3;
	v3 =	vld @!p0 [tilespmem:s20+$0x10370]  }
0x1e8: {  	v4 =	vld @!p0 [tilespmem:s18+$0x1F0];
	_ =	sdelay $0x3  }
0x1e9: {  	s21 =	spop (v2sf)  }
0x1ea: {  	p1 =	sgt.u32 s21, $0x13F;
	v3 =	vadd.f32 @!p0 v4, v3  }
0x1eb: {  	s21 =	sshll.u32 @!p1 s21, $0x7  }
0x1ec: {  	[tilespmem:s20+$0x10370] =	vst @!p0 v3;
	s20 =	sand.u32 @!p1 $0x3FFFFF80, s21  }
0x1ed: {  	v3 =	vld @!p1 [tilespmem:s20+$0x10300]  }
0x1ee: {  	v4 =	vld @!p1 [tilespmem:s18+$0x200];
	_ =	sdelay $0x4  }
0x1ef: {  	v3 =	vadd.f32 @!p1 v4, v3;
	_ =	sdelay $0x1  }
0x1f0: {  	[tilespmem:s20+$0x10300] =	vst @!p1 v3;
	v3 =	vld @!p1 [tilespmem:s20+$0x10310]  }
0x1f1: {  	v4 =	vld @!p1 [tilespmem:s18+$0x210];
	_ =	sdelay $0x4  }
0x1f2: {  	v3 =	vadd.f32 @!p1 v4, v3;
	_ =	sdelay $0x1  }
0x1f3: {  	[tilespmem:s20+$0x10310] =	vst @!p1 v3;
	v3 =	vld @!p1 [tilespmem:s20+$0x10320]  }
0x1f4: {  	v4 =	vld @!p1 [tilespmem:s18+$0x220];
	_ =	sdelay $0x4  }
0x1f5: {  	v3 =	vadd.f32 @!p1 v4, v3;
	_ =	sdelay $0x1  }
0x1f6: {  	[tilespmem:s20+$0x10320] =	vst @!p1 v3;
	v3 =	vld @!p1 [tilespmem:s20+$0x10330]  }
0x1f7: {  	v4 =	vld @!p1 [tilespmem:s18+$0x230];
	_ =	sdelay $0x4  }
0x1f8: {  	v3 =	vadd.f32 @!p1 v4, v3;
	_ =	sdelay $0x1  }
0x1f9: {  	[tilespmem:s20+$0x10330] =	vst @!p1 v3;
	v3 =	vld @!p1 [tilespmem:s20+$0x10340]  }
0x1fa: {  	v4 =	vld @!p1 [tilespmem:s18+$0x240];
	_ =	sdelay $0x4  }
0x1fb: {  	v3 =	vadd.f32 @!p1 v4, v3;
	_ =	sdelay $0x1  }
0x1fc: {  	[tilespmem:s20+$0x10340] =	vst @!p1 v3;
	v3 =	vld @!p1 [tilespmem:s20+$0x10350]  }
0x1fd: {  	v4 =	vld @!p1 [tilespmem:s18+$0x250];
	_ =	sdelay $0x4  }
0x1fe: {  	(v2sf) =	vpush v2, $0xD;
	v3 =	vadd.f32 @!p1 v4, v3;
	_ =	sdelay $0x1  }
0x1ff: {  	[tilespmem:s20+$0x10350] =	vst @!p1 v3;
	v3 =	vld @!p1 [tilespmem:s20+$0x10360]  }
0x200: {  	v4 =	vld @!p1 [tilespmem:s18+$0x260];
	_ =	sdelay $0x4  }
0x201: {  	v3 =	vadd.f32 @!p1 v4, v3;
	_ =	sdelay $0x1  }
0x202: {  	[tilespmem:s20+$0x10360] =	vst @!p1 v3;
	v3 =	vld @!p1 [tilespmem:s20+$0x10370]  }
0x203: {  	v4 =	vld @!p1 [tilespmem:s18+$0x270];
	_ =	sdelay $0x3  }
0x204: {  	s21 =	spop (v2sf)  }
0x205: {  	p0 =	sgt.u32 s21, $0x13F;
	v3 =	vadd.f32 @!p1 v4, v3  }
0x206: {  	s21 =	sshll.u32 @!p0 s21, $0x7  }
0x207: {  	[tilespmem:s20+$0x10370] =	vst @!p1 v3;
	s20 =	sand.u32 @!p0 $0x3FFFFF80, s21  }
0x208: {  	v3 =	vld @!p0 [tilespmem:s20+$0x10300]  }
0x209: {  	v4 =	vld @!p0 [tilespmem:s18+$0x280];
	_ =	sdelay $0x4  }
0x20a: {  	v3 =	vadd.f32 @!p0 v4, v3;
	_ =	sdelay $0x1  }
0x20b: {  	[tilespmem:s20+$0x10300] =	vst @!p0 v3;
	v3 =	vld @!p0 [tilespmem:s20+$0x10310]  }
0x20c: {  	v4 =	vld @!p0 [tilespmem:s18+$0x290];
	_ =	sdelay $0x4  }
0x20d: {  	v3 =	vadd.f32 @!p0 v4, v3;
	_ =	sdelay $0x1  }
0x20e: {  	[tilespmem:s20+$0x10310] =	vst @!p0 v3;
	v3 =	vld @!p0 [tilespmem:s20+$0x10320]  }
0x20f: {  	v4 =	vld @!p0 [tilespmem:s18+$0x2A0];
	_ =	sdelay $0x4  }
0x210: {  	v3 =	vadd.f32 @!p0 v4, v3;
	_ =	sdelay $0x1  }
0x211: {  	[tilespmem:s20+$0x10320] =	vst @!p0 v3;
	v3 =	vld @!p0 [tilespmem:s20+$0x10330]  }
0x212: {  	v4 =	vld @!p0 [tilespmem:s18+$0x2B0];
	_ =	sdelay $0x4  }
0x213: {  	v3 =	vadd.f32 @!p0 v4, v3;
	_ =	sdelay $0x1  }
0x214: {  	[tilespmem:s20+$0x10330] =	vst @!p0 v3;
	v3 =	vld @!p0 [tilespmem:s20+$0x10340]  }
0x215: {  	v4 =	vld @!p0 [tilespmem:s18+$0x2C0];
	_ =	sdelay $0x4  }
0x216: {  	v3 =	vadd.f32 @!p0 v4, v3;
	_ =	sdelay $0x1  }
0x217: {  	[tilespmem:s20+$0x10340] =	vst @!p0 v3;
	v3 =	vld @!p0 [tilespmem:s20+$0x10350]  }
0x218: {  	v4 =	vld @!p0 [tilespmem:s18+$0x2D0];
	_ =	sdelay $0x4  }
0x219: {  	(v2sf) =	vpush v2, $0xE;
	v3 =	vadd.f32 @!p0 v4, v3;
	_ =	sdelay $0x1  }
0x21a: {  	[tilespmem:s20+$0x10350] =	vst @!p0 v3;
	v3 =	vld @!p0 [tilespmem:s20+$0x10360]  }
0x21b: {  	v4 =	vld @!p0 [tilespmem:s18+$0x2E0];
	_ =	sdelay $0x4  }
0x21c: {  	v3 =	vadd.f32 @!p0 v4, v3;
	_ =	sdelay $0x1  }
0x21d: {  	[tilespmem:s20+$0x10360] =	vst @!p0 v3;
	v3 =	vld @!p0 [tilespmem:s20+$0x10370]  }
0x21e: {  	v4 =	vld @!p0 [tilespmem:s18+$0x2F0];
	_ =	sdelay $0x3  }
0x21f: {  	s21 =	spop (v2sf)  }
0x220: {  	p1 =	sgt.u32 s21, $0x13F;
	v3 =	vadd.f32 @!p0 v4, v3  }
0x221: {  	s21 =	sshll.u32 @!p1 s21, $0x7  }
0x222: {  	[tilespmem:s20+$0x10370] =	vst @!p0 v3;
	s20 =	sand.u32 @!p1 $0x3FFFFF80, s21  }
0x223: {  	v3 =	vld @!p1 [tilespmem:s20+$0x10300]  }
0x224: {  	v4 =	vld @!p1 [tilespmem:s18+$0x300];
	_ =	sdelay $0x4  }
0x225: {  	v3 =	vadd.f32 @!p1 v4, v3;
	_ =	sdelay $0x1  }
0x226: {  	[tilespmem:s20+$0x10300] =	vst @!p1 v3;
	v3 =	vld @!p1 [tilespmem:s20+$0x10310]  }
0x227: {  	v4 =	vld @!p1 [tilespmem:s18+$0x310];
	_ =	sdelay $0x4  }
0x228: {  	v3 =	vadd.f32 @!p1 v4, v3;
	_ =	sdelay $0x1  }
0x229: {  	[tilespmem:s20+$0x10310] =	vst @!p1 v3;
	v3 =	vld @!p1 [tilespmem:s20+$0x10320]  }
0x22a: {  	v4 =	vld @!p1 [tilespmem:s18+$0x320];
	_ =	sdelay $0x4  }
0x22b: {  	v3 =	vadd.f32 @!p1 v4, v3;
	_ =	sdelay $0x1  }
0x22c: {  	[tilespmem:s20+$0x10320] =	vst @!p1 v3;
	v3 =	vld @!p1 [tilespmem:s20+$0x10330]  }
0x22d: {  	v4 =	vld @!p1 [tilespmem:s18+$0x330];
	_ =	sdelay $0x4  }
0x22e: {  	v3 =	vadd.f32 @!p1 v4, v3;
	_ =	sdelay $0x1  }
0x22f: {  	[tilespmem:s20+$0x10330] =	vst @!p1 v3;
	v3 =	vld @!p1 [tilespmem:s20+$0x10340]  }
0x230: {  	v4 =	vld @!p1 [tilespmem:s18+$0x340];
	_ =	sdelay $0x4  }
0x231: {  	v3 =	vadd.f32 @!p1 v4, v3;
	_ =	sdelay $0x1  }
0x232: {  	[tilespmem:s20+$0x10340] =	vst @!p1 v3;
	v3 =	vld @!p1 [tilespmem:s20+$0x10350]  }
0x233: {  	v4 =	vld @!p1 [tilespmem:s18+$0x350];
	_ =	sdelay $0x4  }
0x234: {  	(v2sf) =	vpush v2, $0xF;
	v3 =	vadd.f32 @!p1 v4, v3;
	_ =	sdelay $0x1  }
0x235: {  	v2 =	vld @!p1 [tilespmem:s20+$0x10360];
	[tilespmem:s20+$0x10350] =	vst @!p1 v3  }
0x236: {  	v3 =	vld @!p1 [tilespmem:s18+$0x360];
	_ =	sdelay $0x4  }
0x237: {  	v2 =	vadd.f32 @!p1 v3, v2;
	_ =	sdelay $0x1  }
0x238: {  	[tilespmem:s20+$0x10360] =	vst @!p1 v2;
	v2 =	vld @!p1 [tilespmem:s20+$0x10370]  }
0x239: {  	v3 =	vld @!p1 [tilespmem:s18+$0x370];
	_ =	sdelay $0x3  }
0x23a: {  	s21 =	spop (v2sf)  }
0x23b: {  	p0 =	sgt.u32 s21, $0x13F;
	v2 =	vadd.f32 @!p1 v3, v2  }
0x23c: {  	s21 =	sshll.u32 @!p0 s21, $0x7  }
0x23d: {  	[tilespmem:s20+$0x10370] =	vst @!p1 v2;
	s20 =	sand.u32 @!p0 $0x3FFFFF80, s21  }
0x23e: {  	v2 =	vld @!p0 [tilespmem:s20+$0x10300]  }
0x23f: {  	v3 =	vld @!p0 [tilespmem:s18+$0x380];
	_ =	sdelay $0x4  }
0x240: {  	v2 =	vadd.f32 @!p0 v3, v2;
	_ =	sdelay $0x1  }
0x241: {  	[tilespmem:s20+$0x10300] =	vst @!p0 v2;
	v2 =	vld @!p0 [tilespmem:s20+$0x10310]  }
0x242: {  	v3 =	vld @!p0 [tilespmem:s18+$0x390];
	_ =	sdelay $0x4  }
0x243: {  	v2 =	vadd.f32 @!p0 v3, v2;
	_ =	sdelay $0x1  }
0x244: {  	[tilespmem:s20+$0x10310] =	vst @!p0 v2;
	v2 =	vld @!p0 [tilespmem:s20+$0x10320]  }
0x245: {  	v3 =	vld @!p0 [tilespmem:s18+$0x3A0];
	_ =	sdelay $0x4  }
0x246: {  	v2 =	vadd.f32 @!p0 v3, v2;
	_ =	sdelay $0x1  }
0x247: {  	[tilespmem:s20+$0x10320] =	vst @!p0 v2;
	v2 =	vld @!p0 [tilespmem:s20+$0x10330]  }
0x248: {  	v3 =	vld @!p0 [tilespmem:s18+$0x3B0];
	_ =	sdelay $0x4  }
0x249: {  	v2 =	vadd.f32 @!p0 v3, v2;
	_ =	sdelay $0x1  }
0x24a: {  	[tilespmem:s20+$0x10330] =	vst @!p0 v2;
	v2 =	vld @!p0 [tilespmem:s20+$0x10340]  }
0x24b: {  	v3 =	vld @!p0 [tilespmem:s18+$0x3C0];
	_ =	sdelay $0x4  }
0x24c: {  	v2 =	vadd.f32 @!p0 v3, v2;
	_ =	sdelay $0x1  }
0x24d: {  	[tilespmem:s20+$0x10340] =	vst @!p0 v2;
	v2 =	vld @!p0 [tilespmem:s20+$0x10350]  }
0x24e: {  	v3 =	vld @!p0 [tilespmem:s18+$0x3D0];
	_ =	sdelay $0x4  }
0x24f: {  	v2 =	vadd.f32 @!p0 v3, v2;
	_ =	sdelay $0x1  }
0x250: {  	[tilespmem:s20+$0x10350] =	vst @!p0 v2;
	v2 =	vld @!p0 [tilespmem:s20+$0x10360]  }
0x251: {  	v3 =	vld @!p0 [tilespmem:s18+$0x3E0];
	_ =	sdelay $0x4  }
0x252: {  	v2 =	vadd.f32 @!p0 v3, v2;
	_ =	sdelay $0x1  }
0x253: {  	[tilespmem:s20+$0x10360] =	vst @!p0 v2;
	v2 =	vld @!p0 [tilespmem:s20+$0x10370]  }
0x254: {  	v3 =	vld @!p0 [tilespmem:s18+$0x3F0]  }
0x255: {  	s19 =	sadd.s32 $0x40, s19  }
0x256: {  	p1 =	sne.s32 s19, $0x800  }
.Ltmp6:
0x257: {  	_ = 	snop;
	(pc) =	sbr.rel @p1 .LBB2_9-.Ltmp6, $3  }
0x258: {  	_ = 	snop  }
0x259: {  	v2 =	vadd.f32 @!p0 v3, v2;
	_ =	sdelay $0x1  }
0x25a: {  	s18 =	sadd.s32 $0x800, s18;
	[tilespmem:s20+$0x10370] =	vst @!p0 v2  }
0x25b: {  	s17 =	sadd.s32 $0x1, s17  }
0x25c: {  	p0 =	sne.s32 s17, s15  }
.Ltmp7:
0x25d: {  	_ = 	snop;
	(pc) =	sbr.rel @p0 .LBB2_8-.Ltmp7, $4  }
.Ltmp8:
0x25e: {  	_ = 	snop;
	(pc) =	sbr.rel @!p0 .LBB2_11-.Ltmp8, $4  }
0x25f: {  	_ = 	snop  }
0x260: {  	_ = 	snop  }
0x261: {  	_ = 	snop  }
0x262: {  	_ = 	snop  }
.LBB2_12:
0x263: {  	_ =	sfence.sel $0x180000  }
0x264: {  	[bflag:$0x0] =	sbarrier.arrive $0xFFFF  }
0x265: {  	p0 =	sne.s32 s0, $0x0;
	_ =	strace $0x90000047  }
0x266: {  	s0 =	sadd.s32 @!p0 $0x100000, s2;
	[bflag:$0x2] =	sbarrier.arrive $0xFFFF  }
0x267: {  	[sflag:s0] =	ssyncadd.tile.s32 @!p0 $0x1;
	_ =	shalt  }
.Lfunc_end2:
_tile_overlayer_lowered:
.L_overlay_start_2:
0x268: {  	(tag) =	ssettag $0x2  }
0x269: {  	s0 =	rddreg [dreg:$0x0];
	s2 =	stileid.u32  }
0x26a: {  	s1 =	rddreg [dreg:$0x1];
	p0 =	sne.s32 s2, $0x0  }
0x26b: {  	s3 =	rddreg [dreg:$0x2];
	[bflag:$0x3] =	sbarrier.arrive $0xFFFF;
	s2 =	simm.s32 @!p0 $0x1C01  }
0x26c: {  	[timem:s3], [sflag:s2] =	dma.local @!p0 [hbm:s0], s1  }
0x26d: {  	s0 =	simm.s32 @!p0 $0x1  }
0x26e: {  	_ =	swait.ge @!p0 [sflag:s0], s1  }
0x26f: {  	s1 =	ssub.s32 @!p0 $0x0, s1;
	[sflag:s0] =	ssyncset.done @!p0 $0x0  }
0x270: {  	[sflag:s0] =	ssyncadd.s32 @!p0 s1  }
0x271: {  	[bflag:$0x3] =	sbarrier.arrive $0xFFFF  }
0x272: {  	_ =	shalt  }

</sc_bundles>
